<compile_context>
chip_gen: v7x
topology: tpu7x:2x2x1
jax: 0.10.2.dev20260603
libtpu: 0.0.44.dev20260713+nightly
codegen_flags: <defaults>
</compile_context>

<pallas_src>
import functools
import math

import jax
import jax.numpy as jnp
from jax import lax
from jax.experimental import pallas as pl
from jax.experimental.pallas import tpu as pltpu
from jax.experimental.pallas import tpu_sc as plsc

D = 256
VOCAB = 8192
SCALE = math.sqrt(D)
S2_BITS = 13
S2_MASK = (1 << S2_BITS) - 1


_ROWS_PER_BLOCK = 1024
_N_BLOCKS = VOCAB // _ROWS_PER_BLOCK


def _transform_body(e1_ref, e2_ref, w1_ref, w2_ref, b_ref, t1_ref, t2_ref):
    t1_ref[...] = (
        jnp.dot(e1_ref[...], w1_ref[...], preferred_element_type=jnp.float32)
        * SCALE
        + b_ref[...]
    )
    t2_ref[...] = (
        jnp.dot(e2_ref[...], w2_ref[...], preferred_element_type=jnp.float32)
        * SCALE
    )


def _transform_tables(emb_s1, emb_s2, w1, w2, b2d):
    blk = _ROWS_PER_BLOCK
    return pl.pallas_call(
        _transform_body,
        grid=(_N_BLOCKS,),
        in_specs=[
            pl.BlockSpec((blk, D), lambda i: (i, 0)),
            pl.BlockSpec((blk, D), lambda i: (i, 0)),
            pl.BlockSpec((D, D), lambda i: (0, 0)),
            pl.BlockSpec((D, D), lambda i: (0, 0)),
            pl.BlockSpec((1, D), lambda i: (0, 0)),
        ],
        out_specs=[
            pl.BlockSpec((blk, D), lambda i: (i, 0)),
            pl.BlockSpec((blk, D), lambda i: (i, 0)),
        ],
        out_shape=[
            jax.ShapeDtypeStruct((VOCAB, D), jnp.float32),
            jax.ShapeDtypeStruct((VOCAB, D), jnp.float32),
        ],
    )(emb_s1, emb_s2, w1, w2, b2d)



_NTOK = 32768
_NW = 32
_TPW = _NTOK // _NW
_C = 64
_NCHUNK = _TPW // _C
_L = 16


def _gather_add_body(tok_hbm, t1_hbm, t2_hbm, out_hbm,
                     tok_v, idx1_v, idx2_v,
                     bufa0_v, bufa1_v, bufb0_v, bufb1_v,
                     sem_g, sem_a, sem_o):
    wid = lax.axis_index("s") * 2 + lax.axis_index("c")
    base = wid * _TPW
    bufa = [bufa0_v, bufa1_v]
    bufb = [bufb0_v, bufb1_v]

    pltpu.sync_copy(tok_hbm.at[pl.ds(base, _TPW)], tok_v)

    def split_body(j, _):
        sl = pl.ds(j * _L, _L)
        t = tok_v[sl]
        idx1_v[sl] = lax.shift_right_logical(t, S2_BITS)
        idx2_v[sl] = lax.bitwise_and(t, S2_MASK)
        return 0

    lax.fori_loop(0, _TPW // _L, split_body, 0)

    def fire_g(c, p):
        i1 = idx1_v.at[pl.ds(c * _C, _C)]
        i2 = idx2_v.at[pl.ds(c * _C, _C)]
        return (pltpu.async_copy(t1_hbm.at[i1], bufa[p], sem_g[p]),
                pltpu.async_copy(t2_hbm.at[i2], bufb[p], sem_a[p]))

    def add_chunk(p):
        a = bufa[p]
        b = bufb[p]

        def add_row(r, _):
            for k in range(D // _L):
                sl = pl.ds(k * _L, _L)
                plsc.addupdate(a.at[r, sl], b[r, sl])
            return 0

        lax.fori_loop(0, _C, add_row, 0)

    pending_o = [None, None]
    g = [None, None]
    g[0] = fire_g(0, 0)

    for c in range(_NCHUNK):
        p = c & 1
        q = 1 - p
        g[p][0].wait()
        g[p][1].wait()
        if c + 1 < _NCHUNK:
            if pending_o[q] is not None:
                pending_o[q].wait()
            g[q] = fire_g(c + 1, q)
        add_chunk(p)
        pending_o[p] = pltpu.async_copy(
            bufa[p], out_hbm.at[pl.ds(base + c * _C, _C)], sem_o[p])

    pending_o[0].wait()
    pending_o[1].wait()


def _gather_add(tok, t1, t2):
    mesh = plsc.VectorSubcoreMesh(core_axis_name="c", subcore_axis_name="s")
    fn = functools.partial(
        pl.kernel,
        mesh=mesh,
        out_type=jax.ShapeDtypeStruct((_NTOK, D), jnp.float32),
        scratch_types=[
            pltpu.VMEM((_TPW,), jnp.int32),
            pltpu.VMEM((_TPW,), jnp.int32),
            pltpu.VMEM((_TPW,), jnp.int32),
            pltpu.VMEM((_C, D), jnp.float32),
            pltpu.VMEM((_C, D), jnp.float32),
            pltpu.VMEM((_C, D), jnp.float32),
            pltpu.VMEM((_C, D), jnp.float32),
            [pltpu.SemaphoreType.DMA, pltpu.SemaphoreType.DMA],
            [pltpu.SemaphoreType.DMA, pltpu.SemaphoreType.DMA],
            [pltpu.SemaphoreType.DMA, pltpu.SemaphoreType.DMA],
        ],
        compiler_params=pltpu.CompilerParams(needs_layout_passes=False),
    )(_gather_add_body)
    return fn(tok, t1, t2)


def kernel(token_ids, emb_s1, emb_s2, W_fuse, b_fuse):
    w1 = W_fuse[:D]
    w2 = W_fuse[D:]
    b2d = b_fuse.reshape(1, D)
    t1, t2 = _transform_tables(emb_s1, emb_s2, w1, w2, b2d)
    tok = token_ids.reshape(-1)
    out = _gather_add(tok, t1, t2)
    return out.reshape(token_ids.shape + (D,))

# --- scband reference (transcript-rebuilt; emitter-appended) ---
"""Pipeline reference for scband-hierarchical-embedding-9131100471692 (READ-ONLY COPY).

The authoritative reference and input builder live on the scoring server;
editing this copy changes nothing except your own understanding.
"""

import jax, jax.numpy as jnp
import numpy as np
import math

S1_BITS = 13
S2_BITS = 13
D_MODEL = 256
VOCAB_S1 = 2 ** S1_BITS
VOCAB_S2 = 2 ** S2_BITS
B, S = 4, 8192


def setup_inputs(seed: int = 0) -> dict:
    key = jax.random.key(seed)
    k_tok, k_e1, k_e2, k_w, k_b = jax.random.split(key, 5)
    # combined token id in [0, 2**(s1_bits+s2_bits))
    token_ids = jax.random.randint(k_tok, (B, S), 0, 2 ** (S1_BITS + S2_BITS), dtype=jnp.int32)
    std = D_MODEL ** (-0.5)
    emb_s1 = jax.random.normal(k_e1, (VOCAB_S1, D_MODEL), dtype=jnp.float32) * std
    emb_s2 = jax.random.normal(k_e2, (VOCAB_S2, D_MODEL), dtype=jnp.float32) * std
    # nn.Linear(d_model*2, d_model): weight [out, in]; stored transposed here as [in, out]
    lim = 1.0 / math.sqrt(D_MODEL * 2)
    W_fuse = jax.random.uniform(k_w, (D_MODEL * 2, D_MODEL), dtype=jnp.float32, minval=-lim, maxval=lim)
    b_fuse = jax.random.uniform(k_b, (D_MODEL,), dtype=jnp.float32, minval=-lim, maxval=lim)
    return {
        "token_ids": token_ids,
        "emb_s1": emb_s1,
        "emb_s2": emb_s2,
        "W_fuse": W_fuse,
        "b_fuse": b_fuse,
    }


def reference(token_ids, emb_s1, emb_s2, W_fuse, b_fuse):
    # split_token: high bits -> s1, low s2_bits -> s2
    s1_ids = token_ids >> S2_BITS
    s2_ids = token_ids & (2 ** S2_BITS - 1)
    scale = math.sqrt(D_MODEL)
    s1_emb = jnp.take(emb_s1, s1_ids, axis=0) * scale
    s2_emb = jnp.take(emb_s2, s2_ids, axis=0) * scale
    fused = jnp.concatenate([s1_emb, s2_emb], axis=-1)
    return fused @ W_fuse + b_fuse

if __name__ == "__main__":
    import jax
    _d = setup_inputs()
    print(jax.jit(kernel)(*tuple(_d.values())))

</pallas_src>

<mosaic_0001>
#map = affine_map<(d0, d1) -> (0)>
#map1 = affine_map<(d0, d1) -> (0, 0)>
module attributes {stable_mosaic.version = 14 : i64} {
  func.func @_gather_add_body(%arg0: i32, %arg1: i32, %arg2: memref<32768xi32, #tpu.memory_space<hbm>>, %arg3: memref<8192x256xf32, #tpu.memory_space<hbm>>, %arg4: memref<8192x256xf32, #tpu.memory_space<hbm>>, %arg5: memref<32768x256xf32, #tpu.memory_space<hbm>>, %arg6: memref<1024xi32, #tpu.memory_space<vmem>>, %arg7: memref<1024xi32, #tpu.memory_space<vmem>>, %arg8: memref<1024xi32, #tpu.memory_space<vmem>>, %arg9: memref<64x256xf32, #tpu.memory_space<vmem>>, %arg10: memref<64x256xf32, #tpu.memory_space<vmem>>, %arg11: memref<64x256xf32, #tpu.memory_space<vmem>>, %arg12: memref<64x256xf32, #tpu.memory_space<vmem>>, %arg13: memref<!tpu.dma_semaphore, #tpu.memory_space<semaphore_mem>>, %arg14: memref<!tpu.dma_semaphore, #tpu.memory_space<semaphore_mem>>, %arg15: memref<!tpu.dma_semaphore, #tpu.memory_space<semaphore_mem>>, %arg16: memref<!tpu.dma_semaphore, #tpu.memory_space<semaphore_mem>>, %arg17: memref<!tpu.dma_semaphore, #tpu.memory_space<semaphore_mem>>, %arg18: memref<!tpu.dma_semaphore, #tpu.memory_space<semaphore_mem>>) attributes {dimension_semantics = [#tpu.dimension_semantics<core_parallel>, #tpu.dimension_semantics<subcore_parallel>], iteration_bounds = array<i64: 2, 16>, scalar_prefetch = 0 : i64, scratch_operands = 13 : i64, tpu.core_type = #tpu.core_type<sc_vector_subcore>, window_params = [{transform_indices = #map}, {transform_indices = #map1}, {transform_indices = #map1}, {transform_indices = #map1}]} {
    %mul3A = arith.constant 2 : i32
    %mul3A_0 = arith.muli %arg1, %mul3A : i32
    %add3A = arith.addi %mul3A_0, %arg0 : i32
    %mul3A_1 = arith.constant 1024 : i32
    %mul3A_2 = arith.muli %add3A, %mul3A_1 : i32
    "tpu.region"() ({
      %run_scoped3A = tpu.sem_alloc : memref<!tpu.dma_semaphore, #tpu.memory_space<semaphore_mem>>
      %dma_start3A_599 = tpu.memref_slice %arg2[%mul3A_2] : memref<32768xi32, #tpu.memory_space<hbm>> -> memref<1024xi32, #tpu.memory_space<hbm>>
      %dma_start3A_600 = tpu.memref_slice %arg2[%mul3A_2] : memref<32768xi32, #tpu.memory_space<hbm>> -> memref<1024xi32, #tpu.memory_space<hbm>>
      tpu.enqueue_dma source(%dma_start3A_600 : memref<1024xi32, #tpu.memory_space<hbm>>) target(%arg6 : memref<1024xi32, #tpu.memory_space<vmem>>) target_semaphore(%run_scoped3A : memref<!tpu.dma_semaphore, #tpu.memory_space<semaphore_mem>>)
      %dma_wait3A_601 = tpu.memref_slice %arg2[%mul3A_2] : memref<32768xi32, #tpu.memory_space<hbm>> -> memref<1024xi32, #tpu.memory_space<hbm>>
      %dma_wait3A_602 = tpu.memref_slice %arg2[%mul3A_2] : memref<32768xi32, #tpu.memory_space<hbm>> -> memref<1024xi32, #tpu.memory_space<hbm>>
      tpu.wait_dma2 semaphore(%run_scoped3A : memref<!tpu.dma_semaphore, #tpu.memory_space<semaphore_mem>>) src(%dma_wait3A_602 : memref<1024xi32, #tpu.memory_space<hbm>>) dst(%arg6 : memref<1024xi32, #tpu.memory_space<vmem>>)
      tpu.yield
    }) : () -> ()
    %scan3A = arith.constant 0 : i32
    %scan3A_3 = arith.constant 0 : i32
    %scan3A_4 = arith.constant 64 : i32
    %scan3A_5 = arith.addi %scan3A_3, %scan3A_4 : i32
    %scan3A_6 = arith.constant 1 : i32
    %scan3A_7 = scf.for %scan3A_599 = %scan3A_3 to %scan3A_5 step %scan3A_6 iter_args(%scan3A_600 = %scan3A) -> (i32)  : i32 {
      %mul3A_601 = arith.constant 16 : i32
      %mul3A_602 = arith.muli %scan3A_599, %mul3A_601 : i32
      %get3A = arith.index_cast %mul3A_602 : i32 to index
      %get3A_603 = tpu.vector_load %arg6[%get3A] {strides = array<i32>} : memref<1024xi32, #tpu.memory_space<vmem>>, vector<16xi32>,
      %shift_right_logical3A = arith.constant 13 : i32
      %shift_right_logical3A_604 = vector.broadcast %shift_right_logical3A : i32 to vector<16xi32>
      %shift_right_logical3A_605 = arith.shrui %get3A_603, %shift_right_logical3A_604 : vector<16xi32>
      %swap3A = arith.index_cast %mul3A_602 : i32 to index
      %swap3A_606 = tpu.vector_load %arg7[%swap3A] {strides = array<i32>} : memref<1024xi32, #tpu.memory_space<vmem>>, vector<16xi32>,
      tpu.vector_store %arg7[%swap3A], %shift_right_logical3A_605 {strides = array<i32>} : memref<1024xi32, #tpu.memory_space<vmem>>, vector<16xi32>,
      %and3A = arith.constant 8191 : i32
      %and3A_607 = vector.broadcast %and3A : i32 to vector<16xi32>
      %and3A_608 = arith.andi %get3A_603, %and3A_607 : vector<16xi32>
      %swap3A_609 = arith.index_cast %mul3A_602 : i32 to index
      %swap3A_610 = tpu.vector_load %arg8[%swap3A_609] {strides = array<i32>} : memref<1024xi32, #tpu.memory_space<vmem>>, vector<16xi32>,
      tpu.vector_store %arg8[%swap3A_609], %and3A_608 {strides = array<i32>} : memref<1024xi32, #tpu.memory_space<vmem>>, vector<16xi32>,
      %scan3A_611 = arith.constant 0 : i32
      scf.yield %scan3A_611 : i32
    }
    %scan3A_8 = arith.constant 64 : i32
    %dma_start3A = arith.constant 0 : i32
    %dma_start3A_9 = tpu.memref_slice %arg7[%dma_start3A] : memref<1024xi32, #tpu.memory_space<vmem>> -> memref<64xi32, #tpu.memory_space<vmem>>
    %dma_start3A_10 = arith.constant 0 : i32
    %dma_start3A_11 = arith.constant 0 : i32
    %dma_start3A_12 = tpu.memref_slice %arg3[%dma_start3A_10, %dma_start3A_11] : memref<8192x256xf32, #tpu.memory_space<hbm>> -> memref<8192x256xf32, #tpu.memory_space<hbm>>
    tpu.enqueue_indirect_dma source(%dma_start3A_12 : memref<8192x256xf32, #tpu.memory_space<hbm>>) target(%arg9 : memref<64x256xf32, #tpu.memory_space<vmem>>) offsets(%dma_start3A_9 : memref<64xi32, #tpu.memory_space<vmem>>) semaphore(%arg13 : memref<!tpu.dma_semaphore, #tpu.memory_space<semaphore_mem>>)
    %dma_start3A_13 = arith.constant 0 : i32
    %dma_start3A_14 = tpu.memref_slice %arg8[%dma_start3A_13] : memref<1024xi32, #tpu.memory_space<vmem>> -> memref<64xi32, #tpu.memory_space<vmem>>
    %dma_start3A_15 = arith.constant 0 : i32
    %dma_start3A_16 = arith.constant 0 : i32
    %dma_start3A_17 = tpu.memref_slice %arg4[%dma_start3A_15, %dma_start3A_16] : memref<8192x256xf32, #tpu.memory_space<hbm>> -> memref<8192x256xf32, #tpu.memory_space<hbm>>
    tpu.enqueue_indirect_dma source(%dma_start3A_17 : memref<8192x256xf32, #tpu.memory_space<hbm>>) target(%arg11 : memref<64x256xf32, #tpu.memory_space<vmem>>) offsets(%dma_start3A_14 : memref<64xi32, #tpu.memory_space<vmem>>) semaphore(%arg15 : memref<!tpu.dma_semaphore, #tpu.memory_space<semaphore_mem>>)
    %dma_wait3A = arith.constant 0 : i32
    %dma_wait3A_18 = tpu.memref_slice %arg7[%dma_wait3A] : memref<1024xi32, #tpu.memory_space<vmem>> -> memref<64xi32, #tpu.memory_space<vmem>>
    %dma_wait3A_19 = arith.constant 0 : i32
    %dma_wait3A_20 = arith.constant 0 : i32
    %dma_wait3A_21 = tpu.memref_slice %arg3[%dma_wait3A_19, %dma_wait3A_20] : memref<8192x256xf32, #tpu.memory_space<hbm>> -> memref<8192x256xf32, #tpu.memory_space<hbm>>
    tpu.wait_indirect_dma semaphore(%arg13 : memref<!tpu.dma_semaphore, #tpu.memory_space<semaphore_mem>>) src(%dma_wait3A_21 : memref<8192x256xf32, #tpu.memory_space<hbm>>) dst(%arg9 : memref<64x256xf32, #tpu.memory_space<vmem>>)
    %dma_wait3A_22 = arith.constant 0 : i32
    %dma_wait3A_23 = tpu.memref_slice %arg8[%dma_wait3A_22] : memref<1024xi32, #tpu.memory_space<vmem>> -> memref<64xi32, #tpu.memory_space<vmem>>
    %dma_wait3A_24 = arith.constant 0 : i32
    %dma_wait3A_25 = arith.constant 0 : i32
    %dma_wait3A_26 = tpu.memref_slice %arg4[%dma_wait3A_24, %dma_wait3A_25] : memref<8192x256xf32, #tpu.memory_space<hbm>> -> memref<8192x256xf32, #tpu.memory_space<hbm>>
    tpu.wait_indirect_dma semaphore(%arg15 : memref<!tpu.dma_semaphore, #tpu.memory_space<semaphore_mem>>) src(%dma_wait3A_26 : memref<8192x256xf32, #tpu.memory_space<hbm>>) dst(%arg11 : memref<64x256xf32, #tpu.memory_space<vmem>>)
    %dma_start3A_27 = arith.constant 64 : i32
    %dma_start3A_28 = tpu.memref_slice %arg7[%dma_start3A_27] : memref<1024xi32, #tpu.memory_space<vmem>> -> memref<64xi32, #tpu.memory_space<vmem>>
    %dma_start3A_29 = arith.constant 0 : i32
    %dma_start3A_30 = arith.constant 0 : i32
    %dma_start3A_31 = tpu.memref_slice %arg3[%dma_start3A_29, %dma_start3A_30] : memref<8192x256xf32, #tpu.memory_space<hbm>> -> memref<8192x256xf32, #tpu.memory_space<hbm>>
    tpu.enqueue_indirect_dma source(%dma_start3A_31 : memref<8192x256xf32, #tpu.memory_space<hbm>>) target(%arg10 : memref<64x256xf32, #tpu.memory_space<vmem>>) offsets(%dma_start3A_28 : memref<64xi32, #tpu.memory_space<vmem>>) semaphore(%arg14 : memref<!tpu.dma_semaphore, #tpu.memory_space<semaphore_mem>>)
    %dma_start3A_32 = arith.constant 64 : i32
    %dma_start3A_33 = tpu.memref_slice %arg8[%dma_start3A_32] : memref<1024xi32, #tpu.memory_space<vmem>> -> memref<64xi32, #tpu.memory_space<vmem>>
    %dma_start3A_34 = arith.constant 0 : i32
    %dma_start3A_35 = arith.constant 0 : i32
    %dma_start3A_36 = tpu.memref_slice %arg4[%dma_start3A_34, %dma_start3A_35] : memref<8192x256xf32, #tpu.memory_space<hbm>> -> memref<8192x256xf32, #tpu.memory_space<hbm>>
    tpu.enqueue_indirect_dma source(%dma_start3A_36 : memref<8192x256xf32, #tpu.memory_space<hbm>>) target(%arg12 : memref<64x256xf32, #tpu.memory_space<vmem>>) offsets(%dma_start3A_33 : memref<64xi32, #tpu.memory_space<vmem>>) semaphore(%arg16 : memref<!tpu.dma_semaphore, #tpu.memory_space<semaphore_mem>>)
    %scan3A_37 = arith.constant 0 : i32
    %scan3A_38 = arith.constant 0 : i32
    %scan3A_39 = arith.constant 64 : i32
    %scan3A_40 = arith.addi %scan3A_38, %scan3A_39 : i32
    %scan3A_41 = arith.constant 1 : i32
    %scan3A_42 = scf.for %scan3A_599 = %scan3A_38 to %scan3A_40 step %scan3A_41 iter_args(%scan3A_600 = %scan3A_37) -> (i32)  : i32 {
      %get3A = arith.index_cast %scan3A_599 : i32 to index
      %get3A_601 = arith.constant 0 : index
      %get3A_602 = tpu.vector_load %arg11[%get3A, %get3A_601] {strides = array<i32>} : memref<64x256xf32, #tpu.memory_space<vmem>>, vector<16xf32>,
      %swap3A = arith.index_cast %scan3A_599 : i32 to index
      %swap3A_603 = arith.constant 0 : index
      %swap3A_604 = tpu.vector_load %arg9[%swap3A, %swap3A_603] {strides = array<i32>} : memref<64x256xf32, #tpu.memory_space<vmem>>, vector<16xf32>,
      tpu.vector_store %arg9[%swap3A, %swap3A_603], %get3A_602 {add = true, strides = array<i32>} : memref<64x256xf32, #tpu.memory_space<vmem>>, vector<16xf32>,
      %get3A_605 = arith.index_cast %scan3A_599 : i32 to index
      %get3A_606 = arith.constant 16 : index
      %get3A_607 = tpu.vector_load %arg11[%get3A_605, %get3A_606] {strides = array<i32>} : memref<64x256xf32, #tpu.memory_space<vmem>>, vector<16xf32>,
      %swap3A_608 = arith.index_cast %scan3A_599 : i32 to index
      %swap3A_609 = arith.constant 16 : index
      %swap3A_610 = tpu.vector_load %arg9[%swap3A_608, %swap3A_609] {strides = array<i32>} : memref<64x256xf32, #tpu.memory_space<vmem>>, vector<16xf32>,
      tpu.vector_store %arg9[%swap3A_608, %swap3A_609], %get3A_607 {add = true, strides = array<i32>} : memref<64x256xf32, #tpu.memory_space<vmem>>, vector<16xf32>,
      %get3A_611 = arith.index_cast %scan3A_599 : i32 to index
      %get3A_612 = arith.constant 32 : index
      %get3A_613 = tpu.vector_load %arg11[%get3A_611, %get3A_612] {strides = array<i32>} : memref<64x256xf32, #tpu.memory_space<vmem>>, vector<16xf32>,
      %swap3A_614 = arith.index_cast %scan3A_599 : i32 to index
      %swap3A_615 = arith.constant 32 : index
      %swap3A_616 = tpu.vector_load %arg9[%swap3A_614, %swap3A_615] {strides = array<i32>} : memref<64x256xf32, #tpu.memory_space<vmem>>, vector<16xf32>,
      tpu.vector_store %arg9[%swap3A_614, %swap3A_615], %get3A_613 {add = true, strides = array<i32>} : memref<64x256xf32, #tpu.memory_space<vmem>>, vector<16xf32>,
      %get3A_617 = arith.index_cast %scan3A_599 : i32 to index
      %get3A_618 = arith.constant 48 : index
      %get3A_619 = tpu.vector_load %arg11[%get3A_617, %get3A_618] {strides = array<i32>} : memref<64x256xf32, #tpu.memory_space<vmem>>, vector<16xf32>,
      %swap3A_620 = arith.index_cast %scan3A_599 : i32 to index
      %swap3A_621 = arith.constant 48 : index
      %swap3A_622 = tpu.vector_load %arg9[%swap3A_620, %swap3A_621] {strides = array<i32>} : memref<64x256xf32, #tpu.memory_space<vmem>>, vector<16xf32>,
      tpu.vector_store %arg9[%swap3A_620, %swap3A_621], %get3A_619 {add = true, strides = array<i32>} : memref<64x256xf32, #tpu.memory_space<vmem>>, vector<16xf32>,
      %get3A_623 = arith.index_cast %scan3A_599 : i32 to index
      %get3A_624 = arith.constant 64 : index
      %get3A_625 = tpu.vector_load %arg11[%get3A_623, %get3A_624] {strides = array<i32>} : memref<64x256xf32, #tpu.memory_space<vmem>>, vector<16xf32>,
      %swap3A_626 = arith.index_cast %scan3A_599 : i32 to index
      %swap3A_627 = arith.constant 64 : index
      %swap3A_628 = tpu.vector_load %arg9[%swap3A_626, %swap3A_627] {strides = array<i32>} : memref<64x256xf32, #tpu.memory_space<vmem>>, vector<16xf32>,
      tpu.vector_store %arg9[%swap3A_626, %swap3A_627], %get3A_625 {add = true, strides = array<i32>} : memref<64x256xf32, #tpu.memory_space<vmem>>, vector<16xf32>,
      %get3A_629 = arith.index_cast %scan3A_599 : i32 to index
      %get3A_630 = arith.constant 80 : index
      %get3A_631 = tpu.vector_load %arg11[%get3A_629, %get3A_630] {strides = array<i32>} : memref<64x256xf32, #tpu.memory_space<vmem>>, vector<16xf32>,
      %swap3A_632 = arith.index_cast %scan3A_599 : i32 to index
      %swap3A_633 = arith.constant 80 : index
      %swap3A_634 = tpu.vector_load %arg9[%swap3A_632, %swap3A_633] {strides = array<i32>} : memref<64x256xf32, #tpu.memory_space<vmem>>, vector<16xf32>,
      tpu.vector_store %arg9[%swap3A_632, %swap3A_633], %get3A_631 {add = true, strides = array<i32>} : memref<64x256xf32, #tpu.memory_space<vmem>>, vector<16xf32>,
      %get3A_635 = arith.index_cast %scan3A_599 : i32 to index
      %get3A_636 = arith.constant 96 : index
      %get3A_637 = tpu.vector_load %arg11[%get3A_635, %get3A_636] {strides = array<i32>} : memref<64x256xf32, #tpu.memory_space<vmem>>, vector<16xf32>,
      %swap3A_638 = arith.index_cast %scan3A_599 : i32 to index
      %swap3A_639 = arith.constant 96 : index
      %swap3A_640 = tpu.vector_load %arg9[%swap3A_638, %swap3A_639] {strides = array<i32>} : memref<64x256xf32, #tpu.memory_space<vmem>>, vector<16xf32>,
      tpu.vector_store %arg9[%swap3A_638, %swap3A_639], %get3A_637 {add = true, strides = array<i32>} : memref<64x256xf32, #tpu.memory_space<vmem>>, vector<16xf32>,
      %get3A_641 = arith.index_cast %scan3A_599 : i32 to index
      %get3A_642 = arith.constant 112 : index
      %get3A_643 = tpu.vector_load %arg11[%get3A_641, %get3A_642] {strides = array<i32>} : memref<64x256xf32, #tpu.memory_space<vmem>>, vector<16xf32>,
      %swap3A_644 = arith.index_cast %scan3A_599 : i32 to index
      %swap3A_645 = arith.constant 112 : index
      %swap3A_646 = tpu.vector_load %arg9[%swap3A_644, %swap3A_645] {strides = array<i32>} : memref<64x256xf32, #tpu.memory_space<vmem>>, vector<16xf32>,
      tpu.vector_store %arg9[%swap3A_644, %swap3A_645], %get3A_643 {add = true, strides = array<i32>} : memref<64x256xf32, #tpu.memory_space<vmem>>, vector<16xf32>,
      %get3A_647 = arith.index_cast %scan3A_599 : i32 to index
      %get3A_648 = arith.constant 128 : index
      %get3A_649 = tpu.vector_load %arg11[%get3A_647, %get3A_648] {strides = array<i32>} : memref<64x256xf32, #tpu.memory_space<vmem>>, vector<16xf32>,
      %swap3A_650 = arith.index_cast %scan3A_599 : i32 to index
      %swap3A_651 = arith.constant 128 : index
      %swap3A_652 = tpu.vector_load %arg9[%swap3A_650, %swap3A_651] {strides = array<i32>} : memref<64x256xf32, #tpu.memory_space<vmem>>, vector<16xf32>,
      tpu.vector_store %arg9[%swap3A_650, %swap3A_651], %get3A_649 {add = true, strides = array<i32>} : memref<64x256xf32, #tpu.memory_space<vmem>>, vector<16xf32>,
      %get3A_653 = arith.index_cast %scan3A_599 : i32 to index
      %get3A_654 = arith.constant 144 : index
      %get3A_655 = tpu.vector_load %arg11[%get3A_653, %get3A_654] {strides = array<i32>} : memref<64x256xf32, #tpu.memory_space<vmem>>, vector<16xf32>,
      %swap3A_656 = arith.index_cast %scan3A_599 : i32 to index
      %swap3A_657 = arith.constant 144 : index
      %swap3A_658 = tpu.vector_load %arg9[%swap3A_656, %swap3A_657] {strides = array<i32>} : memref<64x256xf32, #tpu.memory_space<vmem>>, vector<16xf32>,
      tpu.vector_store %arg9[%swap3A_656, %swap3A_657], %get3A_655 {add = true, strides = array<i32>} : memref<64x256xf32, #tpu.memory_space<vmem>>, vector<16xf32>,
      %get3A_659 = arith.index_cast %scan3A_599 : i32 to index
      %get3A_660 = arith.constant 160 : index
      %get3A_661 = tpu.vector_load %arg11[%get3A_659, %get3A_660] {strides = array<i32>} : memref<64x256xf32, #tpu.memory_space<vmem>>, vector<16xf32>,
      %swap3A_662 = arith.index_cast %scan3A_599 : i32 to index
      %swap3A_663 = arith.constant 160 : index
      %swap3A_664 = tpu.vector_load %arg9[%swap3A_662, %swap3A_663] {strides = array<i32>} : memref<64x256xf32, #tpu.memory_space<vmem>>, vector<16xf32>,
      tpu.vector_store %arg9[%swap3A_662, %swap3A_663], %get3A_661 {add = true, strides = array<i32>} : memref<64x256xf32, #tpu.memory_space<vmem>>, vector<16xf32>,
      %get3A_665 = arith.index_cast %scan3A_599 : i32 to index
      %get3A_666 = arith.constant 176 : index
      %get3A_667 = tpu.vector_load %arg11[%get3A_665, %get3A_666] {strides = array<i32>} : memref<64x256xf32, #tpu.memory_space<vmem>>, vector<16xf32>,
      %swap3A_668 = arith.index_cast %scan3A_599 : i32 to index
      %swap3A_669 = arith.constant 176 : index
      %swap3A_670 = tpu.vector_load %arg9[%swap3A_668, %swap3A_669] {strides = array<i32>} : memref<64x256xf32, #tpu.memory_space<vmem>>, vector<16xf32>,
      tpu.vector_store %arg9[%swap3A_668, %swap3A_669], %get3A_667 {add = true, strides = array<i32>} : memref<64x256xf32, #tpu.memory_space<vmem>>, vector<16xf32>,
      %get3A_671 = arith.index_cast %scan3A_599 : i32 to index
      %get3A_672 = arith.constant 192 : index
      %get3A_673 = tpu.vector_load %arg11[%get3A_671, %get3A_672] {strides = array<i32>} : memref<64x256xf32, #tpu.memory_space<vmem>>, vector<16xf32>,
      %swap3A_674 = arith.index_cast %scan3A_599 : i32 to index
      %swap3A_675 = arith.constant 192 : index
      %swap3A_676 = tpu.vector_load %arg9[%swap3A_674, %swap3A_675] {strides = array<i32>} : memref<64x256xf32, #tpu.memory_space<vmem>>, vector<16xf32>,
      tpu.vector_store %arg9[%swap3A_674, %swap3A_675], %get3A_673 {add = true, strides = array<i32>} : memref<64x256xf32, #tpu.memory_space<vmem>>, vector<16xf32>,
      %get3A_677 = arith.index_cast %scan3A_599 : i32 to index
      %get3A_678 = arith.constant 208 : index
      %get3A_679 = tpu.vector_load %arg11[%get3A_677, %get3A_678] {strides = array<i32>} : memref<64x256xf32, #tpu.memory_space<vmem>>, vector<16xf32>,
      %swap3A_680 = arith.index_cast %scan3A_599 : i32 to index
      %swap3A_681 = arith.constant 208 : index
      %swap3A_682 = tpu.vector_load %arg9[%swap3A_680, %swap3A_681] {strides = array<i32>} : memref<64x256xf32, #tpu.memory_space<vmem>>, vector<16xf32>,
      tpu.vector_store %arg9[%swap3A_680, %swap3A_681], %get3A_679 {add = true, strides = array<i32>} : memref<64x256xf32, #tpu.memory_space<vmem>>, vector<16xf32>,
      %get3A_683 = arith.index_cast %scan3A_599 : i32 to index
      %get3A_684 = arith.constant 224 : index
      %get3A_685 = tpu.vector_load %arg11[%get3A_683, %get3A_684] {strides = array<i32>} : memref<64x256xf32, #tpu.memory_space<vmem>>, vector<16xf32>,
      %swap3A_686 = arith.index_cast %scan3A_599 : i32 to index
      %swap3A_687 = arith.constant 224 : index
      %swap3A_688 = tpu.vector_load %arg9[%swap3A_686, %swap3A_687] {strides = array<i32>} : memref<64x256xf32, #tpu.memory_space<vmem>>, vector<16xf32>,
      tpu.vector_store %arg9[%swap3A_686, %swap3A_687], %get3A_685 {add = true, strides = array<i32>} : memref<64x256xf32, #tpu.memory_space<vmem>>, vector<16xf32>,
      %get3A_689 = arith.index_cast %scan3A_599 : i32 to index
      %get3A_690 = arith.constant 240 : index
      %get3A_691 = tpu.vector_load %arg11[%get3A_689, %get3A_690] {strides = array<i32>} : memref<64x256xf32, #tpu.memory_space<vmem>>, vector<16xf32>,
      %swap3A_692 = arith.index_cast %scan3A_599 : i32 to index
      %swap3A_693 = arith.constant 240 : index
      %swap3A_694 = tpu.vector_load %arg9[%swap3A_692, %swap3A_693] {strides = array<i32>} : memref<64x256xf32, #tpu.memory_space<vmem>>, vector<16xf32>,
      tpu.vector_store %arg9[%swap3A_692, %swap3A_693], %get3A_691 {add = true, strides = array<i32>} : memref<64x256xf32, #tpu.memory_space<vmem>>, vector<16xf32>,
      %scan3A_695 = arith.constant 0 : i32
      scf.yield %scan3A_695 : i32
    }
    %scan3A_43 = arith.constant 64 : i32
    %add3A_44 = arith.constant 0 : i32
    %add3A_45 = arith.addi %mul3A_2, %add3A_44 : i32
    %dma_start3A_46 = arith.constant 0 : i32
    %dma_start3A_47 = tpu.memref_slice %arg5[%add3A_45, %dma_start3A_46] : memref<32768x256xf32, #tpu.memory_space<hbm>> -> memref<64x256xf32, #tpu.memory_space<hbm>>
    %dma_start3A_48 = arith.constant 0 : i32
    %dma_start3A_49 = tpu.memref_slice %arg5[%add3A_45, %dma_start3A_48] : memref<32768x256xf32, #tpu.memory_space<hbm>> -> memref<64x256xf32, #tpu.memory_space<hbm>>
    tpu.enqueue_dma source(%arg9 : memref<64x256xf32, #tpu.memory_space<vmem>>) target(%dma_start3A_49 : memref<64x256xf32, #tpu.memory_space<hbm>>) target_semaphore(%arg17 : memref<!tpu.dma_semaphore, #tpu.memory_space<semaphore_mem>>)
    %dma_wait3A_50 = arith.constant 64 : i32
    %dma_wait3A_51 = tpu.memref_slice %arg7[%dma_wait3A_50] : memref<1024xi32, #tpu.memory_space<vmem>> -> memref<64xi32, #tpu.memory_space<vmem>>
    %dma_wait3A_52 = arith.constant 0 : i32
    %dma_wait3A_53 = arith.constant 0 : i32
    %dma_wait3A_54 = tpu.memref_slice %arg3[%dma_wait3A_52, %dma_wait3A_53] : memref<8192x256xf32, #tpu.memory_space<hbm>> -> memref<8192x256xf32, #tpu.memory_space<hbm>>
    tpu.wait_indirect_dma semaphore(%arg14 : memref<!tpu.dma_semaphore, #tpu.memory_space<semaphore_mem>>) src(%dma_wait3A_54 : memref<8192x256xf32, #tpu.memory_space<hbm>>) dst(%arg10 : memref<64x256xf32, #tpu.memory_space<vmem>>)
    %dma_wait3A_55 = arith.constant 64 : i32
    %dma_wait3A_56 = tpu.memref_slice %arg8[%dma_wait3A_55] : memref<1024xi32, #tpu.memory_space<vmem>> -> memref<64xi32, #tpu.memory_space<vmem>>
    %dma_wait3A_57 = arith.constant 0 : i32
    %dma_wait3A_58 = arith.constant 0 : i32
    %dma_wait3A_59 = tpu.memref_slice %arg4[%dma_wait3A_57, %dma_wait3A_58] : memref<8192x256xf32, #tpu.memory_space<hbm>> -> memref<8192x256xf32, #tpu.memory_space<hbm>>
    tpu.wait_indirect_dma semaphore(%arg16 : memref<!tpu.dma_semaphore, #tpu.memory_space<semaphore_mem>>) src(%dma_wait3A_59 : memref<8192x256xf32, #tpu.memory_space<hbm>>) dst(%arg12 : memref<64x256xf32, #tpu.memory_space<vmem>>)
    %dma_wait3A_60 = arith.constant 0 : i32
    %dma_wait3A_61 = tpu.memref_slice %arg5[%add3A_45, %dma_wait3A_60] : memref<32768x256xf32, #tpu.memory_space<hbm>> -> memref<64x256xf32, #tpu.memory_space<hbm>>
    %dma_wait3A_62 = arith.constant 0 : i32
    %dma_wait3A_63 = tpu.memref_slice %arg5[%add3A_45, %dma_wait3A_62] : memref<32768x256xf32, #tpu.memory_space<hbm>> -> memref<64x256xf32, #tpu.memory_space<hbm>>
    tpu.wait_dma2 semaphore(%arg17 : memref<!tpu.dma_semaphore, #tpu.memory_space<semaphore_mem>>) src(%arg9 : memref<64x256xf32, #tpu.memory_space<vmem>>) dst(%dma_wait3A_63 : memref<64x256xf32, #tpu.memory_space<hbm>>)
    %dma_start3A_64 = arith.constant 128 : i32
    %dma_start3A_65 = tpu.memref_slice %arg7[%dma_start3A_64] : memref<1024xi32, #tpu.memory_space<vmem>> -> memref<64xi32, #tpu.memory_space<vmem>>
    %dma_start3A_66 = arith.constant 0 : i32
    %dma_start3A_67 = arith.constant 0 : i32
    %dma_start3A_68 = tpu.memref_slice %arg3[%dma_start3A_66, %dma_start3A_67] : memref<8192x256xf32, #tpu.memory_space<hbm>> -> memref<8192x256xf32, #tpu.memory_space<hbm>>
    tpu.enqueue_indirect_dma source(%dma_start3A_68 : memref<8192x256xf32, #tpu.memory_space<hbm>>) target(%arg9 : memref<64x256xf32, #tpu.memory_space<vmem>>) offsets(%dma_start3A_65 : memref<64xi32, #tpu.memory_space<vmem>>) semaphore(%arg13 : memref<!tpu.dma_semaphore, #tpu.memory_space<semaphore_mem>>)
    %dma_start3A_69 = arith.constant 128 : i32
    %dma_start3A_70 = tpu.memref_slice %arg8[%dma_start3A_69] : memref<1024xi32, #tpu.memory_space<vmem>> -> memref<64xi32, #tpu.memory_space<vmem>>
    %dma_start3A_71 = arith.constant 0 : i32
    %dma_start3A_72 = arith.constant 0 : i32
    %dma_start3A_73 = tpu.memref_slice %arg4[%dma_start3A_71, %dma_start3A_72] : memref<8192x256xf32, #tpu.memory_space<hbm>> -> memref<8192x256xf32, #tpu.memory_space<hbm>>
    tpu.enqueue_indirect_dma source(%dma_start3A_73 : memref<8192x256xf32, #tpu.memory_space<hbm>>) target(%arg11 : memref<64x256xf32, #tpu.memory_space<vmem>>) offsets(%dma_start3A_70 : memref<64xi32, #tpu.memory_space<vmem>>) semaphore(%arg15 : memref<!tpu.dma_semaphore, #tpu.memory_space<semaphore_mem>>)
    %scan3A_74 = arith.constant 0 : i32
    %scan3A_75 = arith.constant 0 : i32
    %scan3A_76 = arith.constant 64 : i32
    %scan3A_77 = arith.addi %scan3A_75, %scan3A_76 : i32
    %scan3A_78 = arith.constant 1 : i32
    %scan3A_79 = scf.for %scan3A_599 = %scan3A_75 to %scan3A_77 step %scan3A_78 iter_args(%scan3A_600 = %scan3A_74) -> (i32)  : i32 {
      %get3A = arith.index_cast %scan3A_599 : i32 to index
      %get3A_601 = arith.constant 0 : index
      %get3A_602 = tpu.vector_load %arg12[%get3A, %get3A_601] {strides = array<i32>} : memref<64x256xf32, #tpu.memory_space<vmem>>, vector<16xf32>,
      %swap3A = arith.index_cast %scan3A_599 : i32 to index
      %swap3A_603 = arith.constant 0 : index
      %swap3A_604 = tpu.vector_load %arg10[%swap3A, %swap3A_603] {strides = array<i32>} : memref<64x256xf32, #tpu.memory_space<vmem>>, vector<16xf32>,
      tpu.vector_store %arg10[%swap3A, %swap3A_603], %get3A_602 {add = true, strides = array<i32>} : memref<64x256xf32, #tpu.memory_space<vmem>>, vector<16xf32>,
      %get3A_605 = arith.index_cast %scan3A_599 : i32 to index
      %get3A_606 = arith.constant 16 : index
      %get3A_607 = tpu.vector_load %arg12[%get3A_605, %get3A_606] {strides = array<i32>} : memref<64x256xf32, #tpu.memory_space<vmem>>, vector<16xf32>,
      %swap3A_608 = arith.index_cast %scan3A_599 : i32 to index
      %swap3A_609 = arith.constant 16 : index
      %swap3A_610 = tpu.vector_load %arg10[%swap3A_608, %swap3A_609] {strides = array<i32>} : memref<64x256xf32, #tpu.memory_space<vmem>>, vector<16xf32>,
      tpu.vector_store %arg10[%swap3A_608, %swap3A_609], %get3A_607 {add = true, strides = array<i32>} : memref<64x256xf32, #tpu.memory_space<vmem>>, vector<16xf32>,
      %get3A_611 = arith.index_cast %scan3A_599 : i32 to index
      %get3A_612 = arith.constant 32 : index
      %get3A_613 = tpu.vector_load %arg12[%get3A_611, %get3A_612] {strides = array<i32>} : memref<64x256xf32, #tpu.memory_space<vmem>>, vector<16xf32>,
      %swap3A_614 = arith.index_cast %scan3A_599 : i32 to index
      %swap3A_615 = arith.constant 32 : index
      %swap3A_616 = tpu.vector_load %arg10[%swap3A_614, %swap3A_615] {strides = array<i32>} : memref<64x256xf32, #tpu.memory_space<vmem>>, vector<16xf32>,
      tpu.vector_store %arg10[%swap3A_614, %swap3A_615], %get3A_613 {add = true, strides = array<i32>} : memref<64x256xf32, #tpu.memory_space<vmem>>, vector<16xf32>,
      %get3A_617 = arith.index_cast %scan3A_599 : i32 to index
      %get3A_618 = arith.constant 48 : index
      %get3A_619 = tpu.vector_load %arg12[%get3A_617, %get3A_618] {strides = array<i32>} : memref<64x256xf32, #tpu.memory_space<vmem>>, vector<16xf32>,
      %swap3A_620 = arith.index_cast %scan3A_599 : i32 to index
      %swap3A_621 = arith.constant 48 : index
      %swap3A_622 = tpu.vector_load %arg10[%swap3A_620, %swap3A_621] {strides = array<i32>} : memref<64x256xf32, #tpu.memory_space<vmem>>, vector<16xf32>,
      tpu.vector_store %arg10[%swap3A_620, %swap3A_621], %get3A_619 {add = true, strides = array<i32>} : memref<64x256xf32, #tpu.memory_space<vmem>>, vector<16xf32>,
      %get3A_623 = arith.index_cast %scan3A_599 : i32 to index
      %get3A_624 = arith.constant 64 : index
      %get3A_625 = tpu.vector_load %arg12[%get3A_623, %get3A_624] {strides = array<i32>} : memref<64x256xf32, #tpu.memory_space<vmem>>, vector<16xf32>,
      %swap3A_626 = arith.index_cast %scan3A_599 : i32 to index
      %swap3A_627 = arith.constant 64 : index
      %swap3A_628 = tpu.vector_load %arg10[%swap3A_626, %swap3A_627] {strides = array<i32>} : memref<64x256xf32, #tpu.memory_space<vmem>>, vector<16xf32>,
      tpu.vector_store %arg10[%swap3A_626, %swap3A_627], %get3A_625 {add = true, strides = array<i32>} : memref<64x256xf32, #tpu.memory_space<vmem>>, vector<16xf32>,
      %get3A_629 = arith.index_cast %scan3A_599 : i32 to index
      %get3A_630 = arith.constant 80 : index
      %get3A_631 = tpu.vector_load %arg12[%get3A_629, %get3A_630] {strides = array<i32>} : memref<64x256xf32, #tpu.memory_space<vmem>>, vector<16xf32>,
      %swap3A_632 = arith.index_cast %scan3A_599 : i32 to index
      %swap3A_633 = arith.constant 80 : index
      %swap3A_634 = tpu.vector_load %arg10[%swap3A_632, %swap3A_633] {strides = array<i32>} : memref<64x256xf32, #tpu.memory_space<vmem>>, vector<16xf32>,
      tpu.vector_store %arg10[%swap3A_632, %swap3A_633], %get3A_631 {add = true, strides = array<i32>} : memref<64x256xf32, #tpu.memory_space<vmem>>, vector<16xf32>,
      %get3A_635 = arith.index_cast %scan3A_599 : i32 to index
      %get3A_636 = arith.constant 96 : index
      %get3A_637 = tpu.vector_load %arg12[%get3A_635, %get3A_636] {strides = array<i32>} : memref<64x256xf32, #tpu.memory_space<vmem>>, vector<16xf32>,
      %swap3A_638 = arith.index_cast %scan3A_599 : i32 to index
      %swap3A_639 = arith.constant 96 : index
      %swap3A_640 = tpu.vector_load %arg10[%swap3A_638, %swap3A_639] {strides = array<i32>} : memref<64x256xf32, #tpu.memory_space<vmem>>, vector<16xf32>,
      tpu.vector_store %arg10[%swap3A_638, %swap3A_639], %get3A_637 {add = true, strides = array<i32>} : memref<64x256xf32, #tpu.memory_space<vmem>>, vector<16xf32>,
      %get3A_641 = arith.index_cast %scan3A_599 : i32 to index
      %get3A_642 = arith.constant 112 : index
      %get3A_643 = tpu.vector_load %arg12[%get3A_641, %get3A_642] {strides = array<i32>} : memref<64x256xf32, #tpu.memory_space<vmem>>, vector<16xf32>,
      %swap3A_644 = arith.index_cast %scan3A_599 : i32 to index
      %swap3A_645 = arith.constant 112 : index
      %swap3A_646 = tpu.vector_load %arg10[%swap3A_644, %swap3A_645] {strides = array<i32>} : memref<64x256xf32, #tpu.memory_space<vmem>>, vector<16xf32>,
      tpu.vector_store %arg10[%swap3A_644, %swap3A_645], %get3A_643 {add = true, strides = array<i32>} : memref<64x256xf32, #tpu.memory_space<vmem>>, vector<16xf32>,
      %get3A_647 = arith.index_cast %scan3A_599 : i32 to index
      %get3A_648 = arith.constant 128 : index
      %get3A_649 = tpu.vector_load %arg12[%get3A_647, %get3A_648] {strides = array<i32>} : memref<64x256xf32, #tpu.memory_space<vmem>>, vector<16xf32>,
      %swap3A_650 = arith.index_cast %scan3A_599 : i32 to index
      %swap3A_651 = arith.constant 128 : index
      %swap3A_652 = tpu.vector_load %arg10[%swap3A_650, %swap3A_651] {strides = array<i32>} : memref<64x256xf32, #tpu.memory_space<vmem>>, vector<16xf32>,
      tpu.vector_store %arg10[%swap3A_650, %swap3A_651], %get3A_649 {add = true, strides = array<i32>} : memref<64x256xf32, #tpu.memory_space<vmem>>, vector<16xf32>,
      %get3A_653 = arith.index_cast %scan3A_599 : i32 to index
      %get3A_654 = arith.constant 144 : index
      %get3A_655 = tpu.vector_load %arg12[%get3A_653, %get3A_654] {strides = array<i32>} : memref<64x256xf32, #tpu.memory_space<vmem>>, vector<16xf32>,
      %swap3A_656 = arith.index_cast %scan3A_599 : i32 to index
      %swap3A_657 = arith.constant 144 : index
      %swap3A_658 = tpu.vector_load %arg10[%swap3A_656, %swap3A_657] {strides = array<i32>} : memref<64x256xf32, #tpu.memory_space<vmem>>, vector<16xf32>,
      tpu.vector_store %arg10[%swap3A_656, %swap3A_657], %get3A_655 {add = true, strides = array<i32>} : memref<64x256xf32, #tpu.memory_space<vmem>>, vector<16xf32>,
      %get3A_659 = arith.index_cast %scan3A_599 : i32 to index
      %get3A_660 = arith.constant 160 : index
      %get3A_661 = tpu.vector_load %arg12[%get3A_659, %get3A_660] {strides = array<i32>} : memref<64x256xf32, #tpu.memory_space<vmem>>, vector<16xf32>,
      %swap3A_662 = arith.index_cast %scan3A_599 : i32 to index
      %swap3A_663 = arith.constant 160 : index
      %swap3A_664 = tpu.vector_load %arg10[%swap3A_662, %swap3A_663] {strides = array<i32>} : memref<64x256xf32, #tpu.memory_space<vmem>>, vector<16xf32>,
      tpu.vector_store %arg10[%swap3A_662, %swap3A_663], %get3A_661 {add = true, strides = array<i32>} : memref<64x256xf32, #tpu.memory_space<vmem>>, vector<16xf32>,
      %get3A_665 = arith.index_cast %scan3A_599 : i32 to index
      %get3A_666 = arith.constant 176 : index
      %get3A_667 = tpu.vector_load %arg12[%get3A_665, %get3A_666] {strides = array<i32>} : memref<64x256xf32, #tpu.memory_space<vmem>>, vector<16xf32>,
      %swap3A_668 = arith.index_cast %scan3A_599 : i32 to index
      %swap3A_669 = arith.constant 176 : index
      %swap3A_670 = tpu.vector_load %arg10[%swap3A_668, %swap3A_669] {strides = array<i32>} : memref<64x256xf32, #tpu.memory_space<vmem>>, vector<16xf32>,
      tpu.vector_store %arg10[%swap3A_668, %swap3A_669], %get3A_667 {add = true, strides = array<i32>} : memref<64x256xf32, #tpu.memory_space<vmem>>, vector<16xf32>,
      %get3A_671 = arith.index_cast %scan3A_599 : i32 to index
      %get3A_672 = arith.constant 192 : index
      %get3A_673 = tpu.vector_load %arg12[%get3A_671, %get3A_672] {strides = array<i32>} : memref<64x256xf32, #tpu.memory_space<vmem>>, vector<16xf32>,
      %swap3A_674 = arith.index_cast %scan3A_599 : i32 to index
      %swap3A_675 = arith.constant 192 : index
      %swap3A_676 = tpu.vector_load %arg10[%swap3A_674, %swap3A_675] {strides = array<i32>} : memref<64x256xf32, #tpu.memory_space<vmem>>, vector<16xf32>,
      tpu.vector_store %arg10[%swap3A_674, %swap3A_675], %get3A_673 {add = true, strides = array<i32>} : memref<64x256xf32, #tpu.memory_space<vmem>>, vector<16xf32>,
      %get3A_677 = arith.index_cast %scan3A_599 : i32 to index
      %get3A_678 = arith.constant 208 : index
      %get3A_679 = tpu.vector_load %arg12[%get3A_677, %get3A_678] {strides = array<i32>} : memref<64x256xf32, #tpu.memory_space<vmem>>, vector<16xf32>,
      %swap3A_680 = arith.index_cast %scan3A_599 : i32 to index
      %swap3A_681 = arith.constant 208 : index
      %swap3A_682 = tpu.vector_load %arg10[%swap3A_680, %swap3A_681] {strides = array<i32>} : memref<64x256xf32, #tpu.memory_space<vmem>>, vector<16xf32>,
      tpu.vector_store %arg10[%swap3A_680, %swap3A_681], %get3A_679 {add = true, strides = array<i32>} : memref<64x256xf32, #tpu.memory_space<vmem>>, vector<16xf32>,
      %get3A_683 = arith.index_cast %scan3A_599 : i32 to index
      %get3A_684 = arith.constant 224 : index
      %get3A_685 = tpu.vector_load %arg12[%get3A_683, %get3A_684] {strides = array<i32>} : memref<64x256xf32, #tpu.memory_space<vmem>>, vector<16xf32>,
      %swap3A_686 = arith.index_cast %scan3A_599 : i32 to index
      %swap3A_687 = arith.constant 224 : index
      %swap3A_688 = tpu.vector_load %arg10[%swap3A_686, %swap3A_687] {strides = array<i32>} : memref<64x256xf32, #tpu.memory_space<vmem>>, vector<16xf32>,
      tpu.vector_store %arg10[%swap3A_686, %swap3A_687], %get3A_685 {add = true, strides = array<i32>} : memref<64x256xf32, #tpu.memory_space<vmem>>, vector<16xf32>,
      %get3A_689 = arith.index_cast %scan3A_599 : i32 to index
      %get3A_690 = arith.constant 240 : index
      %get3A_691 = tpu.vector_load %arg12[%get3A_689, %get3A_690] {strides = array<i32>} : memref<64x256xf32, #tpu.memory_space<vmem>>, vector<16xf32>,
      %swap3A_692 = arith.index_cast %scan3A_599 : i32 to index
      %swap3A_693 = arith.constant 240 : index
      %swap3A_694 = tpu.vector_load %arg10[%swap3A_692, %swap3A_693] {strides = array<i32>} : memref<64x256xf32, #tpu.memory_space<vmem>>, vector<16xf32>,
      tpu.vector_store %arg10[%swap3A_692, %swap3A_693], %get3A_691 {add = true, strides = array<i32>} : memref<64x256xf32, #tpu.memory_space<vmem>>, vector<16xf32>,
      %scan3A_695 = arith.constant 0 : i32
      scf.yield %scan3A_695 : i32
    }
    %scan3A_80 = arith.constant 64 : i32
    %add3A_81 = arith.constant 64 : i32
    %add3A_82 = arith.addi %mul3A_2, %add3A_81 : i32
    %dma_start3A_83 = arith.constant 0 : i32
    %dma_start3A_84 = tpu.memref_slice %arg5[%add3A_82, %dma_start3A_83] : memref<32768x256xf32, #tpu.memory_space<hbm>> -> memref<64x256xf32, #tpu.memory_space<hbm>>
    %dma_start3A_85 = arith.constant 0 : i32
    %dma_start3A_86 = tpu.memref_slice %arg5[%add3A_82, %dma_start3A_85] : memref<32768x256xf32, #tpu.memory_space<hbm>> -> memref<64x256xf32, #tpu.memory_space<hbm>>
    tpu.enqueue_dma source(%arg10 : memref<64x256xf32, #tpu.memory_space<vmem>>) target(%dma_start3A_86 : memref<64x256xf32, #tpu.memory_space<hbm>>) target_semaphore(%arg18 : memref<!tpu.dma_semaphore, #tpu.memory_space<semaphore_mem>>)
    %dma_wait3A_87 = arith.constant 128 : i32
    %dma_wait3A_88 = tpu.memref_slice %arg7[%dma_wait3A_87] : memref<1024xi32, #tpu.memory_space<vmem>> -> memref<64xi32, #tpu.memory_space<vmem>>
    %dma_wait3A_89 = arith.constant 0 : i32
    %dma_wait3A_90 = arith.constant 0 : i32
    %dma_wait3A_91 = tpu.memref_slice %arg3[%dma_wait3A_89, %dma_wait3A_90] : memref<8192x256xf32, #tpu.memory_space<hbm>> -> memref<8192x256xf32, #tpu.memory_space<hbm>>
    tpu.wait_indirect_dma semaphore(%arg13 : memref<!tpu.dma_semaphore, #tpu.memory_space<semaphore_mem>>) src(%dma_wait3A_91 : memref<8192x256xf32, #tpu.memory_space<hbm>>) dst(%arg9 : memref<64x256xf32, #tpu.memory_space<vmem>>)
    %dma_wait3A_92 = arith.constant 128 : i32
    %dma_wait3A_93 = tpu.memref_slice %arg8[%dma_wait3A_92] : memref<1024xi32, #tpu.memory_space<vmem>> -> memref<64xi32, #tpu.memory_space<vmem>>
    %dma_wait3A_94 = arith.constant 0 : i32
    %dma_wait3A_95 = arith.constant 0 : i32
    %dma_wait3A_96 = tpu.memref_slice %arg4[%dma_wait3A_94, %dma_wait3A_95] : memref<8192x256xf32, #tpu.memory_space<hbm>> -> memref<8192x256xf32, #tpu.memory_space<hbm>>
    tpu.wait_indirect_dma semaphore(%arg15 : memref<!tpu.dma_semaphore, #tpu.memory_space<semaphore_mem>>) src(%dma_wait3A_96 : memref<8192x256xf32, #tpu.memory_space<hbm>>) dst(%arg11 : memref<64x256xf32, #tpu.memory_space<vmem>>)
    %dma_wait3A_97 = arith.constant 0 : i32
    %dma_wait3A_98 = tpu.memref_slice %arg5[%add3A_82, %dma_wait3A_97] : memref<32768x256xf32, #tpu.memory_space<hbm>> -> memref<64x256xf32, #tpu.memory_space<hbm>>
    %dma_wait3A_99 = arith.constant 0 : i32
    %dma_wait3A_100 = tpu.memref_slice %arg5[%add3A_82, %dma_wait3A_99] : memref<32768x256xf32, #tpu.memory_space<hbm>> -> memref<64x256xf32, #tpu.memory_space<hbm>>
    tpu.wait_dma2 semaphore(%arg18 : memref<!tpu.dma_semaphore, #tpu.memory_space<semaphore_mem>>) src(%arg10 : memref<64x256xf32, #tpu.memory_space<vmem>>) dst(%dma_wait3A_100 : memref<64x256xf32, #tpu.memory_space<hbm>>)
    %dma_start3A_101 = arith.constant 192 : i32
    %dma_start3A_102 = tpu.memref_slice %arg7[%dma_start3A_101] : memref<1024xi32, #tpu.memory_space<vmem>> -> memref<64xi32, #tpu.memory_space<vmem>>
    %dma_start3A_103 = arith.constant 0 : i32
    %dma_start3A_104 = arith.constant 0 : i32
    %dma_start3A_105 = tpu.memref_slice %arg3[%dma_start3A_103, %dma_start3A_104] : memref<8192x256xf32, #tpu.memory_space<hbm>> -> memref<8192x256xf32, #tpu.memory_space<hbm>>
    tpu.enqueue_indirect_dma source(%dma_start3A_105 : memref<8192x256xf32, #tpu.memory_space<hbm>>) target(%arg10 : memref<64x256xf32, #tpu.memory_space<vmem>>) offsets(%dma_start3A_102 : memref<64xi32, #tpu.memory_space<vmem>>) semaphore(%arg14 : memref<!tpu.dma_semaphore, #tpu.memory_space<semaphore_mem>>)
    %dma_start3A_106 = arith.constant 192 : i32
    %dma_start3A_107 = tpu.memref_slice %arg8[%dma_start3A_106] : memref<1024xi32, #tpu.memory_space<vmem>> -> memref<64xi32, #tpu.memory_space<vmem>>
    %dma_start3A_108 = arith.constant 0 : i32
    %dma_start3A_109 = arith.constant 0 : i32
    %dma_start3A_110 = tpu.memref_slice %arg4[%dma_start3A_108, %dma_start3A_109] : memref<8192x256xf32, #tpu.memory_space<hbm>> -> memref<8192x256xf32, #tpu.memory_space<hbm>>
    tpu.enqueue_indirect_dma source(%dma_start3A_110 : memref<8192x256xf32, #tpu.memory_space<hbm>>) target(%arg12 : memref<64x256xf32, #tpu.memory_space<vmem>>) offsets(%dma_start3A_107 : memref<64xi32, #tpu.memory_space<vmem>>) semaphore(%arg16 : memref<!tpu.dma_semaphore, #tpu.memory_space<semaphore_mem>>)
    %scan3A_111 = arith.constant 0 : i32
    %scan3A_112 = arith.constant 0 : i32
    %scan3A_113 = arith.constant 64 : i32
    %scan3A_114 = arith.addi %scan3A_112, %scan3A_113 : i32
    %scan3A_115 = arith.constant 1 : i32
    %scan3A_116 = scf.for %scan3A_599 = %scan3A_112 to %scan3A_114 step %scan3A_115 iter_args(%scan3A_600 = %scan3A_111) -> (i32)  : i32 {
      %get3A = arith.index_cast %scan3A_599 : i32 to index
      %get3A_601 = arith.constant 0 : index
      %get3A_602 = tpu.vector_load %arg11[%get3A, %get3A_601] {strides = array<i32>} : memref<64x256xf32, #tpu.memory_space<vmem>>, vector<16xf32>,
      %swap3A = arith.index_cast %scan3A_599 : i32 to index
      %swap3A_603 = arith.constant 0 : index
      %swap3A_604 = tpu.vector_load %arg9[%swap3A, %swap3A_603] {strides = array<i32>} : memref<64x256xf32, #tpu.memory_space<vmem>>, vector<16xf32>,
      tpu.vector_store %arg9[%swap3A, %swap3A_603], %get3A_602 {add = true, strides = array<i32>} : memref<64x256xf32, #tpu.memory_space<vmem>>, vector<16xf32>,
      %get3A_605 = arith.index_cast %scan3A_599 : i32 to index
      %get3A_606 = arith.constant 16 : index
      %get3A_607 = tpu.vector_load %arg11[%get3A_605, %get3A_606] {strides = array<i32>} : memref<64x256xf32, #tpu.memory_space<vmem>>, vector<16xf32>,
      %swap3A_608 = arith.index_cast %scan3A_599 : i32 to index
      %swap3A_609 = arith.constant 16 : index
      %swap3A_610 = tpu.vector_load %arg9[%swap3A_608, %swap3A_609] {strides = array<i32>} : memref<64x256xf32, #tpu.memory_space<vmem>>, vector<16xf32>,
      tpu.vector_store %arg9[%swap3A_608, %swap3A_609], %get3A_607 {add = true, strides = array<i32>} : memref<64x256xf32, #tpu.memory_space<vmem>>, vector<16xf32>,
      %get3A_611 = arith.index_cast %scan3A_599 : i32 to index
      %get3A_612 = arith.constant 32 : index
      %get3A_613 = tpu.vector_load %arg11[%get3A_611, %get3A_612] {strides = array<i32>} : memref<64x256xf32, #tpu.memory_space<vmem>>, vector<16xf32>,
      %swap3A_614 = arith.index_cast %scan3A_599 : i32 to index
      %swap3A_615 = arith.constant 32 : index
      %swap3A_616 = tpu.vector_load %arg9[%swap3A_614, %swap3A_615] {strides = array<i32>} : memref<64x256xf32, #tpu.memory_space<vmem>>, vector<16xf32>,
      tpu.vector_store %arg9[%swap3A_614, %swap3A_615], %get3A_613 {add = true, strides = array<i32>} : memref<64x256xf32, #tpu.memory_space<vmem>>, vector<16xf32>,
      %get3A_617 = arith.index_cast %scan3A_599 : i32 to index
      %get3A_618 = arith.constant 48 : index
      %get3A_619 = tpu.vector_load %arg11[%get3A_617, %get3A_618] {strides = array<i32>} : memref<64x256xf32, #tpu.memory_space<vmem>>, vector<16xf32>,
      %swap3A_620 = arith.index_cast %scan3A_599 : i32 to index
      %swap3A_621 = arith.constant 48 : index
      %swap3A_622 = tpu.vector_load %arg9[%swap3A_620, %swap3A_621] {strides = array<i32>} : memref<64x256xf32, #tpu.memory_space<vmem>>, vector<16xf32>,
      tpu.vector_store %arg9[%swap3A_620, %swap3A_621], %get3A_619 {add = true, strides = array<i32>} : memref<64x256xf32, #tpu.memory_space<vmem>>, vector<16xf32>,
      %get3A_623 = arith.index_cast %scan3A_599 : i32 to index
      %get3A_624 = arith.constant 64 : index
      %get3A_625 = tpu.vector_load %arg11[%get3A_623, %get3A_624] {strides = array<i32>} : memref<64x256xf32, #tpu.memory_space<vmem>>, vector<16xf32>,
      %swap3A_626 = arith.index_cast %scan3A_599 : i32 to index
      %swap3A_627 = arith.constant 64 : index
      %swap3A_628 = tpu.vector_load %arg9[%swap3A_626, %swap3A_627] {strides = array<i32>} : memref<64x256xf32, #tpu.memory_space<vmem>>, vector<16xf32>,
      tpu.vector_store %arg9[%swap3A_626, %swap3A_627], %get3A_625 {add = true, strides = array<i32>} : memref<64x256xf32, #tpu.memory_space<vmem>>, vector<16xf32>,
      %get3A_629 = arith.index_cast %scan3A_599 : i32 to index
      %get3A_630 = arith.constant 80 : index
      %get3A_631 = tpu.vector_load %arg11[%get3A_629, %get3A_630] {strides = array<i32>} : memref<64x256xf32, #tpu.memory_space<vmem>>, vector<16xf32>,
      %swap3A_632 = arith.index_cast %scan3A_599 : i32 to index
      %swap3A_633 = arith.constant 80 : index
      %swap3A_634 = tpu.vector_load %arg9[%swap3A_632, %swap3A_633] {strides = array<i32>} : memref<64x256xf32, #tpu.memory_space<vmem>>, vector<16xf32>,
      tpu.vector_store %arg9[%swap3A_632, %swap3A_633], %get3A_631 {add = true, strides = array<i32>} : memref<64x256xf32, #tpu.memory_space<vmem>>, vector<16xf32>,
      %get3A_635 = arith.index_cast %scan3A_599 : i32 to index
      %get3A_636 = arith.constant 96 : index
      %get3A_637 = tpu.vector_load %arg11[%get3A_635, %get3A_636] {strides = array<i32>} : memref<64x256xf32, #tpu.memory_space<vmem>>, vector<16xf32>,
      %swap3A_638 = arith.index_cast %scan3A_599 : i32 to index
      %swap3A_639 = arith.constant 96 : index
      %swap3A_640 = tpu.vector_load %arg9[%swap3A_638, %swap3A_639] {strides = array<i32>} : memref<64x256xf32, #tpu.memory_space<vmem>>, vector<16xf32>,
      tpu.vector_store %arg9[%swap3A_638, %swap3A_639], %get3A_637 {add = true, strides = array<i32>} : memref<64x256xf32, #tpu.memory_space<vmem>>, vector<16xf32>,
      %get3A_641 = arith.index_cast %scan3A_599 : i32 to index
      %get3A_642 = arith.constant 112 : index
      %get3A_643 = tpu.vector_load %arg11[%get3A_641, %get3A_642] {strides = array<i32>} : memref<64x256xf32, #tpu.memory_space<vmem>>, vector<16xf32>,
      %swap3A_644 = arith.index_cast %scan3A_599 : i32 to index
      %swap3A_645 = arith.constant 112 : index
      %swap3A_646 = tpu.vector_load %arg9[%swap3A_644, %swap3A_645] {strides = array<i32>} : memref<64x256xf32, #tpu.memory_space<vmem>>, vector<16xf32>,
      tpu.vector_store %arg9[%swap3A_644, %swap3A_645], %get3A_643 {add = true, strides = array<i32>} : memref<64x256xf32, #tpu.memory_space<vmem>>, vector<16xf32>,
      %get3A_647 = arith.index_cast %scan3A_599 : i32 to index
      %get3A_648 = arith.constant 128 : index
      %get3A_649 = tpu.vector_load %arg11[%get3A_647, %get3A_648] {strides = array<i32>} : memref<64x256xf32, #tpu.memory_space<vmem>>, vector<16xf32>,
      %swap3A_650 = arith.index_cast %scan3A_599 : i32 to index
      %swap3A_651 = arith.constant 128 : index
      %swap3A_652 = tpu.vector_load %arg9[%swap3A_650, %swap3A_651] {strides = array<i32>} : memref<64x256xf32, #tpu.memory_space<vmem>>, vector<16xf32>,
      tpu.vector_store %arg9[%swap3A_650, %swap3A_651], %get3A_649 {add = true, strides = array<i32>} : memref<64x256xf32, #tpu.memory_space<vmem>>, vector<16xf32>,
      %get3A_653 = arith.index_cast %scan3A_599 : i32 to index
      %get3A_654 = arith.constant 144 : index
      %get3A_655 = tpu.vector_load %arg11[%get3A_653, %get3A_654] {strides = array<i32>} : memref<64x256xf32, #tpu.memory_space<vmem>>, vector<16xf32>,
      %swap3A_656 = arith.index_cast %scan3A_599 : i32 to index
      %swap3A_657 = arith.constant 144 : index
      %swap3A_658 = tpu.vector_load %arg9[%swap3A_656, %swap3A_657] {strides = array<i32>} : memref<64x256xf32, #tpu.memory_space<vmem>>, vector<16xf32>,
      tpu.vector_store %arg9[%swap3A_656, %swap3A_657], %get3A_655 {add = true, strides = array<i32>} : memref<64x256xf32, #tpu.memory_space<vmem>>, vector<16xf32>,
      %get3A_659 = arith.index_cast %scan3A_599 : i32 to index
      %get3A_660 = arith.constant 160 : index
      %get3A_661 = tpu.vector_load %arg11[%get3A_659, %get3A_660] {strides = array<i32>} : memref<64x256xf32, #tpu.memory_space<vmem>>, vector<16xf32>,
      %swap3A_662 = arith.index_cast %scan3A_599 : i32 to index
      %swap3A_663 = arith.constant 160 : index
      %swap3A_664 = tpu.vector_load %arg9[%swap3A_662, %swap3A_663] {strides = array<i32>} : memref<64x256xf32, #tpu.memory_space<vmem>>, vector<16xf32>,
      tpu.vector_store %arg9[%swap3A_662, %swap3A_663], %get3A_661 {add = true, strides = array<i32>} : memref<64x256xf32, #tpu.memory_space<vmem>>, vector<16xf32>,
      %get3A_665 = arith.index_cast %scan3A_599 : i32 to index
      %get3A_666 = arith.constant 176 : index
      %get3A_667 = tpu.vector_load %arg11[%get3A_665, %get3A_666] {strides = array<i32>} : memref<64x256xf32, #tpu.memory_space<vmem>>, vector<16xf32>,
      %swap3A_668 = arith.index_cast %scan3A_599 : i32 to index
      %swap3A_669 = arith.constant 176 : index
      %swap3A_670 = tpu.vector_load %arg9[%swap3A_668, %swap3A_669] {strides = array<i32>} : memref<64x256xf32, #tpu.memory_space<vmem>>, vector<16xf32>,
      tpu.vector_store %arg9[%swap3A_668, %swap3A_669], %get3A_667 {add = true, strides = array<i32>} : memref<64x256xf32, #tpu.memory_space<vmem>>, vector<16xf32>,
      %get3A_671 = arith.index_cast %scan3A_599 : i32 to index
      %get3A_672 = arith.constant 192 : index
      %get3A_673 = tpu.vector_load %arg11[%get3A_671, %get3A_672] {strides = array<i32>} : memref<64x256xf32, #tpu.memory_space<vmem>>, vector<16xf32>,
      %swap3A_674 = arith.index_cast %scan3A_599 : i32 to index
      %swap3A_675 = arith.constant 192 : index
      %swap3A_676 = tpu.vector_load %arg9[%swap3A_674, %swap3A_675] {strides = array<i32>} : memref<64x256xf32, #tpu.memory_space<vmem>>, vector<16xf32>,
      tpu.vector_store %arg9[%swap3A_674, %swap3A_675], %get3A_673 {add = true, strides = array<i32>} : memref<64x256xf32, #tpu.memory_space<vmem>>, vector<16xf32>,
      %get3A_677 = arith.index_cast %scan3A_599 : i32 to index
      %get3A_678 = arith.constant 208 : index
      %get3A_679 = tpu.vector_load %arg11[%get3A_677, %get3A_678] {strides = array<i32>} : memref<64x256xf32, #tpu.memory_space<vmem>>, vector<16xf32>,
      %swap3A_680 = arith.index_cast %scan3A_599 : i32 to index
      %swap3A_681 = arith.constant 208 : index
      %swap3A_682 = tpu.vector_load %arg9[%swap3A_680, %swap3A_681] {strides = array<i32>} : memref<64x256xf32, #tpu.memory_space<vmem>>, vector<16xf32>,
      tpu.vector_store %arg9[%swap3A_680, %swap3A_681], %get3A_679 {add = true, strides = array<i32>} : memref<64x256xf32, #tpu.memory_space<vmem>>, vector<16xf32>,
      %get3A_683 = arith.index_cast %scan3A_599 : i32 to index
      %get3A_684 = arith.constant 224 : index
      %get3A_685 = tpu.vector_load %arg11[%get3A_683, %get3A_684] {strides = array<i32>} : memref<64x256xf32, #tpu.memory_space<vmem>>, vector<16xf32>,
      %swap3A_686 = arith.index_cast %scan3A_599 : i32 to index
      %swap3A_687 = arith.constant 224 : index
      %swap3A_688 = tpu.vector_load %arg9[%swap3A_686, %swap3A_687] {strides = array<i32>} : memref<64x256xf32, #tpu.memory_space<vmem>>, vector<16xf32>,
      tpu.vector_store %arg9[%swap3A_686, %swap3A_687], %get3A_685 {add = true, strides = array<i32>} : memref<64x256xf32, #tpu.memory_space<vmem>>, vector<16xf32>,
      %get3A_689 = arith.index_cast %scan3A_599 : i32 to index
      %get3A_690 = arith.constant 240 : index
      %get3A_691 = tpu.vector_load %arg11[%get3A_689, %get3A_690] {strides = array<i32>} : memref<64x256xf32, #tpu.memory_space<vmem>>, vector<16xf32>,
      %swap3A_692 = arith.index_cast %scan3A_599 : i32 to index
      %swap3A_693 = arith.constant 240 : index
      %swap3A_694 = tpu.vector_load %arg9[%swap3A_692, %swap3A_693] {strides = array<i32>} : memref<64x256xf32, #tpu.memory_space<vmem>>, vector<16xf32>,
      tpu.vector_store %arg9[%swap3A_692, %swap3A_693], %get3A_691 {add = true, strides = array<i32>} : memref<64x256xf32, #tpu.memory_space<vmem>>, vector<16xf32>,
      %scan3A_695 = arith.constant 0 : i32
      scf.yield %scan3A_695 : i32
    }
    %scan3A_117 = arith.constant 64 : i32
    %add3A_118 = arith.constant 128 : i32
    %add3A_119 = arith.addi %mul3A_2, %add3A_118 : i32
    %dma_start3A_120 = arith.constant 0 : i32
    %dma_start3A_121 = tpu.memref_slice %arg5[%add3A_119, %dma_start3A_120] : memref<32768x256xf32, #tpu.memory_space<hbm>> -> memref<64x256xf32, #tpu.memory_space<hbm>>
    %dma_start3A_122 = arith.constant 0 : i32
    %dma_start3A_123 = tpu.memref_slice %arg5[%add3A_119, %dma_start3A_122] : memref<32768x256xf32, #tpu.memory_space<hbm>> -> memref<64x256xf32, #tpu.memory_space<hbm>>
    tpu.enqueue_dma source(%arg9 : memref<64x256xf32, #tpu.memory_space<vmem>>) target(%dma_start3A_123 : memref<64x256xf32, #tpu.memory_space<hbm>>) target_semaphore(%arg17 : memref<!tpu.dma_semaphore, #tpu.memory_space<semaphore_mem>>)
    %dma_wait3A_124 = arith.constant 192 : i32
    %dma_wait3A_125 = tpu.memref_slice %arg7[%dma_wait3A_124] : memref<1024xi32, #tpu.memory_space<vmem>> -> memref<64xi32, #tpu.memory_space<vmem>>
    %dma_wait3A_126 = arith.constant 0 : i32
    %dma_wait3A_127 = arith.constant 0 : i32
    %dma_wait3A_128 = tpu.memref_slice %arg3[%dma_wait3A_126, %dma_wait3A_127] : memref<8192x256xf32, #tpu.memory_space<hbm>> -> memref<8192x256xf32, #tpu.memory_space<hbm>>
    tpu.wait_indirect_dma semaphore(%arg14 : memref<!tpu.dma_semaphore, #tpu.memory_space<semaphore_mem>>) src(%dma_wait3A_128 : memref<8192x256xf32, #tpu.memory_space<hbm>>) dst(%arg10 : memref<64x256xf32, #tpu.memory_space<vmem>>)
    %dma_wait3A_129 = arith.constant 192 : i32
    %dma_wait3A_130 = tpu.memref_slice %arg8[%dma_wait3A_129] : memref<1024xi32, #tpu.memory_space<vmem>> -> memref<64xi32, #tpu.memory_space<vmem>>
    %dma_wait3A_131 = arith.constant 0 : i32
    %dma_wait3A_132 = arith.constant 0 : i32
    %dma_wait3A_133 = tpu.memref_slice %arg4[%dma_wait3A_131, %dma_wait3A_132] : memref<8192x256xf32, #tpu.memory_space<hbm>> -> memref<8192x256xf32, #tpu.memory_space<hbm>>
    tpu.wait_indirect_dma semaphore(%arg16 : memref<!tpu.dma_semaphore, #tpu.memory_space<semaphore_mem>>) src(%dma_wait3A_133 : memref<8192x256xf32, #tpu.memory_space<hbm>>) dst(%arg12 : memref<64x256xf32, #tpu.memory_space<vmem>>)
    %dma_wait3A_134 = arith.constant 0 : i32
    %dma_wait3A_135 = tpu.memref_slice %arg5[%add3A_119, %dma_wait3A_134] : memref<32768x256xf32, #tpu.memory_space<hbm>> -> memref<64x256xf32, #tpu.memory_space<hbm>>
    %dma_wait3A_136 = arith.constant 0 : i32
    %dma_wait3A_137 = tpu.memref_slice %arg5[%add3A_119, %dma_wait3A_136] : memref<32768x256xf32, #tpu.memory_space<hbm>> -> memref<64x256xf32, #tpu.memory_space<hbm>>
    tpu.wait_dma2 semaphore(%arg17 : memref<!tpu.dma_semaphore, #tpu.memory_space<semaphore_mem>>) src(%arg9 : memref<64x256xf32, #tpu.memory_space<vmem>>) dst(%dma_wait3A_137 : memref<64x256xf32, #tpu.memory_space<hbm>>)
    %dma_start3A_138 = arith.constant 256 : i32
    %dma_start3A_139 = tpu.memref_slice %arg7[%dma_start3A_138] : memref<1024xi32, #tpu.memory_space<vmem>> -> memref<64xi32, #tpu.memory_space<vmem>>
    %dma_start3A_140 = arith.constant 0 : i32
    %dma_start3A_141 = arith.constant 0 : i32
    %dma_start3A_142 = tpu.memref_slice %arg3[%dma_start3A_140, %dma_start3A_141] : memref<8192x256xf32, #tpu.memory_space<hbm>> -> memref<8192x256xf32, #tpu.memory_space<hbm>>
    tpu.enqueue_indirect_dma source(%dma_start3A_142 : memref<8192x256xf32, #tpu.memory_space<hbm>>) target(%arg9 : memref<64x256xf32, #tpu.memory_space<vmem>>) offsets(%dma_start3A_139 : memref<64xi32, #tpu.memory_space<vmem>>) semaphore(%arg13 : memref<!tpu.dma_semaphore, #tpu.memory_space<semaphore_mem>>)
    %dma_start3A_143 = arith.constant 256 : i32
    %dma_start3A_144 = tpu.memref_slice %arg8[%dma_start3A_143] : memref<1024xi32, #tpu.memory_space<vmem>> -> memref<64xi32, #tpu.memory_space<vmem>>
    %dma_start3A_145 = arith.constant 0 : i32
    %dma_start3A_146 = arith.constant 0 : i32
    %dma_start3A_147 = tpu.memref_slice %arg4[%dma_start3A_145, %dma_start3A_146] : memref<8192x256xf32, #tpu.memory_space<hbm>> -> memref<8192x256xf32, #tpu.memory_space<hbm>>
    tpu.enqueue_indirect_dma source(%dma_start3A_147 : memref<8192x256xf32, #tpu.memory_space<hbm>>) target(%arg11 : memref<64x256xf32, #tpu.memory_space<vmem>>) offsets(%dma_start3A_144 : memref<64xi32, #tpu.memory_space<vmem>>) semaphore(%arg15 : memref<!tpu.dma_semaphore, #tpu.memory_space<semaphore_mem>>)
    %scan3A_148 = arith.constant 0 : i32
    %scan3A_149 = arith.constant 0 : i32
    %scan3A_150 = arith.constant 64 : i32
    %scan3A_151 = arith.addi %scan3A_149, %scan3A_150 : i32
    %scan3A_152 = arith.constant 1 : i32
    %scan3A_153 = scf.for %scan3A_599 = %scan3A_149 to %scan3A_151 step %scan3A_152 iter_args(%scan3A_600 = %scan3A_148) -> (i32)  : i32 {
      %get3A = arith.index_cast %scan3A_599 : i32 to index
      %get3A_601 = arith.constant 0 : index
      %get3A_602 = tpu.vector_load %arg12[%get3A, %get3A_601] {strides = array<i32>} : memref<64x256xf32, #tpu.memory_space<vmem>>, vector<16xf32>,
      %swap3A = arith.index_cast %scan3A_599 : i32 to index
      %swap3A_603 = arith.constant 0 : index
      %swap3A_604 = tpu.vector_load %arg10[%swap3A, %swap3A_603] {strides = array<i32>} : memref<64x256xf32, #tpu.memory_space<vmem>>, vector<16xf32>,
      tpu.vector_store %arg10[%swap3A, %swap3A_603], %get3A_602 {add = true, strides = array<i32>} : memref<64x256xf32, #tpu.memory_space<vmem>>, vector<16xf32>,
      %get3A_605 = arith.index_cast %scan3A_599 : i32 to index
      %get3A_606 = arith.constant 16 : index
      %get3A_607 = tpu.vector_load %arg12[%get3A_605, %get3A_606] {strides = array<i32>} : memref<64x256xf32, #tpu.memory_space<vmem>>, vector<16xf32>,
      %swap3A_608 = arith.index_cast %scan3A_599 : i32 to index
      %swap3A_609 = arith.constant 16 : index
      %swap3A_610 = tpu.vector_load %arg10[%swap3A_608, %swap3A_609] {strides = array<i32>} : memref<64x256xf32, #tpu.memory_space<vmem>>, vector<16xf32>,
      tpu.vector_store %arg10[%swap3A_608, %swap3A_609], %get3A_607 {add = true, strides = array<i32>} : memref<64x256xf32, #tpu.memory_space<vmem>>, vector<16xf32>,
      %get3A_611 = arith.index_cast %scan3A_599 : i32 to index
      %get3A_612 = arith.constant 32 : index
      %get3A_613 = tpu.vector_load %arg12[%get3A_611, %get3A_612] {strides = array<i32>} : memref<64x256xf32, #tpu.memory_space<vmem>>, vector<16xf32>,
      %swap3A_614 = arith.index_cast %scan3A_599 : i32 to index
      %swap3A_615 = arith.constant 32 : index
      %swap3A_616 = tpu.vector_load %arg10[%swap3A_614, %swap3A_615] {strides = array<i32>} : memref<64x256xf32, #tpu.memory_space<vmem>>, vector<16xf32>,
      tpu.vector_store %arg10[%swap3A_614, %swap3A_615], %get3A_613 {add = true, strides = array<i32>} : memref<64x256xf32, #tpu.memory_space<vmem>>, vector<16xf32>,
      %get3A_617 = arith.index_cast %scan3A_599 : i32 to index
      %get3A_618 = arith.constant 48 : index
      %get3A_619 = tpu.vector_load %arg12[%get3A_617, %get3A_618] {strides = array<i32>} : memref<64x256xf32, #tpu.memory_space<vmem>>, vector<16xf32>,
      %swap3A_620 = arith.index_cast %scan3A_599 : i32 to index
      %swap3A_621 = arith.constant 48 : index
      %swap3A_622 = tpu.vector_load %arg10[%swap3A_620, %swap3A_621] {strides = array<i32>} : memref<64x256xf32, #tpu.memory_space<vmem>>, vector<16xf32>,
      tpu.vector_store %arg10[%swap3A_620, %swap3A_621], %get3A_619 {add = true, strides = array<i32>} : memref<64x256xf32, #tpu.memory_space<vmem>>, vector<16xf32>,
      %get3A_623 = arith.index_cast %scan3A_599 : i32 to index
      %get3A_624 = arith.constant 64 : index
      %get3A_625 = tpu.vector_load %arg12[%get3A_623, %get3A_624] {strides = array<i32>} : memref<64x256xf32, #tpu.memory_space<vmem>>, vector<16xf32>,
      %swap3A_626 = arith.index_cast %scan3A_599 : i32 to index
      %swap3A_627 = arith.constant 64 : index
      %swap3A_628 = tpu.vector_load %arg10[%swap3A_626, %swap3A_627] {strides = array<i32>} : memref<64x256xf32, #tpu.memory_space<vmem>>, vector<16xf32>,
      tpu.vector_store %arg10[%swap3A_626, %swap3A_627], %get3A_625 {add = true, strides = array<i32>} : memref<64x256xf32, #tpu.memory_space<vmem>>, vector<16xf32>,
      %get3A_629 = arith.index_cast %scan3A_599 : i32 to index
      %get3A_630 = arith.constant 80 : index
      %get3A_631 = tpu.vector_load %arg12[%get3A_629, %get3A_630] {strides = array<i32>} : memref<64x256xf32, #tpu.memory_space<vmem>>, vector<16xf32>,
      %swap3A_632 = arith.index_cast %scan3A_599 : i32 to index
      %swap3A_633 = arith.constant 80 : index
      %swap3A_634 = tpu.vector_load %arg10[%swap3A_632, %swap3A_633] {strides = array<i32>} : memref<64x256xf32, #tpu.memory_space<vmem>>, vector<16xf32>,
      tpu.vector_store %arg10[%swap3A_632, %swap3A_633], %get3A_631 {add = true, strides = array<i32>} : memref<64x256xf32, #tpu.memory_space<vmem>>, vector<16xf32>,
      %get3A_635 = arith.index_cast %scan3A_599 : i32 to index
      %get3A_636 = arith.constant 96 : index
      %get3A_637 = tpu.vector_load %arg12[%get3A_635, %get3A_636] {strides = array<i32>} : memref<64x256xf32, #tpu.memory_space<vmem>>, vector<16xf32>,
      %swap3A_638 = arith.index_cast %scan3A_599 : i32 to index
      %swap3A_639 = arith.constant 96 : index
      %swap3A_640 = tpu.vector_load %arg10[%swap3A_638, %swap3A_639] {strides = array<i32>} : memref<64x256xf32, #tpu.memory_space<vmem>>, vector<16xf32>,
      tpu.vector_store %arg10[%swap3A_638, %swap3A_639], %get3A_637 {add = true, strides = array<i32>} : memref<64x256xf32, #tpu.memory_space<vmem>>, vector<16xf32>,
      %get3A_641 = arith.index_cast %scan3A_599 : i32 to index
      %get3A_642 = arith.constant 112 : index
      %get3A_643 = tpu.vector_load %arg12[%get3A_641, %get3A_642] {strides = array<i32>} : memref<64x256xf32, #tpu.memory_space<vmem>>, vector<16xf32>,
      %swap3A_644 = arith.index_cast %scan3A_599 : i32 to index
      %swap3A_645 = arith.constant 112 : index
      %swap3A_646 = tpu.vector_load %arg10[%swap3A_644, %swap3A_645] {strides = array<i32>} : memref<64x256xf32, #tpu.memory_space<vmem>>, vector<16xf32>,
      tpu.vector_store %arg10[%swap3A_644, %swap3A_645], %get3A_643 {add = true, strides = array<i32>} : memref<64x256xf32, #tpu.memory_space<vmem>>, vector<16xf32>,
      %get3A_647 = arith.index_cast %scan3A_599 : i32 to index
      %get3A_648 = arith.constant 128 : index
      %get3A_649 = tpu.vector_load %arg12[%get3A_647, %get3A_648] {strides = array<i32>} : memref<64x256xf32, #tpu.memory_space<vmem>>, vector<16xf32>,
      %swap3A_650 = arith.index_cast %scan3A_599 : i32 to index
      %swap3A_651 = arith.constant 128 : index
      %swap3A_652 = tpu.vector_load %arg10[%swap3A_650, %swap3A_651] {strides = array<i32>} : memref<64x256xf32, #tpu.memory_space<vmem>>, vector<16xf32>,
      tpu.vector_store %arg10[%swap3A_650, %swap3A_651], %get3A_649 {add = true, strides = array<i32>} : memref<64x256xf32, #tpu.memory_space<vmem>>, vector<16xf32>,
      %get3A_653 = arith.index_cast %scan3A_599 : i32 to index
      %get3A_654 = arith.constant 144 : index
      %get3A_655 = tpu.vector_load %arg12[%get3A_653, %get3A_654] {strides = array<i32>} : memref<64x256xf32, #tpu.memory_space<vmem>>, vector<16xf32>,
      %swap3A_656 = arith.index_cast %scan3A_599 : i32 to index
      %swap3A_657 = arith.constant 144 : index
      %swap3A_658 = tpu.vector_load %arg10[%swap3A_656, %swap3A_657] {strides = array<i32>} : memref<64x256xf32, #tpu.memory_space<vmem>>, vector<16xf32>,
      tpu.vector_store %arg10[%swap3A_656, %swap3A_657], %get3A_655 {add = true, strides = array<i32>} : memref<64x256xf32, #tpu.memory_space<vmem>>, vector<16xf32>,
      %get3A_659 = arith.index_cast %scan3A_599 : i32 to index
      %get3A_660 = arith.constant 160 : index
      %get3A_661 = tpu.vector_load %arg12[%get3A_659, %get3A_660] {strides = array<i32>} : memref<64x256xf32, #tpu.memory_space<vmem>>, vector<16xf32>,
      %swap3A_662 = arith.index_cast %scan3A_599 : i32 to index
      %swap3A_663 = arith.constant 160 : index
      %swap3A_664 = tpu.vector_load %arg10[%swap3A_662, %swap3A_663] {strides = array<i32>} : memref<64x256xf32, #tpu.memory_space<vmem>>, vector<16xf32>,
      tpu.vector_store %arg10[%swap3A_662, %swap3A_663], %get3A_661 {add = true, strides = array<i32>} : memref<64x256xf32, #tpu.memory_space<vmem>>, vector<16xf32>,
      %get3A_665 = arith.index_cast %scan3A_599 : i32 to index
      %get3A_666 = arith.constant 176 : index
      %get3A_667 = tpu.vector_load %arg12[%get3A_665, %get3A_666] {strides = array<i32>} : memref<64x256xf32, #tpu.memory_space<vmem>>, vector<16xf32>,
      %swap3A_668 = arith.index_cast %scan3A_599 : i32 to index
      %swap3A_669 = arith.constant 176 : index
      %swap3A_670 = tpu.vector_load %arg10[%swap3A_668, %swap3A_669] {strides = array<i32>} : memref<64x256xf32, #tpu.memory_space<vmem>>, vector<16xf32>,
      tpu.vector_store %arg10[%swap3A_668, %swap3A_669], %get3A_667 {add = true, strides = array<i32>} : memref<64x256xf32, #tpu.memory_space<vmem>>, vector<16xf32>,
      %get3A_671 = arith.index_cast %scan3A_599 : i32 to index
      %get3A_672 = arith.constant 192 : index
      %get3A_673 = tpu.vector_load %arg12[%get3A_671, %get3A_672] {strides = array<i32>} : memref<64x256xf32, #tpu.memory_space<vmem>>, vector<16xf32>,
      %swap3A_674 = arith.index_cast %scan3A_599 : i32 to index
      %swap3A_675 = arith.constant 192 : index
      %swap3A_676 = tpu.vector_load %arg10[%swap3A_674, %swap3A_675] {strides = array<i32>} : memref<64x256xf32, #tpu.memory_space<vmem>>, vector<16xf32>,
      tpu.vector_store %arg10[%swap3A_674, %swap3A_675], %get3A_673 {add = true, strides = array<i32>} : memref<64x256xf32, #tpu.memory_space<vmem>>, vector<16xf32>,
      %get3A_677 = arith.index_cast %scan3A_599 : i32 to index
      %get3A_678 = arith.constant 208 : index
      %get3A_679 = tpu.vector_load %arg12[%get3A_677, %get3A_678] {strides = array<i32>} : memref<64x256xf32, #tpu.memory_space<vmem>>, vector<16xf32>,
      %swap3A_680 = arith.index_cast %scan3A_599 : i32 to index
      %swap3A_681 = arith.constant 208 : index
      %swap3A_682 = tpu.vector_load %arg10[%swap3A_680, %swap3A_681] {strides = array<i32>} : memref<64x256xf32, #tpu.memory_space<vmem>>, vector<16xf32>,
      tpu.vector_store %arg10[%swap3A_680, %swap3A_681], %get3A_679 {add = true, strides = array<i32>} : memref<64x256xf32, #tpu.memory_space<vmem>>, vector<16xf32>,
      %get3A_683 = arith.index_cast %scan3A_599 : i32 to index
      %get3A_684 = arith.constant 224 : index
      %get3A_685 = tpu.vector_load %arg12[%get3A_683, %get3A_684] {strides = array<i32>} : memref<64x256xf32, #tpu.memory_space<vmem>>, vector<16xf32>,
      %swap3A_686 = arith.index_cast %scan3A_599 : i32 to index
      %swap3A_687 = arith.constant 224 : index
      %swap3A_688 = tpu.vector_load %arg10[%swap3A_686, %swap3A_687] {strides = array<i32>} : memref<64x256xf32, #tpu.memory_space<vmem>>, vector<16xf32>,
      tpu.vector_store %arg10[%swap3A_686, %swap3A_687], %get3A_685 {add = true, strides = array<i32>} : memref<64x256xf32, #tpu.memory_space<vmem>>, vector<16xf32>,
      %get3A_689 = arith.index_cast %scan3A_599 : i32 to index
      %get3A_690 = arith.constant 240 : index
      %get3A_691 = tpu.vector_load %arg12[%get3A_689, %get3A_690] {strides = array<i32>} : memref<64x256xf32, #tpu.memory_space<vmem>>, vector<16xf32>,
      %swap3A_692 = arith.index_cast %scan3A_599 : i32 to index
      %swap3A_693 = arith.constant 240 : index
      %swap3A_694 = tpu.vector_load %arg10[%swap3A_692, %swap3A_693] {strides = array<i32>} : memref<64x256xf32, #tpu.memory_space<vmem>>, vector<16xf32>,
      tpu.vector_store %arg10[%swap3A_692, %swap3A_693], %get3A_691 {add = true, strides = array<i32>} : memref<64x256xf32, #tpu.memory_space<vmem>>, vector<16xf32>,
      %scan3A_695 = arith.constant 0 : i32
      scf.yield %scan3A_695 : i32
    }
    %scan3A_154 = arith.constant 64 : i32
    %add3A_155 = arith.constant 192 : i32
    %add3A_156 = arith.addi %mul3A_2, %add3A_155 : i32
    %dma_start3A_157 = arith.constant 0 : i32
    %dma_start3A_158 = tpu.memref_slice %arg5[%add3A_156, %dma_start3A_157] : memref<32768x256xf32, #tpu.memory_space<hbm>> -> memref<64x256xf32, #tpu.memory_space<hbm>>
    %dma_start3A_159 = arith.constant 0 : i32
    %dma_start3A_160 = tpu.memref_slice %arg5[%add3A_156, %dma_start3A_159] : memref<32768x256xf32, #tpu.memory_space<hbm>> -> memref<64x256xf32, #tpu.memory_space<hbm>>
    tpu.enqueue_dma source(%arg10 : memref<64x256xf32, #tpu.memory_space<vmem>>) target(%dma_start3A_160 : memref<64x256xf32, #tpu.memory_space<hbm>>) target_semaphore(%arg18 : memref<!tpu.dma_semaphore, #tpu.memory_space<semaphore_mem>>)
    %dma_wait3A_161 = arith.constant 256 : i32
    %dma_wait3A_162 = tpu.memref_slice %arg7[%dma_wait3A_161] : memref<1024xi32, #tpu.memory_space<vmem>> -> memref<64xi32, #tpu.memory_space<vmem>>
    %dma_wait3A_163 = arith.constant 0 : i32
    %dma_wait3A_164 = arith.constant 0 : i32
    %dma_wait3A_165 = tpu.memref_slice %arg3[%dma_wait3A_163, %dma_wait3A_164] : memref<8192x256xf32, #tpu.memory_space<hbm>> -> memref<8192x256xf32, #tpu.memory_space<hbm>>
    tpu.wait_indirect_dma semaphore(%arg13 : memref<!tpu.dma_semaphore, #tpu.memory_space<semaphore_mem>>) src(%dma_wait3A_165 : memref<8192x256xf32, #tpu.memory_space<hbm>>) dst(%arg9 : memref<64x256xf32, #tpu.memory_space<vmem>>)
    %dma_wait3A_166 = arith.constant 256 : i32
    %dma_wait3A_167 = tpu.memref_slice %arg8[%dma_wait3A_166] : memref<1024xi32, #tpu.memory_space<vmem>> -> memref<64xi32, #tpu.memory_space<vmem>>
    %dma_wait3A_168 = arith.constant 0 : i32
    %dma_wait3A_169 = arith.constant 0 : i32
    %dma_wait3A_170 = tpu.memref_slice %arg4[%dma_wait3A_168, %dma_wait3A_169] : memref<8192x256xf32, #tpu.memory_space<hbm>> -> memref<8192x256xf32, #tpu.memory_space<hbm>>
    tpu.wait_indirect_dma semaphore(%arg15 : memref<!tpu.dma_semaphore, #tpu.memory_space<semaphore_mem>>) src(%dma_wait3A_170 : memref<8192x256xf32, #tpu.memory_space<hbm>>) dst(%arg11 : memref<64x256xf32, #tpu.memory_space<vmem>>)
    %dma_wait3A_171 = arith.constant 0 : i32
    %dma_wait3A_172 = tpu.memref_slice %arg5[%add3A_156, %dma_wait3A_171] : memref<32768x256xf32, #tpu.memory_space<hbm>> -> memref<64x256xf32, #tpu.memory_space<hbm>>
    %dma_wait3A_173 = arith.constant 0 : i32
    %dma_wait3A_174 = tpu.memref_slice %arg5[%add3A_156, %dma_wait3A_173] : memref<32768x256xf32, #tpu.memory_space<hbm>> -> memref<64x256xf32, #tpu.memory_space<hbm>>
    tpu.wait_dma2 semaphore(%arg18 : memref<!tpu.dma_semaphore, #tpu.memory_space<semaphore_mem>>) src(%arg10 : memref<64x256xf32, #tpu.memory_space<vmem>>) dst(%dma_wait3A_174 : memref<64x256xf32, #tpu.memory_space<hbm>>)
    %dma_start3A_175 = arith.constant 320 : i32
    %dma_start3A_176 = tpu.memref_slice %arg7[%dma_start3A_175] : memref<1024xi32, #tpu.memory_space<vmem>> -> memref<64xi32, #tpu.memory_space<vmem>>
    %dma_start3A_177 = arith.constant 0 : i32
    %dma_start3A_178 = arith.constant 0 : i32
    %dma_start3A_179 = tpu.memref_slice %arg3[%dma_start3A_177, %dma_start3A_178] : memref<8192x256xf32, #tpu.memory_space<hbm>> -> memref<8192x256xf32, #tpu.memory_space<hbm>>
    tpu.enqueue_indirect_dma source(%dma_start3A_179 : memref<8192x256xf32, #tpu.memory_space<hbm>>) target(%arg10 : memref<64x256xf32, #tpu.memory_space<vmem>>) offsets(%dma_start3A_176 : memref<64xi32, #tpu.memory_space<vmem>>) semaphore(%arg14 : memref<!tpu.dma_semaphore, #tpu.memory_space<semaphore_mem>>)
    %dma_start3A_180 = arith.constant 320 : i32
    %dma_start3A_181 = tpu.memref_slice %arg8[%dma_start3A_180] : memref<1024xi32, #tpu.memory_space<vmem>> -> memref<64xi32, #tpu.memory_space<vmem>>
    %dma_start3A_182 = arith.constant 0 : i32
    %dma_start3A_183 = arith.constant 0 : i32
    %dma_start3A_184 = tpu.memref_slice %arg4[%dma_start3A_182, %dma_start3A_183] : memref<8192x256xf32, #tpu.memory_space<hbm>> -> memref<8192x256xf32, #tpu.memory_space<hbm>>
    tpu.enqueue_indirect_dma source(%dma_start3A_184 : memref<8192x256xf32, #tpu.memory_space<hbm>>) target(%arg12 : memref<64x256xf32, #tpu.memory_space<vmem>>) offsets(%dma_start3A_181 : memref<64xi32, #tpu.memory_space<vmem>>) semaphore(%arg16 : memref<!tpu.dma_semaphore, #tpu.memory_space<semaphore_mem>>)
    %scan3A_185 = arith.constant 0 : i32
    %scan3A_186 = arith.constant 0 : i32
    %scan3A_187 = arith.constant 64 : i32
    %scan3A_188 = arith.addi %scan3A_186, %scan3A_187 : i32
    %scan3A_189 = arith.constant 1 : i32
    %scan3A_190 = scf.for %scan3A_599 = %scan3A_186 to %scan3A_188 step %scan3A_189 iter_args(%scan3A_600 = %scan3A_185) -> (i32)  : i32 {
      %get3A = arith.index_cast %scan3A_599 : i32 to index
      %get3A_601 = arith.constant 0 : index
      %get3A_602 = tpu.vector_load %arg11[%get3A, %get3A_601] {strides = array<i32>} : memref<64x256xf32, #tpu.memory_space<vmem>>, vector<16xf32>,
      %swap3A = arith.index_cast %scan3A_599 : i32 to index
      %swap3A_603 = arith.constant 0 : index
      %swap3A_604 = tpu.vector_load %arg9[%swap3A, %swap3A_603] {strides = array<i32>} : memref<64x256xf32, #tpu.memory_space<vmem>>, vector<16xf32>,
      tpu.vector_store %arg9[%swap3A, %swap3A_603], %get3A_602 {add = true, strides = array<i32>} : memref<64x256xf32, #tpu.memory_space<vmem>>, vector<16xf32>,
      %get3A_605 = arith.index_cast %scan3A_599 : i32 to index
      %get3A_606 = arith.constant 16 : index
      %get3A_607 = tpu.vector_load %arg11[%get3A_605, %get3A_606] {strides = array<i32>} : memref<64x256xf32, #tpu.memory_space<vmem>>, vector<16xf32>,
      %swap3A_608 = arith.index_cast %scan3A_599 : i32 to index
      %swap3A_609 = arith.constant 16 : index
      %swap3A_610 = tpu.vector_load %arg9[%swap3A_608, %swap3A_609] {strides = array<i32>} : memref<64x256xf32, #tpu.memory_space<vmem>>, vector<16xf32>,
      tpu.vector_store %arg9[%swap3A_608, %swap3A_609], %get3A_607 {add = true, strides = array<i32>} : memref<64x256xf32, #tpu.memory_space<vmem>>, vector<16xf32>,
      %get3A_611 = arith.index_cast %scan3A_599 : i32 to index
      %get3A_612 = arith.constant 32 : index
      %get3A_613 = tpu.vector_load %arg11[%get3A_611, %get3A_612] {strides = array<i32>} : memref<64x256xf32, #tpu.memory_space<vmem>>, vector<16xf32>,
      %swap3A_614 = arith.index_cast %scan3A_599 : i32 to index
      %swap3A_615 = arith.constant 32 : index
      %swap3A_616 = tpu.vector_load %arg9[%swap3A_614, %swap3A_615] {strides = array<i32>} : memref<64x256xf32, #tpu.memory_space<vmem>>, vector<16xf32>,
      tpu.vector_store %arg9[%swap3A_614, %swap3A_615], %get3A_613 {add = true, strides = array<i32>} : memref<64x256xf32, #tpu.memory_space<vmem>>, vector<16xf32>,
      %get3A_617 = arith.index_cast %scan3A_599 : i32 to index
      %get3A_618 = arith.constant 48 : index
      %get3A_619 = tpu.vector_load %arg11[%get3A_617, %get3A_618] {strides = array<i32>} : memref<64x256xf32, #tpu.memory_space<vmem>>, vector<16xf32>,
      %swap3A_620 = arith.index_cast %scan3A_599 : i32 to index
      %swap3A_621 = arith.constant 48 : index
      %swap3A_622 = tpu.vector_load %arg9[%swap3A_620, %swap3A_621] {strides = array<i32>} : memref<64x256xf32, #tpu.memory_space<vmem>>, vector<16xf32>,
      tpu.vector_store %arg9[%swap3A_620, %swap3A_621], %get3A_619 {add = true, strides = array<i32>} : memref<64x256xf32, #tpu.memory_space<vmem>>, vector<16xf32>,
      %get3A_623 = arith.index_cast %scan3A_599 : i32 to index
      %get3A_624 = arith.constant 64 : index
      %get3A_625 = tpu.vector_load %arg11[%get3A_623, %get3A_624] {strides = array<i32>} : memref<64x256xf32, #tpu.memory_space<vmem>>, vector<16xf32>,
      %swap3A_626 = arith.index_cast %scan3A_599 : i32 to index
      %swap3A_627 = arith.constant 64 : index
      %swap3A_628 = tpu.vector_load %arg9[%swap3A_626, %swap3A_627] {strides = array<i32>} : memref<64x256xf32, #tpu.memory_space<vmem>>, vector<16xf32>,
      tpu.vector_store %arg9[%swap3A_626, %swap3A_627], %get3A_625 {add = true, strides = array<i32>} : memref<64x256xf32, #tpu.memory_space<vmem>>, vector<16xf32>,
      %get3A_629 = arith.index_cast %scan3A_599 : i32 to index
      %get3A_630 = arith.constant 80 : index
      %get3A_631 = tpu.vector_load %arg11[%get3A_629, %get3A_630] {strides = array<i32>} : memref<64x256xf32, #tpu.memory_space<vmem>>, vector<16xf32>,
      %swap3A_632 = arith.index_cast %scan3A_599 : i32 to index
      %swap3A_633 = arith.constant 80 : index
      %swap3A_634 = tpu.vector_load %arg9[%swap3A_632, %swap3A_633] {strides = array<i32>} : memref<64x256xf32, #tpu.memory_space<vmem>>, vector<16xf32>,
      tpu.vector_store %arg9[%swap3A_632, %swap3A_633], %get3A_631 {add = true, strides = array<i32>} : memref<64x256xf32, #tpu.memory_space<vmem>>, vector<16xf32>,
      %get3A_635 = arith.index_cast %scan3A_599 : i32 to index
      %get3A_636 = arith.constant 96 : index
      %get3A_637 = tpu.vector_load %arg11[%get3A_635, %get3A_636] {strides = array<i32>} : memref<64x256xf32, #tpu.memory_space<vmem>>, vector<16xf32>,
      %swap3A_638 = arith.index_cast %scan3A_599 : i32 to index
      %swap3A_639 = arith.constant 96 : index
      %swap3A_640 = tpu.vector_load %arg9[%swap3A_638, %swap3A_639] {strides = array<i32>} : memref<64x256xf32, #tpu.memory_space<vmem>>, vector<16xf32>,
      tpu.vector_store %arg9[%swap3A_638, %swap3A_639], %get3A_637 {add = true, strides = array<i32>} : memref<64x256xf32, #tpu.memory_space<vmem>>, vector<16xf32>,
      %get3A_641 = arith.index_cast %scan3A_599 : i32 to index
      %get3A_642 = arith.constant 112 : index
      %get3A_643 = tpu.vector_load %arg11[%get3A_641, %get3A_642] {strides = array<i32>} : memref<64x256xf32, #tpu.memory_space<vmem>>, vector<16xf32>,
      %swap3A_644 = arith.index_cast %scan3A_599 : i32 to index
      %swap3A_645 = arith.constant 112 : index
      %swap3A_646 = tpu.vector_load %arg9[%swap3A_644, %swap3A_645] {strides = array<i32>} : memref<64x256xf32, #tpu.memory_space<vmem>>, vector<16xf32>,
      tpu.vector_store %arg9[%swap3A_644, %swap3A_645], %get3A_643 {add = true, strides = array<i32>} : memref<64x256xf32, #tpu.memory_space<vmem>>, vector<16xf32>,
      %get3A_647 = arith.index_cast %scan3A_599 : i32 to index
      %get3A_648 = arith.constant 128 : index
      %get3A_649 = tpu.vector_load %arg11[%get3A_647, %get3A_648] {strides = array<i32>} : memref<64x256xf32, #tpu.memory_space<vmem>>, vector<16xf32>,
      %swap3A_650 = arith.index_cast %scan3A_599 : i32 to index
      %swap3A_651 = arith.constant 128 : index
      %swap3A_652 = tpu.vector_load %arg9[%swap3A_650, %swap3A_651] {strides = array<i32>} : memref<64x256xf32, #tpu.memory_space<vmem>>, vector<16xf32>,
      tpu.vector_store %arg9[%swap3A_650, %swap3A_651], %get3A_649 {add = true, strides = array<i32>} : memref<64x256xf32, #tpu.memory_space<vmem>>, vector<16xf32>,
      %get3A_653 = arith.index_cast %scan3A_599 : i32 to index
      %get3A_654 = arith.constant 144 : index
      %get3A_655 = tpu.vector_load %arg11[%get3A_653, %get3A_654] {strides = array<i32>} : memref<64x256xf32, #tpu.memory_space<vmem>>, vector<16xf32>,
      %swap3A_656 = arith.index_cast %scan3A_599 : i32 to index
      %swap3A_657 = arith.constant 144 : index
      %swap3A_658 = tpu.vector_load %arg9[%swap3A_656, %swap3A_657] {strides = array<i32>} : memref<64x256xf32, #tpu.memory_space<vmem>>, vector<16xf32>,
      tpu.vector_store %arg9[%swap3A_656, %swap3A_657], %get3A_655 {add = true, strides = array<i32>} : memref<64x256xf32, #tpu.memory_space<vmem>>, vector<16xf32>,
      %get3A_659 = arith.index_cast %scan3A_599 : i32 to index
      %get3A_660 = arith.constant 160 : index
      %get3A_661 = tpu.vector_load %arg11[%get3A_659, %get3A_660] {strides = array<i32>} : memref<64x256xf32, #tpu.memory_space<vmem>>, vector<16xf32>,
      %swap3A_662 = arith.index_cast %scan3A_599 : i32 to index
      %swap3A_663 = arith.constant 160 : index
      %swap3A_664 = tpu.vector_load %arg9[%swap3A_662, %swap3A_663] {strides = array<i32>} : memref<64x256xf32, #tpu.memory_space<vmem>>, vector<16xf32>,
      tpu.vector_store %arg9[%swap3A_662, %swap3A_663], %get3A_661 {add = true, strides = array<i32>} : memref<64x256xf32, #tpu.memory_space<vmem>>, vector<16xf32>,
      %get3A_665 = arith.index_cast %scan3A_599 : i32 to index
      %get3A_666 = arith.constant 176 : index
      %get3A_667 = tpu.vector_load %arg11[%get3A_665, %get3A_666] {strides = array<i32>} : memref<64x256xf32, #tpu.memory_space<vmem>>, vector<16xf32>,
      %swap3A_668 = arith.index_cast %scan3A_599 : i32 to index
      %swap3A_669 = arith.constant 176 : index
      %swap3A_670 = tpu.vector_load %arg9[%swap3A_668, %swap3A_669] {strides = array<i32>} : memref<64x256xf32, #tpu.memory_space<vmem>>, vector<16xf32>,
      tpu.vector_store %arg9[%swap3A_668, %swap3A_669], %get3A_667 {add = true, strides = array<i32>} : memref<64x256xf32, #tpu.memory_space<vmem>>, vector<16xf32>,
      %get3A_671 = arith.index_cast %scan3A_599 : i32 to index
      %get3A_672 = arith.constant 192 : index
      %get3A_673 = tpu.vector_load %arg11[%get3A_671, %get3A_672] {strides = array<i32>} : memref<64x256xf32, #tpu.memory_space<vmem>>, vector<16xf32>,
      %swap3A_674 = arith.index_cast %scan3A_599 : i32 to index
      %swap3A_675 = arith.constant 192 : index
      %swap3A_676 = tpu.vector_load %arg9[%swap3A_674, %swap3A_675] {strides = array<i32>} : memref<64x256xf32, #tpu.memory_space<vmem>>, vector<16xf32>,
      tpu.vector_store %arg9[%swap3A_674, %swap3A_675], %get3A_673 {add = true, strides = array<i32>} : memref<64x256xf32, #tpu.memory_space<vmem>>, vector<16xf32>,
      %get3A_677 = arith.index_cast %scan3A_599 : i32 to index
      %get3A_678 = arith.constant 208 : index
      %get3A_679 = tpu.vector_load %arg11[%get3A_677, %get3A_678] {strides = array<i32>} : memref<64x256xf32, #tpu.memory_space<vmem>>, vector<16xf32>,
      %swap3A_680 = arith.index_cast %scan3A_599 : i32 to index
      %swap3A_681 = arith.constant 208 : index
      %swap3A_682 = tpu.vector_load %arg9[%swap3A_680, %swap3A_681] {strides = array<i32>} : memref<64x256xf32, #tpu.memory_space<vmem>>, vector<16xf32>,
      tpu.vector_store %arg9[%swap3A_680, %swap3A_681], %get3A_679 {add = true, strides = array<i32>} : memref<64x256xf32, #tpu.memory_space<vmem>>, vector<16xf32>,
      %get3A_683 = arith.index_cast %scan3A_599 : i32 to index
      %get3A_684 = arith.constant 224 : index
      %get3A_685 = tpu.vector_load %arg11[%get3A_683, %get3A_684] {strides = array<i32>} : memref<64x256xf32, #tpu.memory_space<vmem>>, vector<16xf32>,
      %swap3A_686 = arith.index_cast %scan3A_599 : i32 to index
      %swap3A_687 = arith.constant 224 : index
      %swap3A_688 = tpu.vector_load %arg9[%swap3A_686, %swap3A_687] {strides = array<i32>} : memref<64x256xf32, #tpu.memory_space<vmem>>, vector<16xf32>,
      tpu.vector_store %arg9[%swap3A_686, %swap3A_687], %get3A_685 {add = true, strides = array<i32>} : memref<64x256xf32, #tpu.memory_space<vmem>>, vector<16xf32>,
      %get3A_689 = arith.index_cast %scan3A_599 : i32 to index
      %get3A_690 = arith.constant 240 : index
      %get3A_691 = tpu.vector_load %arg11[%get3A_689, %get3A_690] {strides = array<i32>} : memref<64x256xf32, #tpu.memory_space<vmem>>, vector<16xf32>,
      %swap3A_692 = arith.index_cast %scan3A_599 : i32 to index
      %swap3A_693 = arith.constant 240 : index
      %swap3A_694 = tpu.vector_load %arg9[%swap3A_692, %swap3A_693] {strides = array<i32>} : memref<64x256xf32, #tpu.memory_space<vmem>>, vector<16xf32>,
      tpu.vector_store %arg9[%swap3A_692, %swap3A_693], %get3A_691 {add = true, strides = array<i32>} : memref<64x256xf32, #tpu.memory_space<vmem>>, vector<16xf32>,
      %scan3A_695 = arith.constant 0 : i32
      scf.yield %scan3A_695 : i32
    }
    %scan3A_191 = arith.constant 64 : i32
    %add3A_192 = arith.constant 256 : i32
    %add3A_193 = arith.addi %mul3A_2, %add3A_192 : i32
    %dma_start3A_194 = arith.constant 0 : i32
    %dma_start3A_195 = tpu.memref_slice %arg5[%add3A_193, %dma_start3A_194] : memref<32768x256xf32, #tpu.memory_space<hbm>> -> memref<64x256xf32, #tpu.memory_space<hbm>>
    %dma_start3A_196 = arith.constant 0 : i32
    %dma_start3A_197 = tpu.memref_slice %arg5[%add3A_193, %dma_start3A_196] : memref<32768x256xf32, #tpu.memory_space<hbm>> -> memref<64x256xf32, #tpu.memory_space<hbm>>
    tpu.enqueue_dma source(%arg9 : memref<64x256xf32, #tpu.memory_space<vmem>>) target(%dma_start3A_197 : memref<64x256xf32, #tpu.memory_space<hbm>>) target_semaphore(%arg17 : memref<!tpu.dma_semaphore, #tpu.memory_space<semaphore_mem>>)
    %dma_wait3A_198 = arith.constant 320 : i32
    %dma_wait3A_199 = tpu.memref_slice %arg7[%dma_wait3A_198] : memref<1024xi32, #tpu.memory_space<vmem>> -> memref<64xi32, #tpu.memory_space<vmem>>
    %dma_wait3A_200 = arith.constant 0 : i32
    %dma_wait3A_201 = arith.constant 0 : i32
    %dma_wait3A_202 = tpu.memref_slice %arg3[%dma_wait3A_200, %dma_wait3A_201] : memref<8192x256xf32, #tpu.memory_space<hbm>> -> memref<8192x256xf32, #tpu.memory_space<hbm>>
    tpu.wait_indirect_dma semaphore(%arg14 : memref<!tpu.dma_semaphore, #tpu.memory_space<semaphore_mem>>) src(%dma_wait3A_202 : memref<8192x256xf32, #tpu.memory_space<hbm>>) dst(%arg10 : memref<64x256xf32, #tpu.memory_space<vmem>>)
    %dma_wait3A_203 = arith.constant 320 : i32
    %dma_wait3A_204 = tpu.memref_slice %arg8[%dma_wait3A_203] : memref<1024xi32, #tpu.memory_space<vmem>> -> memref<64xi32, #tpu.memory_space<vmem>>
    %dma_wait3A_205 = arith.constant 0 : i32
    %dma_wait3A_206 = arith.constant 0 : i32
    %dma_wait3A_207 = tpu.memref_slice %arg4[%dma_wait3A_205, %dma_wait3A_206] : memref<8192x256xf32, #tpu.memory_space<hbm>> -> memref<8192x256xf32, #tpu.memory_space<hbm>>
    tpu.wait_indirect_dma semaphore(%arg16 : memref<!tpu.dma_semaphore, #tpu.memory_space<semaphore_mem>>) src(%dma_wait3A_207 : memref<8192x256xf32, #tpu.memory_space<hbm>>) dst(%arg12 : memref<64x256xf32, #tpu.memory_space<vmem>>)
    %dma_wait3A_208 = arith.constant 0 : i32
    %dma_wait3A_209 = tpu.memref_slice %arg5[%add3A_193, %dma_wait3A_208] : memref<32768x256xf32, #tpu.memory_space<hbm>> -> memref<64x256xf32, #tpu.memory_space<hbm>>
    %dma_wait3A_210 = arith.constant 0 : i32
    %dma_wait3A_211 = tpu.memref_slice %arg5[%add3A_193, %dma_wait3A_210] : memref<32768x256xf32, #tpu.memory_space<hbm>> -> memref<64x256xf32, #tpu.memory_space<hbm>>
    tpu.wait_dma2 semaphore(%arg17 : memref<!tpu.dma_semaphore, #tpu.memory_space<semaphore_mem>>) src(%arg9 : memref<64x256xf32, #tpu.memory_space<vmem>>) dst(%dma_wait3A_211 : memref<64x256xf32, #tpu.memory_space<hbm>>)
    %dma_start3A_212 = arith.constant 384 : i32
    %dma_start3A_213 = tpu.memref_slice %arg7[%dma_start3A_212] : memref<1024xi32, #tpu.memory_space<vmem>> -> memref<64xi32, #tpu.memory_space<vmem>>
    %dma_start3A_214 = arith.constant 0 : i32
    %dma_start3A_215 = arith.constant 0 : i32
    %dma_start3A_216 = tpu.memref_slice %arg3[%dma_start3A_214, %dma_start3A_215] : memref<8192x256xf32, #tpu.memory_space<hbm>> -> memref<8192x256xf32, #tpu.memory_space<hbm>>
    tpu.enqueue_indirect_dma source(%dma_start3A_216 : memref<8192x256xf32, #tpu.memory_space<hbm>>) target(%arg9 : memref<64x256xf32, #tpu.memory_space<vmem>>) offsets(%dma_start3A_213 : memref<64xi32, #tpu.memory_space<vmem>>) semaphore(%arg13 : memref<!tpu.dma_semaphore, #tpu.memory_space<semaphore_mem>>)
    %dma_start3A_217 = arith.constant 384 : i32
    %dma_start3A_218 = tpu.memref_slice %arg8[%dma_start3A_217] : memref<1024xi32, #tpu.memory_space<vmem>> -> memref<64xi32, #tpu.memory_space<vmem>>
    %dma_start3A_219 = arith.constant 0 : i32
    %dma_start3A_220 = arith.constant 0 : i32
    %dma_start3A_221 = tpu.memref_slice %arg4[%dma_start3A_219, %dma_start3A_220] : memref<8192x256xf32, #tpu.memory_space<hbm>> -> memref<8192x256xf32, #tpu.memory_space<hbm>>
    tpu.enqueue_indirect_dma source(%dma_start3A_221 : memref<8192x256xf32, #tpu.memory_space<hbm>>) target(%arg11 : memref<64x256xf32, #tpu.memory_space<vmem>>) offsets(%dma_start3A_218 : memref<64xi32, #tpu.memory_space<vmem>>) semaphore(%arg15 : memref<!tpu.dma_semaphore, #tpu.memory_space<semaphore_mem>>)
    %scan3A_222 = arith.constant 0 : i32
    %scan3A_223 = arith.constant 0 : i32
    %scan3A_224 = arith.constant 64 : i32
    %scan3A_225 = arith.addi %scan3A_223, %scan3A_224 : i32
    %scan3A_226 = arith.constant 1 : i32
    %scan3A_227 = scf.for %scan3A_599 = %scan3A_223 to %scan3A_225 step %scan3A_226 iter_args(%scan3A_600 = %scan3A_222) -> (i32)  : i32 {
      %get3A = arith.index_cast %scan3A_599 : i32 to index
      %get3A_601 = arith.constant 0 : index
      %get3A_602 = tpu.vector_load %arg12[%get3A, %get3A_601] {strides = array<i32>} : memref<64x256xf32, #tpu.memory_space<vmem>>, vector<16xf32>,
      %swap3A = arith.index_cast %scan3A_599 : i32 to index
      %swap3A_603 = arith.constant 0 : index
      %swap3A_604 = tpu.vector_load %arg10[%swap3A, %swap3A_603] {strides = array<i32>} : memref<64x256xf32, #tpu.memory_space<vmem>>, vector<16xf32>,
      tpu.vector_store %arg10[%swap3A, %swap3A_603], %get3A_602 {add = true, strides = array<i32>} : memref<64x256xf32, #tpu.memory_space<vmem>>, vector<16xf32>,
      %get3A_605 = arith.index_cast %scan3A_599 : i32 to index
      %get3A_606 = arith.constant 16 : index
      %get3A_607 = tpu.vector_load %arg12[%get3A_605, %get3A_606] {strides = array<i32>} : memref<64x256xf32, #tpu.memory_space<vmem>>, vector<16xf32>,
      %swap3A_608 = arith.index_cast %scan3A_599 : i32 to index
      %swap3A_609 = arith.constant 16 : index
      %swap3A_610 = tpu.vector_load %arg10[%swap3A_608, %swap3A_609] {strides = array<i32>} : memref<64x256xf32, #tpu.memory_space<vmem>>, vector<16xf32>,
      tpu.vector_store %arg10[%swap3A_608, %swap3A_609], %get3A_607 {add = true, strides = array<i32>} : memref<64x256xf32, #tpu.memory_space<vmem>>, vector<16xf32>,
      %get3A_611 = arith.index_cast %scan3A_599 : i32 to index
      %get3A_612 = arith.constant 32 : index
      %get3A_613 = tpu.vector_load %arg12[%get3A_611, %get3A_612] {strides = array<i32>} : memref<64x256xf32, #tpu.memory_space<vmem>>, vector<16xf32>,
      %swap3A_614 = arith.index_cast %scan3A_599 : i32 to index
      %swap3A_615 = arith.constant 32 : index
      %swap3A_616 = tpu.vector_load %arg10[%swap3A_614, %swap3A_615] {strides = array<i32>} : memref<64x256xf32, #tpu.memory_space<vmem>>, vector<16xf32>,
      tpu.vector_store %arg10[%swap3A_614, %swap3A_615], %get3A_613 {add = true, strides = array<i32>} : memref<64x256xf32, #tpu.memory_space<vmem>>, vector<16xf32>,
      %get3A_617 = arith.index_cast %scan3A_599 : i32 to index
      %get3A_618 = arith.constant 48 : index
      %get3A_619 = tpu.vector_load %arg12[%get3A_617, %get3A_618] {strides = array<i32>} : memref<64x256xf32, #tpu.memory_space<vmem>>, vector<16xf32>,
      %swap3A_620 = arith.index_cast %scan3A_599 : i32 to index
      %swap3A_621 = arith.constant 48 : index
      %swap3A_622 = tpu.vector_load %arg10[%swap3A_620, %swap3A_621] {strides = array<i32>} : memref<64x256xf32, #tpu.memory_space<vmem>>, vector<16xf32>,
      tpu.vector_store %arg10[%swap3A_620, %swap3A_621], %get3A_619 {add = true, strides = array<i32>} : memref<64x256xf32, #tpu.memory_space<vmem>>, vector<16xf32>,
      %get3A_623 = arith.index_cast %scan3A_599 : i32 to index
      %get3A_624 = arith.constant 64 : index
      %get3A_625 = tpu.vector_load %arg12[%get3A_623, %get3A_624] {strides = array<i32>} : memref<64x256xf32, #tpu.memory_space<vmem>>, vector<16xf32>,
      %swap3A_626 = arith.index_cast %scan3A_599 : i32 to index
      %swap3A_627 = arith.constant 64 : index
      %swap3A_628 = tpu.vector_load %arg10[%swap3A_626, %swap3A_627] {strides = array<i32>} : memref<64x256xf32, #tpu.memory_space<vmem>>, vector<16xf32>,
      tpu.vector_store %arg10[%swap3A_626, %swap3A_627], %get3A_625 {add = true, strides = array<i32>} : memref<64x256xf32, #tpu.memory_space<vmem>>, vector<16xf32>,
      %get3A_629 = arith.index_cast %scan3A_599 : i32 to index
      %get3A_630 = arith.constant 80 : index
      %get3A_631 = tpu.vector_load %arg12[%get3A_629, %get3A_630] {strides = array<i32>} : memref<64x256xf32, #tpu.memory_space<vmem>>, vector<16xf32>,
      %swap3A_632 = arith.index_cast %scan3A_599 : i32 to index
      %swap3A_633 = arith.constant 80 : index
      %swap3A_634 = tpu.vector_load %arg10[%swap3A_632, %swap3A_633] {strides = array<i32>} : memref<64x256xf32, #tpu.memory_space<vmem>>, vector<16xf32>,
      tpu.vector_store %arg10[%swap3A_632, %swap3A_633], %get3A_631 {add = true, strides = array<i32>} : memref<64x256xf32, #tpu.memory_space<vmem>>, vector<16xf32>,
      %get3A_635 = arith.index_cast %scan3A_599 : i32 to index
      %get3A_636 = arith.constant 96 : index
      %get3A_637 = tpu.vector_load %arg12[%get3A_635, %get3A_636] {strides = array<i32>} : memref<64x256xf32, #tpu.memory_space<vmem>>, vector<16xf32>,
      %swap3A_638 = arith.index_cast %scan3A_599 : i32 to index
      %swap3A_639 = arith.constant 96 : index
      %swap3A_640 = tpu.vector_load %arg10[%swap3A_638, %swap3A_639] {strides = array<i32>} : memref<64x256xf32, #tpu.memory_space<vmem>>, vector<16xf32>,
      tpu.vector_store %arg10[%swap3A_638, %swap3A_639], %get3A_637 {add = true, strides = array<i32>} : memref<64x256xf32, #tpu.memory_space<vmem>>, vector<16xf32>,
      %get3A_641 = arith.index_cast %scan3A_599 : i32 to index
      %get3A_642 = arith.constant 112 : index
      %get3A_643 = tpu.vector_load %arg12[%get3A_641, %get3A_642] {strides = array<i32>} : memref<64x256xf32, #tpu.memory_space<vmem>>, vector<16xf32>,
      %swap3A_644 = arith.index_cast %scan3A_599 : i32 to index
      %swap3A_645 = arith.constant 112 : index
      %swap3A_646 = tpu.vector_load %arg10[%swap3A_644, %swap3A_645] {strides = array<i32>} : memref<64x256xf32, #tpu.memory_space<vmem>>, vector<16xf32>,
      tpu.vector_store %arg10[%swap3A_644, %swap3A_645], %get3A_643 {add = true, strides = array<i32>} : memref<64x256xf32, #tpu.memory_space<vmem>>, vector<16xf32>,
      %get3A_647 = arith.index_cast %scan3A_599 : i32 to index
      %get3A_648 = arith.constant 128 : index
      %get3A_649 = tpu.vector_load %arg12[%get3A_647, %get3A_648] {strides = array<i32>} : memref<64x256xf32, #tpu.memory_space<vmem>>, vector<16xf32>,
      %swap3A_650 = arith.index_cast %scan3A_599 : i32 to index
      %swap3A_651 = arith.constant 128 : index
      %swap3A_652 = tpu.vector_load %arg10[%swap3A_650, %swap3A_651] {strides = array<i32>} : memref<64x256xf32, #tpu.memory_space<vmem>>, vector<16xf32>,
      tpu.vector_store %arg10[%swap3A_650, %swap3A_651], %get3A_649 {add = true, strides = array<i32>} : memref<64x256xf32, #tpu.memory_space<vmem>>, vector<16xf32>,
      %get3A_653 = arith.index_cast %scan3A_599 : i32 to index
      %get3A_654 = arith.constant 144 : index
      %get3A_655 = tpu.vector_load %arg12[%get3A_653, %get3A_654] {strides = array<i32>} : memref<64x256xf32, #tpu.memory_space<vmem>>, vector<16xf32>,
      %swap3A_656 = arith.index_cast %scan3A_599 : i32 to index
      %swap3A_657 = arith.constant 144 : index
      %swap3A_658 = tpu.vector_load %arg10[%swap3A_656, %swap3A_657] {strides = array<i32>} : memref<64x256xf32, #tpu.memory_space<vmem>>, vector<16xf32>,
      tpu.vector_store %arg10[%swap3A_656, %swap3A_657], %get3A_655 {add = true, strides = array<i32>} : memref<64x256xf32, #tpu.memory_space<vmem>>, vector<16xf32>,
      %get3A_659 = arith.index_cast %scan3A_599 : i32 to index
      %get3A_660 = arith.constant 160 : index
      %get3A_661 = tpu.vector_load %arg12[%get3A_659, %get3A_660] {strides = array<i32>} : memref<64x256xf32, #tpu.memory_space<vmem>>, vector<16xf32>,
      %swap3A_662 = arith.index_cast %scan3A_599 : i32 to index
      %swap3A_663 = arith.constant 160 : index
      %swap3A_664 = tpu.vector_load %arg10[%swap3A_662, %swap3A_663] {strides = array<i32>} : memref<64x256xf32, #tpu.memory_space<vmem>>, vector<16xf32>,
      tpu.vector_store %arg10[%swap3A_662, %swap3A_663], %get3A_661 {add = true, strides = array<i32>} : memref<64x256xf32, #tpu.memory_space<vmem>>, vector<16xf32>,
      %get3A_665 = arith.index_cast %scan3A_599 : i32 to index
      %get3A_666 = arith.constant 176 : index
      %get3A_667 = tpu.vector_load %arg12[%get3A_665, %get3A_666] {strides = array<i32>} : memref<64x256xf32, #tpu.memory_space<vmem>>, vector<16xf32>,
      %swap3A_668 = arith.index_cast %scan3A_599 : i32 to index
      %swap3A_669 = arith.constant 176 : index
      %swap3A_670 = tpu.vector_load %arg10[%swap3A_668, %swap3A_669] {strides = array<i32>} : memref<64x256xf32, #tpu.memory_space<vmem>>, vector<16xf32>,
      tpu.vector_store %arg10[%swap3A_668, %swap3A_669], %get3A_667 {add = true, strides = array<i32>} : memref<64x256xf32, #tpu.memory_space<vmem>>, vector<16xf32>,
      %get3A_671 = arith.index_cast %scan3A_599 : i32 to index
      %get3A_672 = arith.constant 192 : index
      %get3A_673 = tpu.vector_load %arg12[%get3A_671, %get3A_672] {strides = array<i32>} : memref<64x256xf32, #tpu.memory_space<vmem>>, vector<16xf32>,
      %swap3A_674 = arith.index_cast %scan3A_599 : i32 to index
      %swap3A_675 = arith.constant 192 : index
      %swap3A_676 = tpu.vector_load %arg10[%swap3A_674, %swap3A_675] {strides = array<i32>} : memref<64x256xf32, #tpu.memory_space<vmem>>, vector<16xf32>,
      tpu.vector_store %arg10[%swap3A_674, %swap3A_675], %get3A_673 {add = true, strides = array<i32>} : memref<64x256xf32, #tpu.memory_space<vmem>>, vector<16xf32>,
      %get3A_677 = arith.index_cast %scan3A_599 : i32 to index
      %get3A_678 = arith.constant 208 : index
      %get3A_679 = tpu.vector_load %arg12[%get3A_677, %get3A_678] {strides = array<i32>} : memref<64x256xf32, #tpu.memory_space<vmem>>, vector<16xf32>,
      %swap3A_680 = arith.index_cast %scan3A_599 : i32 to index
      %swap3A_681 = arith.constant 208 : index
      %swap3A_682 = tpu.vector_load %arg10[%swap3A_680, %swap3A_681] {strides = array<i32>} : memref<64x256xf32, #tpu.memory_space<vmem>>, vector<16xf32>,
      tpu.vector_store %arg10[%swap3A_680, %swap3A_681], %get3A_679 {add = true, strides = array<i32>} : memref<64x256xf32, #tpu.memory_space<vmem>>, vector<16xf32>,
      %get3A_683 = arith.index_cast %scan3A_599 : i32 to index
      %get3A_684 = arith.constant 224 : index
      %get3A_685 = tpu.vector_load %arg12[%get3A_683, %get3A_684] {strides = array<i32>} : memref<64x256xf32, #tpu.memory_space<vmem>>, vector<16xf32>,
      %swap3A_686 = arith.index_cast %scan3A_599 : i32 to index
      %swap3A_687 = arith.constant 224 : index
      %swap3A_688 = tpu.vector_load %arg10[%swap3A_686, %swap3A_687] {strides = array<i32>} : memref<64x256xf32, #tpu.memory_space<vmem>>, vector<16xf32>,
      tpu.vector_store %arg10[%swap3A_686, %swap3A_687], %get3A_685 {add = true, strides = array<i32>} : memref<64x256xf32, #tpu.memory_space<vmem>>, vector<16xf32>,
      %get3A_689 = arith.index_cast %scan3A_599 : i32 to index
      %get3A_690 = arith.constant 240 : index
      %get3A_691 = tpu.vector_load %arg12[%get3A_689, %get3A_690] {strides = array<i32>} : memref<64x256xf32, #tpu.memory_space<vmem>>, vector<16xf32>,
      %swap3A_692 = arith.index_cast %scan3A_599 : i32 to index
      %swap3A_693 = arith.constant 240 : index
      %swap3A_694 = tpu.vector_load %arg10[%swap3A_692, %swap3A_693] {strides = array<i32>} : memref<64x256xf32, #tpu.memory_space<vmem>>, vector<16xf32>,
      tpu.vector_store %arg10[%swap3A_692, %swap3A_693], %get3A_691 {add = true, strides = array<i32>} : memref<64x256xf32, #tpu.memory_space<vmem>>, vector<16xf32>,
      %scan3A_695 = arith.constant 0 : i32
      scf.yield %scan3A_695 : i32
    }
    %scan3A_228 = arith.constant 64 : i32
    %add3A_229 = arith.constant 320 : i32
    %add3A_230 = arith.addi %mul3A_2, %add3A_229 : i32
    %dma_start3A_231 = arith.constant 0 : i32
    %dma_start3A_232 = tpu.memref_slice %arg5[%add3A_230, %dma_start3A_231] : memref<32768x256xf32, #tpu.memory_space<hbm>> -> memref<64x256xf32, #tpu.memory_space<hbm>>
    %dma_start3A_233 = arith.constant 0 : i32
    %dma_start3A_234 = tpu.memref_slice %arg5[%add3A_230, %dma_start3A_233] : memref<32768x256xf32, #tpu.memory_space<hbm>> -> memref<64x256xf32, #tpu.memory_space<hbm>>
    tpu.enqueue_dma source(%arg10 : memref<64x256xf32, #tpu.memory_space<vmem>>) target(%dma_start3A_234 : memref<64x256xf32, #tpu.memory_space<hbm>>) target_semaphore(%arg18 : memref<!tpu.dma_semaphore, #tpu.memory_space<semaphore_mem>>)
    %dma_wait3A_235 = arith.constant 384 : i32
    %dma_wait3A_236 = tpu.memref_slice %arg7[%dma_wait3A_235] : memref<1024xi32, #tpu.memory_space<vmem>> -> memref<64xi32, #tpu.memory_space<vmem>>
    %dma_wait3A_237 = arith.constant 0 : i32
    %dma_wait3A_238 = arith.constant 0 : i32
    %dma_wait3A_239 = tpu.memref_slice %arg3[%dma_wait3A_237, %dma_wait3A_238] : memref<8192x256xf32, #tpu.memory_space<hbm>> -> memref<8192x256xf32, #tpu.memory_space<hbm>>
    tpu.wait_indirect_dma semaphore(%arg13 : memref<!tpu.dma_semaphore, #tpu.memory_space<semaphore_mem>>) src(%dma_wait3A_239 : memref<8192x256xf32, #tpu.memory_space<hbm>>) dst(%arg9 : memref<64x256xf32, #tpu.memory_space<vmem>>)
    %dma_wait3A_240 = arith.constant 384 : i32
    %dma_wait3A_241 = tpu.memref_slice %arg8[%dma_wait3A_240] : memref<1024xi32, #tpu.memory_space<vmem>> -> memref<64xi32, #tpu.memory_space<vmem>>
    %dma_wait3A_242 = arith.constant 0 : i32
    %dma_wait3A_243 = arith.constant 0 : i32
    %dma_wait3A_244 = tpu.memref_slice %arg4[%dma_wait3A_242, %dma_wait3A_243] : memref<8192x256xf32, #tpu.memory_space<hbm>> -> memref<8192x256xf32, #tpu.memory_space<hbm>>
    tpu.wait_indirect_dma semaphore(%arg15 : memref<!tpu.dma_semaphore, #tpu.memory_space<semaphore_mem>>) src(%dma_wait3A_244 : memref<8192x256xf32, #tpu.memory_space<hbm>>) dst(%arg11 : memref<64x256xf32, #tpu.memory_space<vmem>>)
    %dma_wait3A_245 = arith.constant 0 : i32
    %dma_wait3A_246 = tpu.memref_slice %arg5[%add3A_230, %dma_wait3A_245] : memref<32768x256xf32, #tpu.memory_space<hbm>> -> memref<64x256xf32, #tpu.memory_space<hbm>>
    %dma_wait3A_247 = arith.constant 0 : i32
    %dma_wait3A_248 = tpu.memref_slice %arg5[%add3A_230, %dma_wait3A_247] : memref<32768x256xf32, #tpu.memory_space<hbm>> -> memref<64x256xf32, #tpu.memory_space<hbm>>
    tpu.wait_dma2 semaphore(%arg18 : memref<!tpu.dma_semaphore, #tpu.memory_space<semaphore_mem>>) src(%arg10 : memref<64x256xf32, #tpu.memory_space<vmem>>) dst(%dma_wait3A_248 : memref<64x256xf32, #tpu.memory_space<hbm>>)
    %dma_start3A_249 = arith.constant 448 : i32
    %dma_start3A_250 = tpu.memref_slice %arg7[%dma_start3A_249] : memref<1024xi32, #tpu.memory_space<vmem>> -> memref<64xi32, #tpu.memory_space<vmem>>
    %dma_start3A_251 = arith.constant 0 : i32
    %dma_start3A_252 = arith.constant 0 : i32
    %dma_start3A_253 = tpu.memref_slice %arg3[%dma_start3A_251, %dma_start3A_252] : memref<8192x256xf32, #tpu.memory_space<hbm>> -> memref<8192x256xf32, #tpu.memory_space<hbm>>
    tpu.enqueue_indirect_dma source(%dma_start3A_253 : memref<8192x256xf32, #tpu.memory_space<hbm>>) target(%arg10 : memref<64x256xf32, #tpu.memory_space<vmem>>) offsets(%dma_start3A_250 : memref<64xi32, #tpu.memory_space<vmem>>) semaphore(%arg14 : memref<!tpu.dma_semaphore, #tpu.memory_space<semaphore_mem>>)
    %dma_start3A_254 = arith.constant 448 : i32
    %dma_start3A_255 = tpu.memref_slice %arg8[%dma_start3A_254] : memref<1024xi32, #tpu.memory_space<vmem>> -> memref<64xi32, #tpu.memory_space<vmem>>
    %dma_start3A_256 = arith.constant 0 : i32
    %dma_start3A_257 = arith.constant 0 : i32
    %dma_start3A_258 = tpu.memref_slice %arg4[%dma_start3A_256, %dma_start3A_257] : memref<8192x256xf32, #tpu.memory_space<hbm>> -> memref<8192x256xf32, #tpu.memory_space<hbm>>
    tpu.enqueue_indirect_dma source(%dma_start3A_258 : memref<8192x256xf32, #tpu.memory_space<hbm>>) target(%arg12 : memref<64x256xf32, #tpu.memory_space<vmem>>) offsets(%dma_start3A_255 : memref<64xi32, #tpu.memory_space<vmem>>) semaphore(%arg16 : memref<!tpu.dma_semaphore, #tpu.memory_space<semaphore_mem>>)
    %scan3A_259 = arith.constant 0 : i32
    %scan3A_260 = arith.constant 0 : i32
    %scan3A_261 = arith.constant 64 : i32
    %scan3A_262 = arith.addi %scan3A_260, %scan3A_261 : i32
    %scan3A_263 = arith.constant 1 : i32
    %scan3A_264 = scf.for %scan3A_599 = %scan3A_260 to %scan3A_262 step %scan3A_263 iter_args(%scan3A_600 = %scan3A_259) -> (i32)  : i32 {
      %get3A = arith.index_cast %scan3A_599 : i32 to index
      %get3A_601 = arith.constant 0 : index
      %get3A_602 = tpu.vector_load %arg11[%get3A, %get3A_601] {strides = array<i32>} : memref<64x256xf32, #tpu.memory_space<vmem>>, vector<16xf32>,
      %swap3A = arith.index_cast %scan3A_599 : i32 to index
      %swap3A_603 = arith.constant 0 : index
      %swap3A_604 = tpu.vector_load %arg9[%swap3A, %swap3A_603] {strides = array<i32>} : memref<64x256xf32, #tpu.memory_space<vmem>>, vector<16xf32>,
      tpu.vector_store %arg9[%swap3A, %swap3A_603], %get3A_602 {add = true, strides = array<i32>} : memref<64x256xf32, #tpu.memory_space<vmem>>, vector<16xf32>,
      %get3A_605 = arith.index_cast %scan3A_599 : i32 to index
      %get3A_606 = arith.constant 16 : index
      %get3A_607 = tpu.vector_load %arg11[%get3A_605, %get3A_606] {strides = array<i32>} : memref<64x256xf32, #tpu.memory_space<vmem>>, vector<16xf32>,
      %swap3A_608 = arith.index_cast %scan3A_599 : i32 to index
      %swap3A_609 = arith.constant 16 : index
      %swap3A_610 = tpu.vector_load %arg9[%swap3A_608, %swap3A_609] {strides = array<i32>} : memref<64x256xf32, #tpu.memory_space<vmem>>, vector<16xf32>,
      tpu.vector_store %arg9[%swap3A_608, %swap3A_609], %get3A_607 {add = true, strides = array<i32>} : memref<64x256xf32, #tpu.memory_space<vmem>>, vector<16xf32>,
      %get3A_611 = arith.index_cast %scan3A_599 : i32 to index
      %get3A_612 = arith.constant 32 : index
      %get3A_613 = tpu.vector_load %arg11[%get3A_611, %get3A_612] {strides = array<i32>} : memref<64x256xf32, #tpu.memory_space<vmem>>, vector<16xf32>,
      %swap3A_614 = arith.index_cast %scan3A_599 : i32 to index
      %swap3A_615 = arith.constant 32 : index
      %swap3A_616 = tpu.vector_load %arg9[%swap3A_614, %swap3A_615] {strides = array<i32>} : memref<64x256xf32, #tpu.memory_space<vmem>>, vector<16xf32>,
      tpu.vector_store %arg9[%swap3A_614, %swap3A_615], %get3A_613 {add = true, strides = array<i32>} : memref<64x256xf32, #tpu.memory_space<vmem>>, vector<16xf32>,
      %get3A_617 = arith.index_cast %scan3A_599 : i32 to index
      %get3A_618 = arith.constant 48 : index
      %get3A_619 = tpu.vector_load %arg11[%get3A_617, %get3A_618] {strides = array<i32>} : memref<64x256xf32, #tpu.memory_space<vmem>>, vector<16xf32>,
      %swap3A_620 = arith.index_cast %scan3A_599 : i32 to index
      %swap3A_621 = arith.constant 48 : index
      %swap3A_622 = tpu.vector_load %arg9[%swap3A_620, %swap3A_621] {strides = array<i32>} : memref<64x256xf32, #tpu.memory_space<vmem>>, vector<16xf32>,
      tpu.vector_store %arg9[%swap3A_620, %swap3A_621], %get3A_619 {add = true, strides = array<i32>} : memref<64x256xf32, #tpu.memory_space<vmem>>, vector<16xf32>,
      %get3A_623 = arith.index_cast %scan3A_599 : i32 to index
      %get3A_624 = arith.constant 64 : index
      %get3A_625 = tpu.vector_load %arg11[%get3A_623, %get3A_624] {strides = array<i32>} : memref<64x256xf32, #tpu.memory_space<vmem>>, vector<16xf32>,
      %swap3A_626 = arith.index_cast %scan3A_599 : i32 to index
      %swap3A_627 = arith.constant 64 : index
      %swap3A_628 = tpu.vector_load %arg9[%swap3A_626, %swap3A_627] {strides = array<i32>} : memref<64x256xf32, #tpu.memory_space<vmem>>, vector<16xf32>,
      tpu.vector_store %arg9[%swap3A_626, %swap3A_627], %get3A_625 {add = true, strides = array<i32>} : memref<64x256xf32, #tpu.memory_space<vmem>>, vector<16xf32>,
      %get3A_629 = arith.index_cast %scan3A_599 : i32 to index
      %get3A_630 = arith.constant 80 : index
      %get3A_631 = tpu.vector_load %arg11[%get3A_629, %get3A_630] {strides = array<i32>} : memref<64x256xf32, #tpu.memory_space<vmem>>, vector<16xf32>,
      %swap3A_632 = arith.index_cast %scan3A_599 : i32 to index
      %swap3A_633 = arith.constant 80 : index
      %swap3A_634 = tpu.vector_load %arg9[%swap3A_632, %swap3A_633] {strides = array<i32>} : memref<64x256xf32, #tpu.memory_space<vmem>>, vector<16xf32>,
      tpu.vector_store %arg9[%swap3A_632, %swap3A_633], %get3A_631 {add = true, strides = array<i32>} : memref<64x256xf32, #tpu.memory_space<vmem>>, vector<16xf32>,
      %get3A_635 = arith.index_cast %scan3A_599 : i32 to index
      %get3A_636 = arith.constant 96 : index
      %get3A_637 = tpu.vector_load %arg11[%get3A_635, %get3A_636] {strides = array<i32>} : memref<64x256xf32, #tpu.memory_space<vmem>>, vector<16xf32>,
      %swap3A_638 = arith.index_cast %scan3A_599 : i32 to index
      %swap3A_639 = arith.constant 96 : index
      %swap3A_640 = tpu.vector_load %arg9[%swap3A_638, %swap3A_639] {strides = array<i32>} : memref<64x256xf32, #tpu.memory_space<vmem>>, vector<16xf32>,
      tpu.vector_store %arg9[%swap3A_638, %swap3A_639], %get3A_637 {add = true, strides = array<i32>} : memref<64x256xf32, #tpu.memory_space<vmem>>, vector<16xf32>,
      %get3A_641 = arith.index_cast %scan3A_599 : i32 to index
      %get3A_642 = arith.constant 112 : index
      %get3A_643 = tpu.vector_load %arg11[%get3A_641, %get3A_642] {strides = array<i32>} : memref<64x256xf32, #tpu.memory_space<vmem>>, vector<16xf32>,
      %swap3A_644 = arith.index_cast %scan3A_599 : i32 to index
      %swap3A_645 = arith.constant 112 : index
      %swap3A_646 = tpu.vector_load %arg9[%swap3A_644, %swap3A_645] {strides = array<i32>} : memref<64x256xf32, #tpu.memory_space<vmem>>, vector<16xf32>,
      tpu.vector_store %arg9[%swap3A_644, %swap3A_645], %get3A_643 {add = true, strides = array<i32>} : memref<64x256xf32, #tpu.memory_space<vmem>>, vector<16xf32>,
      %get3A_647 = arith.index_cast %scan3A_599 : i32 to index
      %get3A_648 = arith.constant 128 : index
      %get3A_649 = tpu.vector_load %arg11[%get3A_647, %get3A_648] {strides = array<i32>} : memref<64x256xf32, #tpu.memory_space<vmem>>, vector<16xf32>,
      %swap3A_650 = arith.index_cast %scan3A_599 : i32 to index
      %swap3A_651 = arith.constant 128 : index
      %swap3A_652 = tpu.vector_load %arg9[%swap3A_650, %swap3A_651] {strides = array<i32>} : memref<64x256xf32, #tpu.memory_space<vmem>>, vector<16xf32>,
      tpu.vector_store %arg9[%swap3A_650, %swap3A_651], %get3A_649 {add = true, strides = array<i32>} : memref<64x256xf32, #tpu.memory_space<vmem>>, vector<16xf32>,
      %get3A_653 = arith.index_cast %scan3A_599 : i32 to index
      %get3A_654 = arith.constant 144 : index
      %get3A_655 = tpu.vector_load %arg11[%get3A_653, %get3A_654] {strides = array<i32>} : memref<64x256xf32, #tpu.memory_space<vmem>>, vector<16xf32>,
      %swap3A_656 = arith.index_cast %scan3A_599 : i32 to index
      %swap3A_657 = arith.constant 144 : index
      %swap3A_658 = tpu.vector_load %arg9[%swap3A_656, %swap3A_657] {strides = array<i32>} : memref<64x256xf32, #tpu.memory_space<vmem>>, vector<16xf32>,
      tpu.vector_store %arg9[%swap3A_656, %swap3A_657], %get3A_655 {add = true, strides = array<i32>} : memref<64x256xf32, #tpu.memory_space<vmem>>, vector<16xf32>,
      %get3A_659 = arith.index_cast %scan3A_599 : i32 to index
      %get3A_660 = arith.constant 160 : index
      %get3A_661 = tpu.vector_load %arg11[%get3A_659, %get3A_660] {strides = array<i32>} : memref<64x256xf32, #tpu.memory_space<vmem>>, vector<16xf32>,
      %swap3A_662 = arith.index_cast %scan3A_599 : i32 to index
      %swap3A_663 = arith.constant 160 : index
      %swap3A_664 = tpu.vector_load %arg9[%swap3A_662, %swap3A_663] {strides = array<i32>} : memref<64x256xf32, #tpu.memory_space<vmem>>, vector<16xf32>,
      tpu.vector_store %arg9[%swap3A_662, %swap3A_663], %get3A_661 {add = true, strides = array<i32>} : memref<64x256xf32, #tpu.memory_space<vmem>>, vector<16xf32>,
      %get3A_665 = arith.index_cast %scan3A_599 : i32 to index
      %get3A_666 = arith.constant 176 : index
      %get3A_667 = tpu.vector_load %arg11[%get3A_665, %get3A_666] {strides = array<i32>} : memref<64x256xf32, #tpu.memory_space<vmem>>, vector<16xf32>,
      %swap3A_668 = arith.index_cast %scan3A_599 : i32 to index
      %swap3A_669 = arith.constant 176 : index
      %swap3A_670 = tpu.vector_load %arg9[%swap3A_668, %swap3A_669] {strides = array<i32>} : memref<64x256xf32, #tpu.memory_space<vmem>>, vector<16xf32>,
      tpu.vector_store %arg9[%swap3A_668, %swap3A_669], %get3A_667 {add = true, strides = array<i32>} : memref<64x256xf32, #tpu.memory_space<vmem>>, vector<16xf32>,
      %get3A_671 = arith.index_cast %scan3A_599 : i32 to index
      %get3A_672 = arith.constant 192 : index
      %get3A_673 = tpu.vector_load %arg11[%get3A_671, %get3A_672] {strides = array<i32>} : memref<64x256xf32, #tpu.memory_space<vmem>>, vector<16xf32>,
      %swap3A_674 = arith.index_cast %scan3A_599 : i32 to index
      %swap3A_675 = arith.constant 192 : index
      %swap3A_676 = tpu.vector_load %arg9[%swap3A_674, %swap3A_675] {strides = array<i32>} : memref<64x256xf32, #tpu.memory_space<vmem>>, vector<16xf32>,
      tpu.vector_store %arg9[%swap3A_674, %swap3A_675], %get3A_673 {add = true, strides = array<i32>} : memref<64x256xf32, #tpu.memory_space<vmem>>, vector<16xf32>,
      %get3A_677 = arith.index_cast %scan3A_599 : i32 to index
      %get3A_678 = arith.constant 208 : index
      %get3A_679 = tpu.vector_load %arg11[%get3A_677, %get3A_678] {strides = array<i32>} : memref<64x256xf32, #tpu.memory_space<vmem>>, vector<16xf32>,
      %swap3A_680 = arith.index_cast %scan3A_599 : i32 to index
      %swap3A_681 = arith.constant 208 : index
      %swap3A_682 = tpu.vector_load %arg9[%swap3A_680, %swap3A_681] {strides = array<i32>} : memref<64x256xf32, #tpu.memory_space<vmem>>, vector<16xf32>,
      tpu.vector_store %arg9[%swap3A_680, %swap3A_681], %get3A_679 {add = true, strides = array<i32>} : memref<64x256xf32, #tpu.memory_space<vmem>>, vector<16xf32>,
      %get3A_683 = arith.index_cast %scan3A_599 : i32 to index
      %get3A_684 = arith.constant 224 : index
      %get3A_685 = tpu.vector_load %arg11[%get3A_683, %get3A_684] {strides = array<i32>} : memref<64x256xf32, #tpu.memory_space<vmem>>, vector<16xf32>,
      %swap3A_686 = arith.index_cast %scan3A_599 : i32 to index
      %swap3A_687 = arith.constant 224 : index
      %swap3A_688 = tpu.vector_load %arg9[%swap3A_686, %swap3A_687] {strides = array<i32>} : memref<64x256xf32, #tpu.memory_space<vmem>>, vector<16xf32>,
      tpu.vector_store %arg9[%swap3A_686, %swap3A_687], %get3A_685 {add = true, strides = array<i32>} : memref<64x256xf32, #tpu.memory_space<vmem>>, vector<16xf32>,
      %get3A_689 = arith.index_cast %scan3A_599 : i32 to index
      %get3A_690 = arith.constant 240 : index
      %get3A_691 = tpu.vector_load %arg11[%get3A_689, %get3A_690] {strides = array<i32>} : memref<64x256xf32, #tpu.memory_space<vmem>>, vector<16xf32>,
      %swap3A_692 = arith.index_cast %scan3A_599 : i32 to index
      %swap3A_693 = arith.constant 240 : index
      %swap3A_694 = tpu.vector_load %arg9[%swap3A_692, %swap3A_693] {strides = array<i32>} : memref<64x256xf32, #tpu.memory_space<vmem>>, vector<16xf32>,
      tpu.vector_store %arg9[%swap3A_692, %swap3A_693], %get3A_691 {add = true, strides = array<i32>} : memref<64x256xf32, #tpu.memory_space<vmem>>, vector<16xf32>,
      %scan3A_695 = arith.constant 0 : i32
      scf.yield %scan3A_695 : i32
    }
    %scan3A_265 = arith.constant 64 : i32
    %add3A_266 = arith.constant 384 : i32
    %add3A_267 = arith.addi %mul3A_2, %add3A_266 : i32
    %dma_start3A_268 = arith.constant 0 : i32
    %dma_start3A_269 = tpu.memref_slice %arg5[%add3A_267, %dma_start3A_268] : memref<32768x256xf32, #tpu.memory_space<hbm>> -> memref<64x256xf32, #tpu.memory_space<hbm>>
    %dma_start3A_270 = arith.constant 0 : i32
    %dma_start3A_271 = tpu.memref_slice %arg5[%add3A_267, %dma_start3A_270] : memref<32768x256xf32, #tpu.memory_space<hbm>> -> memref<64x256xf32, #tpu.memory_space<hbm>>
    tpu.enqueue_dma source(%arg9 : memref<64x256xf32, #tpu.memory_space<vmem>>) target(%dma_start3A_271 : memref<64x256xf32, #tpu.memory_space<hbm>>) target_semaphore(%arg17 : memref<!tpu.dma_semaphore, #tpu.memory_space<semaphore_mem>>)
    %dma_wait3A_272 = arith.constant 448 : i32
    %dma_wait3A_273 = tpu.memref_slice %arg7[%dma_wait3A_272] : memref<1024xi32, #tpu.memory_space<vmem>> -> memref<64xi32, #tpu.memory_space<vmem>>
    %dma_wait3A_274 = arith.constant 0 : i32
    %dma_wait3A_275 = arith.constant 0 : i32
    %dma_wait3A_276 = tpu.memref_slice %arg3[%dma_wait3A_274, %dma_wait3A_275] : memref<8192x256xf32, #tpu.memory_space<hbm>> -> memref<8192x256xf32, #tpu.memory_space<hbm>>
    tpu.wait_indirect_dma semaphore(%arg14 : memref<!tpu.dma_semaphore, #tpu.memory_space<semaphore_mem>>) src(%dma_wait3A_276 : memref<8192x256xf32, #tpu.memory_space<hbm>>) dst(%arg10 : memref<64x256xf32, #tpu.memory_space<vmem>>)
    %dma_wait3A_277 = arith.constant 448 : i32
    %dma_wait3A_278 = tpu.memref_slice %arg8[%dma_wait3A_277] : memref<1024xi32, #tpu.memory_space<vmem>> -> memref<64xi32, #tpu.memory_space<vmem>>
    %dma_wait3A_279 = arith.constant 0 : i32
    %dma_wait3A_280 = arith.constant 0 : i32
    %dma_wait3A_281 = tpu.memref_slice %arg4[%dma_wait3A_279, %dma_wait3A_280] : memref<8192x256xf32, #tpu.memory_space<hbm>> -> memref<8192x256xf32, #tpu.memory_space<hbm>>
    tpu.wait_indirect_dma semaphore(%arg16 : memref<!tpu.dma_semaphore, #tpu.memory_space<semaphore_mem>>) src(%dma_wait3A_281 : memref<8192x256xf32, #tpu.memory_space<hbm>>) dst(%arg12 : memref<64x256xf32, #tpu.memory_space<vmem>>)
    %dma_wait3A_282 = arith.constant 0 : i32
    %dma_wait3A_283 = tpu.memref_slice %arg5[%add3A_267, %dma_wait3A_282] : memref<32768x256xf32, #tpu.memory_space<hbm>> -> memref<64x256xf32, #tpu.memory_space<hbm>>
    %dma_wait3A_284 = arith.constant 0 : i32
    %dma_wait3A_285 = tpu.memref_slice %arg5[%add3A_267, %dma_wait3A_284] : memref<32768x256xf32, #tpu.memory_space<hbm>> -> memref<64x256xf32, #tpu.memory_space<hbm>>
    tpu.wait_dma2 semaphore(%arg17 : memref<!tpu.dma_semaphore, #tpu.memory_space<semaphore_mem>>) src(%arg9 : memref<64x256xf32, #tpu.memory_space<vmem>>) dst(%dma_wait3A_285 : memref<64x256xf32, #tpu.memory_space<hbm>>)
    %dma_start3A_286 = arith.constant 512 : i32
    %dma_start3A_287 = tpu.memref_slice %arg7[%dma_start3A_286] : memref<1024xi32, #tpu.memory_space<vmem>> -> memref<64xi32, #tpu.memory_space<vmem>>
    %dma_start3A_288 = arith.constant 0 : i32
    %dma_start3A_289 = arith.constant 0 : i32
    %dma_start3A_290 = tpu.memref_slice %arg3[%dma_start3A_288, %dma_start3A_289] : memref<8192x256xf32, #tpu.memory_space<hbm>> -> memref<8192x256xf32, #tpu.memory_space<hbm>>
    tpu.enqueue_indirect_dma source(%dma_start3A_290 : memref<8192x256xf32, #tpu.memory_space<hbm>>) target(%arg9 : memref<64x256xf32, #tpu.memory_space<vmem>>) offsets(%dma_start3A_287 : memref<64xi32, #tpu.memory_space<vmem>>) semaphore(%arg13 : memref<!tpu.dma_semaphore, #tpu.memory_space<semaphore_mem>>)
    %dma_start3A_291 = arith.constant 512 : i32
    %dma_start3A_292 = tpu.memref_slice %arg8[%dma_start3A_291] : memref<1024xi32, #tpu.memory_space<vmem>> -> memref<64xi32, #tpu.memory_space<vmem>>
    %dma_start3A_293 = arith.constant 0 : i32
    %dma_start3A_294 = arith.constant 0 : i32
    %dma_start3A_295 = tpu.memref_slice %arg4[%dma_start3A_293, %dma_start3A_294] : memref<8192x256xf32, #tpu.memory_space<hbm>> -> memref<8192x256xf32, #tpu.memory_space<hbm>>
    tpu.enqueue_indirect_dma source(%dma_start3A_295 : memref<8192x256xf32, #tpu.memory_space<hbm>>) target(%arg11 : memref<64x256xf32, #tpu.memory_space<vmem>>) offsets(%dma_start3A_292 : memref<64xi32, #tpu.memory_space<vmem>>) semaphore(%arg15 : memref<!tpu.dma_semaphore, #tpu.memory_space<semaphore_mem>>)
    %scan3A_296 = arith.constant 0 : i32
    %scan3A_297 = arith.constant 0 : i32
    %scan3A_298 = arith.constant 64 : i32
    %scan3A_299 = arith.addi %scan3A_297, %scan3A_298 : i32
    %scan3A_300 = arith.constant 1 : i32
    %scan3A_301 = scf.for %scan3A_599 = %scan3A_297 to %scan3A_299 step %scan3A_300 iter_args(%scan3A_600 = %scan3A_296) -> (i32)  : i32 {
      %get3A = arith.index_cast %scan3A_599 : i32 to index
      %get3A_601 = arith.constant 0 : index
      %get3A_602 = tpu.vector_load %arg12[%get3A, %get3A_601] {strides = array<i32>} : memref<64x256xf32, #tpu.memory_space<vmem>>, vector<16xf32>,
      %swap3A = arith.index_cast %scan3A_599 : i32 to index
      %swap3A_603 = arith.constant 0 : index
      %swap3A_604 = tpu.vector_load %arg10[%swap3A, %swap3A_603] {strides = array<i32>} : memref<64x256xf32, #tpu.memory_space<vmem>>, vector<16xf32>,
      tpu.vector_store %arg10[%swap3A, %swap3A_603], %get3A_602 {add = true, strides = array<i32>} : memref<64x256xf32, #tpu.memory_space<vmem>>, vector<16xf32>,
      %get3A_605 = arith.index_cast %scan3A_599 : i32 to index
      %get3A_606 = arith.constant 16 : index
      %get3A_607 = tpu.vector_load %arg12[%get3A_605, %get3A_606] {strides = array<i32>} : memref<64x256xf32, #tpu.memory_space<vmem>>, vector<16xf32>,
      %swap3A_608 = arith.index_cast %scan3A_599 : i32 to index
      %swap3A_609 = arith.constant 16 : index
      %swap3A_610 = tpu.vector_load %arg10[%swap3A_608, %swap3A_609] {strides = array<i32>} : memref<64x256xf32, #tpu.memory_space<vmem>>, vector<16xf32>,
      tpu.vector_store %arg10[%swap3A_608, %swap3A_609], %get3A_607 {add = true, strides = array<i32>} : memref<64x256xf32, #tpu.memory_space<vmem>>, vector<16xf32>,
      %get3A_611 = arith.index_cast %scan3A_599 : i32 to index
      %get3A_612 = arith.constant 32 : index
      %get3A_613 = tpu.vector_load %arg12[%get3A_611, %get3A_612] {strides = array<i32>} : memref<64x256xf32, #tpu.memory_space<vmem>>, vector<16xf32>,
      %swap3A_614 = arith.index_cast %scan3A_599 : i32 to index
      %swap3A_615 = arith.constant 32 : index
      %swap3A_616 = tpu.vector_load %arg10[%swap3A_614, %swap3A_615] {strides = array<i32>} : memref<64x256xf32, #tpu.memory_space<vmem>>, vector<16xf32>,
      tpu.vector_store %arg10[%swap3A_614, %swap3A_615], %get3A_613 {add = true, strides = array<i32>} : memref<64x256xf32, #tpu.memory_space<vmem>>, vector<16xf32>,
      %get3A_617 = arith.index_cast %scan3A_599 : i32 to index
      %get3A_618 = arith.constant 48 : index
      %get3A_619 = tpu.vector_load %arg12[%get3A_617, %get3A_618] {strides = array<i32>} : memref<64x256xf32, #tpu.memory_space<vmem>>, vector<16xf32>,
      %swap3A_620 = arith.index_cast %scan3A_599 : i32 to index
      %swap3A_621 = arith.constant 48 : index
      %swap3A_622 = tpu.vector_load %arg10[%swap3A_620, %swap3A_621] {strides = array<i32>} : memref<64x256xf32, #tpu.memory_space<vmem>>, vector<16xf32>,
      tpu.vector_store %arg10[%swap3A_620, %swap3A_621], %get3A_619 {add = true, strides = array<i32>} : memref<64x256xf32, #tpu.memory_space<vmem>>, vector<16xf32>,
      %get3A_623 = arith.index_cast %scan3A_599 : i32 to index
      %get3A_624 = arith.constant 64 : index
      %get3A_625 = tpu.vector_load %arg12[%get3A_623, %get3A_624] {strides = array<i32>} : memref<64x256xf32, #tpu.memory_space<vmem>>, vector<16xf32>,
      %swap3A_626 = arith.index_cast %scan3A_599 : i32 to index
      %swap3A_627 = arith.constant 64 : index
      %swap3A_628 = tpu.vector_load %arg10[%swap3A_626, %swap3A_627] {strides = array<i32>} : memref<64x256xf32, #tpu.memory_space<vmem>>, vector<16xf32>,
      tpu.vector_store %arg10[%swap3A_626, %swap3A_627], %get3A_625 {add = true, strides = array<i32>} : memref<64x256xf32, #tpu.memory_space<vmem>>, vector<16xf32>,
      %get3A_629 = arith.index_cast %scan3A_599 : i32 to index
      %get3A_630 = arith.constant 80 : index
      %get3A_631 = tpu.vector_load %arg12[%get3A_629, %get3A_630] {strides = array<i32>} : memref<64x256xf32, #tpu.memory_space<vmem>>, vector<16xf32>,
      %swap3A_632 = arith.index_cast %scan3A_599 : i32 to index
      %swap3A_633 = arith.constant 80 : index
      %swap3A_634 = tpu.vector_load %arg10[%swap3A_632, %swap3A_633] {strides = array<i32>} : memref<64x256xf32, #tpu.memory_space<vmem>>, vector<16xf32>,
      tpu.vector_store %arg10[%swap3A_632, %swap3A_633], %get3A_631 {add = true, strides = array<i32>} : memref<64x256xf32, #tpu.memory_space<vmem>>, vector<16xf32>,
      %get3A_635 = arith.index_cast %scan3A_599 : i32 to index
      %get3A_636 = arith.constant 96 : index
      %get3A_637 = tpu.vector_load %arg12[%get3A_635, %get3A_636] {strides = array<i32>} : memref<64x256xf32, #tpu.memory_space<vmem>>, vector<16xf32>,
      %swap3A_638 = arith.index_cast %scan3A_599 : i32 to index
      %swap3A_639 = arith.constant 96 : index
      %swap3A_640 = tpu.vector_load %arg10[%swap3A_638, %swap3A_639] {strides = array<i32>} : memref<64x256xf32, #tpu.memory_space<vmem>>, vector<16xf32>,
      tpu.vector_store %arg10[%swap3A_638, %swap3A_639], %get3A_637 {add = true, strides = array<i32>} : memref<64x256xf32, #tpu.memory_space<vmem>>, vector<16xf32>,
      %get3A_641 = arith.index_cast %scan3A_599 : i32 to index
      %get3A_642 = arith.constant 112 : index
      %get3A_643 = tpu.vector_load %arg12[%get3A_641, %get3A_642] {strides = array<i32>} : memref<64x256xf32, #tpu.memory_space<vmem>>, vector<16xf32>,
      %swap3A_644 = arith.index_cast %scan3A_599 : i32 to index
      %swap3A_645 = arith.constant 112 : index
      %swap3A_646 = tpu.vector_load %arg10[%swap3A_644, %swap3A_645] {strides = array<i32>} : memref<64x256xf32, #tpu.memory_space<vmem>>, vector<16xf32>,
      tpu.vector_store %arg10[%swap3A_644, %swap3A_645], %get3A_643 {add = true, strides = array<i32>} : memref<64x256xf32, #tpu.memory_space<vmem>>, vector<16xf32>,
      %get3A_647 = arith.index_cast %scan3A_599 : i32 to index
      %get3A_648 = arith.constant 128 : index
      %get3A_649 = tpu.vector_load %arg12[%get3A_647, %get3A_648] {strides = array<i32>} : memref<64x256xf32, #tpu.memory_space<vmem>>, vector<16xf32>,
      %swap3A_650 = arith.index_cast %scan3A_599 : i32 to index
      %swap3A_651 = arith.constant 128 : index
      %swap3A_652 = tpu.vector_load %arg10[%swap3A_650, %swap3A_651] {strides = array<i32>} : memref<64x256xf32, #tpu.memory_space<vmem>>, vector<16xf32>,
      tpu.vector_store %arg10[%swap3A_650, %swap3A_651], %get3A_649 {add = true, strides = array<i32>} : memref<64x256xf32, #tpu.memory_space<vmem>>, vector<16xf32>,
      %get3A_653 = arith.index_cast %scan3A_599 : i32 to index
      %get3A_654 = arith.constant 144 : index
      %get3A_655 = tpu.vector_load %arg12[%get3A_653, %get3A_654] {strides = array<i32>} : memref<64x256xf32, #tpu.memory_space<vmem>>, vector<16xf32>,
      %swap3A_656 = arith.index_cast %scan3A_599 : i32 to index
      %swap3A_657 = arith.constant 144 : index
      %swap3A_658 = tpu.vector_load %arg10[%swap3A_656, %swap3A_657] {strides = array<i32>} : memref<64x256xf32, #tpu.memory_space<vmem>>, vector<16xf32>,
      tpu.vector_store %arg10[%swap3A_656, %swap3A_657], %get3A_655 {add = true, strides = array<i32>} : memref<64x256xf32, #tpu.memory_space<vmem>>, vector<16xf32>,
      %get3A_659 = arith.index_cast %scan3A_599 : i32 to index
      %get3A_660 = arith.constant 160 : index
      %get3A_661 = tpu.vector_load %arg12[%get3A_659, %get3A_660] {strides = array<i32>} : memref<64x256xf32, #tpu.memory_space<vmem>>, vector<16xf32>,
      %swap3A_662 = arith.index_cast %scan3A_599 : i32 to index
      %swap3A_663 = arith.constant 160 : index
      %swap3A_664 = tpu.vector_load %arg10[%swap3A_662, %swap3A_663] {strides = array<i32>} : memref<64x256xf32, #tpu.memory_space<vmem>>, vector<16xf32>,
      tpu.vector_store %arg10[%swap3A_662, %swap3A_663], %get3A_661 {add = true, strides = array<i32>} : memref<64x256xf32, #tpu.memory_space<vmem>>, vector<16xf32>,
      %get3A_665 = arith.index_cast %scan3A_599 : i32 to index
      %get3A_666 = arith.constant 176 : index
      %get3A_667 = tpu.vector_load %arg12[%get3A_665, %get3A_666] {strides = array<i32>} : memref<64x256xf32, #tpu.memory_space<vmem>>, vector<16xf32>,
      %swap3A_668 = arith.index_cast %scan3A_599 : i32 to index
      %swap3A_669 = arith.constant 176 : index
      %swap3A_670 = tpu.vector_load %arg10[%swap3A_668, %swap3A_669] {strides = array<i32>} : memref<64x256xf32, #tpu.memory_space<vmem>>, vector<16xf32>,
      tpu.vector_store %arg10[%swap3A_668, %swap3A_669], %get3A_667 {add = true, strides = array<i32>} : memref<64x256xf32, #tpu.memory_space<vmem>>, vector<16xf32>,
      %get3A_671 = arith.index_cast %scan3A_599 : i32 to index
      %get3A_672 = arith.constant 192 : index
      %get3A_673 = tpu.vector_load %arg12[%get3A_671, %get3A_672] {strides = array<i32>} : memref<64x256xf32, #tpu.memory_space<vmem>>, vector<16xf32>,
      %swap3A_674 = arith.index_cast %scan3A_599 : i32 to index
      %swap3A_675 = arith.constant 192 : index
      %swap3A_676 = tpu.vector_load %arg10[%swap3A_674, %swap3A_675] {strides = array<i32>} : memref<64x256xf32, #tpu.memory_space<vmem>>, vector<16xf32>,
      tpu.vector_store %arg10[%swap3A_674, %swap3A_675], %get3A_673 {add = true, strides = array<i32>} : memref<64x256xf32, #tpu.memory_space<vmem>>, vector<16xf32>,
      %get3A_677 = arith.index_cast %scan3A_599 : i32 to index
      %get3A_678 = arith.constant 208 : index
      %get3A_679 = tpu.vector_load %arg12[%get3A_677, %get3A_678] {strides = array<i32>} : memref<64x256xf32, #tpu.memory_space<vmem>>, vector<16xf32>,
      %swap3A_680 = arith.index_cast %scan3A_599 : i32 to index
      %swap3A_681 = arith.constant 208 : index
      %swap3A_682 = tpu.vector_load %arg10[%swap3A_680, %swap3A_681] {strides = array<i32>} : memref<64x256xf32, #tpu.memory_space<vmem>>, vector<16xf32>,
      tpu.vector_store %arg10[%swap3A_680, %swap3A_681], %get3A_679 {add = true, strides = array<i32>} : memref<64x256xf32, #tpu.memory_space<vmem>>, vector<16xf32>,
      %get3A_683 = arith.index_cast %scan3A_599 : i32 to index
      %get3A_684 = arith.constant 224 : index
      %get3A_685 = tpu.vector_load %arg12[%get3A_683, %get3A_684] {strides = array<i32>} : memref<64x256xf32, #tpu.memory_space<vmem>>, vector<16xf32>,
      %swap3A_686 = arith.index_cast %scan3A_599 : i32 to index
      %swap3A_687 = arith.constant 224 : index
      %swap3A_688 = tpu.vector_load %arg10[%swap3A_686, %swap3A_687] {strides = array<i32>} : memref<64x256xf32, #tpu.memory_space<vmem>>, vector<16xf32>,
      tpu.vector_store %arg10[%swap3A_686, %swap3A_687], %get3A_685 {add = true, strides = array<i32>} : memref<64x256xf32, #tpu.memory_space<vmem>>, vector<16xf32>,
      %get3A_689 = arith.index_cast %scan3A_599 : i32 to index
      %get3A_690 = arith.constant 240 : index
      %get3A_691 = tpu.vector_load %arg12[%get3A_689, %get3A_690] {strides = array<i32>} : memref<64x256xf32, #tpu.memory_space<vmem>>, vector<16xf32>,
      %swap3A_692 = arith.index_cast %scan3A_599 : i32 to index
      %swap3A_693 = arith.constant 240 : index
      %swap3A_694 = tpu.vector_load %arg10[%swap3A_692, %swap3A_693] {strides = array<i32>} : memref<64x256xf32, #tpu.memory_space<vmem>>, vector<16xf32>,
      tpu.vector_store %arg10[%swap3A_692, %swap3A_693], %get3A_691 {add = true, strides = array<i32>} : memref<64x256xf32, #tpu.memory_space<vmem>>, vector<16xf32>,
      %scan3A_695 = arith.constant 0 : i32
      scf.yield %scan3A_695 : i32
    }
    %scan3A_302 = arith.constant 64 : i32
    %add3A_303 = arith.constant 448 : i32
    %add3A_304 = arith.addi %mul3A_2, %add3A_303 : i32
    %dma_start3A_305 = arith.constant 0 : i32
    %dma_start3A_306 = tpu.memref_slice %arg5[%add3A_304, %dma_start3A_305] : memref<32768x256xf32, #tpu.memory_space<hbm>> -> memref<64x256xf32, #tpu.memory_space<hbm>>
    %dma_start3A_307 = arith.constant 0 : i32
    %dma_start3A_308 = tpu.memref_slice %arg5[%add3A_304, %dma_start3A_307] : memref<32768x256xf32, #tpu.memory_space<hbm>> -> memref<64x256xf32, #tpu.memory_space<hbm>>
    tpu.enqueue_dma source(%arg10 : memref<64x256xf32, #tpu.memory_space<vmem>>) target(%dma_start3A_308 : memref<64x256xf32, #tpu.memory_space<hbm>>) target_semaphore(%arg18 : memref<!tpu.dma_semaphore, #tpu.memory_space<semaphore_mem>>)
    %dma_wait3A_309 = arith.constant 512 : i32
    %dma_wait3A_310 = tpu.memref_slice %arg7[%dma_wait3A_309] : memref<1024xi32, #tpu.memory_space<vmem>> -> memref<64xi32, #tpu.memory_space<vmem>>
    %dma_wait3A_311 = arith.constant 0 : i32
    %dma_wait3A_312 = arith.constant 0 : i32
    %dma_wait3A_313 = tpu.memref_slice %arg3[%dma_wait3A_311, %dma_wait3A_312] : memref<8192x256xf32, #tpu.memory_space<hbm>> -> memref<8192x256xf32, #tpu.memory_space<hbm>>
    tpu.wait_indirect_dma semaphore(%arg13 : memref<!tpu.dma_semaphore, #tpu.memory_space<semaphore_mem>>) src(%dma_wait3A_313 : memref<8192x256xf32, #tpu.memory_space<hbm>>) dst(%arg9 : memref<64x256xf32, #tpu.memory_space<vmem>>)
    %dma_wait3A_314 = arith.constant 512 : i32
    %dma_wait3A_315 = tpu.memref_slice %arg8[%dma_wait3A_314] : memref<1024xi32, #tpu.memory_space<vmem>> -> memref<64xi32, #tpu.memory_space<vmem>>
    %dma_wait3A_316 = arith.constant 0 : i32
    %dma_wait3A_317 = arith.constant 0 : i32
    %dma_wait3A_318 = tpu.memref_slice %arg4[%dma_wait3A_316, %dma_wait3A_317] : memref<8192x256xf32, #tpu.memory_space<hbm>> -> memref<8192x256xf32, #tpu.memory_space<hbm>>
    tpu.wait_indirect_dma semaphore(%arg15 : memref<!tpu.dma_semaphore, #tpu.memory_space<semaphore_mem>>) src(%dma_wait3A_318 : memref<8192x256xf32, #tpu.memory_space<hbm>>) dst(%arg11 : memref<64x256xf32, #tpu.memory_space<vmem>>)
    %dma_wait3A_319 = arith.constant 0 : i32
    %dma_wait3A_320 = tpu.memref_slice %arg5[%add3A_304, %dma_wait3A_319] : memref<32768x256xf32, #tpu.memory_space<hbm>> -> memref<64x256xf32, #tpu.memory_space<hbm>>
    %dma_wait3A_321 = arith.constant 0 : i32
    %dma_wait3A_322 = tpu.memref_slice %arg5[%add3A_304, %dma_wait3A_321] : memref<32768x256xf32, #tpu.memory_space<hbm>> -> memref<64x256xf32, #tpu.memory_space<hbm>>
    tpu.wait_dma2 semaphore(%arg18 : memref<!tpu.dma_semaphore, #tpu.memory_space<semaphore_mem>>) src(%arg10 : memref<64x256xf32, #tpu.memory_space<vmem>>) dst(%dma_wait3A_322 : memref<64x256xf32, #tpu.memory_space<hbm>>)
    %dma_start3A_323 = arith.constant 576 : i32
    %dma_start3A_324 = tpu.memref_slice %arg7[%dma_start3A_323] : memref<1024xi32, #tpu.memory_space<vmem>> -> memref<64xi32, #tpu.memory_space<vmem>>
    %dma_start3A_325 = arith.constant 0 : i32
    %dma_start3A_326 = arith.constant 0 : i32
    %dma_start3A_327 = tpu.memref_slice %arg3[%dma_start3A_325, %dma_start3A_326] : memref<8192x256xf32, #tpu.memory_space<hbm>> -> memref<8192x256xf32, #tpu.memory_space<hbm>>
    tpu.enqueue_indirect_dma source(%dma_start3A_327 : memref<8192x256xf32, #tpu.memory_space<hbm>>) target(%arg10 : memref<64x256xf32, #tpu.memory_space<vmem>>) offsets(%dma_start3A_324 : memref<64xi32, #tpu.memory_space<vmem>>) semaphore(%arg14 : memref<!tpu.dma_semaphore, #tpu.memory_space<semaphore_mem>>)
    %dma_start3A_328 = arith.constant 576 : i32
    %dma_start3A_329 = tpu.memref_slice %arg8[%dma_start3A_328] : memref<1024xi32, #tpu.memory_space<vmem>> -> memref<64xi32, #tpu.memory_space<vmem>>
    %dma_start3A_330 = arith.constant 0 : i32
    %dma_start3A_331 = arith.constant 0 : i32
    %dma_start3A_332 = tpu.memref_slice %arg4[%dma_start3A_330, %dma_start3A_331] : memref<8192x256xf32, #tpu.memory_space<hbm>> -> memref<8192x256xf32, #tpu.memory_space<hbm>>
    tpu.enqueue_indirect_dma source(%dma_start3A_332 : memref<8192x256xf32, #tpu.memory_space<hbm>>) target(%arg12 : memref<64x256xf32, #tpu.memory_space<vmem>>) offsets(%dma_start3A_329 : memref<64xi32, #tpu.memory_space<vmem>>) semaphore(%arg16 : memref<!tpu.dma_semaphore, #tpu.memory_space<semaphore_mem>>)
    %scan3A_333 = arith.constant 0 : i32
    %scan3A_334 = arith.constant 0 : i32
    %scan3A_335 = arith.constant 64 : i32
    %scan3A_336 = arith.addi %scan3A_334, %scan3A_335 : i32
    %scan3A_337 = arith.constant 1 : i32
    %scan3A_338 = scf.for %scan3A_599 = %scan3A_334 to %scan3A_336 step %scan3A_337 iter_args(%scan3A_600 = %scan3A_333) -> (i32)  : i32 {
      %get3A = arith.index_cast %scan3A_599 : i32 to index
      %get3A_601 = arith.constant 0 : index
      %get3A_602 = tpu.vector_load %arg11[%get3A, %get3A_601] {strides = array<i32>} : memref<64x256xf32, #tpu.memory_space<vmem>>, vector<16xf32>,
      %swap3A = arith.index_cast %scan3A_599 : i32 to index
      %swap3A_603 = arith.constant 0 : index
      %swap3A_604 = tpu.vector_load %arg9[%swap3A, %swap3A_603] {strides = array<i32>} : memref<64x256xf32, #tpu.memory_space<vmem>>, vector<16xf32>,
      tpu.vector_store %arg9[%swap3A, %swap3A_603], %get3A_602 {add = true, strides = array<i32>} : memref<64x256xf32, #tpu.memory_space<vmem>>, vector<16xf32>,
      %get3A_605 = arith.index_cast %scan3A_599 : i32 to index
      %get3A_606 = arith.constant 16 : index
      %get3A_607 = tpu.vector_load %arg11[%get3A_605, %get3A_606] {strides = array<i32>} : memref<64x256xf32, #tpu.memory_space<vmem>>, vector<16xf32>,
      %swap3A_608 = arith.index_cast %scan3A_599 : i32 to index
      %swap3A_609 = arith.constant 16 : index
      %swap3A_610 = tpu.vector_load %arg9[%swap3A_608, %swap3A_609] {strides = array<i32>} : memref<64x256xf32, #tpu.memory_space<vmem>>, vector<16xf32>,
      tpu.vector_store %arg9[%swap3A_608, %swap3A_609], %get3A_607 {add = true, strides = array<i32>} : memref<64x256xf32, #tpu.memory_space<vmem>>, vector<16xf32>,
      %get3A_611 = arith.index_cast %scan3A_599 : i32 to index
      %get3A_612 = arith.constant 32 : index
      %get3A_613 = tpu.vector_load %arg11[%get3A_611, %get3A_612] {strides = array<i32>} : memref<64x256xf32, #tpu.memory_space<vmem>>, vector<16xf32>,
      %swap3A_614 = arith.index_cast %scan3A_599 : i32 to index
      %swap3A_615 = arith.constant 32 : index
      %swap3A_616 = tpu.vector_load %arg9[%swap3A_614, %swap3A_615] {strides = array<i32>} : memref<64x256xf32, #tpu.memory_space<vmem>>, vector<16xf32>,
      tpu.vector_store %arg9[%swap3A_614, %swap3A_615], %get3A_613 {add = true, strides = array<i32>} : memref<64x256xf32, #tpu.memory_space<vmem>>, vector<16xf32>,
      %get3A_617 = arith.index_cast %scan3A_599 : i32 to index
      %get3A_618 = arith.constant 48 : index
      %get3A_619 = tpu.vector_load %arg11[%get3A_617, %get3A_618] {strides = array<i32>} : memref<64x256xf32, #tpu.memory_space<vmem>>, vector<16xf32>,
      %swap3A_620 = arith.index_cast %scan3A_599 : i32 to index
      %swap3A_621 = arith.constant 48 : index
      %swap3A_622 = tpu.vector_load %arg9[%swap3A_620, %swap3A_621] {strides = array<i32>} : memref<64x256xf32, #tpu.memory_space<vmem>>, vector<16xf32>,
      tpu.vector_store %arg9[%swap3A_620, %swap3A_621], %get3A_619 {add = true, strides = array<i32>} : memref<64x256xf32, #tpu.memory_space<vmem>>, vector<16xf32>,
      %get3A_623 = arith.index_cast %scan3A_599 : i32 to index
      %get3A_624 = arith.constant 64 : index
      %get3A_625 = tpu.vector_load %arg11[%get3A_623, %get3A_624] {strides = array<i32>} : memref<64x256xf32, #tpu.memory_space<vmem>>, vector<16xf32>,
      %swap3A_626 = arith.index_cast %scan3A_599 : i32 to index
      %swap3A_627 = arith.constant 64 : index
      %swap3A_628 = tpu.vector_load %arg9[%swap3A_626, %swap3A_627] {strides = array<i32>} : memref<64x256xf32, #tpu.memory_space<vmem>>, vector<16xf32>,
      tpu.vector_store %arg9[%swap3A_626, %swap3A_627], %get3A_625 {add = true, strides = array<i32>} : memref<64x256xf32, #tpu.memory_space<vmem>>, vector<16xf32>,
      %get3A_629 = arith.index_cast %scan3A_599 : i32 to index
      %get3A_630 = arith.constant 80 : index
      %get3A_631 = tpu.vector_load %arg11[%get3A_629, %get3A_630] {strides = array<i32>} : memref<64x256xf32, #tpu.memory_space<vmem>>, vector<16xf32>,
      %swap3A_632 = arith.index_cast %scan3A_599 : i32 to index
      %swap3A_633 = arith.constant 80 : index
      %swap3A_634 = tpu.vector_load %arg9[%swap3A_632, %swap3A_633] {strides = array<i32>} : memref<64x256xf32, #tpu.memory_space<vmem>>, vector<16xf32>,
      tpu.vector_store %arg9[%swap3A_632, %swap3A_633], %get3A_631 {add = true, strides = array<i32>} : memref<64x256xf32, #tpu.memory_space<vmem>>, vector<16xf32>,
      %get3A_635 = arith.index_cast %scan3A_599 : i32 to index
      %get3A_636 = arith.constant 96 : index
      %get3A_637 = tpu.vector_load %arg11[%get3A_635, %get3A_636] {strides = array<i32>} : memref<64x256xf32, #tpu.memory_space<vmem>>, vector<16xf32>,
      %swap3A_638 = arith.index_cast %scan3A_599 : i32 to index
      %swap3A_639 = arith.constant 96 : index
      %swap3A_640 = tpu.vector_load %arg9[%swap3A_638, %swap3A_639] {strides = array<i32>} : memref<64x256xf32, #tpu.memory_space<vmem>>, vector<16xf32>,
      tpu.vector_store %arg9[%swap3A_638, %swap3A_639], %get3A_637 {add = true, strides = array<i32>} : memref<64x256xf32, #tpu.memory_space<vmem>>, vector<16xf32>,
      %get3A_641 = arith.index_cast %scan3A_599 : i32 to index
      %get3A_642 = arith.constant 112 : index
      %get3A_643 = tpu.vector_load %arg11[%get3A_641, %get3A_642] {strides = array<i32>} : memref<64x256xf32, #tpu.memory_space<vmem>>, vector<16xf32>,
      %swap3A_644 = arith.index_cast %scan3A_599 : i32 to index
      %swap3A_645 = arith.constant 112 : index
      %swap3A_646 = tpu.vector_load %arg9[%swap3A_644, %swap3A_645] {strides = array<i32>} : memref<64x256xf32, #tpu.memory_space<vmem>>, vector<16xf32>,
      tpu.vector_store %arg9[%swap3A_644, %swap3A_645], %get3A_643 {add = true, strides = array<i32>} : memref<64x256xf32, #tpu.memory_space<vmem>>, vector<16xf32>,
      %get3A_647 = arith.index_cast %scan3A_599 : i32 to index
      %get3A_648 = arith.constant 128 : index
      %get3A_649 = tpu.vector_load %arg11[%get3A_647, %get3A_648] {strides = array<i32>} : memref<64x256xf32, #tpu.memory_space<vmem>>, vector<16xf32>,
      %swap3A_650 = arith.index_cast %scan3A_599 : i32 to index
      %swap3A_651 = arith.constant 128 : index
      %swap3A_652 = tpu.vector_load %arg9[%swap3A_650, %swap3A_651] {strides = array<i32>} : memref<64x256xf32, #tpu.memory_space<vmem>>, vector<16xf32>,
      tpu.vector_store %arg9[%swap3A_650, %swap3A_651], %get3A_649 {add = true, strides = array<i32>} : memref<64x256xf32, #tpu.memory_space<vmem>>, vector<16xf32>,
      %get3A_653 = arith.index_cast %scan3A_599 : i32 to index
      %get3A_654 = arith.constant 144 : index
      %get3A_655 = tpu.vector_load %arg11[%get3A_653, %get3A_654] {strides = array<i32>} : memref<64x256xf32, #tpu.memory_space<vmem>>, vector<16xf32>,
      %swap3A_656 = arith.index_cast %scan3A_599 : i32 to index
      %swap3A_657 = arith.constant 144 : index
      %swap3A_658 = tpu.vector_load %arg9[%swap3A_656, %swap3A_657] {strides = array<i32>} : memref<64x256xf32, #tpu.memory_space<vmem>>, vector<16xf32>,
      tpu.vector_store %arg9[%swap3A_656, %swap3A_657], %get3A_655 {add = true, strides = array<i32>} : memref<64x256xf32, #tpu.memory_space<vmem>>, vector<16xf32>,
      %get3A_659 = arith.index_cast %scan3A_599 : i32 to index
      %get3A_660 = arith.constant 160 : index
      %get3A_661 = tpu.vector_load %arg11[%get3A_659, %get3A_660] {strides = array<i32>} : memref<64x256xf32, #tpu.memory_space<vmem>>, vector<16xf32>,
      %swap3A_662 = arith.index_cast %scan3A_599 : i32 to index
      %swap3A_663 = arith.constant 160 : index
      %swap3A_664 = tpu.vector_load %arg9[%swap3A_662, %swap3A_663] {strides = array<i32>} : memref<64x256xf32, #tpu.memory_space<vmem>>, vector<16xf32>,
      tpu.vector_store %arg9[%swap3A_662, %swap3A_663], %get3A_661 {add = true, strides = array<i32>} : memref<64x256xf32, #tpu.memory_space<vmem>>, vector<16xf32>,
      %get3A_665 = arith.index_cast %scan3A_599 : i32 to index
      %get3A_666 = arith.constant 176 : index
      %get3A_667 = tpu.vector_load %arg11[%get3A_665, %get3A_666] {strides = array<i32>} : memref<64x256xf32, #tpu.memory_space<vmem>>, vector<16xf32>,
      %swap3A_668 = arith.index_cast %scan3A_599 : i32 to index
      %swap3A_669 = arith.constant 176 : index
      %swap3A_670 = tpu.vector_load %arg9[%swap3A_668, %swap3A_669] {strides = array<i32>} : memref<64x256xf32, #tpu.memory_space<vmem>>, vector<16xf32>,
      tpu.vector_store %arg9[%swap3A_668, %swap3A_669], %get3A_667 {add = true, strides = array<i32>} : memref<64x256xf32, #tpu.memory_space<vmem>>, vector<16xf32>,
      %get3A_671 = arith.index_cast %scan3A_599 : i32 to index
      %get3A_672 = arith.constant 192 : index
      %get3A_673 = tpu.vector_load %arg11[%get3A_671, %get3A_672] {strides = array<i32>} : memref<64x256xf32, #tpu.memory_space<vmem>>, vector<16xf32>,
      %swap3A_674 = arith.index_cast %scan3A_599 : i32 to index
      %swap3A_675 = arith.constant 192 : index
      %swap3A_676 = tpu.vector_load %arg9[%swap3A_674, %swap3A_675] {strides = array<i32>} : memref<64x256xf32, #tpu.memory_space<vmem>>, vector<16xf32>,
      tpu.vector_store %arg9[%swap3A_674, %swap3A_675], %get3A_673 {add = true, strides = array<i32>} : memref<64x256xf32, #tpu.memory_space<vmem>>, vector<16xf32>,
      %get3A_677 = arith.index_cast %scan3A_599 : i32 to index
      %get3A_678 = arith.constant 208 : index
      %get3A_679 = tpu.vector_load %arg11[%get3A_677, %get3A_678] {strides = array<i32>} : memref<64x256xf32, #tpu.memory_space<vmem>>, vector<16xf32>,
      %swap3A_680 = arith.index_cast %scan3A_599 : i32 to index
      %swap3A_681 = arith.constant 208 : index
      %swap3A_682 = tpu.vector_load %arg9[%swap3A_680, %swap3A_681] {strides = array<i32>} : memref<64x256xf32, #tpu.memory_space<vmem>>, vector<16xf32>,
      tpu.vector_store %arg9[%swap3A_680, %swap3A_681], %get3A_679 {add = true, strides = array<i32>} : memref<64x256xf32, #tpu.memory_space<vmem>>, vector<16xf32>,
      %get3A_683 = arith.index_cast %scan3A_599 : i32 to index
      %get3A_684 = arith.constant 224 : index
      %get3A_685 = tpu.vector_load %arg11[%get3A_683, %get3A_684] {strides = array<i32>} : memref<64x256xf32, #tpu.memory_space<vmem>>, vector<16xf32>,
      %swap3A_686 = arith.index_cast %scan3A_599 : i32 to index
      %swap3A_687 = arith.constant 224 : index
      %swap3A_688 = tpu.vector_load %arg9[%swap3A_686, %swap3A_687] {strides = array<i32>} : memref<64x256xf32, #tpu.memory_space<vmem>>, vector<16xf32>,
      tpu.vector_store %arg9[%swap3A_686, %swap3A_687], %get3A_685 {add = true, strides = array<i32>} : memref<64x256xf32, #tpu.memory_space<vmem>>, vector<16xf32>,
      %get3A_689 = arith.index_cast %scan3A_599 : i32 to index
      %get3A_690 = arith.constant 240 : index
      %get3A_691 = tpu.vector_load %arg11[%get3A_689, %get3A_690] {strides = array<i32>} : memref<64x256xf32, #tpu.memory_space<vmem>>, vector<16xf32>,
      %swap3A_692 = arith.index_cast %scan3A_599 : i32 to index
      %swap3A_693 = arith.constant 240 : index
      %swap3A_694 = tpu.vector_load %arg9[%swap3A_692, %swap3A_693] {strides = array<i32>} : memref<64x256xf32, #tpu.memory_space<vmem>>, vector<16xf32>,
      tpu.vector_store %arg9[%swap3A_692, %swap3A_693], %get3A_691 {add = true, strides = array<i32>} : memref<64x256xf32, #tpu.memory_space<vmem>>, vector<16xf32>,
      %scan3A_695 = arith.constant 0 : i32
      scf.yield %scan3A_695 : i32
    }
    %scan3A_339 = arith.constant 64 : i32
    %add3A_340 = arith.constant 512 : i32
    %add3A_341 = arith.addi %mul3A_2, %add3A_340 : i32
    %dma_start3A_342 = arith.constant 0 : i32
    %dma_start3A_343 = tpu.memref_slice %arg5[%add3A_341, %dma_start3A_342] : memref<32768x256xf32, #tpu.memory_space<hbm>> -> memref<64x256xf32, #tpu.memory_space<hbm>>
    %dma_start3A_344 = arith.constant 0 : i32
    %dma_start3A_345 = tpu.memref_slice %arg5[%add3A_341, %dma_start3A_344] : memref<32768x256xf32, #tpu.memory_space<hbm>> -> memref<64x256xf32, #tpu.memory_space<hbm>>
    tpu.enqueue_dma source(%arg9 : memref<64x256xf32, #tpu.memory_space<vmem>>) target(%dma_start3A_345 : memref<64x256xf32, #tpu.memory_space<hbm>>) target_semaphore(%arg17 : memref<!tpu.dma_semaphore, #tpu.memory_space<semaphore_mem>>)
    %dma_wait3A_346 = arith.constant 576 : i32
    %dma_wait3A_347 = tpu.memref_slice %arg7[%dma_wait3A_346] : memref<1024xi32, #tpu.memory_space<vmem>> -> memref<64xi32, #tpu.memory_space<vmem>>
    %dma_wait3A_348 = arith.constant 0 : i32
    %dma_wait3A_349 = arith.constant 0 : i32
    %dma_wait3A_350 = tpu.memref_slice %arg3[%dma_wait3A_348, %dma_wait3A_349] : memref<8192x256xf32, #tpu.memory_space<hbm>> -> memref<8192x256xf32, #tpu.memory_space<hbm>>
    tpu.wait_indirect_dma semaphore(%arg14 : memref<!tpu.dma_semaphore, #tpu.memory_space<semaphore_mem>>) src(%dma_wait3A_350 : memref<8192x256xf32, #tpu.memory_space<hbm>>) dst(%arg10 : memref<64x256xf32, #tpu.memory_space<vmem>>)
    %dma_wait3A_351 = arith.constant 576 : i32
    %dma_wait3A_352 = tpu.memref_slice %arg8[%dma_wait3A_351] : memref<1024xi32, #tpu.memory_space<vmem>> -> memref<64xi32, #tpu.memory_space<vmem>>
    %dma_wait3A_353 = arith.constant 0 : i32
    %dma_wait3A_354 = arith.constant 0 : i32
    %dma_wait3A_355 = tpu.memref_slice %arg4[%dma_wait3A_353, %dma_wait3A_354] : memref<8192x256xf32, #tpu.memory_space<hbm>> -> memref<8192x256xf32, #tpu.memory_space<hbm>>
    tpu.wait_indirect_dma semaphore(%arg16 : memref<!tpu.dma_semaphore, #tpu.memory_space<semaphore_mem>>) src(%dma_wait3A_355 : memref<8192x256xf32, #tpu.memory_space<hbm>>) dst(%arg12 : memref<64x256xf32, #tpu.memory_space<vmem>>)
    %dma_wait3A_356 = arith.constant 0 : i32
    %dma_wait3A_357 = tpu.memref_slice %arg5[%add3A_341, %dma_wait3A_356] : memref<32768x256xf32, #tpu.memory_space<hbm>> -> memref<64x256xf32, #tpu.memory_space<hbm>>
    %dma_wait3A_358 = arith.constant 0 : i32
    %dma_wait3A_359 = tpu.memref_slice %arg5[%add3A_341, %dma_wait3A_358] : memref<32768x256xf32, #tpu.memory_space<hbm>> -> memref<64x256xf32, #tpu.memory_space<hbm>>
    tpu.wait_dma2 semaphore(%arg17 : memref<!tpu.dma_semaphore, #tpu.memory_space<semaphore_mem>>) src(%arg9 : memref<64x256xf32, #tpu.memory_space<vmem>>) dst(%dma_wait3A_359 : memref<64x256xf32, #tpu.memory_space<hbm>>)
    %dma_start3A_360 = arith.constant 640 : i32
    %dma_start3A_361 = tpu.memref_slice %arg7[%dma_start3A_360] : memref<1024xi32, #tpu.memory_space<vmem>> -> memref<64xi32, #tpu.memory_space<vmem>>
    %dma_start3A_362 = arith.constant 0 : i32
    %dma_start3A_363 = arith.constant 0 : i32
    %dma_start3A_364 = tpu.memref_slice %arg3[%dma_start3A_362, %dma_start3A_363] : memref<8192x256xf32, #tpu.memory_space<hbm>> -> memref<8192x256xf32, #tpu.memory_space<hbm>>
    tpu.enqueue_indirect_dma source(%dma_start3A_364 : memref<8192x256xf32, #tpu.memory_space<hbm>>) target(%arg9 : memref<64x256xf32, #tpu.memory_space<vmem>>) offsets(%dma_start3A_361 : memref<64xi32, #tpu.memory_space<vmem>>) semaphore(%arg13 : memref<!tpu.dma_semaphore, #tpu.memory_space<semaphore_mem>>)
    %dma_start3A_365 = arith.constant 640 : i32
    %dma_start3A_366 = tpu.memref_slice %arg8[%dma_start3A_365] : memref<1024xi32, #tpu.memory_space<vmem>> -> memref<64xi32, #tpu.memory_space<vmem>>
    %dma_start3A_367 = arith.constant 0 : i32
    %dma_start3A_368 = arith.constant 0 : i32
    %dma_start3A_369 = tpu.memref_slice %arg4[%dma_start3A_367, %dma_start3A_368] : memref<8192x256xf32, #tpu.memory_space<hbm>> -> memref<8192x256xf32, #tpu.memory_space<hbm>>
    tpu.enqueue_indirect_dma source(%dma_start3A_369 : memref<8192x256xf32, #tpu.memory_space<hbm>>) target(%arg11 : memref<64x256xf32, #tpu.memory_space<vmem>>) offsets(%dma_start3A_366 : memref<64xi32, #tpu.memory_space<vmem>>) semaphore(%arg15 : memref<!tpu.dma_semaphore, #tpu.memory_space<semaphore_mem>>)
    %scan3A_370 = arith.constant 0 : i32
    %scan3A_371 = arith.constant 0 : i32
    %scan3A_372 = arith.constant 64 : i32
    %scan3A_373 = arith.addi %scan3A_371, %scan3A_372 : i32
    %scan3A_374 = arith.constant 1 : i32
    %scan3A_375 = scf.for %scan3A_599 = %scan3A_371 to %scan3A_373 step %scan3A_374 iter_args(%scan3A_600 = %scan3A_370) -> (i32)  : i32 {
      %get3A = arith.index_cast %scan3A_599 : i32 to index
      %get3A_601 = arith.constant 0 : index
      %get3A_602 = tpu.vector_load %arg12[%get3A, %get3A_601] {strides = array<i32>} : memref<64x256xf32, #tpu.memory_space<vmem>>, vector<16xf32>,
      %swap3A = arith.index_cast %scan3A_599 : i32 to index
      %swap3A_603 = arith.constant 0 : index
      %swap3A_604 = tpu.vector_load %arg10[%swap3A, %swap3A_603] {strides = array<i32>} : memref<64x256xf32, #tpu.memory_space<vmem>>, vector<16xf32>,
      tpu.vector_store %arg10[%swap3A, %swap3A_603], %get3A_602 {add = true, strides = array<i32>} : memref<64x256xf32, #tpu.memory_space<vmem>>, vector<16xf32>,
      %get3A_605 = arith.index_cast %scan3A_599 : i32 to index
      %get3A_606 = arith.constant 16 : index
      %get3A_607 = tpu.vector_load %arg12[%get3A_605, %get3A_606] {strides = array<i32>} : memref<64x256xf32, #tpu.memory_space<vmem>>, vector<16xf32>,
      %swap3A_608 = arith.index_cast %scan3A_599 : i32 to index
      %swap3A_609 = arith.constant 16 : index
      %swap3A_610 = tpu.vector_load %arg10[%swap3A_608, %swap3A_609] {strides = array<i32>} : memref<64x256xf32, #tpu.memory_space<vmem>>, vector<16xf32>,
      tpu.vector_store %arg10[%swap3A_608, %swap3A_609], %get3A_607 {add = true, strides = array<i32>} : memref<64x256xf32, #tpu.memory_space<vmem>>, vector<16xf32>,
      %get3A_611 = arith.index_cast %scan3A_599 : i32 to index
      %get3A_612 = arith.constant 32 : index
      %get3A_613 = tpu.vector_load %arg12[%get3A_611, %get3A_612] {strides = array<i32>} : memref<64x256xf32, #tpu.memory_space<vmem>>, vector<16xf32>,
      %swap3A_614 = arith.index_cast %scan3A_599 : i32 to index
      %swap3A_615 = arith.constant 32 : index
      %swap3A_616 = tpu.vector_load %arg10[%swap3A_614, %swap3A_615] {strides = array<i32>} : memref<64x256xf32, #tpu.memory_space<vmem>>, vector<16xf32>,
      tpu.vector_store %arg10[%swap3A_614, %swap3A_615], %get3A_613 {add = true, strides = array<i32>} : memref<64x256xf32, #tpu.memory_space<vmem>>, vector<16xf32>,
      %get3A_617 = arith.index_cast %scan3A_599 : i32 to index
      %get3A_618 = arith.constant 48 : index
      %get3A_619 = tpu.vector_load %arg12[%get3A_617, %get3A_618] {strides = array<i32>} : memref<64x256xf32, #tpu.memory_space<vmem>>, vector<16xf32>,
      %swap3A_620 = arith.index_cast %scan3A_599 : i32 to index
      %swap3A_621 = arith.constant 48 : index
      %swap3A_622 = tpu.vector_load %arg10[%swap3A_620, %swap3A_621] {strides = array<i32>} : memref<64x256xf32, #tpu.memory_space<vmem>>, vector<16xf32>,
      tpu.vector_store %arg10[%swap3A_620, %swap3A_621], %get3A_619 {add = true, strides = array<i32>} : memref<64x256xf32, #tpu.memory_space<vmem>>, vector<16xf32>,
      %get3A_623 = arith.index_cast %scan3A_599 : i32 to index
      %get3A_624 = arith.constant 64 : index
      %get3A_625 = tpu.vector_load %arg12[%get3A_623, %get3A_624] {strides = array<i32>} : memref<64x256xf32, #tpu.memory_space<vmem>>, vector<16xf32>,
      %swap3A_626 = arith.index_cast %scan3A_599 : i32 to index
      %swap3A_627 = arith.constant 64 : index
      %swap3A_628 = tpu.vector_load %arg10[%swap3A_626, %swap3A_627] {strides = array<i32>} : memref<64x256xf32, #tpu.memory_space<vmem>>, vector<16xf32>,
      tpu.vector_store %arg10[%swap3A_626, %swap3A_627], %get3A_625 {add = true, strides = array<i32>} : memref<64x256xf32, #tpu.memory_space<vmem>>, vector<16xf32>,
      %get3A_629 = arith.index_cast %scan3A_599 : i32 to index
      %get3A_630 = arith.constant 80 : index
      %get3A_631 = tpu.vector_load %arg12[%get3A_629, %get3A_630] {strides = array<i32>} : memref<64x256xf32, #tpu.memory_space<vmem>>, vector<16xf32>,
      %swap3A_632 = arith.index_cast %scan3A_599 : i32 to index
      %swap3A_633 = arith.constant 80 : index
      %swap3A_634 = tpu.vector_load %arg10[%swap3A_632, %swap3A_633] {strides = array<i32>} : memref<64x256xf32, #tpu.memory_space<vmem>>, vector<16xf32>,
      tpu.vector_store %arg10[%swap3A_632, %swap3A_633], %get3A_631 {add = true, strides = array<i32>} : memref<64x256xf32, #tpu.memory_space<vmem>>, vector<16xf32>,
      %get3A_635 = arith.index_cast %scan3A_599 : i32 to index
      %get3A_636 = arith.constant 96 : index
      %get3A_637 = tpu.vector_load %arg12[%get3A_635, %get3A_636] {strides = array<i32>} : memref<64x256xf32, #tpu.memory_space<vmem>>, vector<16xf32>,
      %swap3A_638 = arith.index_cast %scan3A_599 : i32 to index
      %swap3A_639 = arith.constant 96 : index
      %swap3A_640 = tpu.vector_load %arg10[%swap3A_638, %swap3A_639] {strides = array<i32>} : memref<64x256xf32, #tpu.memory_space<vmem>>, vector<16xf32>,
      tpu.vector_store %arg10[%swap3A_638, %swap3A_639], %get3A_637 {add = true, strides = array<i32>} : memref<64x256xf32, #tpu.memory_space<vmem>>, vector<16xf32>,
      %get3A_641 = arith.index_cast %scan3A_599 : i32 to index
      %get3A_642 = arith.constant 112 : index
      %get3A_643 = tpu.vector_load %arg12[%get3A_641, %get3A_642] {strides = array<i32>} : memref<64x256xf32, #tpu.memory_space<vmem>>, vector<16xf32>,
      %swap3A_644 = arith.index_cast %scan3A_599 : i32 to index
      %swap3A_645 = arith.constant 112 : index
      %swap3A_646 = tpu.vector_load %arg10[%swap3A_644, %swap3A_645] {strides = array<i32>} : memref<64x256xf32, #tpu.memory_space<vmem>>, vector<16xf32>,
      tpu.vector_store %arg10[%swap3A_644, %swap3A_645], %get3A_643 {add = true, strides = array<i32>} : memref<64x256xf32, #tpu.memory_space<vmem>>, vector<16xf32>,
      %get3A_647 = arith.index_cast %scan3A_599 : i32 to index
      %get3A_648 = arith.constant 128 : index
      %get3A_649 = tpu.vector_load %arg12[%get3A_647, %get3A_648] {strides = array<i32>} : memref<64x256xf32, #tpu.memory_space<vmem>>, vector<16xf32>,
      %swap3A_650 = arith.index_cast %scan3A_599 : i32 to index
      %swap3A_651 = arith.constant 128 : index
      %swap3A_652 = tpu.vector_load %arg10[%swap3A_650, %swap3A_651] {strides = array<i32>} : memref<64x256xf32, #tpu.memory_space<vmem>>, vector<16xf32>,
      tpu.vector_store %arg10[%swap3A_650, %swap3A_651], %get3A_649 {add = true, strides = array<i32>} : memref<64x256xf32, #tpu.memory_space<vmem>>, vector<16xf32>,
      %get3A_653 = arith.index_cast %scan3A_599 : i32 to index
      %get3A_654 = arith.constant 144 : index
      %get3A_655 = tpu.vector_load %arg12[%get3A_653, %get3A_654] {strides = array<i32>} : memref<64x256xf32, #tpu.memory_space<vmem>>, vector<16xf32>,
      %swap3A_656 = arith.index_cast %scan3A_599 : i32 to index
      %swap3A_657 = arith.constant 144 : index
      %swap3A_658 = tpu.vector_load %arg10[%swap3A_656, %swap3A_657] {strides = array<i32>} : memref<64x256xf32, #tpu.memory_space<vmem>>, vector<16xf32>,
      tpu.vector_store %arg10[%swap3A_656, %swap3A_657], %get3A_655 {add = true, strides = array<i32>} : memref<64x256xf32, #tpu.memory_space<vmem>>, vector<16xf32>,
      %get3A_659 = arith.index_cast %scan3A_599 : i32 to index
      %get3A_660 = arith.constant 160 : index
      %get3A_661 = tpu.vector_load %arg12[%get3A_659, %get3A_660] {strides = array<i32>} : memref<64x256xf32, #tpu.memory_space<vmem>>, vector<16xf32>,
      %swap3A_662 = arith.index_cast %scan3A_599 : i32 to index
      %swap3A_663 = arith.constant 160 : index
      %swap3A_664 = tpu.vector_load %arg10[%swap3A_662, %swap3A_663] {strides = array<i32>} : memref<64x256xf32, #tpu.memory_space<vmem>>, vector<16xf32>,
      tpu.vector_store %arg10[%swap3A_662, %swap3A_663], %get3A_661 {add = true, strides = array<i32>} : memref<64x256xf32, #tpu.memory_space<vmem>>, vector<16xf32>,
      %get3A_665 = arith.index_cast %scan3A_599 : i32 to index
      %get3A_666 = arith.constant 176 : index
      %get3A_667 = tpu.vector_load %arg12[%get3A_665, %get3A_666] {strides = array<i32>} : memref<64x256xf32, #tpu.memory_space<vmem>>, vector<16xf32>,
      %swap3A_668 = arith.index_cast %scan3A_599 : i32 to index
      %swap3A_669 = arith.constant 176 : index
      %swap3A_670 = tpu.vector_load %arg10[%swap3A_668, %swap3A_669] {strides = array<i32>} : memref<64x256xf32, #tpu.memory_space<vmem>>, vector<16xf32>,
      tpu.vector_store %arg10[%swap3A_668, %swap3A_669], %get3A_667 {add = true, strides = array<i32>} : memref<64x256xf32, #tpu.memory_space<vmem>>, vector<16xf32>,
      %get3A_671 = arith.index_cast %scan3A_599 : i32 to index
      %get3A_672 = arith.constant 192 : index
      %get3A_673 = tpu.vector_load %arg12[%get3A_671, %get3A_672] {strides = array<i32>} : memref<64x256xf32, #tpu.memory_space<vmem>>, vector<16xf32>,
      %swap3A_674 = arith.index_cast %scan3A_599 : i32 to index
      %swap3A_675 = arith.constant 192 : index
      %swap3A_676 = tpu.vector_load %arg10[%swap3A_674, %swap3A_675] {strides = array<i32>} : memref<64x256xf32, #tpu.memory_space<vmem>>, vector<16xf32>,
      tpu.vector_store %arg10[%swap3A_674, %swap3A_675], %get3A_673 {add = true, strides = array<i32>} : memref<64x256xf32, #tpu.memory_space<vmem>>, vector<16xf32>,
      %get3A_677 = arith.index_cast %scan3A_599 : i32 to index
      %get3A_678 = arith.constant 208 : index
      %get3A_679 = tpu.vector_load %arg12[%get3A_677, %get3A_678] {strides = array<i32>} : memref<64x256xf32, #tpu.memory_space<vmem>>, vector<16xf32>,
      %swap3A_680 = arith.index_cast %scan3A_599 : i32 to index
      %swap3A_681 = arith.constant 208 : index
      %swap3A_682 = tpu.vector_load %arg10[%swap3A_680, %swap3A_681] {strides = array<i32>} : memref<64x256xf32, #tpu.memory_space<vmem>>, vector<16xf32>,
      tpu.vector_store %arg10[%swap3A_680, %swap3A_681], %get3A_679 {add = true, strides = array<i32>} : memref<64x256xf32, #tpu.memory_space<vmem>>, vector<16xf32>,
      %get3A_683 = arith.index_cast %scan3A_599 : i32 to index
      %get3A_684 = arith.constant 224 : index
      %get3A_685 = tpu.vector_load %arg12[%get3A_683, %get3A_684] {strides = array<i32>} : memref<64x256xf32, #tpu.memory_space<vmem>>, vector<16xf32>,
      %swap3A_686 = arith.index_cast %scan3A_599 : i32 to index
      %swap3A_687 = arith.constant 224 : index
      %swap3A_688 = tpu.vector_load %arg10[%swap3A_686, %swap3A_687] {strides = array<i32>} : memref<64x256xf32, #tpu.memory_space<vmem>>, vector<16xf32>,
      tpu.vector_store %arg10[%swap3A_686, %swap3A_687], %get3A_685 {add = true, strides = array<i32>} : memref<64x256xf32, #tpu.memory_space<vmem>>, vector<16xf32>,
      %get3A_689 = arith.index_cast %scan3A_599 : i32 to index
      %get3A_690 = arith.constant 240 : index
      %get3A_691 = tpu.vector_load %arg12[%get3A_689, %get3A_690] {strides = array<i32>} : memref<64x256xf32, #tpu.memory_space<vmem>>, vector<16xf32>,
      %swap3A_692 = arith.index_cast %scan3A_599 : i32 to index
      %swap3A_693 = arith.constant 240 : index
      %swap3A_694 = tpu.vector_load %arg10[%swap3A_692, %swap3A_693] {strides = array<i32>} : memref<64x256xf32, #tpu.memory_space<vmem>>, vector<16xf32>,
      tpu.vector_store %arg10[%swap3A_692, %swap3A_693], %get3A_691 {add = true, strides = array<i32>} : memref<64x256xf32, #tpu.memory_space<vmem>>, vector<16xf32>,
      %scan3A_695 = arith.constant 0 : i32
      scf.yield %scan3A_695 : i32
    }
    %scan3A_376 = arith.constant 64 : i32
    %add3A_377 = arith.constant 576 : i32
    %add3A_378 = arith.addi %mul3A_2, %add3A_377 : i32
    %dma_start3A_379 = arith.constant 0 : i32
    %dma_start3A_380 = tpu.memref_slice %arg5[%add3A_378, %dma_start3A_379] : memref<32768x256xf32, #tpu.memory_space<hbm>> -> memref<64x256xf32, #tpu.memory_space<hbm>>
    %dma_start3A_381 = arith.constant 0 : i32
    %dma_start3A_382 = tpu.memref_slice %arg5[%add3A_378, %dma_start3A_381] : memref<32768x256xf32, #tpu.memory_space<hbm>> -> memref<64x256xf32, #tpu.memory_space<hbm>>
    tpu.enqueue_dma source(%arg10 : memref<64x256xf32, #tpu.memory_space<vmem>>) target(%dma_start3A_382 : memref<64x256xf32, #tpu.memory_space<hbm>>) target_semaphore(%arg18 : memref<!tpu.dma_semaphore, #tpu.memory_space<semaphore_mem>>)
    %dma_wait3A_383 = arith.constant 640 : i32
    %dma_wait3A_384 = tpu.memref_slice %arg7[%dma_wait3A_383] : memref<1024xi32, #tpu.memory_space<vmem>> -> memref<64xi32, #tpu.memory_space<vmem>>
    %dma_wait3A_385 = arith.constant 0 : i32
    %dma_wait3A_386 = arith.constant 0 : i32
    %dma_wait3A_387 = tpu.memref_slice %arg3[%dma_wait3A_385, %dma_wait3A_386] : memref<8192x256xf32, #tpu.memory_space<hbm>> -> memref<8192x256xf32, #tpu.memory_space<hbm>>
    tpu.wait_indirect_dma semaphore(%arg13 : memref<!tpu.dma_semaphore, #tpu.memory_space<semaphore_mem>>) src(%dma_wait3A_387 : memref<8192x256xf32, #tpu.memory_space<hbm>>) dst(%arg9 : memref<64x256xf32, #tpu.memory_space<vmem>>)
    %dma_wait3A_388 = arith.constant 640 : i32
    %dma_wait3A_389 = tpu.memref_slice %arg8[%dma_wait3A_388] : memref<1024xi32, #tpu.memory_space<vmem>> -> memref<64xi32, #tpu.memory_space<vmem>>
    %dma_wait3A_390 = arith.constant 0 : i32
    %dma_wait3A_391 = arith.constant 0 : i32
    %dma_wait3A_392 = tpu.memref_slice %arg4[%dma_wait3A_390, %dma_wait3A_391] : memref<8192x256xf32, #tpu.memory_space<hbm>> -> memref<8192x256xf32, #tpu.memory_space<hbm>>
    tpu.wait_indirect_dma semaphore(%arg15 : memref<!tpu.dma_semaphore, #tpu.memory_space<semaphore_mem>>) src(%dma_wait3A_392 : memref<8192x256xf32, #tpu.memory_space<hbm>>) dst(%arg11 : memref<64x256xf32, #tpu.memory_space<vmem>>)
    %dma_wait3A_393 = arith.constant 0 : i32
    %dma_wait3A_394 = tpu.memref_slice %arg5[%add3A_378, %dma_wait3A_393] : memref<32768x256xf32, #tpu.memory_space<hbm>> -> memref<64x256xf32, #tpu.memory_space<hbm>>
    %dma_wait3A_395 = arith.constant 0 : i32
    %dma_wait3A_396 = tpu.memref_slice %arg5[%add3A_378, %dma_wait3A_395] : memref<32768x256xf32, #tpu.memory_space<hbm>> -> memref<64x256xf32, #tpu.memory_space<hbm>>
    tpu.wait_dma2 semaphore(%arg18 : memref<!tpu.dma_semaphore, #tpu.memory_space<semaphore_mem>>) src(%arg10 : memref<64x256xf32, #tpu.memory_space<vmem>>) dst(%dma_wait3A_396 : memref<64x256xf32, #tpu.memory_space<hbm>>)
    %dma_start3A_397 = arith.constant 704 : i32
    %dma_start3A_398 = tpu.memref_slice %arg7[%dma_start3A_397] : memref<1024xi32, #tpu.memory_space<vmem>> -> memref<64xi32, #tpu.memory_space<vmem>>
    %dma_start3A_399 = arith.constant 0 : i32
    %dma_start3A_400 = arith.constant 0 : i32
    %dma_start3A_401 = tpu.memref_slice %arg3[%dma_start3A_399, %dma_start3A_400] : memref<8192x256xf32, #tpu.memory_space<hbm>> -> memref<8192x256xf32, #tpu.memory_space<hbm>>
    tpu.enqueue_indirect_dma source(%dma_start3A_401 : memref<8192x256xf32, #tpu.memory_space<hbm>>) target(%arg10 : memref<64x256xf32, #tpu.memory_space<vmem>>) offsets(%dma_start3A_398 : memref<64xi32, #tpu.memory_space<vmem>>) semaphore(%arg14 : memref<!tpu.dma_semaphore, #tpu.memory_space<semaphore_mem>>)
    %dma_start3A_402 = arith.constant 704 : i32
    %dma_start3A_403 = tpu.memref_slice %arg8[%dma_start3A_402] : memref<1024xi32, #tpu.memory_space<vmem>> -> memref<64xi32, #tpu.memory_space<vmem>>
    %dma_start3A_404 = arith.constant 0 : i32
    %dma_start3A_405 = arith.constant 0 : i32
    %dma_start3A_406 = tpu.memref_slice %arg4[%dma_start3A_404, %dma_start3A_405] : memref<8192x256xf32, #tpu.memory_space<hbm>> -> memref<8192x256xf32, #tpu.memory_space<hbm>>
    tpu.enqueue_indirect_dma source(%dma_start3A_406 : memref<8192x256xf32, #tpu.memory_space<hbm>>) target(%arg12 : memref<64x256xf32, #tpu.memory_space<vmem>>) offsets(%dma_start3A_403 : memref<64xi32, #tpu.memory_space<vmem>>) semaphore(%arg16 : memref<!tpu.dma_semaphore, #tpu.memory_space<semaphore_mem>>)
    %scan3A_407 = arith.constant 0 : i32
    %scan3A_408 = arith.constant 0 : i32
    %scan3A_409 = arith.constant 64 : i32
    %scan3A_410 = arith.addi %scan3A_408, %scan3A_409 : i32
    %scan3A_411 = arith.constant 1 : i32
    %scan3A_412 = scf.for %scan3A_599 = %scan3A_408 to %scan3A_410 step %scan3A_411 iter_args(%scan3A_600 = %scan3A_407) -> (i32)  : i32 {
      %get3A = arith.index_cast %scan3A_599 : i32 to index
      %get3A_601 = arith.constant 0 : index
      %get3A_602 = tpu.vector_load %arg11[%get3A, %get3A_601] {strides = array<i32>} : memref<64x256xf32, #tpu.memory_space<vmem>>, vector<16xf32>,
      %swap3A = arith.index_cast %scan3A_599 : i32 to index
      %swap3A_603 = arith.constant 0 : index
      %swap3A_604 = tpu.vector_load %arg9[%swap3A, %swap3A_603] {strides = array<i32>} : memref<64x256xf32, #tpu.memory_space<vmem>>, vector<16xf32>,
      tpu.vector_store %arg9[%swap3A, %swap3A_603], %get3A_602 {add = true, strides = array<i32>} : memref<64x256xf32, #tpu.memory_space<vmem>>, vector<16xf32>,
      %get3A_605 = arith.index_cast %scan3A_599 : i32 to index
      %get3A_606 = arith.constant 16 : index
      %get3A_607 = tpu.vector_load %arg11[%get3A_605, %get3A_606] {strides = array<i32>} : memref<64x256xf32, #tpu.memory_space<vmem>>, vector<16xf32>,
      %swap3A_608 = arith.index_cast %scan3A_599 : i32 to index
      %swap3A_609 = arith.constant 16 : index
      %swap3A_610 = tpu.vector_load %arg9[%swap3A_608, %swap3A_609] {strides = array<i32>} : memref<64x256xf32, #tpu.memory_space<vmem>>, vector<16xf32>,
      tpu.vector_store %arg9[%swap3A_608, %swap3A_609], %get3A_607 {add = true, strides = array<i32>} : memref<64x256xf32, #tpu.memory_space<vmem>>, vector<16xf32>,
      %get3A_611 = arith.index_cast %scan3A_599 : i32 to index
      %get3A_612 = arith.constant 32 : index
      %get3A_613 = tpu.vector_load %arg11[%get3A_611, %get3A_612] {strides = array<i32>} : memref<64x256xf32, #tpu.memory_space<vmem>>, vector<16xf32>,
      %swap3A_614 = arith.index_cast %scan3A_599 : i32 to index
      %swap3A_615 = arith.constant 32 : index
      %swap3A_616 = tpu.vector_load %arg9[%swap3A_614, %swap3A_615] {strides = array<i32>} : memref<64x256xf32, #tpu.memory_space<vmem>>, vector<16xf32>,
      tpu.vector_store %arg9[%swap3A_614, %swap3A_615], %get3A_613 {add = true, strides = array<i32>} : memref<64x256xf32, #tpu.memory_space<vmem>>, vector<16xf32>,
      %get3A_617 = arith.index_cast %scan3A_599 : i32 to index
      %get3A_618 = arith.constant 48 : index
      %get3A_619 = tpu.vector_load %arg11[%get3A_617, %get3A_618] {strides = array<i32>} : memref<64x256xf32, #tpu.memory_space<vmem>>, vector<16xf32>,
      %swap3A_620 = arith.index_cast %scan3A_599 : i32 to index
      %swap3A_621 = arith.constant 48 : index
      %swap3A_622 = tpu.vector_load %arg9[%swap3A_620, %swap3A_621] {strides = array<i32>} : memref<64x256xf32, #tpu.memory_space<vmem>>, vector<16xf32>,
      tpu.vector_store %arg9[%swap3A_620, %swap3A_621], %get3A_619 {add = true, strides = array<i32>} : memref<64x256xf32, #tpu.memory_space<vmem>>, vector<16xf32>,
      %get3A_623 = arith.index_cast %scan3A_599 : i32 to index
      %get3A_624 = arith.constant 64 : index
      %get3A_625 = tpu.vector_load %arg11[%get3A_623, %get3A_624] {strides = array<i32>} : memref<64x256xf32, #tpu.memory_space<vmem>>, vector<16xf32>,
      %swap3A_626 = arith.index_cast %scan3A_599 : i32 to index
      %swap3A_627 = arith.constant 64 : index
      %swap3A_628 = tpu.vector_load %arg9[%swap3A_626, %swap3A_627] {strides = array<i32>} : memref<64x256xf32, #tpu.memory_space<vmem>>, vector<16xf32>,
      tpu.vector_store %arg9[%swap3A_626, %swap3A_627], %get3A_625 {add = true, strides = array<i32>} : memref<64x256xf32, #tpu.memory_space<vmem>>, vector<16xf32>,
      %get3A_629 = arith.index_cast %scan3A_599 : i32 to index
      %get3A_630 = arith.constant 80 : index
      %get3A_631 = tpu.vector_load %arg11[%get3A_629, %get3A_630] {strides = array<i32>} : memref<64x256xf32, #tpu.memory_space<vmem>>, vector<16xf32>,
      %swap3A_632 = arith.index_cast %scan3A_599 : i32 to index
      %swap3A_633 = arith.constant 80 : index
      %swap3A_634 = tpu.vector_load %arg9[%swap3A_632, %swap3A_633] {strides = array<i32>} : memref<64x256xf32, #tpu.memory_space<vmem>>, vector<16xf32>,
      tpu.vector_store %arg9[%swap3A_632, %swap3A_633], %get3A_631 {add = true, strides = array<i32>} : memref<64x256xf32, #tpu.memory_space<vmem>>, vector<16xf32>,
      %get3A_635 = arith.index_cast %scan3A_599 : i32 to index
      %get3A_636 = arith.constant 96 : index
      %get3A_637 = tpu.vector_load %arg11[%get3A_635, %get3A_636] {strides = array<i32>} : memref<64x256xf32, #tpu.memory_space<vmem>>, vector<16xf32>,
      %swap3A_638 = arith.index_cast %scan3A_599 : i32 to index
      %swap3A_639 = arith.constant 96 : index
      %swap3A_640 = tpu.vector_load %arg9[%swap3A_638, %swap3A_639] {strides = array<i32>} : memref<64x256xf32, #tpu.memory_space<vmem>>, vector<16xf32>,
      tpu.vector_store %arg9[%swap3A_638, %swap3A_639], %get3A_637 {add = true, strides = array<i32>} : memref<64x256xf32, #tpu.memory_space<vmem>>, vector<16xf32>,
      %get3A_641 = arith.index_cast %scan3A_599 : i32 to index
      %get3A_642 = arith.constant 112 : index
      %get3A_643 = tpu.vector_load %arg11[%get3A_641, %get3A_642] {strides = array<i32>} : memref<64x256xf32, #tpu.memory_space<vmem>>, vector<16xf32>,
      %swap3A_644 = arith.index_cast %scan3A_599 : i32 to index
      %swap3A_645 = arith.constant 112 : index
      %swap3A_646 = tpu.vector_load %arg9[%swap3A_644, %swap3A_645] {strides = array<i32>} : memref<64x256xf32, #tpu.memory_space<vmem>>, vector<16xf32>,
      tpu.vector_store %arg9[%swap3A_644, %swap3A_645], %get3A_643 {add = true, strides = array<i32>} : memref<64x256xf32, #tpu.memory_space<vmem>>, vector<16xf32>,
      %get3A_647 = arith.index_cast %scan3A_599 : i32 to index
      %get3A_648 = arith.constant 128 : index
      %get3A_649 = tpu.vector_load %arg11[%get3A_647, %get3A_648] {strides = array<i32>} : memref<64x256xf32, #tpu.memory_space<vmem>>, vector<16xf32>,
      %swap3A_650 = arith.index_cast %scan3A_599 : i32 to index
      %swap3A_651 = arith.constant 128 : index
      %swap3A_652 = tpu.vector_load %arg9[%swap3A_650, %swap3A_651] {strides = array<i32>} : memref<64x256xf32, #tpu.memory_space<vmem>>, vector<16xf32>,
      tpu.vector_store %arg9[%swap3A_650, %swap3A_651], %get3A_649 {add = true, strides = array<i32>} : memref<64x256xf32, #tpu.memory_space<vmem>>, vector<16xf32>,
      %get3A_653 = arith.index_cast %scan3A_599 : i32 to index
      %get3A_654 = arith.constant 144 : index
      %get3A_655 = tpu.vector_load %arg11[%get3A_653, %get3A_654] {strides = array<i32>} : memref<64x256xf32, #tpu.memory_space<vmem>>, vector<16xf32>,
      %swap3A_656 = arith.index_cast %scan3A_599 : i32 to index
      %swap3A_657 = arith.constant 144 : index
      %swap3A_658 = tpu.vector_load %arg9[%swap3A_656, %swap3A_657] {strides = array<i32>} : memref<64x256xf32, #tpu.memory_space<vmem>>, vector<16xf32>,
      tpu.vector_store %arg9[%swap3A_656, %swap3A_657], %get3A_655 {add = true, strides = array<i32>} : memref<64x256xf32, #tpu.memory_space<vmem>>, vector<16xf32>,
      %get3A_659 = arith.index_cast %scan3A_599 : i32 to index
      %get3A_660 = arith.constant 160 : index
      %get3A_661 = tpu.vector_load %arg11[%get3A_659, %get3A_660] {strides = array<i32>} : memref<64x256xf32, #tpu.memory_space<vmem>>, vector<16xf32>,
      %swap3A_662 = arith.index_cast %scan3A_599 : i32 to index
      %swap3A_663 = arith.constant 160 : index
      %swap3A_664 = tpu.vector_load %arg9[%swap3A_662, %swap3A_663] {strides = array<i32>} : memref<64x256xf32, #tpu.memory_space<vmem>>, vector<16xf32>,
      tpu.vector_store %arg9[%swap3A_662, %swap3A_663], %get3A_661 {add = true, strides = array<i32>} : memref<64x256xf32, #tpu.memory_space<vmem>>, vector<16xf32>,
      %get3A_665 = arith.index_cast %scan3A_599 : i32 to index
      %get3A_666 = arith.constant 176 : index
      %get3A_667 = tpu.vector_load %arg11[%get3A_665, %get3A_666] {strides = array<i32>} : memref<64x256xf32, #tpu.memory_space<vmem>>, vector<16xf32>,
      %swap3A_668 = arith.index_cast %scan3A_599 : i32 to index
      %swap3A_669 = arith.constant 176 : index
      %swap3A_670 = tpu.vector_load %arg9[%swap3A_668, %swap3A_669] {strides = array<i32>} : memref<64x256xf32, #tpu.memory_space<vmem>>, vector<16xf32>,
      tpu.vector_store %arg9[%swap3A_668, %swap3A_669], %get3A_667 {add = true, strides = array<i32>} : memref<64x256xf32, #tpu.memory_space<vmem>>, vector<16xf32>,
      %get3A_671 = arith.index_cast %scan3A_599 : i32 to index
      %get3A_672 = arith.constant 192 : index
      %get3A_673 = tpu.vector_load %arg11[%get3A_671, %get3A_672] {strides = array<i32>} : memref<64x256xf32, #tpu.memory_space<vmem>>, vector<16xf32>,
      %swap3A_674 = arith.index_cast %scan3A_599 : i32 to index
      %swap3A_675 = arith.constant 192 : index
      %swap3A_676 = tpu.vector_load %arg9[%swap3A_674, %swap3A_675] {strides = array<i32>} : memref<64x256xf32, #tpu.memory_space<vmem>>, vector<16xf32>,
      tpu.vector_store %arg9[%swap3A_674, %swap3A_675], %get3A_673 {add = true, strides = array<i32>} : memref<64x256xf32, #tpu.memory_space<vmem>>, vector<16xf32>,
      %get3A_677 = arith.index_cast %scan3A_599 : i32 to index
      %get3A_678 = arith.constant 208 : index
      %get3A_679 = tpu.vector_load %arg11[%get3A_677, %get3A_678] {strides = array<i32>} : memref<64x256xf32, #tpu.memory_space<vmem>>, vector<16xf32>,
      %swap3A_680 = arith.index_cast %scan3A_599 : i32 to index
      %swap3A_681 = arith.constant 208 : index
      %swap3A_682 = tpu.vector_load %arg9[%swap3A_680, %swap3A_681] {strides = array<i32>} : memref<64x256xf32, #tpu.memory_space<vmem>>, vector<16xf32>,
      tpu.vector_store %arg9[%swap3A_680, %swap3A_681], %get3A_679 {add = true, strides = array<i32>} : memref<64x256xf32, #tpu.memory_space<vmem>>, vector<16xf32>,
      %get3A_683 = arith.index_cast %scan3A_599 : i32 to index
      %get3A_684 = arith.constant 224 : index
      %get3A_685 = tpu.vector_load %arg11[%get3A_683, %get3A_684] {strides = array<i32>} : memref<64x256xf32, #tpu.memory_space<vmem>>, vector<16xf32>,
      %swap3A_686 = arith.index_cast %scan3A_599 : i32 to index
      %swap3A_687 = arith.constant 224 : index
      %swap3A_688 = tpu.vector_load %arg9[%swap3A_686, %swap3A_687] {strides = array<i32>} : memref<64x256xf32, #tpu.memory_space<vmem>>, vector<16xf32>,
      tpu.vector_store %arg9[%swap3A_686, %swap3A_687], %get3A_685 {add = true, strides = array<i32>} : memref<64x256xf32, #tpu.memory_space<vmem>>, vector<16xf32>,
      %get3A_689 = arith.index_cast %scan3A_599 : i32 to index
      %get3A_690 = arith.constant 240 : index
      %get3A_691 = tpu.vector_load %arg11[%get3A_689, %get3A_690] {strides = array<i32>} : memref<64x256xf32, #tpu.memory_space<vmem>>, vector<16xf32>,
      %swap3A_692 = arith.index_cast %scan3A_599 : i32 to index
      %swap3A_693 = arith.constant 240 : index
      %swap3A_694 = tpu.vector_load %arg9[%swap3A_692, %swap3A_693] {strides = array<i32>} : memref<64x256xf32, #tpu.memory_space<vmem>>, vector<16xf32>,
      tpu.vector_store %arg9[%swap3A_692, %swap3A_693], %get3A_691 {add = true, strides = array<i32>} : memref<64x256xf32, #tpu.memory_space<vmem>>, vector<16xf32>,
      %scan3A_695 = arith.constant 0 : i32
      scf.yield %scan3A_695 : i32
    }
    %scan3A_413 = arith.constant 64 : i32
    %add3A_414 = arith.constant 640 : i32
    %add3A_415 = arith.addi %mul3A_2, %add3A_414 : i32
    %dma_start3A_416 = arith.constant 0 : i32
    %dma_start3A_417 = tpu.memref_slice %arg5[%add3A_415, %dma_start3A_416] : memref<32768x256xf32, #tpu.memory_space<hbm>> -> memref<64x256xf32, #tpu.memory_space<hbm>>
    %dma_start3A_418 = arith.constant 0 : i32
    %dma_start3A_419 = tpu.memref_slice %arg5[%add3A_415, %dma_start3A_418] : memref<32768x256xf32, #tpu.memory_space<hbm>> -> memref<64x256xf32, #tpu.memory_space<hbm>>
    tpu.enqueue_dma source(%arg9 : memref<64x256xf32, #tpu.memory_space<vmem>>) target(%dma_start3A_419 : memref<64x256xf32, #tpu.memory_space<hbm>>) target_semaphore(%arg17 : memref<!tpu.dma_semaphore, #tpu.memory_space<semaphore_mem>>)
    %dma_wait3A_420 = arith.constant 704 : i32
    %dma_wait3A_421 = tpu.memref_slice %arg7[%dma_wait3A_420] : memref<1024xi32, #tpu.memory_space<vmem>> -> memref<64xi32, #tpu.memory_space<vmem>>
    %dma_wait3A_422 = arith.constant 0 : i32
    %dma_wait3A_423 = arith.constant 0 : i32
    %dma_wait3A_424 = tpu.memref_slice %arg3[%dma_wait3A_422, %dma_wait3A_423] : memref<8192x256xf32, #tpu.memory_space<hbm>> -> memref<8192x256xf32, #tpu.memory_space<hbm>>
    tpu.wait_indirect_dma semaphore(%arg14 : memref<!tpu.dma_semaphore, #tpu.memory_space<semaphore_mem>>) src(%dma_wait3A_424 : memref<8192x256xf32, #tpu.memory_space<hbm>>) dst(%arg10 : memref<64x256xf32, #tpu.memory_space<vmem>>)
    %dma_wait3A_425 = arith.constant 704 : i32
    %dma_wait3A_426 = tpu.memref_slice %arg8[%dma_wait3A_425] : memref<1024xi32, #tpu.memory_space<vmem>> -> memref<64xi32, #tpu.memory_space<vmem>>
    %dma_wait3A_427 = arith.constant 0 : i32
    %dma_wait3A_428 = arith.constant 0 : i32
    %dma_wait3A_429 = tpu.memref_slice %arg4[%dma_wait3A_427, %dma_wait3A_428] : memref<8192x256xf32, #tpu.memory_space<hbm>> -> memref<8192x256xf32, #tpu.memory_space<hbm>>
    tpu.wait_indirect_dma semaphore(%arg16 : memref<!tpu.dma_semaphore, #tpu.memory_space<semaphore_mem>>) src(%dma_wait3A_429 : memref<8192x256xf32, #tpu.memory_space<hbm>>) dst(%arg12 : memref<64x256xf32, #tpu.memory_space<vmem>>)
    %dma_wait3A_430 = arith.constant 0 : i32
    %dma_wait3A_431 = tpu.memref_slice %arg5[%add3A_415, %dma_wait3A_430] : memref<32768x256xf32, #tpu.memory_space<hbm>> -> memref<64x256xf32, #tpu.memory_space<hbm>>
    %dma_wait3A_432 = arith.constant 0 : i32
    %dma_wait3A_433 = tpu.memref_slice %arg5[%add3A_415, %dma_wait3A_432] : memref<32768x256xf32, #tpu.memory_space<hbm>> -> memref<64x256xf32, #tpu.memory_space<hbm>>
    tpu.wait_dma2 semaphore(%arg17 : memref<!tpu.dma_semaphore, #tpu.memory_space<semaphore_mem>>) src(%arg9 : memref<64x256xf32, #tpu.memory_space<vmem>>) dst(%dma_wait3A_433 : memref<64x256xf32, #tpu.memory_space<hbm>>)
    %dma_start3A_434 = arith.constant 768 : i32
    %dma_start3A_435 = tpu.memref_slice %arg7[%dma_start3A_434] : memref<1024xi32, #tpu.memory_space<vmem>> -> memref<64xi32, #tpu.memory_space<vmem>>
    %dma_start3A_436 = arith.constant 0 : i32
    %dma_start3A_437 = arith.constant 0 : i32
    %dma_start3A_438 = tpu.memref_slice %arg3[%dma_start3A_436, %dma_start3A_437] : memref<8192x256xf32, #tpu.memory_space<hbm>> -> memref<8192x256xf32, #tpu.memory_space<hbm>>
    tpu.enqueue_indirect_dma source(%dma_start3A_438 : memref<8192x256xf32, #tpu.memory_space<hbm>>) target(%arg9 : memref<64x256xf32, #tpu.memory_space<vmem>>) offsets(%dma_start3A_435 : memref<64xi32, #tpu.memory_space<vmem>>) semaphore(%arg13 : memref<!tpu.dma_semaphore, #tpu.memory_space<semaphore_mem>>)
    %dma_start3A_439 = arith.constant 768 : i32
    %dma_start3A_440 = tpu.memref_slice %arg8[%dma_start3A_439] : memref<1024xi32, #tpu.memory_space<vmem>> -> memref<64xi32, #tpu.memory_space<vmem>>
    %dma_start3A_441 = arith.constant 0 : i32
    %dma_start3A_442 = arith.constant 0 : i32
    %dma_start3A_443 = tpu.memref_slice %arg4[%dma_start3A_441, %dma_start3A_442] : memref<8192x256xf32, #tpu.memory_space<hbm>> -> memref<8192x256xf32, #tpu.memory_space<hbm>>
    tpu.enqueue_indirect_dma source(%dma_start3A_443 : memref<8192x256xf32, #tpu.memory_space<hbm>>) target(%arg11 : memref<64x256xf32, #tpu.memory_space<vmem>>) offsets(%dma_start3A_440 : memref<64xi32, #tpu.memory_space<vmem>>) semaphore(%arg15 : memref<!tpu.dma_semaphore, #tpu.memory_space<semaphore_mem>>)
    %scan3A_444 = arith.constant 0 : i32
    %scan3A_445 = arith.constant 0 : i32
    %scan3A_446 = arith.constant 64 : i32
    %scan3A_447 = arith.addi %scan3A_445, %scan3A_446 : i32
    %scan3A_448 = arith.constant 1 : i32
    %scan3A_449 = scf.for %scan3A_599 = %scan3A_445 to %scan3A_447 step %scan3A_448 iter_args(%scan3A_600 = %scan3A_444) -> (i32)  : i32 {
      %get3A = arith.index_cast %scan3A_599 : i32 to index
      %get3A_601 = arith.constant 0 : index
      %get3A_602 = tpu.vector_load %arg12[%get3A, %get3A_601] {strides = array<i32>} : memref<64x256xf32, #tpu.memory_space<vmem>>, vector<16xf32>,
      %swap3A = arith.index_cast %scan3A_599 : i32 to index
      %swap3A_603 = arith.constant 0 : index
      %swap3A_604 = tpu.vector_load %arg10[%swap3A, %swap3A_603] {strides = array<i32>} : memref<64x256xf32, #tpu.memory_space<vmem>>, vector<16xf32>,
      tpu.vector_store %arg10[%swap3A, %swap3A_603], %get3A_602 {add = true, strides = array<i32>} : memref<64x256xf32, #tpu.memory_space<vmem>>, vector<16xf32>,
      %get3A_605 = arith.index_cast %scan3A_599 : i32 to index
      %get3A_606 = arith.constant 16 : index
      %get3A_607 = tpu.vector_load %arg12[%get3A_605, %get3A_606] {strides = array<i32>} : memref<64x256xf32, #tpu.memory_space<vmem>>, vector<16xf32>,
      %swap3A_608 = arith.index_cast %scan3A_599 : i32 to index
      %swap3A_609 = arith.constant 16 : index
      %swap3A_610 = tpu.vector_load %arg10[%swap3A_608, %swap3A_609] {strides = array<i32>} : memref<64x256xf32, #tpu.memory_space<vmem>>, vector<16xf32>,
      tpu.vector_store %arg10[%swap3A_608, %swap3A_609], %get3A_607 {add = true, strides = array<i32>} : memref<64x256xf32, #tpu.memory_space<vmem>>, vector<16xf32>,
      %get3A_611 = arith.index_cast %scan3A_599 : i32 to index
      %get3A_612 = arith.constant 32 : index
      %get3A_613 = tpu.vector_load %arg12[%get3A_611, %get3A_612] {strides = array<i32>} : memref<64x256xf32, #tpu.memory_space<vmem>>, vector<16xf32>,
      %swap3A_614 = arith.index_cast %scan3A_599 : i32 to index
      %swap3A_615 = arith.constant 32 : index
      %swap3A_616 = tpu.vector_load %arg10[%swap3A_614, %swap3A_615] {strides = array<i32>} : memref<64x256xf32, #tpu.memory_space<vmem>>, vector<16xf32>,
      tpu.vector_store %arg10[%swap3A_614, %swap3A_615], %get3A_613 {add = true, strides = array<i32>} : memref<64x256xf32, #tpu.memory_space<vmem>>, vector<16xf32>,
      %get3A_617 = arith.index_cast %scan3A_599 : i32 to index
      %get3A_618 = arith.constant 48 : index
      %get3A_619 = tpu.vector_load %arg12[%get3A_617, %get3A_618] {strides = array<i32>} : memref<64x256xf32, #tpu.memory_space<vmem>>, vector<16xf32>,
      %swap3A_620 = arith.index_cast %scan3A_599 : i32 to index
      %swap3A_621 = arith.constant 48 : index
      %swap3A_622 = tpu.vector_load %arg10[%swap3A_620, %swap3A_621] {strides = array<i32>} : memref<64x256xf32, #tpu.memory_space<vmem>>, vector<16xf32>,
      tpu.vector_store %arg10[%swap3A_620, %swap3A_621], %get3A_619 {add = true, strides = array<i32>} : memref<64x256xf32, #tpu.memory_space<vmem>>, vector<16xf32>,
      %get3A_623 = arith.index_cast %scan3A_599 : i32 to index
      %get3A_624 = arith.constant 64 : index
      %get3A_625 = tpu.vector_load %arg12[%get3A_623, %get3A_624] {strides = array<i32>} : memref<64x256xf32, #tpu.memory_space<vmem>>, vector<16xf32>,
      %swap3A_626 = arith.index_cast %scan3A_599 : i32 to index
      %swap3A_627 = arith.constant 64 : index
      %swap3A_628 = tpu.vector_load %arg10[%swap3A_626, %swap3A_627] {strides = array<i32>} : memref<64x256xf32, #tpu.memory_space<vmem>>, vector<16xf32>,
      tpu.vector_store %arg10[%swap3A_626, %swap3A_627], %get3A_625 {add = true, strides = array<i32>} : memref<64x256xf32, #tpu.memory_space<vmem>>, vector<16xf32>,
      %get3A_629 = arith.index_cast %scan3A_599 : i32 to index
      %get3A_630 = arith.constant 80 : index
      %get3A_631 = tpu.vector_load %arg12[%get3A_629, %get3A_630] {strides = array<i32>} : memref<64x256xf32, #tpu.memory_space<vmem>>, vector<16xf32>,
      %swap3A_632 = arith.index_cast %scan3A_599 : i32 to index
      %swap3A_633 = arith.constant 80 : index
      %swap3A_634 = tpu.vector_load %arg10[%swap3A_632, %swap3A_633] {strides = array<i32>} : memref<64x256xf32, #tpu.memory_space<vmem>>, vector<16xf32>,
      tpu.vector_store %arg10[%swap3A_632, %swap3A_633], %get3A_631 {add = true, strides = array<i32>} : memref<64x256xf32, #tpu.memory_space<vmem>>, vector<16xf32>,
      %get3A_635 = arith.index_cast %scan3A_599 : i32 to index
      %get3A_636 = arith.constant 96 : index
      %get3A_637 = tpu.vector_load %arg12[%get3A_635, %get3A_636] {strides = array<i32>} : memref<64x256xf32, #tpu.memory_space<vmem>>, vector<16xf32>,
      %swap3A_638 = arith.index_cast %scan3A_599 : i32 to index
      %swap3A_639 = arith.constant 96 : index
      %swap3A_640 = tpu.vector_load %arg10[%swap3A_638, %swap3A_639] {strides = array<i32>} : memref<64x256xf32, #tpu.memory_space<vmem>>, vector<16xf32>,
      tpu.vector_store %arg10[%swap3A_638, %swap3A_639], %get3A_637 {add = true, strides = array<i32>} : memref<64x256xf32, #tpu.memory_space<vmem>>, vector<16xf32>,
      %get3A_641 = arith.index_cast %scan3A_599 : i32 to index
      %get3A_642 = arith.constant 112 : index
      %get3A_643 = tpu.vector_load %arg12[%get3A_641, %get3A_642] {strides = array<i32>} : memref<64x256xf32, #tpu.memory_space<vmem>>, vector<16xf32>,
      %swap3A_644 = arith.index_cast %scan3A_599 : i32 to index
      %swap3A_645 = arith.constant 112 : index
      %swap3A_646 = tpu.vector_load %arg10[%swap3A_644, %swap3A_645] {strides = array<i32>} : memref<64x256xf32, #tpu.memory_space<vmem>>, vector<16xf32>,
      tpu.vector_store %arg10[%swap3A_644, %swap3A_645], %get3A_643 {add = true, strides = array<i32>} : memref<64x256xf32, #tpu.memory_space<vmem>>, vector<16xf32>,
      %get3A_647 = arith.index_cast %scan3A_599 : i32 to index
      %get3A_648 = arith.constant 128 : index
      %get3A_649 = tpu.vector_load %arg12[%get3A_647, %get3A_648] {strides = array<i32>} : memref<64x256xf32, #tpu.memory_space<vmem>>, vector<16xf32>,
      %swap3A_650 = arith.index_cast %scan3A_599 : i32 to index
      %swap3A_651 = arith.constant 128 : index
      %swap3A_652 = tpu.vector_load %arg10[%swap3A_650, %swap3A_651] {strides = array<i32>} : memref<64x256xf32, #tpu.memory_space<vmem>>, vector<16xf32>,
      tpu.vector_store %arg10[%swap3A_650, %swap3A_651], %get3A_649 {add = true, strides = array<i32>} : memref<64x256xf32, #tpu.memory_space<vmem>>, vector<16xf32>,
      %get3A_653 = arith.index_cast %scan3A_599 : i32 to index
      %get3A_654 = arith.constant 144 : index
      %get3A_655 = tpu.vector_load %arg12[%get3A_653, %get3A_654] {strides = array<i32>} : memref<64x256xf32, #tpu.memory_space<vmem>>, vector<16xf32>,
      %swap3A_656 = arith.index_cast %scan3A_599 : i32 to index
      %swap3A_657 = arith.constant 144 : index
      %swap3A_658 = tpu.vector_load %arg10[%swap3A_656, %swap3A_657] {strides = array<i32>} : memref<64x256xf32, #tpu.memory_space<vmem>>, vector<16xf32>,
      tpu.vector_store %arg10[%swap3A_656, %swap3A_657], %get3A_655 {add = true, strides = array<i32>} : memref<64x256xf32, #tpu.memory_space<vmem>>, vector<16xf32>,
      %get3A_659 = arith.index_cast %scan3A_599 : i32 to index
      %get3A_660 = arith.constant 160 : index
      %get3A_661 = tpu.vector_load %arg12[%get3A_659, %get3A_660] {strides = array<i32>} : memref<64x256xf32, #tpu.memory_space<vmem>>, vector<16xf32>,
      %swap3A_662 = arith.index_cast %scan3A_599 : i32 to index
      %swap3A_663 = arith.constant 160 : index
      %swap3A_664 = tpu.vector_load %arg10[%swap3A_662, %swap3A_663] {strides = array<i32>} : memref<64x256xf32, #tpu.memory_space<vmem>>, vector<16xf32>,
      tpu.vector_store %arg10[%swap3A_662, %swap3A_663], %get3A_661 {add = true, strides = array<i32>} : memref<64x256xf32, #tpu.memory_space<vmem>>, vector<16xf32>,
      %get3A_665 = arith.index_cast %scan3A_599 : i32 to index
      %get3A_666 = arith.constant 176 : index
      %get3A_667 = tpu.vector_load %arg12[%get3A_665, %get3A_666] {strides = array<i32>} : memref<64x256xf32, #tpu.memory_space<vmem>>, vector<16xf32>,
      %swap3A_668 = arith.index_cast %scan3A_599 : i32 to index
      %swap3A_669 = arith.constant 176 : index
      %swap3A_670 = tpu.vector_load %arg10[%swap3A_668, %swap3A_669] {strides = array<i32>} : memref<64x256xf32, #tpu.memory_space<vmem>>, vector<16xf32>,
      tpu.vector_store %arg10[%swap3A_668, %swap3A_669], %get3A_667 {add = true, strides = array<i32>} : memref<64x256xf32, #tpu.memory_space<vmem>>, vector<16xf32>,
      %get3A_671 = arith.index_cast %scan3A_599 : i32 to index
      %get3A_672 = arith.constant 192 : index
      %get3A_673 = tpu.vector_load %arg12[%get3A_671, %get3A_672] {strides = array<i32>} : memref<64x256xf32, #tpu.memory_space<vmem>>, vector<16xf32>,
      %swap3A_674 = arith.index_cast %scan3A_599 : i32 to index
      %swap3A_675 = arith.constant 192 : index
      %swap3A_676 = tpu.vector_load %arg10[%swap3A_674, %swap3A_675] {strides = array<i32>} : memref<64x256xf32, #tpu.memory_space<vmem>>, vector<16xf32>,
      tpu.vector_store %arg10[%swap3A_674, %swap3A_675], %get3A_673 {add = true, strides = array<i32>} : memref<64x256xf32, #tpu.memory_space<vmem>>, vector<16xf32>,
      %get3A_677 = arith.index_cast %scan3A_599 : i32 to index
      %get3A_678 = arith.constant 208 : index
      %get3A_679 = tpu.vector_load %arg12[%get3A_677, %get3A_678] {strides = array<i32>} : memref<64x256xf32, #tpu.memory_space<vmem>>, vector<16xf32>,
      %swap3A_680 = arith.index_cast %scan3A_599 : i32 to index
      %swap3A_681 = arith.constant 208 : index
      %swap3A_682 = tpu.vector_load %arg10[%swap3A_680, %swap3A_681] {strides = array<i32>} : memref<64x256xf32, #tpu.memory_space<vmem>>, vector<16xf32>,
      tpu.vector_store %arg10[%swap3A_680, %swap3A_681], %get3A_679 {add = true, strides = array<i32>} : memref<64x256xf32, #tpu.memory_space<vmem>>, vector<16xf32>,
      %get3A_683 = arith.index_cast %scan3A_599 : i32 to index
      %get3A_684 = arith.constant 224 : index
      %get3A_685 = tpu.vector_load %arg12[%get3A_683, %get3A_684] {strides = array<i32>} : memref<64x256xf32, #tpu.memory_space<vmem>>, vector<16xf32>,
      %swap3A_686 = arith.index_cast %scan3A_599 : i32 to index
      %swap3A_687 = arith.constant 224 : index
      %swap3A_688 = tpu.vector_load %arg10[%swap3A_686, %swap3A_687] {strides = array<i32>} : memref<64x256xf32, #tpu.memory_space<vmem>>, vector<16xf32>,
      tpu.vector_store %arg10[%swap3A_686, %swap3A_687], %get3A_685 {add = true, strides = array<i32>} : memref<64x256xf32, #tpu.memory_space<vmem>>, vector<16xf32>,
      %get3A_689 = arith.index_cast %scan3A_599 : i32 to index
      %get3A_690 = arith.constant 240 : index
      %get3A_691 = tpu.vector_load %arg12[%get3A_689, %get3A_690] {strides = array<i32>} : memref<64x256xf32, #tpu.memory_space<vmem>>, vector<16xf32>,
      %swap3A_692 = arith.index_cast %scan3A_599 : i32 to index
      %swap3A_693 = arith.constant 240 : index
      %swap3A_694 = tpu.vector_load %arg10[%swap3A_692, %swap3A_693] {strides = array<i32>} : memref<64x256xf32, #tpu.memory_space<vmem>>, vector<16xf32>,
      tpu.vector_store %arg10[%swap3A_692, %swap3A_693], %get3A_691 {add = true, strides = array<i32>} : memref<64x256xf32, #tpu.memory_space<vmem>>, vector<16xf32>,
      %scan3A_695 = arith.constant 0 : i32
      scf.yield %scan3A_695 : i32
    }
    %scan3A_450 = arith.constant 64 : i32
    %add3A_451 = arith.constant 704 : i32
    %add3A_452 = arith.addi %mul3A_2, %add3A_451 : i32
    %dma_start3A_453 = arith.constant 0 : i32
    %dma_start3A_454 = tpu.memref_slice %arg5[%add3A_452, %dma_start3A_453] : memref<32768x256xf32, #tpu.memory_space<hbm>> -> memref<64x256xf32, #tpu.memory_space<hbm>>
    %dma_start3A_455 = arith.constant 0 : i32
    %dma_start3A_456 = tpu.memref_slice %arg5[%add3A_452, %dma_start3A_455] : memref<32768x256xf32, #tpu.memory_space<hbm>> -> memref<64x256xf32, #tpu.memory_space<hbm>>
    tpu.enqueue_dma source(%arg10 : memref<64x256xf32, #tpu.memory_space<vmem>>) target(%dma_start3A_456 : memref<64x256xf32, #tpu.memory_space<hbm>>) target_semaphore(%arg18 : memref<!tpu.dma_semaphore, #tpu.memory_space<semaphore_mem>>)
    %dma_wait3A_457 = arith.constant 768 : i32
    %dma_wait3A_458 = tpu.memref_slice %arg7[%dma_wait3A_457] : memref<1024xi32, #tpu.memory_space<vmem>> -> memref<64xi32, #tpu.memory_space<vmem>>
    %dma_wait3A_459 = arith.constant 0 : i32
    %dma_wait3A_460 = arith.constant 0 : i32
    %dma_wait3A_461 = tpu.memref_slice %arg3[%dma_wait3A_459, %dma_wait3A_460] : memref<8192x256xf32, #tpu.memory_space<hbm>> -> memref<8192x256xf32, #tpu.memory_space<hbm>>
    tpu.wait_indirect_dma semaphore(%arg13 : memref<!tpu.dma_semaphore, #tpu.memory_space<semaphore_mem>>) src(%dma_wait3A_461 : memref<8192x256xf32, #tpu.memory_space<hbm>>) dst(%arg9 : memref<64x256xf32, #tpu.memory_space<vmem>>)
    %dma_wait3A_462 = arith.constant 768 : i32
    %dma_wait3A_463 = tpu.memref_slice %arg8[%dma_wait3A_462] : memref<1024xi32, #tpu.memory_space<vmem>> -> memref<64xi32, #tpu.memory_space<vmem>>
    %dma_wait3A_464 = arith.constant 0 : i32
    %dma_wait3A_465 = arith.constant 0 : i32
    %dma_wait3A_466 = tpu.memref_slice %arg4[%dma_wait3A_464, %dma_wait3A_465] : memref<8192x256xf32, #tpu.memory_space<hbm>> -> memref<8192x256xf32, #tpu.memory_space<hbm>>
    tpu.wait_indirect_dma semaphore(%arg15 : memref<!tpu.dma_semaphore, #tpu.memory_space<semaphore_mem>>) src(%dma_wait3A_466 : memref<8192x256xf32, #tpu.memory_space<hbm>>) dst(%arg11 : memref<64x256xf32, #tpu.memory_space<vmem>>)
    %dma_wait3A_467 = arith.constant 0 : i32
    %dma_wait3A_468 = tpu.memref_slice %arg5[%add3A_452, %dma_wait3A_467] : memref<32768x256xf32, #tpu.memory_space<hbm>> -> memref<64x256xf32, #tpu.memory_space<hbm>>
    %dma_wait3A_469 = arith.constant 0 : i32
    %dma_wait3A_470 = tpu.memref_slice %arg5[%add3A_452, %dma_wait3A_469] : memref<32768x256xf32, #tpu.memory_space<hbm>> -> memref<64x256xf32, #tpu.memory_space<hbm>>
    tpu.wait_dma2 semaphore(%arg18 : memref<!tpu.dma_semaphore, #tpu.memory_space<semaphore_mem>>) src(%arg10 : memref<64x256xf32, #tpu.memory_space<vmem>>) dst(%dma_wait3A_470 : memref<64x256xf32, #tpu.memory_space<hbm>>)
    %dma_start3A_471 = arith.constant 832 : i32
    %dma_start3A_472 = tpu.memref_slice %arg7[%dma_start3A_471] : memref<1024xi32, #tpu.memory_space<vmem>> -> memref<64xi32, #tpu.memory_space<vmem>>
    %dma_start3A_473 = arith.constant 0 : i32
    %dma_start3A_474 = arith.constant 0 : i32
    %dma_start3A_475 = tpu.memref_slice %arg3[%dma_start3A_473, %dma_start3A_474] : memref<8192x256xf32, #tpu.memory_space<hbm>> -> memref<8192x256xf32, #tpu.memory_space<hbm>>
    tpu.enqueue_indirect_dma source(%dma_start3A_475 : memref<8192x256xf32, #tpu.memory_space<hbm>>) target(%arg10 : memref<64x256xf32, #tpu.memory_space<vmem>>) offsets(%dma_start3A_472 : memref<64xi32, #tpu.memory_space<vmem>>) semaphore(%arg14 : memref<!tpu.dma_semaphore, #tpu.memory_space<semaphore_mem>>)
    %dma_start3A_476 = arith.constant 832 : i32
    %dma_start3A_477 = tpu.memref_slice %arg8[%dma_start3A_476] : memref<1024xi32, #tpu.memory_space<vmem>> -> memref<64xi32, #tpu.memory_space<vmem>>
    %dma_start3A_478 = arith.constant 0 : i32
    %dma_start3A_479 = arith.constant 0 : i32
    %dma_start3A_480 = tpu.memref_slice %arg4[%dma_start3A_478, %dma_start3A_479] : memref<8192x256xf32, #tpu.memory_space<hbm>> -> memref<8192x256xf32, #tpu.memory_space<hbm>>
    tpu.enqueue_indirect_dma source(%dma_start3A_480 : memref<8192x256xf32, #tpu.memory_space<hbm>>) target(%arg12 : memref<64x256xf32, #tpu.memory_space<vmem>>) offsets(%dma_start3A_477 : memref<64xi32, #tpu.memory_space<vmem>>) semaphore(%arg16 : memref<!tpu.dma_semaphore, #tpu.memory_space<semaphore_mem>>)
    %scan3A_481 = arith.constant 0 : i32
    %scan3A_482 = arith.constant 0 : i32
    %scan3A_483 = arith.constant 64 : i32
    %scan3A_484 = arith.addi %scan3A_482, %scan3A_483 : i32
    %scan3A_485 = arith.constant 1 : i32
    %scan3A_486 = scf.for %scan3A_599 = %scan3A_482 to %scan3A_484 step %scan3A_485 iter_args(%scan3A_600 = %scan3A_481) -> (i32)  : i32 {
      %get3A = arith.index_cast %scan3A_599 : i32 to index
      %get3A_601 = arith.constant 0 : index
      %get3A_602 = tpu.vector_load %arg11[%get3A, %get3A_601] {strides = array<i32>} : memref<64x256xf32, #tpu.memory_space<vmem>>, vector<16xf32>,
      %swap3A = arith.index_cast %scan3A_599 : i32 to index
      %swap3A_603 = arith.constant 0 : index
      %swap3A_604 = tpu.vector_load %arg9[%swap3A, %swap3A_603] {strides = array<i32>} : memref<64x256xf32, #tpu.memory_space<vmem>>, vector<16xf32>,
      tpu.vector_store %arg9[%swap3A, %swap3A_603], %get3A_602 {add = true, strides = array<i32>} : memref<64x256xf32, #tpu.memory_space<vmem>>, vector<16xf32>,
      %get3A_605 = arith.index_cast %scan3A_599 : i32 to index
      %get3A_606 = arith.constant 16 : index
      %get3A_607 = tpu.vector_load %arg11[%get3A_605, %get3A_606] {strides = array<i32>} : memref<64x256xf32, #tpu.memory_space<vmem>>, vector<16xf32>,
      %swap3A_608 = arith.index_cast %scan3A_599 : i32 to index
      %swap3A_609 = arith.constant 16 : index
      %swap3A_610 = tpu.vector_load %arg9[%swap3A_608, %swap3A_609] {strides = array<i32>} : memref<64x256xf32, #tpu.memory_space<vmem>>, vector<16xf32>,
      tpu.vector_store %arg9[%swap3A_608, %swap3A_609], %get3A_607 {add = true, strides = array<i32>} : memref<64x256xf32, #tpu.memory_space<vmem>>, vector<16xf32>,
      %get3A_611 = arith.index_cast %scan3A_599 : i32 to index
      %get3A_612 = arith.constant 32 : index
      %get3A_613 = tpu.vector_load %arg11[%get3A_611, %get3A_612] {strides = array<i32>} : memref<64x256xf32, #tpu.memory_space<vmem>>, vector<16xf32>,
      %swap3A_614 = arith.index_cast %scan3A_599 : i32 to index
      %swap3A_615 = arith.constant 32 : index
      %swap3A_616 = tpu.vector_load %arg9[%swap3A_614, %swap3A_615] {strides = array<i32>} : memref<64x256xf32, #tpu.memory_space<vmem>>, vector<16xf32>,
      tpu.vector_store %arg9[%swap3A_614, %swap3A_615], %get3A_613 {add = true, strides = array<i32>} : memref<64x256xf32, #tpu.memory_space<vmem>>, vector<16xf32>,
      %get3A_617 = arith.index_cast %scan3A_599 : i32 to index
      %get3A_618 = arith.constant 48 : index
      %get3A_619 = tpu.vector_load %arg11[%get3A_617, %get3A_618] {strides = array<i32>} : memref<64x256xf32, #tpu.memory_space<vmem>>, vector<16xf32>,
      %swap3A_620 = arith.index_cast %scan3A_599 : i32 to index
      %swap3A_621 = arith.constant 48 : index
      %swap3A_622 = tpu.vector_load %arg9[%swap3A_620, %swap3A_621] {strides = array<i32>} : memref<64x256xf32, #tpu.memory_space<vmem>>, vector<16xf32>,
      tpu.vector_store %arg9[%swap3A_620, %swap3A_621], %get3A_619 {add = true, strides = array<i32>} : memref<64x256xf32, #tpu.memory_space<vmem>>, vector<16xf32>,
      %get3A_623 = arith.index_cast %scan3A_599 : i32 to index
      %get3A_624 = arith.constant 64 : index
      %get3A_625 = tpu.vector_load %arg11[%get3A_623, %get3A_624] {strides = array<i32>} : memref<64x256xf32, #tpu.memory_space<vmem>>, vector<16xf32>,
      %swap3A_626 = arith.index_cast %scan3A_599 : i32 to index
      %swap3A_627 = arith.constant 64 : index
      %swap3A_628 = tpu.vector_load %arg9[%swap3A_626, %swap3A_627] {strides = array<i32>} : memref<64x256xf32, #tpu.memory_space<vmem>>, vector<16xf32>,
      tpu.vector_store %arg9[%swap3A_626, %swap3A_627], %get3A_625 {add = true, strides = array<i32>} : memref<64x256xf32, #tpu.memory_space<vmem>>, vector<16xf32>,
      %get3A_629 = arith.index_cast %scan3A_599 : i32 to index
      %get3A_630 = arith.constant 80 : index
      %get3A_631 = tpu.vector_load %arg11[%get3A_629, %get3A_630] {strides = array<i32>} : memref<64x256xf32, #tpu.memory_space<vmem>>, vector<16xf32>,
      %swap3A_632 = arith.index_cast %scan3A_599 : i32 to index
      %swap3A_633 = arith.constant 80 : index
      %swap3A_634 = tpu.vector_load %arg9[%swap3A_632, %swap3A_633] {strides = array<i32>} : memref<64x256xf32, #tpu.memory_space<vmem>>, vector<16xf32>,
      tpu.vector_store %arg9[%swap3A_632, %swap3A_633], %get3A_631 {add = true, strides = array<i32>} : memref<64x256xf32, #tpu.memory_space<vmem>>, vector<16xf32>,
      %get3A_635 = arith.index_cast %scan3A_599 : i32 to index
      %get3A_636 = arith.constant 96 : index
      %get3A_637 = tpu.vector_load %arg11[%get3A_635, %get3A_636] {strides = array<i32>} : memref<64x256xf32, #tpu.memory_space<vmem>>, vector<16xf32>,
      %swap3A_638 = arith.index_cast %scan3A_599 : i32 to index
      %swap3A_639 = arith.constant 96 : index
      %swap3A_640 = tpu.vector_load %arg9[%swap3A_638, %swap3A_639] {strides = array<i32>} : memref<64x256xf32, #tpu.memory_space<vmem>>, vector<16xf32>,
      tpu.vector_store %arg9[%swap3A_638, %swap3A_639], %get3A_637 {add = true, strides = array<i32>} : memref<64x256xf32, #tpu.memory_space<vmem>>, vector<16xf32>,
      %get3A_641 = arith.index_cast %scan3A_599 : i32 to index
      %get3A_642 = arith.constant 112 : index
      %get3A_643 = tpu.vector_load %arg11[%get3A_641, %get3A_642] {strides = array<i32>} : memref<64x256xf32, #tpu.memory_space<vmem>>, vector<16xf32>,
      %swap3A_644 = arith.index_cast %scan3A_599 : i32 to index
      %swap3A_645 = arith.constant 112 : index
      %swap3A_646 = tpu.vector_load %arg9[%swap3A_644, %swap3A_645] {strides = array<i32>} : memref<64x256xf32, #tpu.memory_space<vmem>>, vector<16xf32>,
      tpu.vector_store %arg9[%swap3A_644, %swap3A_645], %get3A_643 {add = true, strides = array<i32>} : memref<64x256xf32, #tpu.memory_space<vmem>>, vector<16xf32>,
      %get3A_647 = arith.index_cast %scan3A_599 : i32 to index
      %get3A_648 = arith.constant 128 : index
      %get3A_649 = tpu.vector_load %arg11[%get3A_647, %get3A_648] {strides = array<i32>} : memref<64x256xf32, #tpu.memory_space<vmem>>, vector<16xf32>,
      %swap3A_650 = arith.index_cast %scan3A_599 : i32 to index
      %swap3A_651 = arith.constant 128 : index
      %swap3A_652 = tpu.vector_load %arg9[%swap3A_650, %swap3A_651] {strides = array<i32>} : memref<64x256xf32, #tpu.memory_space<vmem>>, vector<16xf32>,
      tpu.vector_store %arg9[%swap3A_650, %swap3A_651], %get3A_649 {add = true, strides = array<i32>} : memref<64x256xf32, #tpu.memory_space<vmem>>, vector<16xf32>,
      %get3A_653 = arith.index_cast %scan3A_599 : i32 to index
      %get3A_654 = arith.constant 144 : index
      %get3A_655 = tpu.vector_load %arg11[%get3A_653, %get3A_654] {strides = array<i32>} : memref<64x256xf32, #tpu.memory_space<vmem>>, vector<16xf32>,
      %swap3A_656 = arith.index_cast %scan3A_599 : i32 to index
      %swap3A_657 = arith.constant 144 : index
      %swap3A_658 = tpu.vector_load %arg9[%swap3A_656, %swap3A_657] {strides = array<i32>} : memref<64x256xf32, #tpu.memory_space<vmem>>, vector<16xf32>,
      tpu.vector_store %arg9[%swap3A_656, %swap3A_657], %get3A_655 {add = true, strides = array<i32>} : memref<64x256xf32, #tpu.memory_space<vmem>>, vector<16xf32>,
      %get3A_659 = arith.index_cast %scan3A_599 : i32 to index
      %get3A_660 = arith.constant 160 : index
      %get3A_661 = tpu.vector_load %arg11[%get3A_659, %get3A_660] {strides = array<i32>} : memref<64x256xf32, #tpu.memory_space<vmem>>, vector<16xf32>,
      %swap3A_662 = arith.index_cast %scan3A_599 : i32 to index
      %swap3A_663 = arith.constant 160 : index
      %swap3A_664 = tpu.vector_load %arg9[%swap3A_662, %swap3A_663] {strides = array<i32>} : memref<64x256xf32, #tpu.memory_space<vmem>>, vector<16xf32>,
      tpu.vector_store %arg9[%swap3A_662, %swap3A_663], %get3A_661 {add = true, strides = array<i32>} : memref<64x256xf32, #tpu.memory_space<vmem>>, vector<16xf32>,
      %get3A_665 = arith.index_cast %scan3A_599 : i32 to index
      %get3A_666 = arith.constant 176 : index
      %get3A_667 = tpu.vector_load %arg11[%get3A_665, %get3A_666] {strides = array<i32>} : memref<64x256xf32, #tpu.memory_space<vmem>>, vector<16xf32>,
      %swap3A_668 = arith.index_cast %scan3A_599 : i32 to index
      %swap3A_669 = arith.constant 176 : index
      %swap3A_670 = tpu.vector_load %arg9[%swap3A_668, %swap3A_669] {strides = array<i32>} : memref<64x256xf32, #tpu.memory_space<vmem>>, vector<16xf32>,
      tpu.vector_store %arg9[%swap3A_668, %swap3A_669], %get3A_667 {add = true, strides = array<i32>} : memref<64x256xf32, #tpu.memory_space<vmem>>, vector<16xf32>,
      %get3A_671 = arith.index_cast %scan3A_599 : i32 to index
      %get3A_672 = arith.constant 192 : index
      %get3A_673 = tpu.vector_load %arg11[%get3A_671, %get3A_672] {strides = array<i32>} : memref<64x256xf32, #tpu.memory_space<vmem>>, vector<16xf32>,
      %swap3A_674 = arith.index_cast %scan3A_599 : i32 to index
      %swap3A_675 = arith.constant 192 : index
      %swap3A_676 = tpu.vector_load %arg9[%swap3A_674, %swap3A_675] {strides = array<i32>} : memref<64x256xf32, #tpu.memory_space<vmem>>, vector<16xf32>,
      tpu.vector_store %arg9[%swap3A_674, %swap3A_675], %get3A_673 {add = true, strides = array<i32>} : memref<64x256xf32, #tpu.memory_space<vmem>>, vector<16xf32>,
      %get3A_677 = arith.index_cast %scan3A_599 : i32 to index
      %get3A_678 = arith.constant 208 : index
      %get3A_679 = tpu.vector_load %arg11[%get3A_677, %get3A_678] {strides = array<i32>} : memref<64x256xf32, #tpu.memory_space<vmem>>, vector<16xf32>,
      %swap3A_680 = arith.index_cast %scan3A_599 : i32 to index
      %swap3A_681 = arith.constant 208 : index
      %swap3A_682 = tpu.vector_load %arg9[%swap3A_680, %swap3A_681] {strides = array<i32>} : memref<64x256xf32, #tpu.memory_space<vmem>>, vector<16xf32>,
      tpu.vector_store %arg9[%swap3A_680, %swap3A_681], %get3A_679 {add = true, strides = array<i32>} : memref<64x256xf32, #tpu.memory_space<vmem>>, vector<16xf32>,
      %get3A_683 = arith.index_cast %scan3A_599 : i32 to index
      %get3A_684 = arith.constant 224 : index
      %get3A_685 = tpu.vector_load %arg11[%get3A_683, %get3A_684] {strides = array<i32>} : memref<64x256xf32, #tpu.memory_space<vmem>>, vector<16xf32>,
      %swap3A_686 = arith.index_cast %scan3A_599 : i32 to index
      %swap3A_687 = arith.constant 224 : index
      %swap3A_688 = tpu.vector_load %arg9[%swap3A_686, %swap3A_687] {strides = array<i32>} : memref<64x256xf32, #tpu.memory_space<vmem>>, vector<16xf32>,
      tpu.vector_store %arg9[%swap3A_686, %swap3A_687], %get3A_685 {add = true, strides = array<i32>} : memref<64x256xf32, #tpu.memory_space<vmem>>, vector<16xf32>,
      %get3A_689 = arith.index_cast %scan3A_599 : i32 to index
      %get3A_690 = arith.constant 240 : index
      %get3A_691 = tpu.vector_load %arg11[%get3A_689, %get3A_690] {strides = array<i32>} : memref<64x256xf32, #tpu.memory_space<vmem>>, vector<16xf32>,
      %swap3A_692 = arith.index_cast %scan3A_599 : i32 to index
      %swap3A_693 = arith.constant 240 : index
      %swap3A_694 = tpu.vector_load %arg9[%swap3A_692, %swap3A_693] {strides = array<i32>} : memref<64x256xf32, #tpu.memory_space<vmem>>, vector<16xf32>,
      tpu.vector_store %arg9[%swap3A_692, %swap3A_693], %get3A_691 {add = true, strides = array<i32>} : memref<64x256xf32, #tpu.memory_space<vmem>>, vector<16xf32>,
      %scan3A_695 = arith.constant 0 : i32
      scf.yield %scan3A_695 : i32
    }
    %scan3A_487 = arith.constant 64 : i32
    %add3A_488 = arith.constant 768 : i32
    %add3A_489 = arith.addi %mul3A_2, %add3A_488 : i32
    %dma_start3A_490 = arith.constant 0 : i32
    %dma_start3A_491 = tpu.memref_slice %arg5[%add3A_489, %dma_start3A_490] : memref<32768x256xf32, #tpu.memory_space<hbm>> -> memref<64x256xf32, #tpu.memory_space<hbm>>
    %dma_start3A_492 = arith.constant 0 : i32
    %dma_start3A_493 = tpu.memref_slice %arg5[%add3A_489, %dma_start3A_492] : memref<32768x256xf32, #tpu.memory_space<hbm>> -> memref<64x256xf32, #tpu.memory_space<hbm>>
    tpu.enqueue_dma source(%arg9 : memref<64x256xf32, #tpu.memory_space<vmem>>) target(%dma_start3A_493 : memref<64x256xf32, #tpu.memory_space<hbm>>) target_semaphore(%arg17 : memref<!tpu.dma_semaphore, #tpu.memory_space<semaphore_mem>>)
    %dma_wait3A_494 = arith.constant 832 : i32
    %dma_wait3A_495 = tpu.memref_slice %arg7[%dma_wait3A_494] : memref<1024xi32, #tpu.memory_space<vmem>> -> memref<64xi32, #tpu.memory_space<vmem>>
    %dma_wait3A_496 = arith.constant 0 : i32
    %dma_wait3A_497 = arith.constant 0 : i32
    %dma_wait3A_498 = tpu.memref_slice %arg3[%dma_wait3A_496, %dma_wait3A_497] : memref<8192x256xf32, #tpu.memory_space<hbm>> -> memref<8192x256xf32, #tpu.memory_space<hbm>>
    tpu.wait_indirect_dma semaphore(%arg14 : memref<!tpu.dma_semaphore, #tpu.memory_space<semaphore_mem>>) src(%dma_wait3A_498 : memref<8192x256xf32, #tpu.memory_space<hbm>>) dst(%arg10 : memref<64x256xf32, #tpu.memory_space<vmem>>)
    %dma_wait3A_499 = arith.constant 832 : i32
    %dma_wait3A_500 = tpu.memref_slice %arg8[%dma_wait3A_499] : memref<1024xi32, #tpu.memory_space<vmem>> -> memref<64xi32, #tpu.memory_space<vmem>>
    %dma_wait3A_501 = arith.constant 0 : i32
    %dma_wait3A_502 = arith.constant 0 : i32
    %dma_wait3A_503 = tpu.memref_slice %arg4[%dma_wait3A_501, %dma_wait3A_502] : memref<8192x256xf32, #tpu.memory_space<hbm>> -> memref<8192x256xf32, #tpu.memory_space<hbm>>
    tpu.wait_indirect_dma semaphore(%arg16 : memref<!tpu.dma_semaphore, #tpu.memory_space<semaphore_mem>>) src(%dma_wait3A_503 : memref<8192x256xf32, #tpu.memory_space<hbm>>) dst(%arg12 : memref<64x256xf32, #tpu.memory_space<vmem>>)
    %dma_wait3A_504 = arith.constant 0 : i32
    %dma_wait3A_505 = tpu.memref_slice %arg5[%add3A_489, %dma_wait3A_504] : memref<32768x256xf32, #tpu.memory_space<hbm>> -> memref<64x256xf32, #tpu.memory_space<hbm>>
    %dma_wait3A_506 = arith.constant 0 : i32
    %dma_wait3A_507 = tpu.memref_slice %arg5[%add3A_489, %dma_wait3A_506] : memref<32768x256xf32, #tpu.memory_space<hbm>> -> memref<64x256xf32, #tpu.memory_space<hbm>>
    tpu.wait_dma2 semaphore(%arg17 : memref<!tpu.dma_semaphore, #tpu.memory_space<semaphore_mem>>) src(%arg9 : memref<64x256xf32, #tpu.memory_space<vmem>>) dst(%dma_wait3A_507 : memref<64x256xf32, #tpu.memory_space<hbm>>)
    %dma_start3A_508 = arith.constant 896 : i32
    %dma_start3A_509 = tpu.memref_slice %arg7[%dma_start3A_508] : memref<1024xi32, #tpu.memory_space<vmem>> -> memref<64xi32, #tpu.memory_space<vmem>>
    %dma_start3A_510 = arith.constant 0 : i32
    %dma_start3A_511 = arith.constant 0 : i32
    %dma_start3A_512 = tpu.memref_slice %arg3[%dma_start3A_510, %dma_start3A_511] : memref<8192x256xf32, #tpu.memory_space<hbm>> -> memref<8192x256xf32, #tpu.memory_space<hbm>>
    tpu.enqueue_indirect_dma source(%dma_start3A_512 : memref<8192x256xf32, #tpu.memory_space<hbm>>) target(%arg9 : memref<64x256xf32, #tpu.memory_space<vmem>>) offsets(%dma_start3A_509 : memref<64xi32, #tpu.memory_space<vmem>>) semaphore(%arg13 : memref<!tpu.dma_semaphore, #tpu.memory_space<semaphore_mem>>)
    %dma_start3A_513 = arith.constant 896 : i32
    %dma_start3A_514 = tpu.memref_slice %arg8[%dma_start3A_513] : memref<1024xi32, #tpu.memory_space<vmem>> -> memref<64xi32, #tpu.memory_space<vmem>>
    %dma_start3A_515 = arith.constant 0 : i32
    %dma_start3A_516 = arith.constant 0 : i32
    %dma_start3A_517 = tpu.memref_slice %arg4[%dma_start3A_515, %dma_start3A_516] : memref<8192x256xf32, #tpu.memory_space<hbm>> -> memref<8192x256xf32, #tpu.memory_space<hbm>>
    tpu.enqueue_indirect_dma source(%dma_start3A_517 : memref<8192x256xf32, #tpu.memory_space<hbm>>) target(%arg11 : memref<64x256xf32, #tpu.memory_space<vmem>>) offsets(%dma_start3A_514 : memref<64xi32, #tpu.memory_space<vmem>>) semaphore(%arg15 : memref<!tpu.dma_semaphore, #tpu.memory_space<semaphore_mem>>)
    %scan3A_518 = arith.constant 0 : i32
    %scan3A_519 = arith.constant 0 : i32
    %scan3A_520 = arith.constant 64 : i32
    %scan3A_521 = arith.addi %scan3A_519, %scan3A_520 : i32
    %scan3A_522 = arith.constant 1 : i32
    %scan3A_523 = scf.for %scan3A_599 = %scan3A_519 to %scan3A_521 step %scan3A_522 iter_args(%scan3A_600 = %scan3A_518) -> (i32)  : i32 {
      %get3A = arith.index_cast %scan3A_599 : i32 to index
      %get3A_601 = arith.constant 0 : index
      %get3A_602 = tpu.vector_load %arg12[%get3A, %get3A_601] {strides = array<i32>} : memref<64x256xf32, #tpu.memory_space<vmem>>, vector<16xf32>,
      %swap3A = arith.index_cast %scan3A_599 : i32 to index
      %swap3A_603 = arith.constant 0 : index
      %swap3A_604 = tpu.vector_load %arg10[%swap3A, %swap3A_603] {strides = array<i32>} : memref<64x256xf32, #tpu.memory_space<vmem>>, vector<16xf32>,
      tpu.vector_store %arg10[%swap3A, %swap3A_603], %get3A_602 {add = true, strides = array<i32>} : memref<64x256xf32, #tpu.memory_space<vmem>>, vector<16xf32>,
      %get3A_605 = arith.index_cast %scan3A_599 : i32 to index
      %get3A_606 = arith.constant 16 : index
      %get3A_607 = tpu.vector_load %arg12[%get3A_605, %get3A_606] {strides = array<i32>} : memref<64x256xf32, #tpu.memory_space<vmem>>, vector<16xf32>,
      %swap3A_608 = arith.index_cast %scan3A_599 : i32 to index
      %swap3A_609 = arith.constant 16 : index
      %swap3A_610 = tpu.vector_load %arg10[%swap3A_608, %swap3A_609] {strides = array<i32>} : memref<64x256xf32, #tpu.memory_space<vmem>>, vector<16xf32>,
      tpu.vector_store %arg10[%swap3A_608, %swap3A_609], %get3A_607 {add = true, strides = array<i32>} : memref<64x256xf32, #tpu.memory_space<vmem>>, vector<16xf32>,
      %get3A_611 = arith.index_cast %scan3A_599 : i32 to index
      %get3A_612 = arith.constant 32 : index
      %get3A_613 = tpu.vector_load %arg12[%get3A_611, %get3A_612] {strides = array<i32>} : memref<64x256xf32, #tpu.memory_space<vmem>>, vector<16xf32>,
      %swap3A_614 = arith.index_cast %scan3A_599 : i32 to index
      %swap3A_615 = arith.constant 32 : index
      %swap3A_616 = tpu.vector_load %arg10[%swap3A_614, %swap3A_615] {strides = array<i32>} : memref<64x256xf32, #tpu.memory_space<vmem>>, vector<16xf32>,
      tpu.vector_store %arg10[%swap3A_614, %swap3A_615], %get3A_613 {add = true, strides = array<i32>} : memref<64x256xf32, #tpu.memory_space<vmem>>, vector<16xf32>,
      %get3A_617 = arith.index_cast %scan3A_599 : i32 to index
      %get3A_618 = arith.constant 48 : index
      %get3A_619 = tpu.vector_load %arg12[%get3A_617, %get3A_618] {strides = array<i32>} : memref<64x256xf32, #tpu.memory_space<vmem>>, vector<16xf32>,
      %swap3A_620 = arith.index_cast %scan3A_599 : i32 to index
      %swap3A_621 = arith.constant 48 : index
      %swap3A_622 = tpu.vector_load %arg10[%swap3A_620, %swap3A_621] {strides = array<i32>} : memref<64x256xf32, #tpu.memory_space<vmem>>, vector<16xf32>,
      tpu.vector_store %arg10[%swap3A_620, %swap3A_621], %get3A_619 {add = true, strides = array<i32>} : memref<64x256xf32, #tpu.memory_space<vmem>>, vector<16xf32>,
      %get3A_623 = arith.index_cast %scan3A_599 : i32 to index
      %get3A_624 = arith.constant 64 : index
      %get3A_625 = tpu.vector_load %arg12[%get3A_623, %get3A_624] {strides = array<i32>} : memref<64x256xf32, #tpu.memory_space<vmem>>, vector<16xf32>,
      %swap3A_626 = arith.index_cast %scan3A_599 : i32 to index
      %swap3A_627 = arith.constant 64 : index
      %swap3A_628 = tpu.vector_load %arg10[%swap3A_626, %swap3A_627] {strides = array<i32>} : memref<64x256xf32, #tpu.memory_space<vmem>>, vector<16xf32>,
      tpu.vector_store %arg10[%swap3A_626, %swap3A_627], %get3A_625 {add = true, strides = array<i32>} : memref<64x256xf32, #tpu.memory_space<vmem>>, vector<16xf32>,
      %get3A_629 = arith.index_cast %scan3A_599 : i32 to index
      %get3A_630 = arith.constant 80 : index
      %get3A_631 = tpu.vector_load %arg12[%get3A_629, %get3A_630] {strides = array<i32>} : memref<64x256xf32, #tpu.memory_space<vmem>>, vector<16xf32>,
      %swap3A_632 = arith.index_cast %scan3A_599 : i32 to index
      %swap3A_633 = arith.constant 80 : index
      %swap3A_634 = tpu.vector_load %arg10[%swap3A_632, %swap3A_633] {strides = array<i32>} : memref<64x256xf32, #tpu.memory_space<vmem>>, vector<16xf32>,
      tpu.vector_store %arg10[%swap3A_632, %swap3A_633], %get3A_631 {add = true, strides = array<i32>} : memref<64x256xf32, #tpu.memory_space<vmem>>, vector<16xf32>,
      %get3A_635 = arith.index_cast %scan3A_599 : i32 to index
      %get3A_636 = arith.constant 96 : index
      %get3A_637 = tpu.vector_load %arg12[%get3A_635, %get3A_636] {strides = array<i32>} : memref<64x256xf32, #tpu.memory_space<vmem>>, vector<16xf32>,
      %swap3A_638 = arith.index_cast %scan3A_599 : i32 to index
      %swap3A_639 = arith.constant 96 : index
      %swap3A_640 = tpu.vector_load %arg10[%swap3A_638, %swap3A_639] {strides = array<i32>} : memref<64x256xf32, #tpu.memory_space<vmem>>, vector<16xf32>,
      tpu.vector_store %arg10[%swap3A_638, %swap3A_639], %get3A_637 {add = true, strides = array<i32>} : memref<64x256xf32, #tpu.memory_space<vmem>>, vector<16xf32>,
      %get3A_641 = arith.index_cast %scan3A_599 : i32 to index
      %get3A_642 = arith.constant 112 : index
      %get3A_643 = tpu.vector_load %arg12[%get3A_641, %get3A_642] {strides = array<i32>} : memref<64x256xf32, #tpu.memory_space<vmem>>, vector<16xf32>,
      %swap3A_644 = arith.index_cast %scan3A_599 : i32 to index
      %swap3A_645 = arith.constant 112 : index
      %swap3A_646 = tpu.vector_load %arg10[%swap3A_644, %swap3A_645] {strides = array<i32>} : memref<64x256xf32, #tpu.memory_space<vmem>>, vector<16xf32>,
      tpu.vector_store %arg10[%swap3A_644, %swap3A_645], %get3A_643 {add = true, strides = array<i32>} : memref<64x256xf32, #tpu.memory_space<vmem>>, vector<16xf32>,
      %get3A_647 = arith.index_cast %scan3A_599 : i32 to index
      %get3A_648 = arith.constant 128 : index
      %get3A_649 = tpu.vector_load %arg12[%get3A_647, %get3A_648] {strides = array<i32>} : memref<64x256xf32, #tpu.memory_space<vmem>>, vector<16xf32>,
      %swap3A_650 = arith.index_cast %scan3A_599 : i32 to index
      %swap3A_651 = arith.constant 128 : index
      %swap3A_652 = tpu.vector_load %arg10[%swap3A_650, %swap3A_651] {strides = array<i32>} : memref<64x256xf32, #tpu.memory_space<vmem>>, vector<16xf32>,
      tpu.vector_store %arg10[%swap3A_650, %swap3A_651], %get3A_649 {add = true, strides = array<i32>} : memref<64x256xf32, #tpu.memory_space<vmem>>, vector<16xf32>,
      %get3A_653 = arith.index_cast %scan3A_599 : i32 to index
      %get3A_654 = arith.constant 144 : index
      %get3A_655 = tpu.vector_load %arg12[%get3A_653, %get3A_654] {strides = array<i32>} : memref<64x256xf32, #tpu.memory_space<vmem>>, vector<16xf32>,
      %swap3A_656 = arith.index_cast %scan3A_599 : i32 to index
      %swap3A_657 = arith.constant 144 : index
      %swap3A_658 = tpu.vector_load %arg10[%swap3A_656, %swap3A_657] {strides = array<i32>} : memref<64x256xf32, #tpu.memory_space<vmem>>, vector<16xf32>,
      tpu.vector_store %arg10[%swap3A_656, %swap3A_657], %get3A_655 {add = true, strides = array<i32>} : memref<64x256xf32, #tpu.memory_space<vmem>>, vector<16xf32>,
      %get3A_659 = arith.index_cast %scan3A_599 : i32 to index
      %get3A_660 = arith.constant 160 : index
      %get3A_661 = tpu.vector_load %arg12[%get3A_659, %get3A_660] {strides = array<i32>} : memref<64x256xf32, #tpu.memory_space<vmem>>, vector<16xf32>,
      %swap3A_662 = arith.index_cast %scan3A_599 : i32 to index
      %swap3A_663 = arith.constant 160 : index
      %swap3A_664 = tpu.vector_load %arg10[%swap3A_662, %swap3A_663] {strides = array<i32>} : memref<64x256xf32, #tpu.memory_space<vmem>>, vector<16xf32>,
      tpu.vector_store %arg10[%swap3A_662, %swap3A_663], %get3A_661 {add = true, strides = array<i32>} : memref<64x256xf32, #tpu.memory_space<vmem>>, vector<16xf32>,
      %get3A_665 = arith.index_cast %scan3A_599 : i32 to index
      %get3A_666 = arith.constant 176 : index
      %get3A_667 = tpu.vector_load %arg12[%get3A_665, %get3A_666] {strides = array<i32>} : memref<64x256xf32, #tpu.memory_space<vmem>>, vector<16xf32>,
      %swap3A_668 = arith.index_cast %scan3A_599 : i32 to index
      %swap3A_669 = arith.constant 176 : index
      %swap3A_670 = tpu.vector_load %arg10[%swap3A_668, %swap3A_669] {strides = array<i32>} : memref<64x256xf32, #tpu.memory_space<vmem>>, vector<16xf32>,
      tpu.vector_store %arg10[%swap3A_668, %swap3A_669], %get3A_667 {add = true, strides = array<i32>} : memref<64x256xf32, #tpu.memory_space<vmem>>, vector<16xf32>,
      %get3A_671 = arith.index_cast %scan3A_599 : i32 to index
      %get3A_672 = arith.constant 192 : index
      %get3A_673 = tpu.vector_load %arg12[%get3A_671, %get3A_672] {strides = array<i32>} : memref<64x256xf32, #tpu.memory_space<vmem>>, vector<16xf32>,
      %swap3A_674 = arith.index_cast %scan3A_599 : i32 to index
      %swap3A_675 = arith.constant 192 : index
      %swap3A_676 = tpu.vector_load %arg10[%swap3A_674, %swap3A_675] {strides = array<i32>} : memref<64x256xf32, #tpu.memory_space<vmem>>, vector<16xf32>,
      tpu.vector_store %arg10[%swap3A_674, %swap3A_675], %get3A_673 {add = true, strides = array<i32>} : memref<64x256xf32, #tpu.memory_space<vmem>>, vector<16xf32>,
      %get3A_677 = arith.index_cast %scan3A_599 : i32 to index
      %get3A_678 = arith.constant 208 : index
      %get3A_679 = tpu.vector_load %arg12[%get3A_677, %get3A_678] {strides = array<i32>} : memref<64x256xf32, #tpu.memory_space<vmem>>, vector<16xf32>,
      %swap3A_680 = arith.index_cast %scan3A_599 : i32 to index
      %swap3A_681 = arith.constant 208 : index
      %swap3A_682 = tpu.vector_load %arg10[%swap3A_680, %swap3A_681] {strides = array<i32>} : memref<64x256xf32, #tpu.memory_space<vmem>>, vector<16xf32>,
      tpu.vector_store %arg10[%swap3A_680, %swap3A_681], %get3A_679 {add = true, strides = array<i32>} : memref<64x256xf32, #tpu.memory_space<vmem>>, vector<16xf32>,
      %get3A_683 = arith.index_cast %scan3A_599 : i32 to index
      %get3A_684 = arith.constant 224 : index
      %get3A_685 = tpu.vector_load %arg12[%get3A_683, %get3A_684] {strides = array<i32>} : memref<64x256xf32, #tpu.memory_space<vmem>>, vector<16xf32>,
      %swap3A_686 = arith.index_cast %scan3A_599 : i32 to index
      %swap3A_687 = arith.constant 224 : index
      %swap3A_688 = tpu.vector_load %arg10[%swap3A_686, %swap3A_687] {strides = array<i32>} : memref<64x256xf32, #tpu.memory_space<vmem>>, vector<16xf32>,
      tpu.vector_store %arg10[%swap3A_686, %swap3A_687], %get3A_685 {add = true, strides = array<i32>} : memref<64x256xf32, #tpu.memory_space<vmem>>, vector<16xf32>,
      %get3A_689 = arith.index_cast %scan3A_599 : i32 to index
      %get3A_690 = arith.constant 240 : index
      %get3A_691 = tpu.vector_load %arg12[%get3A_689, %get3A_690] {strides = array<i32>} : memref<64x256xf32, #tpu.memory_space<vmem>>, vector<16xf32>,
      %swap3A_692 = arith.index_cast %scan3A_599 : i32 to index
      %swap3A_693 = arith.constant 240 : index
      %swap3A_694 = tpu.vector_load %arg10[%swap3A_692, %swap3A_693] {strides = array<i32>} : memref<64x256xf32, #tpu.memory_space<vmem>>, vector<16xf32>,
      tpu.vector_store %arg10[%swap3A_692, %swap3A_693], %get3A_691 {add = true, strides = array<i32>} : memref<64x256xf32, #tpu.memory_space<vmem>>, vector<16xf32>,
      %scan3A_695 = arith.constant 0 : i32
      scf.yield %scan3A_695 : i32
    }
    %scan3A_524 = arith.constant 64 : i32
    %add3A_525 = arith.constant 832 : i32
    %add3A_526 = arith.addi %mul3A_2, %add3A_525 : i32
    %dma_start3A_527 = arith.constant 0 : i32
    %dma_start3A_528 = tpu.memref_slice %arg5[%add3A_526, %dma_start3A_527] : memref<32768x256xf32, #tpu.memory_space<hbm>> -> memref<64x256xf32, #tpu.memory_space<hbm>>
    %dma_start3A_529 = arith.constant 0 : i32
    %dma_start3A_530 = tpu.memref_slice %arg5[%add3A_526, %dma_start3A_529] : memref<32768x256xf32, #tpu.memory_space<hbm>> -> memref<64x256xf32, #tpu.memory_space<hbm>>
    tpu.enqueue_dma source(%arg10 : memref<64x256xf32, #tpu.memory_space<vmem>>) target(%dma_start3A_530 : memref<64x256xf32, #tpu.memory_space<hbm>>) target_semaphore(%arg18 : memref<!tpu.dma_semaphore, #tpu.memory_space<semaphore_mem>>)
    %dma_wait3A_531 = arith.constant 896 : i32
    %dma_wait3A_532 = tpu.memref_slice %arg7[%dma_wait3A_531] : memref<1024xi32, #tpu.memory_space<vmem>> -> memref<64xi32, #tpu.memory_space<vmem>>
    %dma_wait3A_533 = arith.constant 0 : i32
    %dma_wait3A_534 = arith.constant 0 : i32
    %dma_wait3A_535 = tpu.memref_slice %arg3[%dma_wait3A_533, %dma_wait3A_534] : memref<8192x256xf32, #tpu.memory_space<hbm>> -> memref<8192x256xf32, #tpu.memory_space<hbm>>
    tpu.wait_indirect_dma semaphore(%arg13 : memref<!tpu.dma_semaphore, #tpu.memory_space<semaphore_mem>>) src(%dma_wait3A_535 : memref<8192x256xf32, #tpu.memory_space<hbm>>) dst(%arg9 : memref<64x256xf32, #tpu.memory_space<vmem>>)
    %dma_wait3A_536 = arith.constant 896 : i32
    %dma_wait3A_537 = tpu.memref_slice %arg8[%dma_wait3A_536] : memref<1024xi32, #tpu.memory_space<vmem>> -> memref<64xi32, #tpu.memory_space<vmem>>
    %dma_wait3A_538 = arith.constant 0 : i32
    %dma_wait3A_539 = arith.constant 0 : i32
    %dma_wait3A_540 = tpu.memref_slice %arg4[%dma_wait3A_538, %dma_wait3A_539] : memref<8192x256xf32, #tpu.memory_space<hbm>> -> memref<8192x256xf32, #tpu.memory_space<hbm>>
    tpu.wait_indirect_dma semaphore(%arg15 : memref<!tpu.dma_semaphore, #tpu.memory_space<semaphore_mem>>) src(%dma_wait3A_540 : memref<8192x256xf32, #tpu.memory_space<hbm>>) dst(%arg11 : memref<64x256xf32, #tpu.memory_space<vmem>>)
    %dma_wait3A_541 = arith.constant 0 : i32
    %dma_wait3A_542 = tpu.memref_slice %arg5[%add3A_526, %dma_wait3A_541] : memref<32768x256xf32, #tpu.memory_space<hbm>> -> memref<64x256xf32, #tpu.memory_space<hbm>>
    %dma_wait3A_543 = arith.constant 0 : i32
    %dma_wait3A_544 = tpu.memref_slice %arg5[%add3A_526, %dma_wait3A_543] : memref<32768x256xf32, #tpu.memory_space<hbm>> -> memref<64x256xf32, #tpu.memory_space<hbm>>
    tpu.wait_dma2 semaphore(%arg18 : memref<!tpu.dma_semaphore, #tpu.memory_space<semaphore_mem>>) src(%arg10 : memref<64x256xf32, #tpu.memory_space<vmem>>) dst(%dma_wait3A_544 : memref<64x256xf32, #tpu.memory_space<hbm>>)
    %dma_start3A_545 = arith.constant 960 : i32
    %dma_start3A_546 = tpu.memref_slice %arg7[%dma_start3A_545] : memref<1024xi32, #tpu.memory_space<vmem>> -> memref<64xi32, #tpu.memory_space<vmem>>
    %dma_start3A_547 = arith.constant 0 : i32
    %dma_start3A_548 = arith.constant 0 : i32
    %dma_start3A_549 = tpu.memref_slice %arg3[%dma_start3A_547, %dma_start3A_548] : memref<8192x256xf32, #tpu.memory_space<hbm>> -> memref<8192x256xf32, #tpu.memory_space<hbm>>
    tpu.enqueue_indirect_dma source(%dma_start3A_549 : memref<8192x256xf32, #tpu.memory_space<hbm>>) target(%arg10 : memref<64x256xf32, #tpu.memory_space<vmem>>) offsets(%dma_start3A_546 : memref<64xi32, #tpu.memory_space<vmem>>) semaphore(%arg14 : memref<!tpu.dma_semaphore, #tpu.memory_space<semaphore_mem>>)
    %dma_start3A_550 = arith.constant 960 : i32
    %dma_start3A_551 = tpu.memref_slice %arg8[%dma_start3A_550] : memref<1024xi32, #tpu.memory_space<vmem>> -> memref<64xi32, #tpu.memory_space<vmem>>
    %dma_start3A_552 = arith.constant 0 : i32
    %dma_start3A_553 = arith.constant 0 : i32
    %dma_start3A_554 = tpu.memref_slice %arg4[%dma_start3A_552, %dma_start3A_553] : memref<8192x256xf32, #tpu.memory_space<hbm>> -> memref<8192x256xf32, #tpu.memory_space<hbm>>
    tpu.enqueue_indirect_dma source(%dma_start3A_554 : memref<8192x256xf32, #tpu.memory_space<hbm>>) target(%arg12 : memref<64x256xf32, #tpu.memory_space<vmem>>) offsets(%dma_start3A_551 : memref<64xi32, #tpu.memory_space<vmem>>) semaphore(%arg16 : memref<!tpu.dma_semaphore, #tpu.memory_space<semaphore_mem>>)
    %scan3A_555 = arith.constant 0 : i32
    %scan3A_556 = arith.constant 0 : i32
    %scan3A_557 = arith.constant 64 : i32
    %scan3A_558 = arith.addi %scan3A_556, %scan3A_557 : i32
    %scan3A_559 = arith.constant 1 : i32
    %scan3A_560 = scf.for %scan3A_599 = %scan3A_556 to %scan3A_558 step %scan3A_559 iter_args(%scan3A_600 = %scan3A_555) -> (i32)  : i32 {
      %get3A = arith.index_cast %scan3A_599 : i32 to index
      %get3A_601 = arith.constant 0 : index
      %get3A_602 = tpu.vector_load %arg11[%get3A, %get3A_601] {strides = array<i32>} : memref<64x256xf32, #tpu.memory_space<vmem>>, vector<16xf32>,
      %swap3A = arith.index_cast %scan3A_599 : i32 to index
      %swap3A_603 = arith.constant 0 : index
      %swap3A_604 = tpu.vector_load %arg9[%swap3A, %swap3A_603] {strides = array<i32>} : memref<64x256xf32, #tpu.memory_space<vmem>>, vector<16xf32>,
      tpu.vector_store %arg9[%swap3A, %swap3A_603], %get3A_602 {add = true, strides = array<i32>} : memref<64x256xf32, #tpu.memory_space<vmem>>, vector<16xf32>,
      %get3A_605 = arith.index_cast %scan3A_599 : i32 to index
      %get3A_606 = arith.constant 16 : index
      %get3A_607 = tpu.vector_load %arg11[%get3A_605, %get3A_606] {strides = array<i32>} : memref<64x256xf32, #tpu.memory_space<vmem>>, vector<16xf32>,
      %swap3A_608 = arith.index_cast %scan3A_599 : i32 to index
      %swap3A_609 = arith.constant 16 : index
      %swap3A_610 = tpu.vector_load %arg9[%swap3A_608, %swap3A_609] {strides = array<i32>} : memref<64x256xf32, #tpu.memory_space<vmem>>, vector<16xf32>,
      tpu.vector_store %arg9[%swap3A_608, %swap3A_609], %get3A_607 {add = true, strides = array<i32>} : memref<64x256xf32, #tpu.memory_space<vmem>>, vector<16xf32>,
      %get3A_611 = arith.index_cast %scan3A_599 : i32 to index
      %get3A_612 = arith.constant 32 : index
      %get3A_613 = tpu.vector_load %arg11[%get3A_611, %get3A_612] {strides = array<i32>} : memref<64x256xf32, #tpu.memory_space<vmem>>, vector<16xf32>,
      %swap3A_614 = arith.index_cast %scan3A_599 : i32 to index
      %swap3A_615 = arith.constant 32 : index
      %swap3A_616 = tpu.vector_load %arg9[%swap3A_614, %swap3A_615] {strides = array<i32>} : memref<64x256xf32, #tpu.memory_space<vmem>>, vector<16xf32>,
      tpu.vector_store %arg9[%swap3A_614, %swap3A_615], %get3A_613 {add = true, strides = array<i32>} : memref<64x256xf32, #tpu.memory_space<vmem>>, vector<16xf32>,
      %get3A_617 = arith.index_cast %scan3A_599 : i32 to index
      %get3A_618 = arith.constant 48 : index
      %get3A_619 = tpu.vector_load %arg11[%get3A_617, %get3A_618] {strides = array<i32>} : memref<64x256xf32, #tpu.memory_space<vmem>>, vector<16xf32>,
      %swap3A_620 = arith.index_cast %scan3A_599 : i32 to index
      %swap3A_621 = arith.constant 48 : index
      %swap3A_622 = tpu.vector_load %arg9[%swap3A_620, %swap3A_621] {strides = array<i32>} : memref<64x256xf32, #tpu.memory_space<vmem>>, vector<16xf32>,
      tpu.vector_store %arg9[%swap3A_620, %swap3A_621], %get3A_619 {add = true, strides = array<i32>} : memref<64x256xf32, #tpu.memory_space<vmem>>, vector<16xf32>,
      %get3A_623 = arith.index_cast %scan3A_599 : i32 to index
      %get3A_624 = arith.constant 64 : index
      %get3A_625 = tpu.vector_load %arg11[%get3A_623, %get3A_624] {strides = array<i32>} : memref<64x256xf32, #tpu.memory_space<vmem>>, vector<16xf32>,
      %swap3A_626 = arith.index_cast %scan3A_599 : i32 to index
      %swap3A_627 = arith.constant 64 : index
      %swap3A_628 = tpu.vector_load %arg9[%swap3A_626, %swap3A_627] {strides = array<i32>} : memref<64x256xf32, #tpu.memory_space<vmem>>, vector<16xf32>,
      tpu.vector_store %arg9[%swap3A_626, %swap3A_627], %get3A_625 {add = true, strides = array<i32>} : memref<64x256xf32, #tpu.memory_space<vmem>>, vector<16xf32>,
      %get3A_629 = arith.index_cast %scan3A_599 : i32 to index
      %get3A_630 = arith.constant 80 : index
      %get3A_631 = tpu.vector_load %arg11[%get3A_629, %get3A_630] {strides = array<i32>} : memref<64x256xf32, #tpu.memory_space<vmem>>, vector<16xf32>,
      %swap3A_632 = arith.index_cast %scan3A_599 : i32 to index
      %swap3A_633 = arith.constant 80 : index
      %swap3A_634 = tpu.vector_load %arg9[%swap3A_632, %swap3A_633] {strides = array<i32>} : memref<64x256xf32, #tpu.memory_space<vmem>>, vector<16xf32>,
      tpu.vector_store %arg9[%swap3A_632, %swap3A_633], %get3A_631 {add = true, strides = array<i32>} : memref<64x256xf32, #tpu.memory_space<vmem>>, vector<16xf32>,
      %get3A_635 = arith.index_cast %scan3A_599 : i32 to index
      %get3A_636 = arith.constant 96 : index
      %get3A_637 = tpu.vector_load %arg11[%get3A_635, %get3A_636] {strides = array<i32>} : memref<64x256xf32, #tpu.memory_space<vmem>>, vector<16xf32>,
      %swap3A_638 = arith.index_cast %scan3A_599 : i32 to index
      %swap3A_639 = arith.constant 96 : index
      %swap3A_640 = tpu.vector_load %arg9[%swap3A_638, %swap3A_639] {strides = array<i32>} : memref<64x256xf32, #tpu.memory_space<vmem>>, vector<16xf32>,
      tpu.vector_store %arg9[%swap3A_638, %swap3A_639], %get3A_637 {add = true, strides = array<i32>} : memref<64x256xf32, #tpu.memory_space<vmem>>, vector<16xf32>,
      %get3A_641 = arith.index_cast %scan3A_599 : i32 to index
      %get3A_642 = arith.constant 112 : index
      %get3A_643 = tpu.vector_load %arg11[%get3A_641, %get3A_642] {strides = array<i32>} : memref<64x256xf32, #tpu.memory_space<vmem>>, vector<16xf32>,
      %swap3A_644 = arith.index_cast %scan3A_599 : i32 to index
      %swap3A_645 = arith.constant 112 : index
      %swap3A_646 = tpu.vector_load %arg9[%swap3A_644, %swap3A_645] {strides = array<i32>} : memref<64x256xf32, #tpu.memory_space<vmem>>, vector<16xf32>,
      tpu.vector_store %arg9[%swap3A_644, %swap3A_645], %get3A_643 {add = true, strides = array<i32>} : memref<64x256xf32, #tpu.memory_space<vmem>>, vector<16xf32>,
      %get3A_647 = arith.index_cast %scan3A_599 : i32 to index
      %get3A_648 = arith.constant 128 : index
      %get3A_649 = tpu.vector_load %arg11[%get3A_647, %get3A_648] {strides = array<i32>} : memref<64x256xf32, #tpu.memory_space<vmem>>, vector<16xf32>,
      %swap3A_650 = arith.index_cast %scan3A_599 : i32 to index
      %swap3A_651 = arith.constant 128 : index
      %swap3A_652 = tpu.vector_load %arg9[%swap3A_650, %swap3A_651] {strides = array<i32>} : memref<64x256xf32, #tpu.memory_space<vmem>>, vector<16xf32>,
      tpu.vector_store %arg9[%swap3A_650, %swap3A_651], %get3A_649 {add = true, strides = array<i32>} : memref<64x256xf32, #tpu.memory_space<vmem>>, vector<16xf32>,
      %get3A_653 = arith.index_cast %scan3A_599 : i32 to index
      %get3A_654 = arith.constant 144 : index
      %get3A_655 = tpu.vector_load %arg11[%get3A_653, %get3A_654] {strides = array<i32>} : memref<64x256xf32, #tpu.memory_space<vmem>>, vector<16xf32>,
      %swap3A_656 = arith.index_cast %scan3A_599 : i32 to index
      %swap3A_657 = arith.constant 144 : index
      %swap3A_658 = tpu.vector_load %arg9[%swap3A_656, %swap3A_657] {strides = array<i32>} : memref<64x256xf32, #tpu.memory_space<vmem>>, vector<16xf32>,
      tpu.vector_store %arg9[%swap3A_656, %swap3A_657], %get3A_655 {add = true, strides = array<i32>} : memref<64x256xf32, #tpu.memory_space<vmem>>, vector<16xf32>,
      %get3A_659 = arith.index_cast %scan3A_599 : i32 to index
      %get3A_660 = arith.constant 160 : index
      %get3A_661 = tpu.vector_load %arg11[%get3A_659, %get3A_660] {strides = array<i32>} : memref<64x256xf32, #tpu.memory_space<vmem>>, vector<16xf32>,
      %swap3A_662 = arith.index_cast %scan3A_599 : i32 to index
      %swap3A_663 = arith.constant 160 : index
      %swap3A_664 = tpu.vector_load %arg9[%swap3A_662, %swap3A_663] {strides = array<i32>} : memref<64x256xf32, #tpu.memory_space<vmem>>, vector<16xf32>,
      tpu.vector_store %arg9[%swap3A_662, %swap3A_663], %get3A_661 {add = true, strides = array<i32>} : memref<64x256xf32, #tpu.memory_space<vmem>>, vector<16xf32>,
      %get3A_665 = arith.index_cast %scan3A_599 : i32 to index
      %get3A_666 = arith.constant 176 : index
      %get3A_667 = tpu.vector_load %arg11[%get3A_665, %get3A_666] {strides = array<i32>} : memref<64x256xf32, #tpu.memory_space<vmem>>, vector<16xf32>,
      %swap3A_668 = arith.index_cast %scan3A_599 : i32 to index
      %swap3A_669 = arith.constant 176 : index
      %swap3A_670 = tpu.vector_load %arg9[%swap3A_668, %swap3A_669] {strides = array<i32>} : memref<64x256xf32, #tpu.memory_space<vmem>>, vector<16xf32>,
      tpu.vector_store %arg9[%swap3A_668, %swap3A_669], %get3A_667 {add = true, strides = array<i32>} : memref<64x256xf32, #tpu.memory_space<vmem>>, vector<16xf32>,
      %get3A_671 = arith.index_cast %scan3A_599 : i32 to index
      %get3A_672 = arith.constant 192 : index
      %get3A_673 = tpu.vector_load %arg11[%get3A_671, %get3A_672] {strides = array<i32>} : memref<64x256xf32, #tpu.memory_space<vmem>>, vector<16xf32>,
      %swap3A_674 = arith.index_cast %scan3A_599 : i32 to index
      %swap3A_675 = arith.constant 192 : index
      %swap3A_676 = tpu.vector_load %arg9[%swap3A_674, %swap3A_675] {strides = array<i32>} : memref<64x256xf32, #tpu.memory_space<vmem>>, vector<16xf32>,
      tpu.vector_store %arg9[%swap3A_674, %swap3A_675], %get3A_673 {add = true, strides = array<i32>} : memref<64x256xf32, #tpu.memory_space<vmem>>, vector<16xf32>,
      %get3A_677 = arith.index_cast %scan3A_599 : i32 to index
      %get3A_678 = arith.constant 208 : index
      %get3A_679 = tpu.vector_load %arg11[%get3A_677, %get3A_678] {strides = array<i32>} : memref<64x256xf32, #tpu.memory_space<vmem>>, vector<16xf32>,
      %swap3A_680 = arith.index_cast %scan3A_599 : i32 to index
      %swap3A_681 = arith.constant 208 : index
      %swap3A_682 = tpu.vector_load %arg9[%swap3A_680, %swap3A_681] {strides = array<i32>} : memref<64x256xf32, #tpu.memory_space<vmem>>, vector<16xf32>,
      tpu.vector_store %arg9[%swap3A_680, %swap3A_681], %get3A_679 {add = true, strides = array<i32>} : memref<64x256xf32, #tpu.memory_space<vmem>>, vector<16xf32>,
      %get3A_683 = arith.index_cast %scan3A_599 : i32 to index
      %get3A_684 = arith.constant 224 : index
      %get3A_685 = tpu.vector_load %arg11[%get3A_683, %get3A_684] {strides = array<i32>} : memref<64x256xf32, #tpu.memory_space<vmem>>, vector<16xf32>,
      %swap3A_686 = arith.index_cast %scan3A_599 : i32 to index
      %swap3A_687 = arith.constant 224 : index
      %swap3A_688 = tpu.vector_load %arg9[%swap3A_686, %swap3A_687] {strides = array<i32>} : memref<64x256xf32, #tpu.memory_space<vmem>>, vector<16xf32>,
      tpu.vector_store %arg9[%swap3A_686, %swap3A_687], %get3A_685 {add = true, strides = array<i32>} : memref<64x256xf32, #tpu.memory_space<vmem>>, vector<16xf32>,
      %get3A_689 = arith.index_cast %scan3A_599 : i32 to index
      %get3A_690 = arith.constant 240 : index
      %get3A_691 = tpu.vector_load %arg11[%get3A_689, %get3A_690] {strides = array<i32>} : memref<64x256xf32, #tpu.memory_space<vmem>>, vector<16xf32>,
      %swap3A_692 = arith.index_cast %scan3A_599 : i32 to index
      %swap3A_693 = arith.constant 240 : index
      %swap3A_694 = tpu.vector_load %arg9[%swap3A_692, %swap3A_693] {strides = array<i32>} : memref<64x256xf32, #tpu.memory_space<vmem>>, vector<16xf32>,
      tpu.vector_store %arg9[%swap3A_692, %swap3A_693], %get3A_691 {add = true, strides = array<i32>} : memref<64x256xf32, #tpu.memory_space<vmem>>, vector<16xf32>,
      %scan3A_695 = arith.constant 0 : i32
      scf.yield %scan3A_695 : i32
    }
    %scan3A_561 = arith.constant 64 : i32
    %add3A_562 = arith.constant 896 : i32
    %add3A_563 = arith.addi %mul3A_2, %add3A_562 : i32
    %dma_start3A_564 = arith.constant 0 : i32
    %dma_start3A_565 = tpu.memref_slice %arg5[%add3A_563, %dma_start3A_564] : memref<32768x256xf32, #tpu.memory_space<hbm>> -> memref<64x256xf32, #tpu.memory_space<hbm>>
    %dma_start3A_566 = arith.constant 0 : i32
    %dma_start3A_567 = tpu.memref_slice %arg5[%add3A_563, %dma_start3A_566] : memref<32768x256xf32, #tpu.memory_space<hbm>> -> memref<64x256xf32, #tpu.memory_space<hbm>>
    tpu.enqueue_dma source(%arg9 : memref<64x256xf32, #tpu.memory_space<vmem>>) target(%dma_start3A_567 : memref<64x256xf32, #tpu.memory_space<hbm>>) target_semaphore(%arg17 : memref<!tpu.dma_semaphore, #tpu.memory_space<semaphore_mem>>)
    %dma_wait3A_568 = arith.constant 960 : i32
    %dma_wait3A_569 = tpu.memref_slice %arg7[%dma_wait3A_568] : memref<1024xi32, #tpu.memory_space<vmem>> -> memref<64xi32, #tpu.memory_space<vmem>>
    %dma_wait3A_570 = arith.constant 0 : i32
    %dma_wait3A_571 = arith.constant 0 : i32
    %dma_wait3A_572 = tpu.memref_slice %arg3[%dma_wait3A_570, %dma_wait3A_571] : memref<8192x256xf32, #tpu.memory_space<hbm>> -> memref<8192x256xf32, #tpu.memory_space<hbm>>
    tpu.wait_indirect_dma semaphore(%arg14 : memref<!tpu.dma_semaphore, #tpu.memory_space<semaphore_mem>>) src(%dma_wait3A_572 : memref<8192x256xf32, #tpu.memory_space<hbm>>) dst(%arg10 : memref<64x256xf32, #tpu.memory_space<vmem>>)
    %dma_wait3A_573 = arith.constant 960 : i32
    %dma_wait3A_574 = tpu.memref_slice %arg8[%dma_wait3A_573] : memref<1024xi32, #tpu.memory_space<vmem>> -> memref<64xi32, #tpu.memory_space<vmem>>
    %dma_wait3A_575 = arith.constant 0 : i32
    %dma_wait3A_576 = arith.constant 0 : i32
    %dma_wait3A_577 = tpu.memref_slice %arg4[%dma_wait3A_575, %dma_wait3A_576] : memref<8192x256xf32, #tpu.memory_space<hbm>> -> memref<8192x256xf32, #tpu.memory_space<hbm>>
    tpu.wait_indirect_dma semaphore(%arg16 : memref<!tpu.dma_semaphore, #tpu.memory_space<semaphore_mem>>) src(%dma_wait3A_577 : memref<8192x256xf32, #tpu.memory_space<hbm>>) dst(%arg12 : memref<64x256xf32, #tpu.memory_space<vmem>>)
    %scan3A_578 = arith.constant 0 : i32
    %scan3A_579 = arith.constant 0 : i32
    %scan3A_580 = arith.constant 64 : i32
    %scan3A_581 = arith.addi %scan3A_579, %scan3A_580 : i32
    %scan3A_582 = arith.constant 1 : i32
    %scan3A_583 = scf.for %scan3A_599 = %scan3A_579 to %scan3A_581 step %scan3A_582 iter_args(%scan3A_600 = %scan3A_578) -> (i32)  : i32 {
      %get3A = arith.index_cast %scan3A_599 : i32 to index
      %get3A_601 = arith.constant 0 : index
      %get3A_602 = tpu.vector_load %arg12[%get3A, %get3A_601] {strides = array<i32>} : memref<64x256xf32, #tpu.memory_space<vmem>>, vector<16xf32>,
      %swap3A = arith.index_cast %scan3A_599 : i32 to index
      %swap3A_603 = arith.constant 0 : index
      %swap3A_604 = tpu.vector_load %arg10[%swap3A, %swap3A_603] {strides = array<i32>} : memref<64x256xf32, #tpu.memory_space<vmem>>, vector<16xf32>,
      tpu.vector_store %arg10[%swap3A, %swap3A_603], %get3A_602 {add = true, strides = array<i32>} : memref<64x256xf32, #tpu.memory_space<vmem>>, vector<16xf32>,
      %get3A_605 = arith.index_cast %scan3A_599 : i32 to index
      %get3A_606 = arith.constant 16 : index
      %get3A_607 = tpu.vector_load %arg12[%get3A_605, %get3A_606] {strides = array<i32>} : memref<64x256xf32, #tpu.memory_space<vmem>>, vector<16xf32>,
      %swap3A_608 = arith.index_cast %scan3A_599 : i32 to index
      %swap3A_609 = arith.constant 16 : index
      %swap3A_610 = tpu.vector_load %arg10[%swap3A_608, %swap3A_609] {strides = array<i32>} : memref<64x256xf32, #tpu.memory_space<vmem>>, vector<16xf32>,
      tpu.vector_store %arg10[%swap3A_608, %swap3A_609], %get3A_607 {add = true, strides = array<i32>} : memref<64x256xf32, #tpu.memory_space<vmem>>, vector<16xf32>,
      %get3A_611 = arith.index_cast %scan3A_599 : i32 to index
      %get3A_612 = arith.constant 32 : index
      %get3A_613 = tpu.vector_load %arg12[%get3A_611, %get3A_612] {strides = array<i32>} : memref<64x256xf32, #tpu.memory_space<vmem>>, vector<16xf32>,
      %swap3A_614 = arith.index_cast %scan3A_599 : i32 to index
      %swap3A_615 = arith.constant 32 : index
      %swap3A_616 = tpu.vector_load %arg10[%swap3A_614, %swap3A_615] {strides = array<i32>} : memref<64x256xf32, #tpu.memory_space<vmem>>, vector<16xf32>,
      tpu.vector_store %arg10[%swap3A_614, %swap3A_615], %get3A_613 {add = true, strides = array<i32>} : memref<64x256xf32, #tpu.memory_space<vmem>>, vector<16xf32>,
      %get3A_617 = arith.index_cast %scan3A_599 : i32 to index
      %get3A_618 = arith.constant 48 : index
      %get3A_619 = tpu.vector_load %arg12[%get3A_617, %get3A_618] {strides = array<i32>} : memref<64x256xf32, #tpu.memory_space<vmem>>, vector<16xf32>,
      %swap3A_620 = arith.index_cast %scan3A_599 : i32 to index
      %swap3A_621 = arith.constant 48 : index
      %swap3A_622 = tpu.vector_load %arg10[%swap3A_620, %swap3A_621] {strides = array<i32>} : memref<64x256xf32, #tpu.memory_space<vmem>>, vector<16xf32>,
      tpu.vector_store %arg10[%swap3A_620, %swap3A_621], %get3A_619 {add = true, strides = array<i32>} : memref<64x256xf32, #tpu.memory_space<vmem>>, vector<16xf32>,
      %get3A_623 = arith.index_cast %scan3A_599 : i32 to index
      %get3A_624 = arith.constant 64 : index
      %get3A_625 = tpu.vector_load %arg12[%get3A_623, %get3A_624] {strides = array<i32>} : memref<64x256xf32, #tpu.memory_space<vmem>>, vector<16xf32>,
      %swap3A_626 = arith.index_cast %scan3A_599 : i32 to index
      %swap3A_627 = arith.constant 64 : index
      %swap3A_628 = tpu.vector_load %arg10[%swap3A_626, %swap3A_627] {strides = array<i32>} : memref<64x256xf32, #tpu.memory_space<vmem>>, vector<16xf32>,
      tpu.vector_store %arg10[%swap3A_626, %swap3A_627], %get3A_625 {add = true, strides = array<i32>} : memref<64x256xf32, #tpu.memory_space<vmem>>, vector<16xf32>,
      %get3A_629 = arith.index_cast %scan3A_599 : i32 to index
      %get3A_630 = arith.constant 80 : index
      %get3A_631 = tpu.vector_load %arg12[%get3A_629, %get3A_630] {strides = array<i32>} : memref<64x256xf32, #tpu.memory_space<vmem>>, vector<16xf32>,
      %swap3A_632 = arith.index_cast %scan3A_599 : i32 to index
      %swap3A_633 = arith.constant 80 : index
      %swap3A_634 = tpu.vector_load %arg10[%swap3A_632, %swap3A_633] {strides = array<i32>} : memref<64x256xf32, #tpu.memory_space<vmem>>, vector<16xf32>,
      tpu.vector_store %arg10[%swap3A_632, %swap3A_633], %get3A_631 {add = true, strides = array<i32>} : memref<64x256xf32, #tpu.memory_space<vmem>>, vector<16xf32>,
      %get3A_635 = arith.index_cast %scan3A_599 : i32 to index
      %get3A_636 = arith.constant 96 : index
      %get3A_637 = tpu.vector_load %arg12[%get3A_635, %get3A_636] {strides = array<i32>} : memref<64x256xf32, #tpu.memory_space<vmem>>, vector<16xf32>,
      %swap3A_638 = arith.index_cast %scan3A_599 : i32 to index
      %swap3A_639 = arith.constant 96 : index
      %swap3A_640 = tpu.vector_load %arg10[%swap3A_638, %swap3A_639] {strides = array<i32>} : memref<64x256xf32, #tpu.memory_space<vmem>>, vector<16xf32>,
      tpu.vector_store %arg10[%swap3A_638, %swap3A_639], %get3A_637 {add = true, strides = array<i32>} : memref<64x256xf32, #tpu.memory_space<vmem>>, vector<16xf32>,
      %get3A_641 = arith.index_cast %scan3A_599 : i32 to index
      %get3A_642 = arith.constant 112 : index
      %get3A_643 = tpu.vector_load %arg12[%get3A_641, %get3A_642] {strides = array<i32>} : memref<64x256xf32, #tpu.memory_space<vmem>>, vector<16xf32>,
      %swap3A_644 = arith.index_cast %scan3A_599 : i32 to index
      %swap3A_645 = arith.constant 112 : index
      %swap3A_646 = tpu.vector_load %arg10[%swap3A_644, %swap3A_645] {strides = array<i32>} : memref<64x256xf32, #tpu.memory_space<vmem>>, vector<16xf32>,
      tpu.vector_store %arg10[%swap3A_644, %swap3A_645], %get3A_643 {add = true, strides = array<i32>} : memref<64x256xf32, #tpu.memory_space<vmem>>, vector<16xf32>,
      %get3A_647 = arith.index_cast %scan3A_599 : i32 to index
      %get3A_648 = arith.constant 128 : index
      %get3A_649 = tpu.vector_load %arg12[%get3A_647, %get3A_648] {strides = array<i32>} : memref<64x256xf32, #tpu.memory_space<vmem>>, vector<16xf32>,
      %swap3A_650 = arith.index_cast %scan3A_599 : i32 to index
      %swap3A_651 = arith.constant 128 : index
      %swap3A_652 = tpu.vector_load %arg10[%swap3A_650, %swap3A_651] {strides = array<i32>} : memref<64x256xf32, #tpu.memory_space<vmem>>, vector<16xf32>,
      tpu.vector_store %arg10[%swap3A_650, %swap3A_651], %get3A_649 {add = true, strides = array<i32>} : memref<64x256xf32, #tpu.memory_space<vmem>>, vector<16xf32>,
      %get3A_653 = arith.index_cast %scan3A_599 : i32 to index
      %get3A_654 = arith.constant 144 : index
      %get3A_655 = tpu.vector_load %arg12[%get3A_653, %get3A_654] {strides = array<i32>} : memref<64x256xf32, #tpu.memory_space<vmem>>, vector<16xf32>,
      %swap3A_656 = arith.index_cast %scan3A_599 : i32 to index
      %swap3A_657 = arith.constant 144 : index
      %swap3A_658 = tpu.vector_load %arg10[%swap3A_656, %swap3A_657] {strides = array<i32>} : memref<64x256xf32, #tpu.memory_space<vmem>>, vector<16xf32>,
      tpu.vector_store %arg10[%swap3A_656, %swap3A_657], %get3A_655 {add = true, strides = array<i32>} : memref<64x256xf32, #tpu.memory_space<vmem>>, vector<16xf32>,
      %get3A_659 = arith.index_cast %scan3A_599 : i32 to index
      %get3A_660 = arith.constant 160 : index
      %get3A_661 = tpu.vector_load %arg12[%get3A_659, %get3A_660] {strides = array<i32>} : memref<64x256xf32, #tpu.memory_space<vmem>>, vector<16xf32>,
      %swap3A_662 = arith.index_cast %scan3A_599 : i32 to index
      %swap3A_663 = arith.constant 160 : index
      %swap3A_664 = tpu.vector_load %arg10[%swap3A_662, %swap3A_663] {strides = array<i32>} : memref<64x256xf32, #tpu.memory_space<vmem>>, vector<16xf32>,
      tpu.vector_store %arg10[%swap3A_662, %swap3A_663], %get3A_661 {add = true, strides = array<i32>} : memref<64x256xf32, #tpu.memory_space<vmem>>, vector<16xf32>,
      %get3A_665 = arith.index_cast %scan3A_599 : i32 to index
      %get3A_666 = arith.constant 176 : index
      %get3A_667 = tpu.vector_load %arg12[%get3A_665, %get3A_666] {strides = array<i32>} : memref<64x256xf32, #tpu.memory_space<vmem>>, vector<16xf32>,
      %swap3A_668 = arith.index_cast %scan3A_599 : i32 to index
      %swap3A_669 = arith.constant 176 : index
      %swap3A_670 = tpu.vector_load %arg10[%swap3A_668, %swap3A_669] {strides = array<i32>} : memref<64x256xf32, #tpu.memory_space<vmem>>, vector<16xf32>,
      tpu.vector_store %arg10[%swap3A_668, %swap3A_669], %get3A_667 {add = true, strides = array<i32>} : memref<64x256xf32, #tpu.memory_space<vmem>>, vector<16xf32>,
      %get3A_671 = arith.index_cast %scan3A_599 : i32 to index
      %get3A_672 = arith.constant 192 : index
      %get3A_673 = tpu.vector_load %arg12[%get3A_671, %get3A_672] {strides = array<i32>} : memref<64x256xf32, #tpu.memory_space<vmem>>, vector<16xf32>,
      %swap3A_674 = arith.index_cast %scan3A_599 : i32 to index
      %swap3A_675 = arith.constant 192 : index
      %swap3A_676 = tpu.vector_load %arg10[%swap3A_674, %swap3A_675] {strides = array<i32>} : memref<64x256xf32, #tpu.memory_space<vmem>>, vector<16xf32>,
      tpu.vector_store %arg10[%swap3A_674, %swap3A_675], %get3A_673 {add = true, strides = array<i32>} : memref<64x256xf32, #tpu.memory_space<vmem>>, vector<16xf32>,
      %get3A_677 = arith.index_cast %scan3A_599 : i32 to index
      %get3A_678 = arith.constant 208 : index
      %get3A_679 = tpu.vector_load %arg12[%get3A_677, %get3A_678] {strides = array<i32>} : memref<64x256xf32, #tpu.memory_space<vmem>>, vector<16xf32>,
      %swap3A_680 = arith.index_cast %scan3A_599 : i32 to index
      %swap3A_681 = arith.constant 208 : index
      %swap3A_682 = tpu.vector_load %arg10[%swap3A_680, %swap3A_681] {strides = array<i32>} : memref<64x256xf32, #tpu.memory_space<vmem>>, vector<16xf32>,
      tpu.vector_store %arg10[%swap3A_680, %swap3A_681], %get3A_679 {add = true, strides = array<i32>} : memref<64x256xf32, #tpu.memory_space<vmem>>, vector<16xf32>,
      %get3A_683 = arith.index_cast %scan3A_599 : i32 to index
      %get3A_684 = arith.constant 224 : index
      %get3A_685 = tpu.vector_load %arg12[%get3A_683, %get3A_684] {strides = array<i32>} : memref<64x256xf32, #tpu.memory_space<vmem>>, vector<16xf32>,
      %swap3A_686 = arith.index_cast %scan3A_599 : i32 to index
      %swap3A_687 = arith.constant 224 : index
      %swap3A_688 = tpu.vector_load %arg10[%swap3A_686, %swap3A_687] {strides = array<i32>} : memref<64x256xf32, #tpu.memory_space<vmem>>, vector<16xf32>,
      tpu.vector_store %arg10[%swap3A_686, %swap3A_687], %get3A_685 {add = true, strides = array<i32>} : memref<64x256xf32, #tpu.memory_space<vmem>>, vector<16xf32>,
      %get3A_689 = arith.index_cast %scan3A_599 : i32 to index
      %get3A_690 = arith.constant 240 : index
      %get3A_691 = tpu.vector_load %arg12[%get3A_689, %get3A_690] {strides = array<i32>} : memref<64x256xf32, #tpu.memory_space<vmem>>, vector<16xf32>,
      %swap3A_692 = arith.index_cast %scan3A_599 : i32 to index
      %swap3A_693 = arith.constant 240 : index
      %swap3A_694 = tpu.vector_load %arg10[%swap3A_692, %swap3A_693] {strides = array<i32>} : memref<64x256xf32, #tpu.memory_space<vmem>>, vector<16xf32>,
      tpu.vector_store %arg10[%swap3A_692, %swap3A_693], %get3A_691 {add = true, strides = array<i32>} : memref<64x256xf32, #tpu.memory_space<vmem>>, vector<16xf32>,
      %scan3A_695 = arith.constant 0 : i32
      scf.yield %scan3A_695 : i32
    }
    %scan3A_584 = arith.constant 64 : i32
    %add3A_585 = arith.constant 960 : i32
    %add3A_586 = arith.addi %mul3A_2, %add3A_585 : i32
    %dma_start3A_587 = arith.constant 0 : i32
    %dma_start3A_588 = tpu.memref_slice %arg5[%add3A_586, %dma_start3A_587] : memref<32768x256xf32, #tpu.memory_space<hbm>> -> memref<64x256xf32, #tpu.memory_space<hbm>>
    %dma_start3A_589 = arith.constant 0 : i32
    %dma_start3A_590 = tpu.memref_slice %arg5[%add3A_586, %dma_start3A_589] : memref<32768x256xf32, #tpu.memory_space<hbm>> -> memref<64x256xf32, #tpu.memory_space<hbm>>
    tpu.enqueue_dma source(%arg10 : memref<64x256xf32, #tpu.memory_space<vmem>>) target(%dma_start3A_590 : memref<64x256xf32, #tpu.memory_space<hbm>>) target_semaphore(%arg18 : memref<!tpu.dma_semaphore, #tpu.memory_space<semaphore_mem>>)
    %dma_wait3A_591 = arith.constant 0 : i32
    %dma_wait3A_592 = tpu.memref_slice %arg5[%add3A_563, %dma_wait3A_591] : memref<32768x256xf32, #tpu.memory_space<hbm>> -> memref<64x256xf32, #tpu.memory_space<hbm>>
    %dma_wait3A_593 = arith.constant 0 : i32
    %dma_wait3A_594 = tpu.memref_slice %arg5[%add3A_563, %dma_wait3A_593] : memref<32768x256xf32, #tpu.memory_space<hbm>> -> memref<64x256xf32, #tpu.memory_space<hbm>>
    tpu.wait_dma2 semaphore(%arg17 : memref<!tpu.dma_semaphore, #tpu.memory_space<semaphore_mem>>) src(%arg9 : memref<64x256xf32, #tpu.memory_space<vmem>>) dst(%dma_wait3A_594 : memref<64x256xf32, #tpu.memory_space<hbm>>)
    %dma_wait3A_595 = arith.constant 0 : i32
    %dma_wait3A_596 = tpu.memref_slice %arg5[%add3A_586, %dma_wait3A_595] : memref<32768x256xf32, #tpu.memory_space<hbm>> -> memref<64x256xf32, #tpu.memory_space<hbm>>
    %dma_wait3A_597 = arith.constant 0 : i32
    %dma_wait3A_598 = tpu.memref_slice %arg5[%add3A_586, %dma_wait3A_597] : memref<32768x256xf32, #tpu.memory_space<hbm>> -> memref<64x256xf32, #tpu.memory_space<hbm>>
    tpu.wait_dma2 semaphore(%arg18 : memref<!tpu.dma_semaphore, #tpu.memory_space<semaphore_mem>>) src(%arg10 : memref<64x256xf32, #tpu.memory_space<vmem>>) dst(%dma_wait3A_598 : memref<64x256xf32, #tpu.memory_space<hbm>>)
    return
  }
}

module attributes {stable_mosaic.version = 14 : i64} {
  func.func @_transform_body(%arg0: i32, %arg1: memref<1024x256xf32, #tpu.memory_space<vmem>>, %arg2: memref<1024x256xf32, #tpu.memory_space<vmem>>, %arg3: memref<256x256xf32, #tpu.memory_space<vmem>>, %arg4: memref<256x256xf32, #tpu.memory_space<vmem>>, %arg5: memref<1x256xf32, #tpu.memory_space<vmem>>, %arg6: memref<1024x256xf32, #tpu.memory_space<vmem>>, %arg7: memref<1024x256xf32, #tpu.memory_space<vmem>>) attributes {dimension_semantics = [#tpu.dimension_semantics<arbitrary>], iteration_bounds = array<i64: 8>, scalar_prefetch = 0 : i64, scratch_operands = 0 : i64, tpu.core_type = #tpu.core_type<tc>, window_params = [{transform_indices = @transform_0, window_bounds = array<i64: 1024, 256>}, {transform_indices = @transform_1, window_bounds = array<i64: 1024, 256>}, {pipeline_mode = #tpu.pipeline_mode<synchronous>, transform_indices = @transform_2, window_bounds = array<i64: 256, 256>}, {pipeline_mode = #tpu.pipeline_mode<synchronous>, transform_indices = @transform_3, window_bounds = array<i64: 256, 256>}, {pipeline_mode = #tpu.pipeline_mode<synchronous>, transform_indices = @transform_4, window_bounds = array<i64: 1, 256>}, {transform_indices = @transform_5, window_bounds = array<i64: 1024, 256>}, {transform_indices = @transform_6, window_bounds = array<i64: 1024, 256>}]} {
    %get3A = arith.constant 0 : index
    %get3A_0 = arith.constant 0 : index
    %get3A_1 = vector.load %arg1[%get3A, %get3A_0] : memref<1024x256xf32, #tpu.memory_space<vmem>>, vector<1024x256xf32>
    %get3A_2 = arith.constant 0 : index
    %get3A_3 = arith.constant 0 : index
    %get3A_4 = vector.load %arg3[%get3A_2, %get3A_3] : memref<256x256xf32, #tpu.memory_space<vmem>>, vector<256x256xf32>
    %dot_general3A = arith.constant dense<0.000000e+00> : vector<1024x256xf32>
    %dot_general3A_5 = tpu.matmul %get3A_1, %get3A_4, %dot_general3A {dimension_numbers = #tpu.dot_dimension_numbers<[1], [0], [0], [1], [0, 0, 1, 1], [], []>, transpose_lhs_hint = false} : vector<1024x256xf32>, vector<256x256xf32>, vector<1024x256xf32> -> vector<1024x256xf32>
    %mul3A = arith.constant 1.600000e+01 : f32
    %mul3A_6 = vector.broadcast %mul3A : f32 to vector<1024x256xf32>
    %mul3A_7 = arith.mulf %dot_general3A_5, %mul3A_6 : vector<1024x256xf32>
    %get3A_8 = arith.constant 0 : index
    %get3A_9 = arith.constant 0 : index
    %get3A_10 = vector.load %arg5[%get3A_8, %get3A_9] : memref<1x256xf32, #tpu.memory_space<vmem>>, vector<1x256xf32>
    %add3A = vector.broadcast %get3A_10 : vector<1x256xf32> to vector<1024x256xf32>
    %add3A_11 = arith.addf %mul3A_7, %add3A : vector<1024x256xf32>
    %swap3A = arith.constant 0 : index
    %swap3A_12 = arith.constant 0 : index
    %swap3A_13 = vector.load %arg6[%swap3A, %swap3A_12] : memref<1024x256xf32, #tpu.memory_space<vmem>>, vector<1024x256xf32>
    tpu.vector_store %arg6[%swap3A, %swap3A_12], %add3A_11 {strides = array<i32>} : memref<1024x256xf32, #tpu.memory_space<vmem>>, vector<1024x256xf32>,
    %get3A_14 = arith.constant 0 : index
    %get3A_15 = arith.constant 0 : index
    %get3A_16 = vector.load %arg2[%get3A_14, %get3A_15] : memref<1024x256xf32, #tpu.memory_space<vmem>>, vector<1024x256xf32>
    %get3A_17 = arith.constant 0 : index
    %get3A_18 = arith.constant 0 : index
    %get3A_19 = vector.load %arg4[%get3A_17, %get3A_18] : memref<256x256xf32, #tpu.memory_space<vmem>>, vector<256x256xf32>
    %dot_general3A_20 = arith.constant dense<0.000000e+00> : vector<1024x256xf32>
    %dot_general3A_21 = tpu.matmul %get3A_16, %get3A_19, %dot_general3A_20 {dimension_numbers = #tpu.dot_dimension_numbers<[1], [0], [0], [1], [0, 0, 1, 1], [], []>, transpose_lhs_hint = false} : vector<1024x256xf32>, vector<256x256xf32>, vector<1024x256xf32> -> vector<1024x256xf32>
    %mul3A_22 = arith.constant 1.600000e+01 : f32
    %mul3A_23 = vector.broadcast %mul3A_22 : f32 to vector<1024x256xf32>
    %mul3A_24 = arith.mulf %dot_general3A_21, %mul3A_23 : vector<1024x256xf32>
    %swap3A_25 = arith.constant 0 : index
    %swap3A_26 = arith.constant 0 : index
    %swap3A_27 = vector.load %arg7[%swap3A_25, %swap3A_26] : memref<1024x256xf32, #tpu.memory_space<vmem>>, vector<1024x256xf32>
    tpu.vector_store %arg7[%swap3A_25, %swap3A_26], %mul3A_24 {strides = array<i32>} : memref<1024x256xf32, #tpu.memory_space<vmem>>, vector<1024x256xf32>,
    return
  }
  func.func @transform_0(%arg0: i32) -> (i32, i32) {
    %c0_i32 = arith.constant 0 : i32
    %c0_i32_0 = arith.constant 0 : i32
    return %arg0, %c0_i32 : i32, i32
  }
  func.func @transform_1(%arg0: i32) -> (i32, i32) {
    %c0_i32 = arith.constant 0 : i32
    %c0_i32_0 = arith.constant 0 : i32
    return %arg0, %c0_i32 : i32, i32
  }
  func.func @transform_2(%arg0: i32) -> (i32, i32) {
    %c0_i32 = arith.constant 0 : i32
    %c0_i32_0 = arith.constant 0 : i32
    %c0_i32_1 = arith.constant 0 : i32
    return %c0_i32, %c0_i32_0 : i32, i32
  }
  func.func @transform_3(%arg0: i32) -> (i32, i32) {
    %c0_i32 = arith.constant 0 : i32
    %c0_i32_0 = arith.constant 0 : i32
    %c0_i32_1 = arith.constant 0 : i32
    return %c0_i32, %c0_i32_0 : i32, i32
  }
  func.func @transform_4(%arg0: i32) -> (i32, i32) {
    %c0_i32 = arith.constant 0 : i32
    %c0_i32_0 = arith.constant 0 : i32
    %c0_i32_1 = arith.constant 0 : i32
    return %c0_i32, %c0_i32_0 : i32, i32
  }
  func.func @transform_5(%arg0: i32) -> (i32, i32) {
    %c0_i32 = arith.constant 0 : i32
    %c0_i32_0 = arith.constant 0 : i32
    return %arg0, %c0_i32 : i32, i32
  }
  func.func @transform_6(%arg0: i32) -> (i32, i32) {
    %c0_i32 = arith.constant 0 : i32
    %c0_i32_0 = arith.constant 0 : i32
    return %arg0, %c0_i32 : i32, i32
  }
}

</mosaic_0001>

<sc_bundles>
// kernel: kernel.4.cloned.1.call-start
scs
__scs_entry_jumppad:
0x0: {  	(pc) =	sbr.rel $0x88, $3  }
0x1: {  	(tag) =	ssettag $0x0;
	lr =	simm.s32 $0x1  }
0x2: {  	[smem:$0x3F9C] =	sst lr;
	_ =	strace $0xD0000000  }
0x3: {  	_ = 	snop  }
0x4: {  	_ = 	snop  }
0x5: {  	_ = 	snop  }
0x6: {  	_ = 	snop  }
0x7: {  	_ = 	snop  }
__scs_overlays_trampoline_lowered:
0x8: {  	[smem:$0x3FAB] =	sst s0  }
0x9: {  	[smem:$0x3FAC] =	sst s1  }
0xa: {  	[smem:$0x3FAD] =	sst s2  }
0xb: {  	[smem:$0x3FAE] =	sst s3  }
0xc: {  	[smem:$0x3FAF] =	sst s4  }
0xd: {  	[smem:$0x3FB0] =	sst s5  }
0xe: {  	[smem:$0x3FB1] =	sst s6  }
0xf: {  	[smem:$0x3FB2] =	sst s7  }
0x10: {  	[smem:$0x3FB3] =	sst s8  }
0x11: {  	[smem:$0x3FB4] =	sst s9;
	s0 =	simm.s32 @!p0 $0x0  }
0x12: {  	s1 =	sld [smem:$0x3F9A];
	s0 =	simm.s32 @p0 $0x1  }
0x13: {  	[smem:$0x3FB5] =	sst s0;
	s0 =	simm.s32 @!p1 $0x0  }
0x14: {  	s2 =	sld [smem:$0x3F99];
	s0 =	simm.s32 @p1 $0x1  }
0x15: {  	[smem:$0x3FB6] =	sst s0;
	s0 =	simm.s32 @!p2 $0x0  }
0x16: {  	s3 =	sld [smem:$0x3FDB];
	s0 =	simm.s32 @p2 $0x1  }
0x17: {  	s4 =	simm.s32 $0x1BF5;
	[smem:$0x3FB8] =	sst s0  }
0x18: {  	s0 =	sld [smem:$0x3F9B];
	_ =	swait.ge [sflag:s4], $0x0  }
0x19: {  	s7 =	sld [smem:$0x3F9C]  }
0x1a: {  	s8 =	sadd.s32 $0xFFFFE003, lr  }
0x1b: {  	s9 =	sadd.s32 $0xFFFFFEF7, lr;
	s5 =	simm.s32 $0xFFFFFFFF;
	p2 =	slt.u32 s8, $0xFFFFF086  }
0x1c: {  	p1 =	slt.u32 s9, $0xF7A;
	s5 =	simm.s32 @!p2 $0x0  }
0x1d: {  	s5 =	simm.s32 @p1 $0x1;
	p0 =	seq.s32 s7, s2  }
0x1e: {  	s7 =	smul.u32 @!p0 $0xF7A, s2;
	p2 =	seq.s32 @!p0 s5, $0x0  }
0x1f: {  	s9 =	smul.u32 $0xF7A, s1;
	s8 =	simm.s32 @!p0 $0x1BF5;
	p2 =	por !p2, p0  }
0x20: {  	[sflag:s8] =	ssyncset.s32 @!p0 $0xFFFFF086;
	s6 =	sadd.s32 @!p0 s3, s7;
	s7 =	simm.s32 @!p0 $0x108  }
0x21: {  	s3 =	sadd.s32 s3, s9;
	s6 =	sadd.s32 @!p0 $0x88, s6;
	s7 =	simm.s32 @p2 $0x1082  }
0x22: {  	[simem:s7], [sflag:s8] =	dma.local @!p0 [hbm:s6], $0xF7A  }
0x23: {  	s9 =	sor.u32 $0xD0000000, s2;
	s6 =	simm.s32 $0x108;
	_ =	swait.ge @!p0 [sflag:s8], $0x0  }
0x24: {  	s3 =	sadd.s32 $0x88, s3;
	s6 =	simm.s32 @!p1 $0x1082;
	[sflag:s4] =	ssyncset.s32 $0xFFFFF086  }
0x25: {  	[simem:s6], [sflag:s4] =	dma.local [hbm:s3], $0xF7A  }
0x26: {  	[smem:$0x3F9C] =	sst s1;
	(tag) =	ssettag s2;
	_ =	strace s9  }
0x27: {  	s1 =	sld [smem:$0x3FAC]  }
0x28: {  	s2 =	sld [smem:$0x3FAD]  }
0x29: {  	s4 =	sld [smem:$0x3FAF]  }
0x2a: {  	p0 =	seq.s32 s5, $0x0;
	s5 =	sld [smem:$0x3FB0]  }
0x2b: {  	s6 =	sld [smem:$0x3FB1]  }
0x2c: {  	s7 =	sld [smem:$0x3FB2]  }
0x2d: {  	s3 =	simm.s32 $0x108;
	s8 =	sld [smem:$0x3FB3]  }
0x2e: {  	s3 =	simm.s32 @!p0 $0x1082;
	s9 =	sld [smem:$0x3FB4]  }
0x2f: {  	lr =	sadd.s32 s0, s3;
	s0 =	sld [smem:$0x3FAB]  }
0x30: {  	s3 =	sld [smem:$0x3FAE]  }
0x31: {  	[smem:$0x3FB7] =	sst s10  }
0x32: {  	s10 =	sld [smem:$0x3FB5];
	_ =	sdelay $0x3  }
0x33: {  	p0 =	seq.s32 s10, $0x1;
	s10 =	sld [smem:$0x3FB7];
	_ =	sdelay $0x3  }
0x34: {  	[smem:$0x3FB7] =	sst s10  }
0x35: {  	s10 =	sld [smem:$0x3FB6];
	_ =	sdelay $0x3  }
0x36: {  	p1 =	seq.s32 s10, $0x1;
	s10 =	sld [smem:$0x3FB7];
	_ =	sdelay $0x3  }
0x37: {  	[smem:$0x3FB7] =	sst s10  }
0x38: {  	s10 =	sld [smem:$0x3FB8]  }
0x39: {  	_ = 	snop;
	(pc) =	sbr.ind lr, $3  }
0x3a: {  	_ = 	snop  }
0x3b: {  	_ = 	snop  }
0x3c: {  	p2 =	seq.s32 s10, $0x1;
	s10 =	sld [smem:$0x3FB7]  }
0x3d: {  	_ =	shalt  }
0x3e: {  	_ =	shalt  }
0x3f: {  	_ =	shalt  }
0x40: {  	_ =	shalt  }
0x41: {  	_ =	shalt  }
0x42: {  	_ =	shalt  }
0x43: {  	_ =	shalt  }
0x44: {  	_ =	shalt  }
0x45: {  	_ =	shalt  }
0x46: {  	_ =	shalt  }
0x47: {  	_ =	shalt  }
0x48: {  	_ =	shalt  }
0x49: {  	_ =	shalt  }
0x4a: {  	_ =	shalt  }
0x4b: {  	_ =	shalt  }
0x4c: {  	_ =	shalt  }
0x4d: {  	_ =	shalt  }
0x4e: {  	_ =	shalt  }
0x4f: {  	_ =	shalt  }
0x50: {  	_ =	shalt  }
0x51: {  	_ =	shalt  }
0x52: {  	_ =	shalt  }
0x53: {  	_ =	shalt  }
0x54: {  	_ =	shalt  }
0x55: {  	_ =	shalt  }
0x56: {  	_ =	shalt  }
0x57: {  	_ =	shalt  }
0x58: {  	_ =	shalt  }
0x59: {  	_ =	shalt  }
0x5a: {  	_ =	shalt  }
0x5b: {  	_ =	shalt  }
0x5c: {  	_ =	shalt  }
0x5d: {  	_ =	shalt  }
0x5e: {  	_ =	shalt  }
0x5f: {  	_ =	shalt  }
0x60: {  	_ =	shalt  }
0x61: {  	_ =	shalt  }
0x62: {  	_ =	shalt  }
0x63: {  	_ =	shalt  }
0x64: {  	_ =	shalt  }
0x65: {  	_ =	shalt  }
0x66: {  	_ =	shalt  }
0x67: {  	_ =	shalt  }
0x68: {  	_ =	shalt  }
0x69: {  	_ =	shalt  }
0x6a: {  	_ =	shalt  }
0x6b: {  	_ =	shalt  }
0x6c: {  	_ =	shalt  }
0x6d: {  	_ =	shalt  }
0x6e: {  	_ =	shalt  }
0x6f: {  	_ =	shalt  }
0x70: {  	_ =	shalt  }
0x71: {  	_ =	shalt  }
0x72: {  	_ =	shalt  }
0x73: {  	_ =	shalt  }
0x74: {  	_ =	shalt  }
0x75: {  	_ =	shalt  }
0x76: {  	_ =	shalt  }
0x77: {  	_ =	shalt  }
0x78: {  	_ =	shalt  }
0x79: {  	_ =	shalt  }
0x7a: {  	_ =	shalt  }
0x7b: {  	_ =	shalt  }
0x7c: {  	_ =	shalt  }
0x7d: {  	_ =	shalt  }
0x7e: {  	_ =	shalt  }
0x7f: {  	_ =	shalt  }
0x80: {  	_ =	shalt  }
0x81: {  	_ =	shalt  }
0x82: {  	_ =	shalt  }
0x83: {  	_ =	shalt  }
0x84: {  	_ =	shalt  }
0x85: {  	_ =	shalt  }
0x86: {  	_ =	shalt  }
0x87: {  	_ =	shalt  }
.Lfunc_end0:
.L_simem_size_0:
called_computation_lowered:
.L_overlay_start_0:
0x88: {  	s2 =	sld [smem:$0x3FD9]  }
0x89: {  	s3 =	sld [smem:$0x3FFE];
	_ =	sdelay $0x1  }
0x8a: {  	s1 =	srdreg.scid  }
0x8b: {  	s0 =	sand.u32 $0x1, s1  }
0x8c: {  	s17 =	sshll.u32 s0, $0xA;
	s2 =	sadd.s32 s3, s2  }
0x8d: {  	s2 =	sadd.s32 s2, s17  }
0x8e: {  	[smem:$0x3FC3] =	sst s2  }
0x8f: {  	_ = 	snop  }
0x90: {  	s2 =	sld [smem:$0x3FD0];
	(tm) =	ssettm $0x1  }
0x91: {  	s18 =	sld [smem:$0x3FFB];
	_ =	sdelay $0x3  }
0x92: {  	_ =	strace s18  }
0x93: {  	s3 =	sld [smem:$0x3FFC];
	_ =	sdelay $0x3  }
0x94: {  	_ =	strace s3  }
0x95: {  	s3 =	sld [smem:$0x3FFD];
	_ =	sdelay $0x3  }
0x96: {  	_ =	strace s3  }
0x97: {  	_ =	strace $0x8FFFFFFF  }
0x98: {  	s19 =	sld [smem:$0x3FDB];
	_ =	sdelay $0x1  }
0x99: {  	s4 =	simm.s32 $_scs_section_size  }
0x9a: {  	s5 =	simm.s32 $_size__tile_overlayer_lowered;
	s6 =	simm.s32 $_tile_overlayer_lowered  }
0x9b: {  	s22 =	simm.s32 $0x1BFF;
	s21 =	sshll.u32 s6, $0x1;
	s3 =	sadd.s32 s4, s19  }
0x9c: {  	s7 =	simm.s32 $0x0;
	s20 =	sshll.u32 s5, $0x1;
	s5 =	sadd.s32 s21, s3  }
0x9d: {  	[timem:s7], [sflag:s22] =	dma.local [hbm:s5], s20  }
0x9e: {  	_ =	swait.ge [sflag:s22], s20  }
0x9f: {  	s4 =	ssub.s32 $0x0, s20;
	[sflag:s22] =	ssyncset.done $0x0  }
0xa0: {  	[sflag:s22] =	ssyncadd.s32 s4;
	_ =	sdelay $0x1  }
0xa1: {  	s23 =	simm.s32 $0x1B8B  }
0xa2: {  	_ =	swait.ge [sflag:s23], $0x1  }
0xa3: {  	[sflag:s23] =	ssyncset.done $0x0  }
0xa4: {  	s25 =	simm.s32 $0x1B8E;
	s24 =	sld [smem:$0x3FFE];
	[sflag:s23] =	ssyncadd.s32 $0xFFFFFFFF  }
0xa5: {  	s26 =	simm.s32 $execute0_lowered;
	[smem:$0x3FD2] =	sst s25  }
0xa6: {  	s5 =	sshll.u32 s26, $0x1;
	_ =	strace $0x80000046;
	[dreg:$0x1] =	wrdreg $0xFFFFFFFF  }
0xa7: {  	s28 =	simm.s32 $_size_execute0_lowered;
	s3 =	sadd.s32 s3, s5;
	[dreg:$0x0] =	wrdreg $0x0  }
0xa8: {  	s5 =	sshll.u32 s28, $0x1;
	[dreg:$0x2] =	wrdreg s3  }
0xa9: {  	[dreg:$0x3] =	wrdreg s5  }
0xaa: {  	[dreg:$0x4] =	wrdreg $0xC0  }
0xab: {  	_ =	task [dreg:s7], $0x5FFFF  }
0xac: {  	[dreg:$0x1] =	wrdreg $0xFFFFFFFF  }
0xad: {  	[dreg:$0x0] =	wrdreg $0x60  }
0xae: {  	[dreg:$0x2] =	wrdreg s24  }
0xaf: {  	[dreg:$0x3] =	wrdreg s2  }
0xb0: {  	[dreg:$0x4] =	wrdreg $0x9  }
0xb1: {  	_ =	task.clear_ibuf [dreg:s7], $0x5FFFF;
	_ =	strace $0x90000046  }
0xb2: {  	s29 =	simm.s32 $0x9;
	_ =	strace $0x80000048  }
0xb3: {  	_ =	swait.ge [sflag:s29], $0x1  }
0xb4: {  	[sflag:s29] =	ssyncadd.s32 $0xFFFFFFFF  }
0xb5: {  	_ =	strace $0x90000048  }
0xb6: {  	_ =	sfence  }
0xb7: {  	s30 =	sld [smem:$0x0];
	_ =	sdelay $0x2  }
0xb8: {  	s31 =	sshll.u32 s1, $0xD;
	s1 =	sshrl.u32 s1, $0x2  }
0xb9: {  	s3 =	sand.u32 $0x4000, s31;
	s1 =	sadd.s32 s1, s30  }
0xba: {  	s0 =	sor.u32 s3, s0;
	s1 =	sshll.u32 s1, $0x11  }
0xbb: {  	s0 =	sor.u32 s1, s0  }
0xbc: {  	s0 =	sadd.s32 $0x8F2B, s0  }
0xbd: {  	[sflag:s0] =	ssyncadd.remote.s32 $0x1  }
0xbe: {  	_ =	sfence.sel $0xFFFF  }
0xbf: {  	[dreg:$0x0] =	wrdreg $0xFFFFFFFF;
	(pc) =	sbr.abs _section_cstart, $3  }
0xc0: {  	[dreg:$0x1] =	wrdreg $0xFFFFFFFF  }
0xc1: {  	_ =	task.clear_ibuf [dreg:s7], $0x2FFFF;
	_ =	strace $0x9FFFFFFF  }
0xc2: {  	(tm) =	ssettm $0x7FFFFFFF  }
0xc3: {  	_ =	shalt  }
tec
execute0_lowered:
.L_overlay_start_1:
0x0: {  	(tag) =	ssettag $0x1  }
0x1: {  	s0 =	srdreg.scid;
	s1 =	rddreg [dreg:$0x0]  }
0x2: {  	s3 =	stileid.u32;
	s2 =	rddreg [dreg:$0x1];
	s0 =	sand.u32 $0x1, s0  }
0x3: {  	s8 =	simm.s32 $0x0;
	s3 =	sshll.u32 s3, $0xB;
	s4 =	sshll.u32 s0, $0xA  }
0x4: {  	[smem:$0x7FF] =	sst s8;
	s0 =	ssub.s32 $0x2, s0;
	s4 =	sor.u32 s4, s3  }
0x5: {  	_ =	strace $0x80000047;
	s6 =	sshrl.u32 s0, $0x1;
	s7 =	sshll.u32 s4, $0x5  }
0x6: {  	s3 =	sshrl.u32 s4, $0x3;
	s0 =	ssub.s32 s0, s6;
	s11 =	sadd.s32 s2, s7  }
0x7: {  	s5 =	sadd.s32 s3, s1;
	s0 =	smax.u32 s0, $0x1;
	[dreg:$0x3] =	wrdreg s11  }
0x8: {  	s12 =	sadd.s32 $0xE00, s5;
	[dreg:$0x14] =	wrdreg s0  }
0x9: {  	s13 =	sadd.s32 $0x800, s11;
	[dreg:$0x4] =	wrdreg s12  }
0xa: {  	s14 =	sadd.s32 $0x1000, s11;
	[dreg:$0x5] =	wrdreg s13  }
0xb: {  	s15 =	sadd.s32 $0x1800, s11;
	[dreg:$0x6] =	wrdreg s14  }
0xc: {  	s16 =	sadd.s32 $0x2000, s11;
	[dreg:$0x7] =	wrdreg s15  }
0xd: {  	s17 =	sadd.s32 $0x2800, s11;
	[dreg:$0x8] =	wrdreg s16  }
0xe: {  	s18 =	sadd.s32 $0x3000, s11;
	[dreg:$0x9] =	wrdreg s17  }
0xf: {  	s28 =	simm.s32 $0xF400;
	s19 =	sadd.s32 $0x3800, s11;
	[dreg:$0xa] =	wrdreg s18  }
0x10: {  	s29 =	simm.s32 $0xFC00;
	s20 =	sadd.s32 $0x4000, s11;
	[dreg:$0xb] =	wrdreg s19  }
0x11: {  	s30 =	simm.s32 $0x10400;
	s21 =	sadd.s32 $0x4800, s11;
	[dreg:$0xc] =	wrdreg s20  }
0x12: {  	s31 =	simm.s32 $0x2;
	s22 =	sadd.s32 $0x5000, s11;
	[dreg:$0xd] =	wrdreg s21  }
0x13: {  	s4 =	sadd.s32 $0x41E00, s1;
	s23 =	sadd.s32 $0x5800, s11;
	[dreg:$0xe] =	wrdreg s22  }
0x14: {  	s6 =	simm.s32 $0x0;
	s24 =	sadd.s32 $0x6000, s11;
	[dreg:$0xf] =	wrdreg s23  }
0x15: {  	s3 =	sadd.s32 $0x1E00, s1;
	s25 =	sadd.s32 $0x6800, s11;
	[dreg:$0x10] =	wrdreg s24  }
0x16: {  	s2 =	simm.s32 $0x6;
	s26 =	sadd.s32 $0x7000, s11;
	[dreg:$0x11] =	wrdreg s25  }
0x17: {  	s1 =	sadd.s32 $0x7800, s11;
	s5 =	simm.s32 $0xD400;
	[dreg:$0x12] =	wrdreg s26  }
0x18: {  	s0 =	simm.s32 $0x5;
	[dreg:$0x13] =	wrdreg s1;
	s24 =	simm.s32 $0xC00  }
0x19: {  	s12 =	simm.s32 $0x1;
	s13 =	simm.s32 $0x3;
	s14 =	simm.s32 $0x4C00  }
0x1a: {  	s15 =	simm.s32 $0x5400;
	s16 =	simm.s32 $0x5C00;
	s17 =	simm.s32 $0x6400  }
0x1b: {  	v2 =	vlaneseq.u32;
	s18 =	simm.s32 $0x6C00;
	s19 =	simm.s32 $0x7400;
	s20 =	simm.s32 $0x7C00  }
0x1c: {  	vm0 =	vmmov $0xffff;
	v1 =	vshrl.u32 v2, $0x3;
	s21 =	simm.s32 $0x8400;
	s22 =	simm.s32 $0xCC00;
	s23 =	simm.s32 $0xDC00  }
0x1d: {  	v0 =	vand.u32 $0x7, v2;
	v2 =	vor.u32 $0x8, v2;
	v1 =	vmul.u32 $0x8, v1;
	s25 =	simm.s32 $0xE400;
	s26 =	simm.s32 $0xEC00;
	s1 =	simm.s32 $0x4  }
.LBB2_1:
0x1e: {  	s7 =	rddreg [dreg:$0x4];
	s11 =	simm.s32 $0x7  }
0x1f: {  	[tilespmem:s8], [sflag:$0x7] =	stream.linear.gather [hbm4b:s7+s8], $0x400, $0x38;
	[tilespmem:$0x10C00] =	vst v63  }
0x20: {  	_ =	swait.ge [sflag:s11], $0x400  }
0x21: {  	[sflag:s11] =	ssyncset.done $0x0  }
0x22: {  	s7 =	simm.s32 $0x0;
	[sflag:s11] =	ssyncadd.s32 $0xFFFFFC00  }
0x23: {  	v3 =	vld [tilespmem:s7+$0x0]  }
0x24: {  	s8 =	simm.s32 $0x40  }
.LBB2_2:
0x25: {  	p0 =	sne.s32 s8, $0xFC0  }
.Ltmp0:
0x26: {  	_ = 	snop;
	(pc) =	sbr.rel @p0 .LBB2_2-.Ltmp0, $4  }
0x27: {  	_ = 	snop  }
0x28: {  	s9 =	sshra.s32 s8, $0x2;
	s8 =	sadd.s32 $0x40, s8;
	v4 =	vshrl.u32 v3, $0xD;
	v5 =	vand.u32 $0x1FFF, v3  }
0x29: {  	v3 =	vld [tilespmem:s9+$0x0];
	[tilespmem:s7+$0x800] =	vst v5  }
0x2a: {  	[tilespmem:s7+$0x400] =	vst v4;
	s7 =	smov.u32 s9  }
0x2b: {  	_ =	sdelay $0x2  }
0x2c: {  	v4 =	vand.u32 $0x1FFF, v3  }
0x2d: {  	v3 =	vshrl.u32 v3, $0xD;
	[tilespmem:s7+$0x800] =	vst v4  }
0x2e: {  	[tilespmem:s7+$0x400] =	vst v3  }
0x2f: {  	v3 =	vld [tilespmem:$0x400];
	_ =	sdelay $0x4  }
0x30: {  	v4 =	vshll.u32 v3, $0x1  }
0x31: {  	v3 =	vand.u32 $0x7, v3;
	v4 =	vand.u32 $0xFFFFFFF0, v4  }
0x32: {  	v3 =	vor.u32 v3, v4  }
0x33: {  	v4 =	vperm.xlane v3, v0;
	_ =	sdelay $0x1  }
0x34: {  	v3 =	vperm.xlane v3, v2;
	v4 =	vadd.s32 v1, v4;
	_ =	sdelay $0x1  }
0x35: {  	v3 =	vadd.s32 v1, v3;
	_ =	sdelay $0x1  }
0x36: {  	s7 =	simm.s32 $0x0  }
0x37: {  	[tilespmem:s24], [sflag:$0x1] =	stream.indirect_vreg.gather [hbm4b:s3+s7], $0x80, v4, vm0, $0xb8;
	[tilespmem:$0x10C00] =	vst v63  }
0x38: {  	s8 =	simm.s32 $0x1400  }
0x39: {  	[tilespmem:s8], [sflag:$0x1] =	stream.indirect_vreg.gather [hbm4b:s3+s7], $0x80, v3, vm0, $0xb8;
	[tilespmem:$0x10C00] =	vst v63  }
0x3a: {  	v3 =	vld [tilespmem:$0x410];
	_ =	sdelay $0x4  }
0x3b: {  	v4 =	vshll.u32 v3, $0x1  }
0x3c: {  	v3 =	vand.u32 $0x7, v3;
	v4 =	vand.u32 $0xFFFFFFF0, v4  }
0x3d: {  	v3 =	vor.u32 v3, v4  }
0x3e: {  	v4 =	vperm.xlane v3, v0;
	_ =	sdelay $0x1  }
0x3f: {  	v3 =	vperm.xlane v3, v2;
	v4 =	vadd.s32 v1, v4;
	_ =	sdelay $0x1  }
0x40: {  	v3 =	vadd.s32 v1, v3;
	_ =	sdelay $0x1  }
0x41: {  	s9 =	simm.s32 $0x1C00  }
0x42: {  	[tilespmem:s9], [sflag:$0x1] =	stream.indirect_vreg.gather [hbm4b:s3+s7], $0x80, v4, vm0, $0xb8;
	[tilespmem:$0x10C00] =	vst v63  }
0x43: {  	s10 =	simm.s32 $0x2400  }
0x44: {  	[tilespmem:s10], [sflag:$0x1] =	stream.indirect_vreg.gather [hbm4b:s3+s7], $0x80, v3, vm0, $0xb8;
	[tilespmem:$0x10C00] =	vst v63  }
0x45: {  	v3 =	vld [tilespmem:$0x420];
	_ =	sdelay $0x4  }
0x46: {  	v4 =	vshll.u32 v3, $0x1  }
0x47: {  	v3 =	vand.u32 $0x7, v3;
	v4 =	vand.u32 $0xFFFFFFF0, v4  }
0x48: {  	v3 =	vor.u32 v3, v4  }
0x49: {  	v4 =	vperm.xlane v3, v0;
	_ =	sdelay $0x1  }
0x4a: {  	v3 =	vperm.xlane v3, v2;
	v4 =	vadd.s32 v1, v4;
	_ =	sdelay $0x1  }
0x4b: {  	v3 =	vadd.s32 v1, v3;
	_ =	sdelay $0x1  }
0x4c: {  	s11 =	simm.s32 $0x2C00  }
0x4d: {  	[tilespmem:s11], [sflag:$0x1] =	stream.indirect_vreg.gather [hbm4b:s3+s7], $0x80, v4, vm0, $0xb8;
	[tilespmem:$0x10C00] =	vst v63  }
0x4e: {  	s9 =	simm.s32 $0x3400  }
0x4f: {  	[tilespmem:s9], [sflag:$0x1] =	stream.indirect_vreg.gather [hbm4b:s3+s7], $0x80, v3, vm0, $0xb8;
	[tilespmem:$0x10C00] =	vst v63  }
0x50: {  	v3 =	vld [tilespmem:$0x430];
	_ =	sdelay $0x4  }
0x51: {  	v4 =	vshll.u32 v3, $0x1  }
0x52: {  	v3 =	vand.u32 $0x7, v3;
	v4 =	vand.u32 $0xFFFFFFF0, v4  }
0x53: {  	v3 =	vor.u32 v3, v4  }
0x54: {  	v4 =	vperm.xlane v3, v0;
	_ =	sdelay $0x1  }
0x55: {  	v3 =	vperm.xlane v3, v2;
	v4 =	vadd.s32 v1, v4;
	_ =	sdelay $0x1  }
0x56: {  	v3 =	vadd.s32 v1, v3;
	_ =	sdelay $0x1  }
0x57: {  	s10 =	simm.s32 $0x3C00  }
0x58: {  	[tilespmem:s10], [sflag:$0x1] =	stream.indirect_vreg.gather [hbm4b:s3+s7], $0x80, v4, vm0, $0xb8;
	[tilespmem:$0x10C00] =	vst v63  }
0x59: {  	s11 =	simm.s32 $0x4400  }
0x5a: {  	[tilespmem:s11], [sflag:$0x1] =	stream.indirect_vreg.gather [hbm4b:s3+s7], $0x80, v3, vm0, $0xb8;
	[tilespmem:$0x10C00] =	vst v63  }
0x5b: {  	v3 =	vld [tilespmem:$0x800];
	_ =	sdelay $0x4  }
0x5c: {  	v4 =	vshll.u32 v3, $0x1  }
0x5d: {  	v3 =	vand.u32 $0x7, v3;
	v4 =	vand.u32 $0xFFFFFFF0, v4  }
0x5e: {  	v3 =	vor.u32 v3, v4  }
0x5f: {  	v4 =	vperm.xlane v3, v0;
	_ =	sdelay $0x1  }
0x60: {  	v3 =	vperm.xlane v3, v2;
	v4 =	vadd.s32 v1, v4;
	_ =	sdelay $0x1  }
0x61: {  	v3 =	vadd.s32 v1, v3;
	_ =	sdelay $0x1  }
0x62: {  	s9 =	simm.s32 $0x8C00  }
0x63: {  	[tilespmem:s9], [sflag:$0x3] =	stream.indirect_vreg.gather [hbm4b:s4+s7], $0x80, v4, vm0, $0xb8;
	[tilespmem:$0x10C00] =	vst v63  }
0x64: {  	s10 =	simm.s32 $0x9400  }
0x65: {  	[tilespmem:s10], [sflag:$0x3] =	stream.indirect_vreg.gather [hbm4b:s4+s7], $0x80, v3, vm0, $0xb8;
	[tilespmem:$0x10C00] =	vst v63  }
0x66: {  	v3 =	vld [tilespmem:$0x810];
	_ =	sdelay $0x4  }
0x67: {  	v4 =	vshll.u32 v3, $0x1  }
0x68: {  	v3 =	vand.u32 $0x7, v3;
	v4 =	vand.u32 $0xFFFFFFF0, v4  }
0x69: {  	v3 =	vor.u32 v3, v4  }
0x6a: {  	v4 =	vperm.xlane v3, v0;
	_ =	sdelay $0x1  }
0x6b: {  	v3 =	vperm.xlane v3, v2;
	v4 =	vadd.s32 v1, v4;
	_ =	sdelay $0x1  }
0x6c: {  	v3 =	vadd.s32 v1, v3;
	_ =	sdelay $0x1  }
0x6d: {  	s11 =	simm.s32 $0x9C00  }
0x6e: {  	[tilespmem:s11], [sflag:$0x3] =	stream.indirect_vreg.gather [hbm4b:s4+s7], $0x80, v4, vm0, $0xb8;
	[tilespmem:$0x10C00] =	vst v63  }
0x6f: {  	s9 =	simm.s32 $0xA400  }
0x70: {  	[tilespmem:s9], [sflag:$0x3] =	stream.indirect_vreg.gather [hbm4b:s4+s7], $0x80, v3, vm0, $0xb8;
	[tilespmem:$0x10C00] =	vst v63  }
0x71: {  	v3 =	vld [tilespmem:$0x820];
	_ =	sdelay $0x4  }
0x72: {  	v4 =	vshll.u32 v3, $0x1  }
0x73: {  	v3 =	vand.u32 $0x7, v3;
	v4 =	vand.u32 $0xFFFFFFF0, v4  }
0x74: {  	v3 =	vor.u32 v3, v4  }
0x75: {  	v4 =	vperm.xlane v3, v0;
	_ =	sdelay $0x1  }
0x76: {  	v3 =	vperm.xlane v3, v2;
	v4 =	vadd.s32 v1, v4;
	_ =	sdelay $0x1  }
0x77: {  	v3 =	vadd.s32 v1, v3;
	_ =	sdelay $0x1  }
0x78: {  	s10 =	simm.s32 $0xAC00  }
0x79: {  	[tilespmem:s10], [sflag:$0x3] =	stream.indirect_vreg.gather [hbm4b:s4+s7], $0x80, v4, vm0, $0xb8;
	[tilespmem:$0x10C00] =	vst v63  }
0x7a: {  	s11 =	simm.s32 $0xB400  }
0x7b: {  	[tilespmem:s11], [sflag:$0x3] =	stream.indirect_vreg.gather [hbm4b:s4+s7], $0x80, v3, vm0, $0xb8;
	[tilespmem:$0x10C00] =	vst v63  }
0x7c: {  	v3 =	vld [tilespmem:$0x830];
	_ =	sdelay $0x4  }
0x7d: {  	v4 =	vshll.u32 v3, $0x1  }
0x7e: {  	v3 =	vand.u32 $0x7, v3;
	v4 =	vand.u32 $0xFFFFFFF0, v4  }
0x7f: {  	v3 =	vor.u32 v3, v4  }
0x80: {  	v4 =	vperm.xlane v3, v0;
	_ =	sdelay $0x1  }
0x81: {  	v3 =	vperm.xlane v3, v2;
	v4 =	vadd.s32 v1, v4;
	_ =	sdelay $0x1  }
0x82: {  	v3 =	vadd.s32 v1, v3;
	_ =	sdelay $0x1  }
0x83: {  	s9 =	simm.s32 $0xBC00  }
0x84: {  	[tilespmem:s9], [sflag:$0x3] =	stream.indirect_vreg.gather [hbm4b:s4+s7], $0x80, v4, vm0, $0xb8;
	[tilespmem:$0x10C00] =	vst v63  }
0x85: {  	s10 =	simm.s32 $0xC400  }
0x86: {  	[tilespmem:s10], [sflag:$0x3] =	stream.indirect_vreg.gather [hbm4b:s4+s7], $0x80, v3, vm0, $0xb8;
	[tilespmem:$0x10C00] =	vst v63  }
0x87: {  	_ =	swait.ge [sflag:s12], $0x4000  }
0x88: {  	[sflag:s12] =	ssyncset.done $0x0  }
0x89: {  	[sflag:s12] =	ssyncadd.s32 $0xFFFFC000  }
0x8a: {  	_ =	swait.ge [sflag:s13], $0x4000  }
0x8b: {  	[sflag:s13] =	ssyncset.done $0x0  }
0x8c: {  	[sflag:s13] =	ssyncadd.s32 $0xFFFFC000  }
0x8d: {  	v3 =	vld [tilespmem:$0x440];
	_ =	sdelay $0x4  }
0x8e: {  	v4 =	vshll.u32 v3, $0x1  }
0x8f: {  	v3 =	vand.u32 $0x7, v3;
	v4 =	vand.u32 $0xFFFFFFF0, v4  }
0x90: {  	v3 =	vor.u32 v3, v4  }
0x91: {  	v4 =	vperm.xlane v3, v0;
	_ =	sdelay $0x1  }
0x92: {  	v3 =	vperm.xlane v3, v2;
	v4 =	vadd.s32 v1, v4;
	_ =	sdelay $0x1  }
0x93: {  	v3 =	vadd.s32 v1, v3;
	_ =	sdelay $0x2  }
0x94: {  	[tilespmem:s14], [sflag:$0x2] =	stream.indirect_vreg.gather [hbm4b:s3+s7], $0x80, v4, vm0, $0xb8;
	[tilespmem:$0x10C00] =	vst v63  }
0x95: {  	_ = 	snop  }
0x96: {  	[tilespmem:s15], [sflag:$0x2] =	stream.indirect_vreg.gather [hbm4b:s3+s7], $0x80, v3, vm0, $0xb8;
	[tilespmem:$0x10C00] =	vst v63  }
0x97: {  	v3 =	vld [tilespmem:$0x450];
	_ =	sdelay $0x4  }
0x98: {  	v4 =	vshll.u32 v3, $0x1  }
0x99: {  	v3 =	vand.u32 $0x7, v3;
	v4 =	vand.u32 $0xFFFFFFF0, v4  }
0x9a: {  	v3 =	vor.u32 v3, v4  }
0x9b: {  	v4 =	vperm.xlane v3, v0;
	_ =	sdelay $0x1  }
0x9c: {  	v3 =	vperm.xlane v3, v2;
	v4 =	vadd.s32 v1, v4;
	_ =	sdelay $0x1  }
0x9d: {  	v3 =	vadd.s32 v1, v3;
	_ =	sdelay $0x2  }
0x9e: {  	[tilespmem:s16], [sflag:$0x2] =	stream.indirect_vreg.gather [hbm4b:s3+s7], $0x80, v4, vm0, $0xb8;
	[tilespmem:$0x10C00] =	vst v63  }
0x9f: {  	_ = 	snop  }
0xa0: {  	[tilespmem:s17], [sflag:$0x2] =	stream.indirect_vreg.gather [hbm4b:s3+s7], $0x80, v3, vm0, $0xb8;
	[tilespmem:$0x10C00] =	vst v63  }
0xa1: {  	v3 =	vld [tilespmem:$0x460];
	_ =	sdelay $0x4  }
0xa2: {  	v4 =	vshll.u32 v3, $0x1  }
0xa3: {  	v3 =	vand.u32 $0x7, v3;
	v4 =	vand.u32 $0xFFFFFFF0, v4  }
0xa4: {  	v3 =	vor.u32 v3, v4  }
0xa5: {  	v4 =	vperm.xlane v3, v0;
	_ =	sdelay $0x1  }
0xa6: {  	v3 =	vperm.xlane v3, v2;
	v4 =	vadd.s32 v1, v4;
	_ =	sdelay $0x1  }
0xa7: {  	v3 =	vadd.s32 v1, v3;
	_ =	sdelay $0x2  }
0xa8: {  	[tilespmem:s18], [sflag:$0x2] =	stream.indirect_vreg.gather [hbm4b:s3+s7], $0x80, v4, vm0, $0xb8;
	[tilespmem:$0x10C00] =	vst v63  }
0xa9: {  	_ = 	snop  }
0xaa: {  	[tilespmem:s19], [sflag:$0x2] =	stream.indirect_vreg.gather [hbm4b:s3+s7], $0x80, v3, vm0, $0xb8;
	[tilespmem:$0x10C00] =	vst v63  }
0xab: {  	v3 =	vld [tilespmem:$0x470];
	_ =	sdelay $0x4  }
0xac: {  	v4 =	vshll.u32 v3, $0x1  }
0xad: {  	v3 =	vand.u32 $0x7, v3;
	v4 =	vand.u32 $0xFFFFFFF0, v4  }
0xae: {  	v3 =	vor.u32 v3, v4  }
0xaf: {  	v4 =	vperm.xlane v3, v0;
	_ =	sdelay $0x1  }
0xb0: {  	v3 =	vperm.xlane v3, v2;
	v4 =	vadd.s32 v1, v4;
	_ =	sdelay $0x1  }
0xb1: {  	v3 =	vadd.s32 v1, v3;
	_ =	sdelay $0x2  }
0xb2: {  	[tilespmem:s20], [sflag:$0x2] =	stream.indirect_vreg.gather [hbm4b:s3+s7], $0x80, v4, vm0, $0xb8;
	[tilespmem:$0x10C00] =	vst v63  }
0xb3: {  	_ = 	snop  }
0xb4: {  	[tilespmem:s21], [sflag:$0x2] =	stream.indirect_vreg.gather [hbm4b:s3+s7], $0x80, v3, vm0, $0xb8;
	[tilespmem:$0x10C00] =	vst v63  }
0xb5: {  	v3 =	vld [tilespmem:$0x840];
	_ =	sdelay $0x4  }
0xb6: {  	v4 =	vshll.u32 v3, $0x1  }
0xb7: {  	v3 =	vand.u32 $0x7, v3;
	v4 =	vand.u32 $0xFFFFFFF0, v4  }
0xb8: {  	v3 =	vor.u32 v3, v4  }
0xb9: {  	v4 =	vperm.xlane v3, v0;
	_ =	sdelay $0x1  }
0xba: {  	v3 =	vperm.xlane v3, v2;
	v4 =	vadd.s32 v1, v4;
	_ =	sdelay $0x1  }
0xbb: {  	v3 =	vadd.s32 v1, v3;
	_ =	sdelay $0x2  }
0xbc: {  	[tilespmem:s22], [sflag:$0x4] =	stream.indirect_vreg.gather [hbm4b:s4+s7], $0x80, v4, vm0, $0xb8;
	[tilespmem:$0x10C00] =	vst v63  }
0xbd: {  	_ = 	snop  }
0xbe: {  	[tilespmem:s5], [sflag:$0x4] =	stream.indirect_vreg.gather [hbm4b:s4+s7], $0x80, v3, vm0, $0xb8;
	[tilespmem:$0x10C00] =	vst v63  }
0xbf: {  	v3 =	vld [tilespmem:$0x850];
	_ =	sdelay $0x4  }
0xc0: {  	v4 =	vshll.u32 v3, $0x1  }
0xc1: {  	v3 =	vand.u32 $0x7, v3;
	v4 =	vand.u32 $0xFFFFFFF0, v4  }
0xc2: {  	v3 =	vor.u32 v3, v4  }
0xc3: {  	v4 =	vperm.xlane v3, v0;
	_ =	sdelay $0x1  }
0xc4: {  	v3 =	vperm.xlane v3, v2;
	v4 =	vadd.s32 v1, v4;
	_ =	sdelay $0x1  }
0xc5: {  	v3 =	vadd.s32 v1, v3;
	_ =	sdelay $0x2  }
0xc6: {  	[tilespmem:s23], [sflag:$0x4] =	stream.indirect_vreg.gather [hbm4b:s4+s7], $0x80, v4, vm0, $0xb8;
	[tilespmem:$0x10C00] =	vst v63  }
0xc7: {  	_ = 	snop  }
0xc8: {  	[tilespmem:s25], [sflag:$0x4] =	stream.indirect_vreg.gather [hbm4b:s4+s7], $0x80, v3, vm0, $0xb8;
	[tilespmem:$0x10C00] =	vst v63  }
0xc9: {  	v3 =	vld [tilespmem:$0x860];
	_ =	sdelay $0x4  }
0xca: {  	v4 =	vshll.u32 v3, $0x1  }
0xcb: {  	v3 =	vand.u32 $0x7, v3;
	v4 =	vand.u32 $0xFFFFFFF0, v4  }
0xcc: {  	v3 =	vor.u32 v3, v4  }
0xcd: {  	v4 =	vperm.xlane v3, v0;
	_ =	sdelay $0x1  }
0xce: {  	v3 =	vperm.xlane v3, v2;
	v4 =	vadd.s32 v1, v4;
	_ =	sdelay $0x1  }
0xcf: {  	v3 =	vadd.s32 v1, v3;
	_ =	sdelay $0x2  }
0xd0: {  	[tilespmem:s26], [sflag:$0x4] =	stream.indirect_vreg.gather [hbm4b:s4+s7], $0x80, v4, vm0, $0xb8;
	[tilespmem:$0x10C00] =	vst v63  }
0xd1: {  	_ = 	snop  }
0xd2: {  	[tilespmem:s28], [sflag:$0x4] =	stream.indirect_vreg.gather [hbm4b:s4+s7], $0x80, v3, vm0, $0xb8;
	[tilespmem:$0x10C00] =	vst v63  }
0xd3: {  	v3 =	vld [tilespmem:$0x870];
	_ =	sdelay $0x4  }
0xd4: {  	v4 =	vshll.u32 v3, $0x1  }
0xd5: {  	v3 =	vand.u32 $0x7, v3;
	v4 =	vand.u32 $0xFFFFFFF0, v4  }
0xd6: {  	v3 =	vor.u32 v3, v4  }
0xd7: {  	v4 =	vperm.xlane v3, v0;
	_ =	sdelay $0x1  }
0xd8: {  	v3 =	vperm.xlane v3, v2;
	v4 =	vadd.s32 v1, v4;
	_ =	sdelay $0x1  }
0xd9: {  	v3 =	vadd.s32 v1, v3;
	_ =	sdelay $0x2  }
0xda: {  	[tilespmem:s29], [sflag:$0x4] =	stream.indirect_vreg.gather [hbm4b:s4+s7], $0x80, v4, vm0, $0xb8;
	[tilespmem:$0x10C00] =	vst v63  }
0xdb: {  	_ = 	snop  }
0xdc: {  	[tilespmem:s30], [sflag:$0x4] =	stream.indirect_vreg.gather [hbm4b:s4+s7], $0x80, v3, vm0, $0xb8;
	[tilespmem:$0x10C00] =	vst v63  }
0xdd: {  	s11 =	sand.u32 $0x3800, s7;
	s7 =	sand.u32 $0x380, s7  }
0xde: {  	s7 =	sor.u32 s7, s11  }
0xdf: {  	v3 =	vld [tilespmem:s7+$0x9070]  }
0xe0: {  	v4 =	vld [tilespmem:s7+$0x8C00]  }
0xe1: {  	v5 =	vld [tilespmem:s7+$0x8C10]  }
0xe2: {  	v6 =	vld [tilespmem:s7+$0x8C20]  }
0xe3: {  	v7 =	vld [tilespmem:s7+$0x8C30]  }
0xe4: {  	v8 =	vld [tilespmem:s7+$0x8C40]  }
0xe5: {  	v9 =	vld [tilespmem:s7+$0x8C50]  }
0xe6: {  	v10 =	vld [tilespmem:s7+$0x8C60]  }
0xe7: {  	v11 =	vld [tilespmem:s7+$0x8C70]  }
0xe8: {  	v12 =	vld [tilespmem:s7+$0x9000]  }
0xe9: {  	v13 =	vld [tilespmem:s7+$0x9010]  }
0xea: {  	v14 =	vld [tilespmem:s7+$0x9020]  }
0xeb: {  	v15 =	vld [tilespmem:s7+$0x9030]  }
0xec: {  	v16 =	vld [tilespmem:s7+$0x9040]  }
0xed: {  	v17 =	vld [tilespmem:s7+$0x9050]  }
0xee: {  	[tilespmem:s7+$0x1070] =	vst.add.f32.msk $0xffff, v3  }
0xef: {  	v3 =	vld [tilespmem:s7+$0x9060]  }
0xf0: {  	[tilespmem:s7+$0xC00] =	vst.add.f32.msk $0xffff, v4  }
0xf1: {  	[tilespmem:s7+$0xC10] =	vst.add.f32.msk $0xffff, v5  }
0xf2: {  	[tilespmem:s7+$0xC20] =	vst.add.f32.msk $0xffff, v6  }
0xf3: {  	[tilespmem:s7+$0xC30] =	vst.add.f32.msk $0xffff, v7  }
0xf4: {  	[tilespmem:s7+$0xC40] =	vst.add.f32.msk $0xffff, v8  }
0xf5: {  	[tilespmem:s7+$0xC50] =	vst.add.f32.msk $0xffff, v9  }
0xf6: {  	[tilespmem:s7+$0xC60] =	vst.add.f32.msk $0xffff, v10  }
0xf7: {  	[tilespmem:s7+$0xC70] =	vst.add.f32.msk $0xffff, v11  }
0xf8: {  	[tilespmem:s7+$0x1000] =	vst.add.f32.msk $0xffff, v12  }
0xf9: {  	[tilespmem:s7+$0x1010] =	vst.add.f32.msk $0xffff, v13  }
0xfa: {  	[tilespmem:s7+$0x1020] =	vst.add.f32.msk $0xffff, v14  }
0xfb: {  	[tilespmem:s7+$0x1030] =	vst.add.f32.msk $0xffff, v15  }
0xfc: {  	s8 =	simm.s32 $0x80;
	s9 =	simm.s32 $0x100;
	[tilespmem:s7+$0x1040] =	vst.add.f32.msk $0xffff, v16  }
0xfd: {  	s10 =	sand.u32 $0x3800, s9;
	s9 =	simm.s32 $0x200;
	s11 =	sand.u32 $0x380, s8;
	[tilespmem:s7+$0x1050] =	vst.add.f32.msk $0xffff, v17  }
.LBB2_4:
0xfe: {  	p0 =	sne.s32 s9, $0x3F00;
	[tilespmem:s7+$0x1060] =	vst.add.f32.msk $0xffff, v3;
	s7 =	sor.u32 s11, s10  }
0xff: {  	v3 =	vld [tilespmem:s7+$0x9070]  }
0x100: {  	v4 =	vld [tilespmem:s7+$0x8C00]  }
0x101: {  	v5 =	vld [tilespmem:s7+$0x8C10]  }
0x102: {  	v6 =	vld [tilespmem:s7+$0x8C20]  }
0x103: {  	v7 =	vld [tilespmem:s7+$0x8C30]  }
0x104: {  	[tilespmem:s7+$0x1070] =	vst.add.f32.msk $0xffff, v3  }
0x105: {  	v8 =	vld [tilespmem:s7+$0x8C40]  }
0x106: {  	v9 =	vld [tilespmem:s7+$0x8C50]  }
0x107: {  	v10 =	vld [tilespmem:s7+$0x8C60]  }
0x108: {  	v11 =	vld [tilespmem:s7+$0x8C70]  }
0x109: {  	v12 =	vld [tilespmem:s7+$0x9000]  }
0x10a: {  	v13 =	vld [tilespmem:s7+$0x9010]  }
0x10b: {  	v14 =	vld [tilespmem:s7+$0x9020]  }
0x10c: {  	v15 =	vld [tilespmem:s7+$0x9030]  }
0x10d: {  	v16 =	vld [tilespmem:s7+$0x9040]  }
0x10e: {  	v17 =	vld [tilespmem:s7+$0x9050]  }
0x10f: {  	v3 =	vld [tilespmem:s7+$0x9060]  }
0x110: {  	[tilespmem:s7+$0xC00] =	vst.add.f32.msk $0xffff, v4  }
0x111: {  	[tilespmem:s7+$0xC10] =	vst.add.f32.msk $0xffff, v5  }
0x112: {  	[tilespmem:s7+$0xC20] =	vst.add.f32.msk $0xffff, v6  }
0x113: {  	[tilespmem:s7+$0xC30] =	vst.add.f32.msk $0xffff, v7  }
0x114: {  	[tilespmem:s7+$0xC40] =	vst.add.f32.msk $0xffff, v8  }
0x115: {  	[tilespmem:s7+$0xC50] =	vst.add.f32.msk $0xffff, v9  }
0x116: {  	[tilespmem:s7+$0xC60] =	vst.add.f32.msk $0xffff, v10  }
0x117: {  	[tilespmem:s7+$0xC70] =	vst.add.f32.msk $0xffff, v11  }
0x118: {  	[tilespmem:s7+$0x1000] =	vst.add.f32.msk $0xffff, v12  }
.Ltmp1:
0x119: {  	[tilespmem:s7+$0x1010] =	vst.add.f32.msk $0xffff, v13;
	(pc) =	sbr.rel @p0 .LBB2_4-.Ltmp1, $4  }
0x11a: {  	[tilespmem:s7+$0x1020] =	vst.add.f32.msk $0xffff, v14  }
0x11b: {  	[tilespmem:s7+$0x1030] =	vst.add.f32.msk $0xffff, v15  }
0x11c: {  	s8 =	sadd.s32 $0x80, s8;
	[tilespmem:s7+$0x1040] =	vst.add.f32.msk $0xffff, v16  }
0x11d: {  	s10 =	sand.u32 $0x3800, s9;
	s9 =	sadd.s32 $0x100, s9;
	s11 =	sand.u32 $0x380, s8;
	[tilespmem:s7+$0x1050] =	vst.add.f32.msk $0xffff, v17  }
0x11e: {  	s8 =	sor.u32 s11, s10;
	[tilespmem:s7+$0x1060] =	vst.add.f32.msk $0xffff, v3  }
0x11f: {  	v3 =	vld [tilespmem:s8+$0x9070]  }
0x120: {  	v4 =	vld [tilespmem:s8+$0x8C00]  }
0x121: {  	v5 =	vld [tilespmem:s8+$0x8C10]  }
0x122: {  	v6 =	vld [tilespmem:s8+$0x8C20]  }
0x123: {  	v7 =	vld [tilespmem:s8+$0x8C30]  }
0x124: {  	v8 =	vld [tilespmem:s8+$0x8C50]  }
0x125: {  	v9 =	vld [tilespmem:s8+$0x8C60]  }
0x126: {  	v10 =	vld [tilespmem:s8+$0x8C70]  }
0x127: {  	v11 =	vld [tilespmem:s8+$0x9000]  }
0x128: {  	v12 =	vld [tilespmem:s8+$0x9010]  }
0x129: {  	v13 =	vld [tilespmem:s8+$0x9020]  }
0x12a: {  	v14 =	vld [tilespmem:s8+$0x9030]  }
0x12b: {  	v15 =	vld [tilespmem:s8+$0x9040]  }
0x12c: {  	v16 =	vld [tilespmem:s8+$0x9050]  }
0x12d: {  	v17 =	vld [tilespmem:s8+$0x9060]  }
0x12e: {  	[tilespmem:s8+$0x1070] =	vst.add.f32.msk $0xffff, v3  }
0x12f: {  	v3 =	vld [tilespmem:s8+$0x8C40]  }
0x130: {  	[tilespmem:s8+$0xC00] =	vst.add.f32.msk $0xffff, v4  }
0x131: {  	[tilespmem:s8+$0xC10] =	vst.add.f32.msk $0xffff, v5  }
0x132: {  	[tilespmem:s8+$0xC20] =	vst.add.f32.msk $0xffff, v6  }
0x133: {  	[tilespmem:s8+$0xC30] =	vst.add.f32.msk $0xffff, v7  }
0x134: {  	[tilespmem:s8+$0xC50] =	vst.add.f32.msk $0xffff, v8  }
0x135: {  	[tilespmem:s8+$0xC60] =	vst.add.f32.msk $0xffff, v9  }
0x136: {  	[tilespmem:s8+$0xC70] =	vst.add.f32.msk $0xffff, v10  }
0x137: {  	[tilespmem:s8+$0x1000] =	vst.add.f32.msk $0xffff, v11  }
0x138: {  	[tilespmem:s8+$0x1010] =	vst.add.f32.msk $0xffff, v12  }
0x139: {  	[tilespmem:s8+$0x1020] =	vst.add.f32.msk $0xffff, v13  }
0x13a: {  	[tilespmem:s8+$0x1030] =	vst.add.f32.msk $0xffff, v14  }
0x13b: {  	[tilespmem:s8+$0x1040] =	vst.add.f32.msk $0xffff, v15  }
0x13c: {  	[tilespmem:s8+$0x1050] =	vst.add.f32.msk $0xffff, v16  }
0x13d: {  	[tilespmem:s8+$0x1060] =	vst.add.f32.msk $0xffff, v17  }
0x13e: {  	s7 =	simm.s32 $0x0;
	s10 =	rddreg [dreg:$0x3];
	[tilespmem:s8+$0xC40] =	vst.add.f32.msk $0xffff, v3  }
0x13f: {  	[hbm4b:s10+s7] =	stream.linear.scatter [tilespmem:s24], [sflag:$0x5], $0x4000, $0x38;
	[tilespmem:$0x10C00] =	vst v63  }
0x140: {  	_ =	swait.ge [sflag:s31], $0x4000  }
0x141: {  	[sflag:s31] =	ssyncset.done $0x0  }
0x142: {  	[sflag:s31] =	ssyncadd.s32 $0xFFFFC000  }
0x143: {  	_ =	swait.ge [sflag:s1], $0x4000  }
0x144: {  	[sflag:s1] =	ssyncset.done $0x0  }
0x145: {  	[sflag:s1] =	ssyncadd.s32 $0xFFFFC000  }
0x146: {  	_ =	swait.ge [sflag:s0], $0x4000  }
0x147: {  	[sflag:s0] =	ssyncset.done $0x0  }
0x148: {  	[sflag:s0] =	ssyncadd.s32 $0xFFFFC000  }
0x149: {  	v3 =	vld [tilespmem:$0x480];
	_ =	sdelay $0x4  }
0x14a: {  	v4 =	vshll.u32 v3, $0x1  }
0x14b: {  	v3 =	vand.u32 $0x7, v3;
	v4 =	vand.u32 $0xFFFFFFF0, v4  }
0x14c: {  	v3 =	vor.u32 v3, v4  }
0x14d: {  	v4 =	vperm.xlane v3, v0;
	_ =	sdelay $0x1  }
0x14e: {  	v3 =	vperm.xlane v3, v2;
	v4 =	vadd.s32 v1, v4;
	_ =	sdelay $0x1  }
0x14f: {  	v3 =	vadd.s32 v1, v3;
	_ =	sdelay $0x2  }
0x150: {  	[tilespmem:s24], [sflag:$0x1] =	stream.indirect_vreg.gather [hbm4b:s3+s7], $0x80, v4, vm0, $0xb8;
	[tilespmem:$0x10C00] =	vst v63  }
0x151: {  	s11 =	simm.s32 $0x1400  }
0x152: {  	[tilespmem:s11], [sflag:$0x1] =	stream.indirect_vreg.gather [hbm4b:s3+s7], $0x80, v3, vm0, $0xb8;
	[tilespmem:$0x10C00] =	vst v63  }
0x153: {  	v3 =	vld [tilespmem:$0x490];
	_ =	sdelay $0x4  }
0x154: {  	v4 =	vshll.u32 v3, $0x1  }
0x155: {  	v3 =	vand.u32 $0x7, v3;
	v4 =	vand.u32 $0xFFFFFFF0, v4  }
0x156: {  	v3 =	vor.u32 v3, v4  }
0x157: {  	v4 =	vperm.xlane v3, v0;
	_ =	sdelay $0x1  }
0x158: {  	v3 =	vperm.xlane v3, v2;
	v4 =	vadd.s32 v1, v4;
	_ =	sdelay $0x1  }
0x159: {  	v3 =	vadd.s32 v1, v3;
	_ =	sdelay $0x1  }
0x15a: {  	s9 =	simm.s32 $0x1C00  }
0x15b: {  	[tilespmem:s9], [sflag:$0x1] =	stream.indirect_vreg.gather [hbm4b:s3+s7], $0x80, v4, vm0, $0xb8;
	[tilespmem:$0x10C00] =	vst v63  }
0x15c: {  	s10 =	simm.s32 $0x2400  }
0x15d: {  	[tilespmem:s10], [sflag:$0x1] =	stream.indirect_vreg.gather [hbm4b:s3+s7], $0x80, v3, vm0, $0xb8;
	[tilespmem:$0x10C00] =	vst v63  }
0x15e: {  	v3 =	vld [tilespmem:$0x4A0];
	_ =	sdelay $0x4  }
0x15f: {  	v4 =	vshll.u32 v3, $0x1  }
0x160: {  	v3 =	vand.u32 $0x7, v3;
	v4 =	vand.u32 $0xFFFFFFF0, v4  }
0x161: {  	v3 =	vor.u32 v3, v4  }
0x162: {  	v4 =	vperm.xlane v3, v0;
	_ =	sdelay $0x1  }
0x163: {  	v3 =	vperm.xlane v3, v2;
	v4 =	vadd.s32 v1, v4;
	_ =	sdelay $0x1  }
0x164: {  	v3 =	vadd.s32 v1, v3;
	_ =	sdelay $0x1  }
0x165: {  	s11 =	simm.s32 $0x2C00  }
0x166: {  	[tilespmem:s11], [sflag:$0x1] =	stream.indirect_vreg.gather [hbm4b:s3+s7], $0x80, v4, vm0, $0xb8;
	[tilespmem:$0x10C00] =	vst v63  }
0x167: {  	s9 =	simm.s32 $0x3400  }
0x168: {  	[tilespmem:s9], [sflag:$0x1] =	stream.indirect_vreg.gather [hbm4b:s3+s7], $0x80, v3, vm0, $0xb8;
	[tilespmem:$0x10C00] =	vst v63  }
0x169: {  	v3 =	vld [tilespmem:$0x4B0];
	_ =	sdelay $0x4  }
0x16a: {  	v4 =	vshll.u32 v3, $0x1  }
0x16b: {  	v3 =	vand.u32 $0x7, v3;
	v4 =	vand.u32 $0xFFFFFFF0, v4  }
0x16c: {  	v3 =	vor.u32 v3, v4  }
0x16d: {  	v4 =	vperm.xlane v3, v0;
	_ =	sdelay $0x1  }
0x16e: {  	v3 =	vperm.xlane v3, v2;
	v4 =	vadd.s32 v1, v4;
	_ =	sdelay $0x1  }
0x16f: {  	v3 =	vadd.s32 v1, v3;
	_ =	sdelay $0x1  }
0x170: {  	s10 =	simm.s32 $0x3C00  }
0x171: {  	[tilespmem:s10], [sflag:$0x1] =	stream.indirect_vreg.gather [hbm4b:s3+s7], $0x80, v4, vm0, $0xb8;
	[tilespmem:$0x10C00] =	vst v63  }
0x172: {  	s11 =	simm.s32 $0x4400  }
0x173: {  	[tilespmem:s11], [sflag:$0x1] =	stream.indirect_vreg.gather [hbm4b:s3+s7], $0x80, v3, vm0, $0xb8;
	[tilespmem:$0x10C00] =	vst v63  }
0x174: {  	v3 =	vld [tilespmem:$0x880];
	_ =	sdelay $0x4  }
0x175: {  	v4 =	vshll.u32 v3, $0x1  }
0x176: {  	v3 =	vand.u32 $0x7, v3;
	v4 =	vand.u32 $0xFFFFFFF0, v4  }
0x177: {  	v3 =	vor.u32 v3, v4  }
0x178: {  	v4 =	vperm.xlane v3, v0;
	_ =	sdelay $0x1  }
0x179: {  	v3 =	vperm.xlane v3, v2;
	v4 =	vadd.s32 v1, v4;
	_ =	sdelay $0x1  }
0x17a: {  	v3 =	vadd.s32 v1, v3;
	_ =	sdelay $0x1  }
0x17b: {  	s9 =	simm.s32 $0x8C00  }
0x17c: {  	[tilespmem:s9], [sflag:$0x3] =	stream.indirect_vreg.gather [hbm4b:s4+s7], $0x80, v4, vm0, $0xb8;
	[tilespmem:$0x10C00] =	vst v63  }
0x17d: {  	s10 =	simm.s32 $0x9400  }
0x17e: {  	[tilespmem:s10], [sflag:$0x3] =	stream.indirect_vreg.gather [hbm4b:s4+s7], $0x80, v3, vm0, $0xb8;
	[tilespmem:$0x10C00] =	vst v63  }
0x17f: {  	v3 =	vld [tilespmem:$0x890];
	_ =	sdelay $0x4  }
0x180: {  	v4 =	vshll.u32 v3, $0x1  }
0x181: {  	v3 =	vand.u32 $0x7, v3;
	v4 =	vand.u32 $0xFFFFFFF0, v4  }
0x182: {  	v3 =	vor.u32 v3, v4  }
0x183: {  	v4 =	vperm.xlane v3, v0;
	_ =	sdelay $0x1  }
0x184: {  	v3 =	vperm.xlane v3, v2;
	v4 =	vadd.s32 v1, v4;
	_ =	sdelay $0x1  }
0x185: {  	v3 =	vadd.s32 v1, v3;
	_ =	sdelay $0x1  }
0x186: {  	s11 =	simm.s32 $0x9C00  }
0x187: {  	[tilespmem:s11], [sflag:$0x3] =	stream.indirect_vreg.gather [hbm4b:s4+s7], $0x80, v4, vm0, $0xb8;
	[tilespmem:$0x10C00] =	vst v63  }
0x188: {  	s9 =	simm.s32 $0xA400  }
0x189: {  	[tilespmem:s9], [sflag:$0x3] =	stream.indirect_vreg.gather [hbm4b:s4+s7], $0x80, v3, vm0, $0xb8;
	[tilespmem:$0x10C00] =	vst v63  }
0x18a: {  	v3 =	vld [tilespmem:$0x8A0];
	_ =	sdelay $0x4  }
0x18b: {  	v4 =	vshll.u32 v3, $0x1  }
0x18c: {  	v3 =	vand.u32 $0x7, v3;
	v4 =	vand.u32 $0xFFFFFFF0, v4  }
0x18d: {  	v3 =	vor.u32 v3, v4  }
0x18e: {  	v4 =	vperm.xlane v3, v0;
	_ =	sdelay $0x1  }
0x18f: {  	v3 =	vperm.xlane v3, v2;
	v4 =	vadd.s32 v1, v4;
	_ =	sdelay $0x1  }
0x190: {  	v3 =	vadd.s32 v1, v3;
	_ =	sdelay $0x1  }
0x191: {  	s10 =	simm.s32 $0xAC00  }
0x192: {  	[tilespmem:s10], [sflag:$0x3] =	stream.indirect_vreg.gather [hbm4b:s4+s7], $0x80, v4, vm0, $0xb8;
	[tilespmem:$0x10C00] =	vst v63  }
0x193: {  	s11 =	simm.s32 $0xB400  }
0x194: {  	[tilespmem:s11], [sflag:$0x3] =	stream.indirect_vreg.gather [hbm4b:s4+s7], $0x80, v3, vm0, $0xb8;
	[tilespmem:$0x10C00] =	vst v63  }
0x195: {  	v3 =	vld [tilespmem:$0x8B0];
	_ =	sdelay $0x4  }
0x196: {  	v4 =	vshll.u32 v3, $0x1  }
0x197: {  	v3 =	vand.u32 $0x7, v3;
	v4 =	vand.u32 $0xFFFFFFF0, v4  }
0x198: {  	v3 =	vor.u32 v3, v4  }
0x199: {  	v4 =	vperm.xlane v3, v0;
	_ =	sdelay $0x1  }
0x19a: {  	v3 =	vperm.xlane v3, v2;
	v4 =	vadd.s32 v1, v4;
	_ =	sdelay $0x1  }
0x19b: {  	v3 =	vadd.s32 v1, v3;
	_ =	sdelay $0x1  }
0x19c: {  	s9 =	simm.s32 $0xBC00  }
0x19d: {  	[tilespmem:s9], [sflag:$0x3] =	stream.indirect_vreg.gather [hbm4b:s4+s7], $0x80, v4, vm0, $0xb8;
	[tilespmem:$0x10C00] =	vst v63  }
0x19e: {  	s10 =	simm.s32 $0xC400  }
0x19f: {  	[tilespmem:s10], [sflag:$0x3] =	stream.indirect_vreg.gather [hbm4b:s4+s7], $0x80, v3, vm0, $0xb8;
	[tilespmem:$0x10C00] =	vst v63  }
0x1a0: {  	s11 =	sand.u32 $0x3800, s7;
	s7 =	sand.u32 $0x380, s7  }
0x1a1: {  	s7 =	sor.u32 s7, s11  }
0x1a2: {  	v3 =	vld [tilespmem:s7+$0xD070]  }
0x1a3: {  	v4 =	vld [tilespmem:s7+$0xCC00]  }
0x1a4: {  	v5 =	vld [tilespmem:s7+$0xCC10]  }
0x1a5: {  	v52 =	vld [tilespmem:s7+$0xCC20]  }
0x1a6: {  	v53 =	vld [tilespmem:s7+$0xCC30]  }
0x1a7: {  	v54 =	vld [tilespmem:s7+$0xCC40]  }
0x1a8: {  	v55 =	vld [tilespmem:s7+$0xCC50]  }
0x1a9: {  	v56 =	vld [tilespmem:s7+$0xCC60]  }
0x1aa: {  	v57 =	vld [tilespmem:s7+$0xCC70]  }
0x1ab: {  	v58 =	vld [tilespmem:s7+$0xD000]  }
0x1ac: {  	v59 =	vld [tilespmem:s7+$0xD010]  }
0x1ad: {  	v60 =	vld [tilespmem:s7+$0xD020]  }
0x1ae: {  	v61 =	vld [tilespmem:s7+$0xD030]  }
0x1af: {  	v62 =	vld [tilespmem:s7+$0xD040]  }
0x1b0: {  	v63 =	vld [tilespmem:s7+$0xD050]  }
0x1b1: {  	[tilespmem:s7+$0x5070] =	vst.add.f32.msk $0xffff, v3  }
0x1b2: {  	v3 =	vld [tilespmem:s7+$0xD060]  }
0x1b3: {  	[tilespmem:s7+$0x4C00] =	vst.add.f32.msk $0xffff, v4  }
0x1b4: {  	[tilespmem:s7+$0x4C10] =	vst.add.f32.msk $0xffff, v5  }
0x1b5: {  	[tilespmem:s7+$0x4C20] =	vst.add.f32.msk $0xffff, v52  }
0x1b6: {  	[tilespmem:s7+$0x4C30] =	vst.add.f32.msk $0xffff, v53  }
0x1b7: {  	[tilespmem:s7+$0x4C40] =	vst.add.f32.msk $0xffff, v54  }
0x1b8: {  	[tilespmem:s7+$0x4C50] =	vst.add.f32.msk $0xffff, v55  }
0x1b9: {  	[tilespmem:s7+$0x4C60] =	vst.add.f32.msk $0xffff, v56  }
0x1ba: {  	[tilespmem:s7+$0x4C70] =	vst.add.f32.msk $0xffff, v57  }
0x1bb: {  	[tilespmem:s7+$0x5000] =	vst.add.f32.msk $0xffff, v58  }
0x1bc: {  	[tilespmem:s7+$0x5010] =	vst.add.f32.msk $0xffff, v59  }
0x1bd: {  	[tilespmem:s7+$0x5020] =	vst.add.f32.msk $0xffff, v60  }
0x1be: {  	[tilespmem:s7+$0x5030] =	vst.add.f32.msk $0xffff, v61  }
0x1bf: {  	s8 =	simm.s32 $0x80;
	s9 =	simm.s32 $0x100;
	[tilespmem:s7+$0x5040] =	vst.add.f32.msk $0xffff, v62  }
0x1c0: {  	s10 =	sand.u32 $0x3800, s9;
	s9 =	simm.s32 $0x200;
	s11 =	sand.u32 $0x380, s8;
	[tilespmem:s7+$0x5050] =	vst.add.f32.msk $0xffff, v63  }
.LBB2_6:
0x1c1: {  	p0 =	sne.s32 s9, $0x3F00;
	[tilespmem:s7+$0x5060] =	vst.add.f32.msk $0xffff, v3;
	s7 =	sor.u32 s11, s10  }
0x1c2: {  	v3 =	vld [tilespmem:s7+$0xD070]  }
0x1c3: {  	v4 =	vld [tilespmem:s7+$0xCC00]  }
0x1c4: {  	v5 =	vld [tilespmem:s7+$0xCC10]  }
0x1c5: {  	v6 =	vld [tilespmem:s7+$0xCC20]  }
0x1c6: {  	v7 =	vld [tilespmem:s7+$0xCC30]  }
0x1c7: {  	[tilespmem:s7+$0x5070] =	vst.add.f32.msk $0xffff, v3  }
0x1c8: {  	v8 =	vld [tilespmem:s7+$0xCC40]  }
0x1c9: {  	v9 =	vld [tilespmem:s7+$0xCC50]  }
0x1ca: {  	v10 =	vld [tilespmem:s7+$0xCC60]  }
0x1cb: {  	v11 =	vld [tilespmem:s7+$0xCC70]  }
0x1cc: {  	v12 =	vld [tilespmem:s7+$0xD000]  }
0x1cd: {  	v13 =	vld [tilespmem:s7+$0xD010]  }
0x1ce: {  	v14 =	vld [tilespmem:s7+$0xD020]  }
0x1cf: {  	v15 =	vld [tilespmem:s7+$0xD030]  }
0x1d0: {  	v16 =	vld [tilespmem:s7+$0xD040]  }
0x1d1: {  	v17 =	vld [tilespmem:s7+$0xD050]  }
0x1d2: {  	v3 =	vld [tilespmem:s7+$0xD060]  }
0x1d3: {  	[tilespmem:s7+$0x4C00] =	vst.add.f32.msk $0xffff, v4  }
0x1d4: {  	[tilespmem:s7+$0x4C10] =	vst.add.f32.msk $0xffff, v5  }
0x1d5: {  	[tilespmem:s7+$0x4C20] =	vst.add.f32.msk $0xffff, v6  }
0x1d6: {  	[tilespmem:s7+$0x4C30] =	vst.add.f32.msk $0xffff, v7  }
0x1d7: {  	[tilespmem:s7+$0x4C40] =	vst.add.f32.msk $0xffff, v8  }
0x1d8: {  	[tilespmem:s7+$0x4C50] =	vst.add.f32.msk $0xffff, v9  }
0x1d9: {  	[tilespmem:s7+$0x4C60] =	vst.add.f32.msk $0xffff, v10  }
0x1da: {  	[tilespmem:s7+$0x4C70] =	vst.add.f32.msk $0xffff, v11  }
0x1db: {  	[tilespmem:s7+$0x5000] =	vst.add.f32.msk $0xffff, v12  }
.Ltmp2:
0x1dc: {  	[tilespmem:s7+$0x5010] =	vst.add.f32.msk $0xffff, v13;
	(pc) =	sbr.rel @p0 .LBB2_6-.Ltmp2, $4  }
0x1dd: {  	[tilespmem:s7+$0x5020] =	vst.add.f32.msk $0xffff, v14  }
0x1de: {  	[tilespmem:s7+$0x5030] =	vst.add.f32.msk $0xffff, v15  }
0x1df: {  	s8 =	sadd.s32 $0x80, s8;
	[tilespmem:s7+$0x5040] =	vst.add.f32.msk $0xffff, v16  }
0x1e0: {  	s10 =	sand.u32 $0x3800, s9;
	s9 =	sadd.s32 $0x100, s9;
	s11 =	sand.u32 $0x380, s8;
	[tilespmem:s7+$0x5050] =	vst.add.f32.msk $0xffff, v17  }
0x1e1: {  	s8 =	sor.u32 s11, s10;
	[tilespmem:s7+$0x5060] =	vst.add.f32.msk $0xffff, v3  }
0x1e2: {  	v3 =	vld [tilespmem:s8+$0xD070]  }
0x1e3: {  	v4 =	vld [tilespmem:s8+$0xCC00]  }
0x1e4: {  	v5 =	vld [tilespmem:s8+$0xCC10]  }
0x1e5: {  	v6 =	vld [tilespmem:s8+$0xCC20]  }
0x1e6: {  	v7 =	vld [tilespmem:s8+$0xCC30]  }
0x1e7: {  	v8 =	vld [tilespmem:s8+$0xCC50]  }
0x1e8: {  	v9 =	vld [tilespmem:s8+$0xCC60]  }
0x1e9: {  	v10 =	vld [tilespmem:s8+$0xCC70]  }
0x1ea: {  	v11 =	vld [tilespmem:s8+$0xD000]  }
0x1eb: {  	v12 =	vld [tilespmem:s8+$0xD010]  }
0x1ec: {  	v13 =	vld [tilespmem:s8+$0xD020]  }
0x1ed: {  	v14 =	vld [tilespmem:s8+$0xD030]  }
0x1ee: {  	v15 =	vld [tilespmem:s8+$0xD040]  }
0x1ef: {  	v16 =	vld [tilespmem:s8+$0xD050]  }
0x1f0: {  	v17 =	vld [tilespmem:s8+$0xD060]  }
0x1f1: {  	[tilespmem:s8+$0x5070] =	vst.add.f32.msk $0xffff, v3  }
0x1f2: {  	v3 =	vld [tilespmem:s8+$0xCC40]  }
0x1f3: {  	[tilespmem:s8+$0x4C00] =	vst.add.f32.msk $0xffff, v4  }
0x1f4: {  	[tilespmem:s8+$0x4C10] =	vst.add.f32.msk $0xffff, v5  }
0x1f5: {  	[tilespmem:s8+$0x4C20] =	vst.add.f32.msk $0xffff, v6  }
0x1f6: {  	[tilespmem:s8+$0x4C30] =	vst.add.f32.msk $0xffff, v7  }
0x1f7: {  	[tilespmem:s8+$0x4C50] =	vst.add.f32.msk $0xffff, v8  }
0x1f8: {  	[tilespmem:s8+$0x4C60] =	vst.add.f32.msk $0xffff, v9  }
0x1f9: {  	[tilespmem:s8+$0x4C70] =	vst.add.f32.msk $0xffff, v10  }
0x1fa: {  	[tilespmem:s8+$0x5000] =	vst.add.f32.msk $0xffff, v11  }
0x1fb: {  	[tilespmem:s8+$0x5010] =	vst.add.f32.msk $0xffff, v12  }
0x1fc: {  	[tilespmem:s8+$0x5020] =	vst.add.f32.msk $0xffff, v13  }
0x1fd: {  	[tilespmem:s8+$0x5030] =	vst.add.f32.msk $0xffff, v14  }
0x1fe: {  	[tilespmem:s8+$0x5040] =	vst.add.f32.msk $0xffff, v15  }
0x1ff: {  	[tilespmem:s8+$0x5050] =	vst.add.f32.msk $0xffff, v16  }
0x200: {  	[tilespmem:s8+$0x5060] =	vst.add.f32.msk $0xffff, v17  }
0x201: {  	s9 =	simm.s32 $0x0;
	s10 =	rddreg [dreg:$0x5];
	[tilespmem:s8+$0x4C40] =	vst.add.f32.msk $0xffff, v3  }
0x202: {  	[hbm4b:s10+s9] =	stream.linear.scatter [tilespmem:s14], [sflag:$0x6], $0x4000, $0x38;
	[tilespmem:$0x10C00] =	vst v63  }
0x203: {  	_ =	swait.ge [sflag:s12], $0x4000  }
0x204: {  	[sflag:s12] =	ssyncset.done $0x0  }
0x205: {  	[sflag:s12] =	ssyncadd.s32 $0xFFFFC000  }
0x206: {  	_ =	swait.ge [sflag:s13], $0x4000  }
0x207: {  	[sflag:s13] =	ssyncset.done $0x0  }
0x208: {  	[sflag:s13] =	ssyncadd.s32 $0xFFFFC000  }
0x209: {  	_ =	swait.ge [sflag:s2], $0x4000  }
0x20a: {  	[sflag:s2] =	ssyncset.done $0x0  }
0x20b: {  	[sflag:s2] =	ssyncadd.s32 $0xFFFFC000  }
0x20c: {  	v3 =	vld [tilespmem:$0x4C0];
	_ =	sdelay $0x4  }
0x20d: {  	v4 =	vshll.u32 v3, $0x1  }
0x20e: {  	v3 =	vand.u32 $0x7, v3;
	v4 =	vand.u32 $0xFFFFFFF0, v4  }
0x20f: {  	v3 =	vor.u32 v3, v4  }
0x210: {  	v4 =	vperm.xlane v3, v0;
	_ =	sdelay $0x1  }
0x211: {  	v3 =	vperm.xlane v3, v2;
	v4 =	vadd.s32 v1, v4;
	_ =	sdelay $0x1  }
0x212: {  	v3 =	vadd.s32 v1, v3;
	_ =	sdelay $0x2  }
0x213: {  	[tilespmem:s14], [sflag:$0x2] =	stream.indirect_vreg.gather [hbm4b:s3+s9], $0x80, v4, vm0, $0xb8;
	[tilespmem:$0x10C00] =	vst v63  }
0x214: {  	_ = 	snop  }
0x215: {  	[tilespmem:s15], [sflag:$0x2] =	stream.indirect_vreg.gather [hbm4b:s3+s9], $0x80, v3, vm0, $0xb8;
	[tilespmem:$0x10C00] =	vst v63  }
0x216: {  	v3 =	vld [tilespmem:$0x4D0];
	_ =	sdelay $0x4  }
0x217: {  	v4 =	vshll.u32 v3, $0x1  }
0x218: {  	v3 =	vand.u32 $0x7, v3;
	v4 =	vand.u32 $0xFFFFFFF0, v4  }
0x219: {  	v3 =	vor.u32 v3, v4  }
0x21a: {  	v4 =	vperm.xlane v3, v0;
	_ =	sdelay $0x1  }
0x21b: {  	v3 =	vperm.xlane v3, v2;
	v4 =	vadd.s32 v1, v4;
	_ =	sdelay $0x1  }
0x21c: {  	v3 =	vadd.s32 v1, v3;
	_ =	sdelay $0x2  }
0x21d: {  	[tilespmem:s16], [sflag:$0x2] =	stream.indirect_vreg.gather [hbm4b:s3+s9], $0x80, v4, vm0, $0xb8;
	[tilespmem:$0x10C00] =	vst v63  }
0x21e: {  	_ = 	snop  }
0x21f: {  	[tilespmem:s17], [sflag:$0x2] =	stream.indirect_vreg.gather [hbm4b:s3+s9], $0x80, v3, vm0, $0xb8;
	[tilespmem:$0x10C00] =	vst v63  }
0x220: {  	v3 =	vld [tilespmem:$0x4E0];
	_ =	sdelay $0x4  }
0x221: {  	v4 =	vshll.u32 v3, $0x1  }
0x222: {  	v3 =	vand.u32 $0x7, v3;
	v4 =	vand.u32 $0xFFFFFFF0, v4  }
0x223: {  	v3 =	vor.u32 v3, v4  }
0x224: {  	v4 =	vperm.xlane v3, v0;
	_ =	sdelay $0x1  }
0x225: {  	v3 =	vperm.xlane v3, v2;
	v4 =	vadd.s32 v1, v4;
	_ =	sdelay $0x1  }
0x226: {  	v3 =	vadd.s32 v1, v3;
	_ =	sdelay $0x2  }
0x227: {  	[tilespmem:s18], [sflag:$0x2] =	stream.indirect_vreg.gather [hbm4b:s3+s9], $0x80, v4, vm0, $0xb8;
	[tilespmem:$0x10C00] =	vst v63  }
0x228: {  	_ = 	snop  }
0x229: {  	[tilespmem:s19], [sflag:$0x2] =	stream.indirect_vreg.gather [hbm4b:s3+s9], $0x80, v3, vm0, $0xb8;
	[tilespmem:$0x10C00] =	vst v63  }
0x22a: {  	v3 =	vld [tilespmem:$0x4F0];
	_ =	sdelay $0x4  }
0x22b: {  	v4 =	vshll.u32 v3, $0x1  }
0x22c: {  	v3 =	vand.u32 $0x7, v3;
	v4 =	vand.u32 $0xFFFFFFF0, v4  }
0x22d: {  	v3 =	vor.u32 v3, v4  }
0x22e: {  	v4 =	vperm.xlane v3, v0;
	_ =	sdelay $0x1  }
0x22f: {  	v3 =	vperm.xlane v3, v2;
	v4 =	vadd.s32 v1, v4;
	_ =	sdelay $0x1  }
0x230: {  	v3 =	vadd.s32 v1, v3;
	_ =	sdelay $0x2  }
0x231: {  	[tilespmem:s20], [sflag:$0x2] =	stream.indirect_vreg.gather [hbm4b:s3+s9], $0x80, v4, vm0, $0xb8;
	[tilespmem:$0x10C00] =	vst v63  }
0x232: {  	_ = 	snop  }
0x233: {  	[tilespmem:s21], [sflag:$0x2] =	stream.indirect_vreg.gather [hbm4b:s3+s9], $0x80, v3, vm0, $0xb8;
	[tilespmem:$0x10C00] =	vst v63  }
0x234: {  	v3 =	vld [tilespmem:$0x8C0];
	_ =	sdelay $0x4  }
0x235: {  	v4 =	vshll.u32 v3, $0x1  }
0x236: {  	v3 =	vand.u32 $0x7, v3;
	v4 =	vand.u32 $0xFFFFFFF0, v4  }
0x237: {  	v3 =	vor.u32 v3, v4  }
0x238: {  	v4 =	vperm.xlane v3, v0;
	_ =	sdelay $0x1  }
0x239: {  	v3 =	vperm.xlane v3, v2;
	v4 =	vadd.s32 v1, v4;
	_ =	sdelay $0x1  }
0x23a: {  	v3 =	vadd.s32 v1, v3;
	_ =	sdelay $0x2  }
0x23b: {  	[tilespmem:s22], [sflag:$0x4] =	stream.indirect_vreg.gather [hbm4b:s4+s9], $0x80, v4, vm0, $0xb8;
	[tilespmem:$0x10C00] =	vst v63  }
0x23c: {  	_ = 	snop  }
0x23d: {  	[tilespmem:s5], [sflag:$0x4] =	stream.indirect_vreg.gather [hbm4b:s4+s9], $0x80, v3, vm0, $0xb8;
	[tilespmem:$0x10C00] =	vst v63  }
0x23e: {  	v3 =	vld [tilespmem:$0x8D0];
	_ =	sdelay $0x4  }
0x23f: {  	v4 =	vshll.u32 v3, $0x1  }
0x240: {  	v3 =	vand.u32 $0x7, v3;
	v4 =	vand.u32 $0xFFFFFFF0, v4  }
0x241: {  	v3 =	vor.u32 v3, v4  }
0x242: {  	v4 =	vperm.xlane v3, v0;
	_ =	sdelay $0x1  }
0x243: {  	v3 =	vperm.xlane v3, v2;
	v4 =	vadd.s32 v1, v4;
	_ =	sdelay $0x1  }
0x244: {  	v3 =	vadd.s32 v1, v3;
	_ =	sdelay $0x2  }
0x245: {  	[tilespmem:s23], [sflag:$0x4] =	stream.indirect_vreg.gather [hbm4b:s4+s9], $0x80, v4, vm0, $0xb8;
	[tilespmem:$0x10C00] =	vst v63  }
0x246: {  	_ = 	snop  }
0x247: {  	[tilespmem:s25], [sflag:$0x4] =	stream.indirect_vreg.gather [hbm4b:s4+s9], $0x80, v3, vm0, $0xb8;
	[tilespmem:$0x10C00] =	vst v63  }
0x248: {  	v3 =	vld [tilespmem:$0x8E0];
	_ =	sdelay $0x4  }
0x249: {  	v4 =	vshll.u32 v3, $0x1  }
0x24a: {  	v3 =	vand.u32 $0x7, v3;
	v4 =	vand.u32 $0xFFFFFFF0, v4  }
0x24b: {  	v3 =	vor.u32 v3, v4  }
0x24c: {  	v4 =	vperm.xlane v3, v0;
	_ =	sdelay $0x1  }
0x24d: {  	v3 =	vperm.xlane v3, v2;
	v4 =	vadd.s32 v1, v4;
	_ =	sdelay $0x1  }
0x24e: {  	v3 =	vadd.s32 v1, v3;
	_ =	sdelay $0x2  }
0x24f: {  	[tilespmem:s26], [sflag:$0x4] =	stream.indirect_vreg.gather [hbm4b:s4+s9], $0x80, v4, vm0, $0xb8;
	[tilespmem:$0x10C00] =	vst v63  }
0x250: {  	_ = 	snop  }
0x251: {  	[tilespmem:s28], [sflag:$0x4] =	stream.indirect_vreg.gather [hbm4b:s4+s9], $0x80, v3, vm0, $0xb8;
	[tilespmem:$0x10C00] =	vst v63  }
0x252: {  	v3 =	vld [tilespmem:$0x8F0];
	_ =	sdelay $0x4  }
0x253: {  	v4 =	vshll.u32 v3, $0x1  }
0x254: {  	v3 =	vand.u32 $0x7, v3;
	v4 =	vand.u32 $0xFFFFFFF0, v4  }
0x255: {  	v3 =	vor.u32 v3, v4  }
0x256: {  	v4 =	vperm.xlane v3, v0;
	_ =	sdelay $0x1  }
0x257: {  	v3 =	vperm.xlane v3, v2;
	v4 =	vadd.s32 v1, v4;
	_ =	sdelay $0x1  }
0x258: {  	v3 =	vadd.s32 v1, v3;
	_ =	sdelay $0x1  }
0x259: {  	s11 =	sand.u32 $0x3800, s9;
	s7 =	sand.u32 $0x380, s9  }
0x25a: {  	[tilespmem:s29], [sflag:$0x4] =	stream.indirect_vreg.gather [hbm4b:s4+s9], $0x80, v4, vm0, $0xb8;
	[tilespmem:$0x10C00] =	vst v63  }
0x25b: {  	s7 =	sor.u32 s7, s11  }
0x25c: {  	[tilespmem:s30], [sflag:$0x4] =	stream.indirect_vreg.gather [hbm4b:s4+s9], $0x80, v3, vm0, $0xb8;
	[tilespmem:$0x10C00] =	vst v63  }
0x25d: {  	v3 =	vld [tilespmem:s7+$0x9070]  }
0x25e: {  	v4 =	vld [tilespmem:s7+$0x8C00]  }
0x25f: {  	v5 =	vld [tilespmem:s7+$0x8C10]  }
0x260: {  	v52 =	vld [tilespmem:s7+$0x8C20]  }
0x261: {  	v53 =	vld [tilespmem:s7+$0x8C30]  }
0x262: {  	v54 =	vld [tilespmem:s7+$0x8C40]  }
0x263: {  	v55 =	vld [tilespmem:s7+$0x8C50]  }
0x264: {  	v56 =	vld [tilespmem:s7+$0x8C60]  }
0x265: {  	v57 =	vld [tilespmem:s7+$0x8C70]  }
0x266: {  	v58 =	vld [tilespmem:s7+$0x9000]  }
0x267: {  	v59 =	vld [tilespmem:s7+$0x9010]  }
0x268: {  	v60 =	vld [tilespmem:s7+$0x9020]  }
0x269: {  	v61 =	vld [tilespmem:s7+$0x9030]  }
0x26a: {  	v62 =	vld [tilespmem:s7+$0x9040]  }
0x26b: {  	v63 =	vld [tilespmem:s7+$0x9050]  }
0x26c: {  	[tilespmem:s7+$0x1070] =	vst.add.f32.msk $0xffff, v3  }
0x26d: {  	v3 =	vld [tilespmem:s7+$0x9060]  }
0x26e: {  	[tilespmem:s7+$0xC00] =	vst.add.f32.msk $0xffff, v4  }
0x26f: {  	[tilespmem:s7+$0xC10] =	vst.add.f32.msk $0xffff, v5  }
0x270: {  	[tilespmem:s7+$0xC20] =	vst.add.f32.msk $0xffff, v52  }
0x271: {  	[tilespmem:s7+$0xC30] =	vst.add.f32.msk $0xffff, v53  }
0x272: {  	[tilespmem:s7+$0xC40] =	vst.add.f32.msk $0xffff, v54  }
0x273: {  	[tilespmem:s7+$0xC50] =	vst.add.f32.msk $0xffff, v55  }
0x274: {  	[tilespmem:s7+$0xC60] =	vst.add.f32.msk $0xffff, v56  }
0x275: {  	[tilespmem:s7+$0xC70] =	vst.add.f32.msk $0xffff, v57  }
0x276: {  	[tilespmem:s7+$0x1000] =	vst.add.f32.msk $0xffff, v58  }
0x277: {  	[tilespmem:s7+$0x1010] =	vst.add.f32.msk $0xffff, v59  }
0x278: {  	[tilespmem:s7+$0x1020] =	vst.add.f32.msk $0xffff, v60  }
0x279: {  	[tilespmem:s7+$0x1030] =	vst.add.f32.msk $0xffff, v61  }
0x27a: {  	s8 =	simm.s32 $0x80;
	s9 =	simm.s32 $0x100;
	[tilespmem:s7+$0x1040] =	vst.add.f32.msk $0xffff, v62  }
0x27b: {  	s11 =	sand.u32 $0x380, s8;
	s10 =	sand.u32 $0x3800, s9;
	s9 =	simm.s32 $0x200;
	[tilespmem:s7+$0x1050] =	vst.add.f32.msk $0xffff, v63  }
.LBB2_8:
0x27c: {  	p0 =	sne.s32 s9, $0x3F00;
	[tilespmem:s7+$0x1060] =	vst.add.f32.msk $0xffff, v3;
	s7 =	sor.u32 s11, s10  }
0x27d: {  	v3 =	vld [tilespmem:s7+$0x9070]  }
0x27e: {  	v4 =	vld [tilespmem:s7+$0x8C00]  }
0x27f: {  	v5 =	vld [tilespmem:s7+$0x8C10]  }
0x280: {  	v6 =	vld [tilespmem:s7+$0x8C20]  }
0x281: {  	v7 =	vld [tilespmem:s7+$0x8C30]  }
0x282: {  	[tilespmem:s7+$0x1070] =	vst.add.f32.msk $0xffff, v3  }
0x283: {  	v8 =	vld [tilespmem:s7+$0x8C40]  }
0x284: {  	v9 =	vld [tilespmem:s7+$0x8C50]  }
0x285: {  	v10 =	vld [tilespmem:s7+$0x8C60]  }
0x286: {  	v11 =	vld [tilespmem:s7+$0x8C70]  }
0x287: {  	v12 =	vld [tilespmem:s7+$0x9000]  }
0x288: {  	v13 =	vld [tilespmem:s7+$0x9010]  }
0x289: {  	v14 =	vld [tilespmem:s7+$0x9020]  }
0x28a: {  	v15 =	vld [tilespmem:s7+$0x9030]  }
0x28b: {  	v16 =	vld [tilespmem:s7+$0x9040]  }
0x28c: {  	v17 =	vld [tilespmem:s7+$0x9050]  }
0x28d: {  	v3 =	vld [tilespmem:s7+$0x9060]  }
0x28e: {  	[tilespmem:s7+$0xC00] =	vst.add.f32.msk $0xffff, v4  }
0x28f: {  	[tilespmem:s7+$0xC10] =	vst.add.f32.msk $0xffff, v5  }
0x290: {  	[tilespmem:s7+$0xC20] =	vst.add.f32.msk $0xffff, v6  }
0x291: {  	[tilespmem:s7+$0xC30] =	vst.add.f32.msk $0xffff, v7  }
0x292: {  	[tilespmem:s7+$0xC40] =	vst.add.f32.msk $0xffff, v8  }
0x293: {  	[tilespmem:s7+$0xC50] =	vst.add.f32.msk $0xffff, v9  }
0x294: {  	[tilespmem:s7+$0xC60] =	vst.add.f32.msk $0xffff, v10  }
0x295: {  	[tilespmem:s7+$0xC70] =	vst.add.f32.msk $0xffff, v11  }
0x296: {  	[tilespmem:s7+$0x1000] =	vst.add.f32.msk $0xffff, v12  }
.Ltmp3:
0x297: {  	[tilespmem:s7+$0x1010] =	vst.add.f32.msk $0xffff, v13;
	(pc) =	sbr.rel @p0 .LBB2_8-.Ltmp3, $4  }
0x298: {  	[tilespmem:s7+$0x1020] =	vst.add.f32.msk $0xffff, v14  }
0x299: {  	[tilespmem:s7+$0x1030] =	vst.add.f32.msk $0xffff, v15  }
0x29a: {  	s8 =	sadd.s32 $0x80, s8;
	[tilespmem:s7+$0x1040] =	vst.add.f32.msk $0xffff, v16  }
0x29b: {  	s10 =	sand.u32 $0x3800, s9;
	s9 =	sadd.s32 $0x100, s9;
	s11 =	sand.u32 $0x380, s8;
	[tilespmem:s7+$0x1050] =	vst.add.f32.msk $0xffff, v17  }
0x29c: {  	s8 =	sor.u32 s11, s10;
	[tilespmem:s7+$0x1060] =	vst.add.f32.msk $0xffff, v3  }
0x29d: {  	v3 =	vld [tilespmem:s8+$0x9070]  }
0x29e: {  	v4 =	vld [tilespmem:s8+$0x8C00]  }
0x29f: {  	v5 =	vld [tilespmem:s8+$0x8C10]  }
0x2a0: {  	v6 =	vld [tilespmem:s8+$0x8C20]  }
0x2a1: {  	v7 =	vld [tilespmem:s8+$0x8C30]  }
0x2a2: {  	v8 =	vld [tilespmem:s8+$0x8C50]  }
0x2a3: {  	v9 =	vld [tilespmem:s8+$0x8C60]  }
0x2a4: {  	v10 =	vld [tilespmem:s8+$0x8C70]  }
0x2a5: {  	v11 =	vld [tilespmem:s8+$0x9000]  }
0x2a6: {  	v12 =	vld [tilespmem:s8+$0x9010]  }
0x2a7: {  	v13 =	vld [tilespmem:s8+$0x9020]  }
0x2a8: {  	v14 =	vld [tilespmem:s8+$0x9030]  }
0x2a9: {  	v15 =	vld [tilespmem:s8+$0x9040]  }
0x2aa: {  	v16 =	vld [tilespmem:s8+$0x9050]  }
0x2ab: {  	v17 =	vld [tilespmem:s8+$0x9060]  }
0x2ac: {  	[tilespmem:s8+$0x1070] =	vst.add.f32.msk $0xffff, v3  }
0x2ad: {  	v3 =	vld [tilespmem:s8+$0x8C40]  }
0x2ae: {  	[tilespmem:s8+$0xC00] =	vst.add.f32.msk $0xffff, v4  }
0x2af: {  	[tilespmem:s8+$0xC10] =	vst.add.f32.msk $0xffff, v5  }
0x2b0: {  	[tilespmem:s8+$0xC20] =	vst.add.f32.msk $0xffff, v6  }
0x2b1: {  	[tilespmem:s8+$0xC30] =	vst.add.f32.msk $0xffff, v7  }
0x2b2: {  	[tilespmem:s8+$0xC50] =	vst.add.f32.msk $0xffff, v8  }
0x2b3: {  	[tilespmem:s8+$0xC60] =	vst.add.f32.msk $0xffff, v9  }
0x2b4: {  	[tilespmem:s8+$0xC70] =	vst.add.f32.msk $0xffff, v10  }
0x2b5: {  	[tilespmem:s8+$0x1000] =	vst.add.f32.msk $0xffff, v11  }
0x2b6: {  	[tilespmem:s8+$0x1010] =	vst.add.f32.msk $0xffff, v12  }
0x2b7: {  	[tilespmem:s8+$0x1020] =	vst.add.f32.msk $0xffff, v13  }
0x2b8: {  	[tilespmem:s8+$0x1030] =	vst.add.f32.msk $0xffff, v14  }
0x2b9: {  	[tilespmem:s8+$0x1040] =	vst.add.f32.msk $0xffff, v15  }
0x2ba: {  	[tilespmem:s8+$0x1050] =	vst.add.f32.msk $0xffff, v16  }
0x2bb: {  	[tilespmem:s8+$0x1060] =	vst.add.f32.msk $0xffff, v17  }
0x2bc: {  	s7 =	simm.s32 $0x0;
	s10 =	rddreg [dreg:$0x6];
	[tilespmem:s8+$0xC40] =	vst.add.f32.msk $0xffff, v3  }
0x2bd: {  	[hbm4b:s10+s7] =	stream.linear.scatter [tilespmem:s24], [sflag:$0x5], $0x4000, $0x38;
	[tilespmem:$0x10C00] =	vst v63  }
0x2be: {  	_ =	swait.ge [sflag:s31], $0x4000  }
0x2bf: {  	[sflag:s31] =	ssyncset.done $0x0  }
0x2c0: {  	[sflag:s31] =	ssyncadd.s32 $0xFFFFC000  }
0x2c1: {  	_ =	swait.ge [sflag:s1], $0x4000  }
0x2c2: {  	[sflag:s1] =	ssyncset.done $0x0  }
0x2c3: {  	[sflag:s1] =	ssyncadd.s32 $0xFFFFC000  }
0x2c4: {  	_ =	swait.ge [sflag:s0], $0x4000  }
0x2c5: {  	[sflag:s0] =	ssyncset.done $0x0  }
0x2c6: {  	[sflag:s0] =	ssyncadd.s32 $0xFFFFC000  }
0x2c7: {  	v3 =	vld [tilespmem:$0x500];
	_ =	sdelay $0x4  }
0x2c8: {  	v4 =	vshll.u32 v3, $0x1  }
0x2c9: {  	v3 =	vand.u32 $0x7, v3;
	v4 =	vand.u32 $0xFFFFFFF0, v4  }
0x2ca: {  	v3 =	vor.u32 v3, v4  }
0x2cb: {  	v4 =	vperm.xlane v3, v0;
	_ =	sdelay $0x1  }
0x2cc: {  	v3 =	vperm.xlane v3, v2;
	v4 =	vadd.s32 v1, v4;
	_ =	sdelay $0x1  }
0x2cd: {  	v3 =	vadd.s32 v1, v3;
	_ =	sdelay $0x2  }
0x2ce: {  	[tilespmem:s24], [sflag:$0x1] =	stream.indirect_vreg.gather [hbm4b:s3+s7], $0x80, v4, vm0, $0xb8;
	[tilespmem:$0x10C00] =	vst v63  }
0x2cf: {  	s11 =	simm.s32 $0x1400  }
0x2d0: {  	[tilespmem:s11], [sflag:$0x1] =	stream.indirect_vreg.gather [hbm4b:s3+s7], $0x80, v3, vm0, $0xb8;
	[tilespmem:$0x10C00] =	vst v63  }
0x2d1: {  	v3 =	vld [tilespmem:$0x510];
	_ =	sdelay $0x4  }
0x2d2: {  	v4 =	vshll.u32 v3, $0x1  }
0x2d3: {  	v3 =	vand.u32 $0x7, v3;
	v4 =	vand.u32 $0xFFFFFFF0, v4  }
0x2d4: {  	v3 =	vor.u32 v3, v4  }
0x2d5: {  	v4 =	vperm.xlane v3, v0;
	_ =	sdelay $0x1  }
0x2d6: {  	v3 =	vperm.xlane v3, v2;
	v4 =	vadd.s32 v1, v4;
	_ =	sdelay $0x1  }
0x2d7: {  	v3 =	vadd.s32 v1, v3;
	_ =	sdelay $0x1  }
0x2d8: {  	s9 =	simm.s32 $0x1C00  }
0x2d9: {  	[tilespmem:s9], [sflag:$0x1] =	stream.indirect_vreg.gather [hbm4b:s3+s7], $0x80, v4, vm0, $0xb8;
	[tilespmem:$0x10C00] =	vst v63  }
0x2da: {  	s10 =	simm.s32 $0x2400  }
0x2db: {  	[tilespmem:s10], [sflag:$0x1] =	stream.indirect_vreg.gather [hbm4b:s3+s7], $0x80, v3, vm0, $0xb8;
	[tilespmem:$0x10C00] =	vst v63  }
0x2dc: {  	v3 =	vld [tilespmem:$0x520];
	_ =	sdelay $0x4  }
0x2dd: {  	v4 =	vshll.u32 v3, $0x1  }
0x2de: {  	v3 =	vand.u32 $0x7, v3;
	v4 =	vand.u32 $0xFFFFFFF0, v4  }
0x2df: {  	v3 =	vor.u32 v3, v4  }
0x2e0: {  	v4 =	vperm.xlane v3, v0;
	_ =	sdelay $0x1  }
0x2e1: {  	v3 =	vperm.xlane v3, v2;
	v4 =	vadd.s32 v1, v4;
	_ =	sdelay $0x1  }
0x2e2: {  	v3 =	vadd.s32 v1, v3;
	_ =	sdelay $0x1  }
0x2e3: {  	s11 =	simm.s32 $0x2C00  }
0x2e4: {  	[tilespmem:s11], [sflag:$0x1] =	stream.indirect_vreg.gather [hbm4b:s3+s7], $0x80, v4, vm0, $0xb8;
	[tilespmem:$0x10C00] =	vst v63  }
0x2e5: {  	s9 =	simm.s32 $0x3400  }
0x2e6: {  	[tilespmem:s9], [sflag:$0x1] =	stream.indirect_vreg.gather [hbm4b:s3+s7], $0x80, v3, vm0, $0xb8;
	[tilespmem:$0x10C00] =	vst v63  }
0x2e7: {  	v3 =	vld [tilespmem:$0x530];
	_ =	sdelay $0x4  }
0x2e8: {  	v4 =	vshll.u32 v3, $0x1  }
0x2e9: {  	v3 =	vand.u32 $0x7, v3;
	v4 =	vand.u32 $0xFFFFFFF0, v4  }
0x2ea: {  	v3 =	vor.u32 v3, v4  }
0x2eb: {  	v4 =	vperm.xlane v3, v0;
	_ =	sdelay $0x1  }
0x2ec: {  	v3 =	vperm.xlane v3, v2;
	v4 =	vadd.s32 v1, v4;
	_ =	sdelay $0x1  }
0x2ed: {  	v3 =	vadd.s32 v1, v3;
	_ =	sdelay $0x1  }
0x2ee: {  	s10 =	simm.s32 $0x3C00  }
0x2ef: {  	[tilespmem:s10], [sflag:$0x1] =	stream.indirect_vreg.gather [hbm4b:s3+s7], $0x80, v4, vm0, $0xb8;
	[tilespmem:$0x10C00] =	vst v63  }
0x2f0: {  	s11 =	simm.s32 $0x4400  }
0x2f1: {  	[tilespmem:s11], [sflag:$0x1] =	stream.indirect_vreg.gather [hbm4b:s3+s7], $0x80, v3, vm0, $0xb8;
	[tilespmem:$0x10C00] =	vst v63  }
0x2f2: {  	v3 =	vld [tilespmem:$0x900];
	_ =	sdelay $0x4  }
0x2f3: {  	v4 =	vshll.u32 v3, $0x1  }
0x2f4: {  	v3 =	vand.u32 $0x7, v3;
	v4 =	vand.u32 $0xFFFFFFF0, v4  }
0x2f5: {  	v3 =	vor.u32 v3, v4  }
0x2f6: {  	v4 =	vperm.xlane v3, v0;
	_ =	sdelay $0x1  }
0x2f7: {  	v3 =	vperm.xlane v3, v2;
	v4 =	vadd.s32 v1, v4;
	_ =	sdelay $0x1  }
0x2f8: {  	v3 =	vadd.s32 v1, v3;
	_ =	sdelay $0x1  }
0x2f9: {  	s9 =	simm.s32 $0x8C00  }
0x2fa: {  	[tilespmem:s9], [sflag:$0x3] =	stream.indirect_vreg.gather [hbm4b:s4+s7], $0x80, v4, vm0, $0xb8;
	[tilespmem:$0x10C00] =	vst v63  }
0x2fb: {  	s10 =	simm.s32 $0x9400  }
0x2fc: {  	[tilespmem:s10], [sflag:$0x3] =	stream.indirect_vreg.gather [hbm4b:s4+s7], $0x80, v3, vm0, $0xb8;
	[tilespmem:$0x10C00] =	vst v63  }
0x2fd: {  	v3 =	vld [tilespmem:$0x910];
	_ =	sdelay $0x4  }
0x2fe: {  	v4 =	vshll.u32 v3, $0x1  }
0x2ff: {  	v3 =	vand.u32 $0x7, v3;
	v4 =	vand.u32 $0xFFFFFFF0, v4  }
0x300: {  	v3 =	vor.u32 v3, v4  }
0x301: {  	v4 =	vperm.xlane v3, v0;
	_ =	sdelay $0x1  }
0x302: {  	v3 =	vperm.xlane v3, v2;
	v4 =	vadd.s32 v1, v4;
	_ =	sdelay $0x1  }
0x303: {  	v3 =	vadd.s32 v1, v3;
	_ =	sdelay $0x1  }
0x304: {  	s11 =	simm.s32 $0x9C00  }
0x305: {  	[tilespmem:s11], [sflag:$0x3] =	stream.indirect_vreg.gather [hbm4b:s4+s7], $0x80, v4, vm0, $0xb8;
	[tilespmem:$0x10C00] =	vst v63  }
0x306: {  	s9 =	simm.s32 $0xA400  }
0x307: {  	[tilespmem:s9], [sflag:$0x3] =	stream.indirect_vreg.gather [hbm4b:s4+s7], $0x80, v3, vm0, $0xb8;
	[tilespmem:$0x10C00] =	vst v63  }
0x308: {  	v3 =	vld [tilespmem:$0x920];
	_ =	sdelay $0x4  }
0x309: {  	v4 =	vshll.u32 v3, $0x1  }
0x30a: {  	v3 =	vand.u32 $0x7, v3;
	v4 =	vand.u32 $0xFFFFFFF0, v4  }
0x30b: {  	v3 =	vor.u32 v3, v4  }
0x30c: {  	v4 =	vperm.xlane v3, v0;
	_ =	sdelay $0x1  }
0x30d: {  	v3 =	vperm.xlane v3, v2;
	v4 =	vadd.s32 v1, v4;
	_ =	sdelay $0x1  }
0x30e: {  	v3 =	vadd.s32 v1, v3;
	_ =	sdelay $0x1  }
0x30f: {  	s10 =	simm.s32 $0xAC00  }
0x310: {  	[tilespmem:s10], [sflag:$0x3] =	stream.indirect_vreg.gather [hbm4b:s4+s7], $0x80, v4, vm0, $0xb8;
	[tilespmem:$0x10C00] =	vst v63  }
0x311: {  	s11 =	simm.s32 $0xB400  }
0x312: {  	[tilespmem:s11], [sflag:$0x3] =	stream.indirect_vreg.gather [hbm4b:s4+s7], $0x80, v3, vm0, $0xb8;
	[tilespmem:$0x10C00] =	vst v63  }
0x313: {  	v3 =	vld [tilespmem:$0x930];
	_ =	sdelay $0x4  }
0x314: {  	v4 =	vshll.u32 v3, $0x1  }
0x315: {  	v3 =	vand.u32 $0x7, v3;
	v4 =	vand.u32 $0xFFFFFFF0, v4  }
0x316: {  	v3 =	vor.u32 v3, v4  }
0x317: {  	v4 =	vperm.xlane v3, v0;
	_ =	sdelay $0x1  }
0x318: {  	v3 =	vperm.xlane v3, v2;
	v4 =	vadd.s32 v1, v4;
	_ =	sdelay $0x1  }
0x319: {  	v3 =	vadd.s32 v1, v3;
	_ =	sdelay $0x1  }
0x31a: {  	s9 =	simm.s32 $0xBC00  }
0x31b: {  	[tilespmem:s9], [sflag:$0x3] =	stream.indirect_vreg.gather [hbm4b:s4+s7], $0x80, v4, vm0, $0xb8;
	[tilespmem:$0x10C00] =	vst v63  }
0x31c: {  	s10 =	simm.s32 $0xC400  }
0x31d: {  	[tilespmem:s10], [sflag:$0x3] =	stream.indirect_vreg.gather [hbm4b:s4+s7], $0x80, v3, vm0, $0xb8;
	[tilespmem:$0x10C00] =	vst v63  }
0x31e: {  	s11 =	sand.u32 $0x3800, s7;
	s7 =	sand.u32 $0x380, s7  }
0x31f: {  	s7 =	sor.u32 s7, s11  }
0x320: {  	v3 =	vld [tilespmem:s7+$0xD070]  }
0x321: {  	v4 =	vld [tilespmem:s7+$0xCC00]  }
0x322: {  	v5 =	vld [tilespmem:s7+$0xCC10]  }
0x323: {  	v52 =	vld [tilespmem:s7+$0xCC20]  }
0x324: {  	v53 =	vld [tilespmem:s7+$0xCC30]  }
0x325: {  	v54 =	vld [tilespmem:s7+$0xCC40]  }
0x326: {  	v55 =	vld [tilespmem:s7+$0xCC50]  }
0x327: {  	v56 =	vld [tilespmem:s7+$0xCC60]  }
0x328: {  	v57 =	vld [tilespmem:s7+$0xCC70]  }
0x329: {  	v58 =	vld [tilespmem:s7+$0xD000]  }
0x32a: {  	v59 =	vld [tilespmem:s7+$0xD010]  }
0x32b: {  	v60 =	vld [tilespmem:s7+$0xD020]  }
0x32c: {  	v61 =	vld [tilespmem:s7+$0xD030]  }
0x32d: {  	v62 =	vld [tilespmem:s7+$0xD040]  }
0x32e: {  	v63 =	vld [tilespmem:s7+$0xD050]  }
0x32f: {  	[tilespmem:s7+$0x5070] =	vst.add.f32.msk $0xffff, v3  }
0x330: {  	v3 =	vld [tilespmem:s7+$0xD060]  }
0x331: {  	[tilespmem:s7+$0x4C00] =	vst.add.f32.msk $0xffff, v4  }
0x332: {  	[tilespmem:s7+$0x4C10] =	vst.add.f32.msk $0xffff, v5  }
0x333: {  	[tilespmem:s7+$0x4C20] =	vst.add.f32.msk $0xffff, v52  }
0x334: {  	[tilespmem:s7+$0x4C30] =	vst.add.f32.msk $0xffff, v53  }
0x335: {  	[tilespmem:s7+$0x4C40] =	vst.add.f32.msk $0xffff, v54  }
0x336: {  	[tilespmem:s7+$0x4C50] =	vst.add.f32.msk $0xffff, v55  }
0x337: {  	[tilespmem:s7+$0x4C60] =	vst.add.f32.msk $0xffff, v56  }
0x338: {  	[tilespmem:s7+$0x4C70] =	vst.add.f32.msk $0xffff, v57  }
0x339: {  	[tilespmem:s7+$0x5000] =	vst.add.f32.msk $0xffff, v58  }
0x33a: {  	[tilespmem:s7+$0x5010] =	vst.add.f32.msk $0xffff, v59  }
0x33b: {  	[tilespmem:s7+$0x5020] =	vst.add.f32.msk $0xffff, v60  }
0x33c: {  	[tilespmem:s7+$0x5030] =	vst.add.f32.msk $0xffff, v61  }
0x33d: {  	s8 =	simm.s32 $0x80;
	s9 =	simm.s32 $0x100;
	[tilespmem:s7+$0x5040] =	vst.add.f32.msk $0xffff, v62  }
0x33e: {  	s10 =	sand.u32 $0x3800, s9;
	s9 =	simm.s32 $0x200;
	s11 =	sand.u32 $0x380, s8;
	[tilespmem:s7+$0x5050] =	vst.add.f32.msk $0xffff, v63  }
.LBB2_10:
0x33f: {  	p0 =	sne.s32 s9, $0x3F00;
	[tilespmem:s7+$0x5060] =	vst.add.f32.msk $0xffff, v3;
	s7 =	sor.u32 s11, s10  }
0x340: {  	v3 =	vld [tilespmem:s7+$0xD070]  }
0x341: {  	v4 =	vld [tilespmem:s7+$0xCC00]  }
0x342: {  	v5 =	vld [tilespmem:s7+$0xCC10]  }
0x343: {  	v6 =	vld [tilespmem:s7+$0xCC20]  }
0x344: {  	v7 =	vld [tilespmem:s7+$0xCC30]  }
0x345: {  	[tilespmem:s7+$0x5070] =	vst.add.f32.msk $0xffff, v3  }
0x346: {  	v8 =	vld [tilespmem:s7+$0xCC40]  }
0x347: {  	v9 =	vld [tilespmem:s7+$0xCC50]  }
0x348: {  	v10 =	vld [tilespmem:s7+$0xCC60]  }
0x349: {  	v11 =	vld [tilespmem:s7+$0xCC70]  }
0x34a: {  	v12 =	vld [tilespmem:s7+$0xD000]  }
0x34b: {  	v13 =	vld [tilespmem:s7+$0xD010]  }
0x34c: {  	v14 =	vld [tilespmem:s7+$0xD020]  }
0x34d: {  	v15 =	vld [tilespmem:s7+$0xD030]  }
0x34e: {  	v16 =	vld [tilespmem:s7+$0xD040]  }
0x34f: {  	v17 =	vld [tilespmem:s7+$0xD050]  }
0x350: {  	v3 =	vld [tilespmem:s7+$0xD060]  }
0x351: {  	[tilespmem:s7+$0x4C00] =	vst.add.f32.msk $0xffff, v4  }
0x352: {  	[tilespmem:s7+$0x4C10] =	vst.add.f32.msk $0xffff, v5  }
0x353: {  	[tilespmem:s7+$0x4C20] =	vst.add.f32.msk $0xffff, v6  }
0x354: {  	[tilespmem:s7+$0x4C30] =	vst.add.f32.msk $0xffff, v7  }
0x355: {  	[tilespmem:s7+$0x4C40] =	vst.add.f32.msk $0xffff, v8  }
0x356: {  	[tilespmem:s7+$0x4C50] =	vst.add.f32.msk $0xffff, v9  }
0x357: {  	[tilespmem:s7+$0x4C60] =	vst.add.f32.msk $0xffff, v10  }
0x358: {  	[tilespmem:s7+$0x4C70] =	vst.add.f32.msk $0xffff, v11  }
0x359: {  	[tilespmem:s7+$0x5000] =	vst.add.f32.msk $0xffff, v12  }
.Ltmp4:
0x35a: {  	[tilespmem:s7+$0x5010] =	vst.add.f32.msk $0xffff, v13;
	(pc) =	sbr.rel @p0 .LBB2_10-.Ltmp4, $4  }
0x35b: {  	[tilespmem:s7+$0x5020] =	vst.add.f32.msk $0xffff, v14  }
0x35c: {  	[tilespmem:s7+$0x5030] =	vst.add.f32.msk $0xffff, v15  }
0x35d: {  	s8 =	sadd.s32 $0x80, s8;
	[tilespmem:s7+$0x5040] =	vst.add.f32.msk $0xffff, v16  }
0x35e: {  	s10 =	sand.u32 $0x3800, s9;
	s9 =	sadd.s32 $0x100, s9;
	s11 =	sand.u32 $0x380, s8;
	[tilespmem:s7+$0x5050] =	vst.add.f32.msk $0xffff, v17  }
0x35f: {  	s8 =	sor.u32 s11, s10;
	[tilespmem:s7+$0x5060] =	vst.add.f32.msk $0xffff, v3  }
0x360: {  	v3 =	vld [tilespmem:s8+$0xD070]  }
0x361: {  	v4 =	vld [tilespmem:s8+$0xCC00]  }
0x362: {  	v5 =	vld [tilespmem:s8+$0xCC10]  }
0x363: {  	v6 =	vld [tilespmem:s8+$0xCC20]  }
0x364: {  	v7 =	vld [tilespmem:s8+$0xCC30]  }
0x365: {  	v8 =	vld [tilespmem:s8+$0xCC50]  }
0x366: {  	v9 =	vld [tilespmem:s8+$0xCC60]  }
0x367: {  	v10 =	vld [tilespmem:s8+$0xCC70]  }
0x368: {  	v11 =	vld [tilespmem:s8+$0xD000]  }
0x369: {  	v12 =	vld [tilespmem:s8+$0xD010]  }
0x36a: {  	v13 =	vld [tilespmem:s8+$0xD020]  }
0x36b: {  	v14 =	vld [tilespmem:s8+$0xD030]  }
0x36c: {  	v15 =	vld [tilespmem:s8+$0xD040]  }
0x36d: {  	v16 =	vld [tilespmem:s8+$0xD050]  }
0x36e: {  	v17 =	vld [tilespmem:s8+$0xD060]  }
0x36f: {  	[tilespmem:s8+$0x5070] =	vst.add.f32.msk $0xffff, v3  }
0x370: {  	v3 =	vld [tilespmem:s8+$0xCC40]  }
0x371: {  	[tilespmem:s8+$0x4C00] =	vst.add.f32.msk $0xffff, v4  }
0x372: {  	[tilespmem:s8+$0x4C10] =	vst.add.f32.msk $0xffff, v5  }
0x373: {  	[tilespmem:s8+$0x4C20] =	vst.add.f32.msk $0xffff, v6  }
0x374: {  	[tilespmem:s8+$0x4C30] =	vst.add.f32.msk $0xffff, v7  }
0x375: {  	[tilespmem:s8+$0x4C50] =	vst.add.f32.msk $0xffff, v8  }
0x376: {  	[tilespmem:s8+$0x4C60] =	vst.add.f32.msk $0xffff, v9  }
0x377: {  	[tilespmem:s8+$0x4C70] =	vst.add.f32.msk $0xffff, v10  }
0x378: {  	[tilespmem:s8+$0x5000] =	vst.add.f32.msk $0xffff, v11  }
0x379: {  	[tilespmem:s8+$0x5010] =	vst.add.f32.msk $0xffff, v12  }
0x37a: {  	[tilespmem:s8+$0x5020] =	vst.add.f32.msk $0xffff, v13  }
0x37b: {  	[tilespmem:s8+$0x5030] =	vst.add.f32.msk $0xffff, v14  }
0x37c: {  	[tilespmem:s8+$0x5040] =	vst.add.f32.msk $0xffff, v15  }
0x37d: {  	[tilespmem:s8+$0x5050] =	vst.add.f32.msk $0xffff, v16  }
0x37e: {  	[tilespmem:s8+$0x5060] =	vst.add.f32.msk $0xffff, v17  }
0x37f: {  	s9 =	simm.s32 $0x0;
	s10 =	rddreg [dreg:$0x7];
	[tilespmem:s8+$0x4C40] =	vst.add.f32.msk $0xffff, v3  }
0x380: {  	[hbm4b:s10+s9] =	stream.linear.scatter [tilespmem:s14], [sflag:$0x6], $0x4000, $0x38;
	[tilespmem:$0x10C00] =	vst v63  }
0x381: {  	_ =	swait.ge [sflag:s12], $0x4000  }
0x382: {  	[sflag:s12] =	ssyncset.done $0x0  }
0x383: {  	[sflag:s12] =	ssyncadd.s32 $0xFFFFC000  }
0x384: {  	_ =	swait.ge [sflag:s13], $0x4000  }
0x385: {  	[sflag:s13] =	ssyncset.done $0x0  }
0x386: {  	[sflag:s13] =	ssyncadd.s32 $0xFFFFC000  }
0x387: {  	_ =	swait.ge [sflag:s2], $0x4000  }
0x388: {  	[sflag:s2] =	ssyncset.done $0x0  }
0x389: {  	[sflag:s2] =	ssyncadd.s32 $0xFFFFC000  }
0x38a: {  	v3 =	vld [tilespmem:$0x540];
	_ =	sdelay $0x4  }
0x38b: {  	v4 =	vshll.u32 v3, $0x1  }
0x38c: {  	v3 =	vand.u32 $0x7, v3;
	v4 =	vand.u32 $0xFFFFFFF0, v4  }
0x38d: {  	v3 =	vor.u32 v3, v4  }
0x38e: {  	v4 =	vperm.xlane v3, v0;
	_ =	sdelay $0x1  }
0x38f: {  	v3 =	vperm.xlane v3, v2;
	v4 =	vadd.s32 v1, v4;
	_ =	sdelay $0x1  }
0x390: {  	v3 =	vadd.s32 v1, v3;
	_ =	sdelay $0x2  }
0x391: {  	[tilespmem:s14], [sflag:$0x2] =	stream.indirect_vreg.gather [hbm4b:s3+s9], $0x80, v4, vm0, $0xb8;
	[tilespmem:$0x10C00] =	vst v63  }
0x392: {  	_ = 	snop  }
0x393: {  	[tilespmem:s15], [sflag:$0x2] =	stream.indirect_vreg.gather [hbm4b:s3+s9], $0x80, v3, vm0, $0xb8;
	[tilespmem:$0x10C00] =	vst v63  }
0x394: {  	v3 =	vld [tilespmem:$0x550];
	_ =	sdelay $0x4  }
0x395: {  	v4 =	vshll.u32 v3, $0x1  }
0x396: {  	v3 =	vand.u32 $0x7, v3;
	v4 =	vand.u32 $0xFFFFFFF0, v4  }
0x397: {  	v3 =	vor.u32 v3, v4  }
0x398: {  	v4 =	vperm.xlane v3, v0;
	_ =	sdelay $0x1  }
0x399: {  	v3 =	vperm.xlane v3, v2;
	v4 =	vadd.s32 v1, v4;
	_ =	sdelay $0x1  }
0x39a: {  	v3 =	vadd.s32 v1, v3;
	_ =	sdelay $0x2  }
0x39b: {  	[tilespmem:s16], [sflag:$0x2] =	stream.indirect_vreg.gather [hbm4b:s3+s9], $0x80, v4, vm0, $0xb8;
	[tilespmem:$0x10C00] =	vst v63  }
0x39c: {  	_ = 	snop  }
0x39d: {  	[tilespmem:s17], [sflag:$0x2] =	stream.indirect_vreg.gather [hbm4b:s3+s9], $0x80, v3, vm0, $0xb8;
	[tilespmem:$0x10C00] =	vst v63  }
0x39e: {  	v3 =	vld [tilespmem:$0x560];
	_ =	sdelay $0x4  }
0x39f: {  	v4 =	vshll.u32 v3, $0x1  }
0x3a0: {  	v3 =	vand.u32 $0x7, v3;
	v4 =	vand.u32 $0xFFFFFFF0, v4  }
0x3a1: {  	v3 =	vor.u32 v3, v4  }
0x3a2: {  	v4 =	vperm.xlane v3, v0;
	_ =	sdelay $0x1  }
0x3a3: {  	v3 =	vperm.xlane v3, v2;
	v4 =	vadd.s32 v1, v4;
	_ =	sdelay $0x1  }
0x3a4: {  	v3 =	vadd.s32 v1, v3;
	_ =	sdelay $0x2  }
0x3a5: {  	[tilespmem:s18], [sflag:$0x2] =	stream.indirect_vreg.gather [hbm4b:s3+s9], $0x80, v4, vm0, $0xb8;
	[tilespmem:$0x10C00] =	vst v63  }
0x3a6: {  	_ = 	snop  }
0x3a7: {  	[tilespmem:s19], [sflag:$0x2] =	stream.indirect_vreg.gather [hbm4b:s3+s9], $0x80, v3, vm0, $0xb8;
	[tilespmem:$0x10C00] =	vst v63  }
0x3a8: {  	v3 =	vld [tilespmem:$0x570];
	_ =	sdelay $0x4  }
0x3a9: {  	v4 =	vshll.u32 v3, $0x1  }
0x3aa: {  	v3 =	vand.u32 $0x7, v3;
	v4 =	vand.u32 $0xFFFFFFF0, v4  }
0x3ab: {  	v3 =	vor.u32 v3, v4  }
0x3ac: {  	v4 =	vperm.xlane v3, v0;
	_ =	sdelay $0x1  }
0x3ad: {  	v3 =	vperm.xlane v3, v2;
	v4 =	vadd.s32 v1, v4;
	_ =	sdelay $0x1  }
0x3ae: {  	v3 =	vadd.s32 v1, v3;
	_ =	sdelay $0x2  }
0x3af: {  	[tilespmem:s20], [sflag:$0x2] =	stream.indirect_vreg.gather [hbm4b:s3+s9], $0x80, v4, vm0, $0xb8;
	[tilespmem:$0x10C00] =	vst v63  }
0x3b0: {  	_ = 	snop  }
0x3b1: {  	[tilespmem:s21], [sflag:$0x2] =	stream.indirect_vreg.gather [hbm4b:s3+s9], $0x80, v3, vm0, $0xb8;
	[tilespmem:$0x10C00] =	vst v63  }
0x3b2: {  	v3 =	vld [tilespmem:$0x940];
	_ =	sdelay $0x4  }
0x3b3: {  	v4 =	vshll.u32 v3, $0x1  }
0x3b4: {  	v3 =	vand.u32 $0x7, v3;
	v4 =	vand.u32 $0xFFFFFFF0, v4  }
0x3b5: {  	v3 =	vor.u32 v3, v4  }
0x3b6: {  	v4 =	vperm.xlane v3, v0;
	_ =	sdelay $0x1  }
0x3b7: {  	v3 =	vperm.xlane v3, v2;
	v4 =	vadd.s32 v1, v4;
	_ =	sdelay $0x1  }
0x3b8: {  	v3 =	vadd.s32 v1, v3;
	_ =	sdelay $0x2  }
0x3b9: {  	[tilespmem:s22], [sflag:$0x4] =	stream.indirect_vreg.gather [hbm4b:s4+s9], $0x80, v4, vm0, $0xb8;
	[tilespmem:$0x10C00] =	vst v63  }
0x3ba: {  	_ = 	snop  }
0x3bb: {  	[tilespmem:s5], [sflag:$0x4] =	stream.indirect_vreg.gather [hbm4b:s4+s9], $0x80, v3, vm0, $0xb8;
	[tilespmem:$0x10C00] =	vst v63  }
0x3bc: {  	v3 =	vld [tilespmem:$0x950];
	_ =	sdelay $0x4  }
0x3bd: {  	v4 =	vshll.u32 v3, $0x1  }
0x3be: {  	v3 =	vand.u32 $0x7, v3;
	v4 =	vand.u32 $0xFFFFFFF0, v4  }
0x3bf: {  	v3 =	vor.u32 v3, v4  }
0x3c0: {  	v4 =	vperm.xlane v3, v0;
	_ =	sdelay $0x1  }
0x3c1: {  	v3 =	vperm.xlane v3, v2;
	v4 =	vadd.s32 v1, v4;
	_ =	sdelay $0x1  }
0x3c2: {  	v3 =	vadd.s32 v1, v3;
	_ =	sdelay $0x2  }
0x3c3: {  	[tilespmem:s23], [sflag:$0x4] =	stream.indirect_vreg.gather [hbm4b:s4+s9], $0x80, v4, vm0, $0xb8;
	[tilespmem:$0x10C00] =	vst v63  }
0x3c4: {  	_ = 	snop  }
0x3c5: {  	[tilespmem:s25], [sflag:$0x4] =	stream.indirect_vreg.gather [hbm4b:s4+s9], $0x80, v3, vm0, $0xb8;
	[tilespmem:$0x10C00] =	vst v63  }
0x3c6: {  	v3 =	vld [tilespmem:$0x960];
	_ =	sdelay $0x4  }
0x3c7: {  	v4 =	vshll.u32 v3, $0x1  }
0x3c8: {  	v3 =	vand.u32 $0x7, v3;
	v4 =	vand.u32 $0xFFFFFFF0, v4  }
0x3c9: {  	v3 =	vor.u32 v3, v4  }
0x3ca: {  	v4 =	vperm.xlane v3, v0;
	_ =	sdelay $0x1  }
0x3cb: {  	v3 =	vperm.xlane v3, v2;
	v4 =	vadd.s32 v1, v4;
	_ =	sdelay $0x1  }
0x3cc: {  	v3 =	vadd.s32 v1, v3;
	_ =	sdelay $0x2  }
0x3cd: {  	[tilespmem:s26], [sflag:$0x4] =	stream.indirect_vreg.gather [hbm4b:s4+s9], $0x80, v4, vm0, $0xb8;
	[tilespmem:$0x10C00] =	vst v63  }
0x3ce: {  	_ = 	snop  }
0x3cf: {  	[tilespmem:s28], [sflag:$0x4] =	stream.indirect_vreg.gather [hbm4b:s4+s9], $0x80, v3, vm0, $0xb8;
	[tilespmem:$0x10C00] =	vst v63  }
0x3d0: {  	v3 =	vld [tilespmem:$0x970];
	_ =	sdelay $0x4  }
0x3d1: {  	v4 =	vshll.u32 v3, $0x1  }
0x3d2: {  	v3 =	vand.u32 $0x7, v3;
	v4 =	vand.u32 $0xFFFFFFF0, v4  }
0x3d3: {  	v3 =	vor.u32 v3, v4  }
0x3d4: {  	v4 =	vperm.xlane v3, v0;
	_ =	sdelay $0x1  }
0x3d5: {  	v3 =	vperm.xlane v3, v2;
	v4 =	vadd.s32 v1, v4;
	_ =	sdelay $0x1  }
0x3d6: {  	v3 =	vadd.s32 v1, v3;
	_ =	sdelay $0x1  }
0x3d7: {  	s11 =	sand.u32 $0x3800, s9;
	s7 =	sand.u32 $0x380, s9  }
0x3d8: {  	[tilespmem:s29], [sflag:$0x4] =	stream.indirect_vreg.gather [hbm4b:s4+s9], $0x80, v4, vm0, $0xb8;
	[tilespmem:$0x10C00] =	vst v63  }
0x3d9: {  	s7 =	sor.u32 s7, s11  }
0x3da: {  	[tilespmem:s30], [sflag:$0x4] =	stream.indirect_vreg.gather [hbm4b:s4+s9], $0x80, v3, vm0, $0xb8;
	[tilespmem:$0x10C00] =	vst v63  }
0x3db: {  	v3 =	vld [tilespmem:s7+$0x9070]  }
0x3dc: {  	v4 =	vld [tilespmem:s7+$0x8C00]  }
0x3dd: {  	v5 =	vld [tilespmem:s7+$0x8C10]  }
0x3de: {  	v52 =	vld [tilespmem:s7+$0x8C20]  }
0x3df: {  	v53 =	vld [tilespmem:s7+$0x8C30]  }
0x3e0: {  	v54 =	vld [tilespmem:s7+$0x8C40]  }
0x3e1: {  	v55 =	vld [tilespmem:s7+$0x8C50]  }
0x3e2: {  	v56 =	vld [tilespmem:s7+$0x8C60]  }
0x3e3: {  	v57 =	vld [tilespmem:s7+$0x8C70]  }
0x3e4: {  	v58 =	vld [tilespmem:s7+$0x9000]  }
0x3e5: {  	v59 =	vld [tilespmem:s7+$0x9010]  }
0x3e6: {  	v60 =	vld [tilespmem:s7+$0x9020]  }
0x3e7: {  	v61 =	vld [tilespmem:s7+$0x9030]  }
0x3e8: {  	v62 =	vld [tilespmem:s7+$0x9040]  }
0x3e9: {  	v63 =	vld [tilespmem:s7+$0x9050]  }
0x3ea: {  	[tilespmem:s7+$0x1070] =	vst.add.f32.msk $0xffff, v3  }
0x3eb: {  	v3 =	vld [tilespmem:s7+$0x9060]  }
0x3ec: {  	[tilespmem:s7+$0xC00] =	vst.add.f32.msk $0xffff, v4  }
0x3ed: {  	[tilespmem:s7+$0xC10] =	vst.add.f32.msk $0xffff, v5  }
0x3ee: {  	[tilespmem:s7+$0xC20] =	vst.add.f32.msk $0xffff, v52  }
0x3ef: {  	[tilespmem:s7+$0xC30] =	vst.add.f32.msk $0xffff, v53  }
0x3f0: {  	[tilespmem:s7+$0xC40] =	vst.add.f32.msk $0xffff, v54  }
0x3f1: {  	[tilespmem:s7+$0xC50] =	vst.add.f32.msk $0xffff, v55  }
0x3f2: {  	[tilespmem:s7+$0xC60] =	vst.add.f32.msk $0xffff, v56  }
0x3f3: {  	[tilespmem:s7+$0xC70] =	vst.add.f32.msk $0xffff, v57  }
0x3f4: {  	[tilespmem:s7+$0x1000] =	vst.add.f32.msk $0xffff, v58  }
0x3f5: {  	[tilespmem:s7+$0x1010] =	vst.add.f32.msk $0xffff, v59  }
0x3f6: {  	[tilespmem:s7+$0x1020] =	vst.add.f32.msk $0xffff, v60  }
0x3f7: {  	[tilespmem:s7+$0x1030] =	vst.add.f32.msk $0xffff, v61  }
0x3f8: {  	s8 =	simm.s32 $0x80;
	s9 =	simm.s32 $0x100;
	[tilespmem:s7+$0x1040] =	vst.add.f32.msk $0xffff, v62  }
0x3f9: {  	s11 =	sand.u32 $0x380, s8;
	s10 =	sand.u32 $0x3800, s9;
	s9 =	simm.s32 $0x200;
	[tilespmem:s7+$0x1050] =	vst.add.f32.msk $0xffff, v63  }
.LBB2_12:
0x3fa: {  	p0 =	sne.s32 s9, $0x3F00;
	[tilespmem:s7+$0x1060] =	vst.add.f32.msk $0xffff, v3;
	s7 =	sor.u32 s11, s10  }
0x3fb: {  	v3 =	vld [tilespmem:s7+$0x9070]  }
0x3fc: {  	v4 =	vld [tilespmem:s7+$0x8C00]  }
0x3fd: {  	v5 =	vld [tilespmem:s7+$0x8C10]  }
0x3fe: {  	v6 =	vld [tilespmem:s7+$0x8C20]  }
0x3ff: {  	v7 =	vld [tilespmem:s7+$0x8C30]  }
0x400: {  	[tilespmem:s7+$0x1070] =	vst.add.f32.msk $0xffff, v3  }
0x401: {  	v8 =	vld [tilespmem:s7+$0x8C40]  }
0x402: {  	v9 =	vld [tilespmem:s7+$0x8C50]  }
0x403: {  	v10 =	vld [tilespmem:s7+$0x8C60]  }
0x404: {  	v11 =	vld [tilespmem:s7+$0x8C70]  }
0x405: {  	v12 =	vld [tilespmem:s7+$0x9000]  }
0x406: {  	v13 =	vld [tilespmem:s7+$0x9010]  }
0x407: {  	v14 =	vld [tilespmem:s7+$0x9020]  }
0x408: {  	v15 =	vld [tilespmem:s7+$0x9030]  }
0x409: {  	v16 =	vld [tilespmem:s7+$0x9040]  }
0x40a: {  	v17 =	vld [tilespmem:s7+$0x9050]  }
0x40b: {  	v3 =	vld [tilespmem:s7+$0x9060]  }
0x40c: {  	[tilespmem:s7+$0xC00] =	vst.add.f32.msk $0xffff, v4  }
0x40d: {  	[tilespmem:s7+$0xC10] =	vst.add.f32.msk $0xffff, v5  }
0x40e: {  	[tilespmem:s7+$0xC20] =	vst.add.f32.msk $0xffff, v6  }
0x40f: {  	[tilespmem:s7+$0xC30] =	vst.add.f32.msk $0xffff, v7  }
0x410: {  	[tilespmem:s7+$0xC40] =	vst.add.f32.msk $0xffff, v8  }
0x411: {  	[tilespmem:s7+$0xC50] =	vst.add.f32.msk $0xffff, v9  }
0x412: {  	[tilespmem:s7+$0xC60] =	vst.add.f32.msk $0xffff, v10  }
0x413: {  	[tilespmem:s7+$0xC70] =	vst.add.f32.msk $0xffff, v11  }
0x414: {  	[tilespmem:s7+$0x1000] =	vst.add.f32.msk $0xffff, v12  }
.Ltmp5:
0x415: {  	[tilespmem:s7+$0x1010] =	vst.add.f32.msk $0xffff, v13;
	(pc) =	sbr.rel @p0 .LBB2_12-.Ltmp5, $4  }
0x416: {  	[tilespmem:s7+$0x1020] =	vst.add.f32.msk $0xffff, v14  }
0x417: {  	[tilespmem:s7+$0x1030] =	vst.add.f32.msk $0xffff, v15  }
0x418: {  	s8 =	sadd.s32 $0x80, s8;
	[tilespmem:s7+$0x1040] =	vst.add.f32.msk $0xffff, v16  }
0x419: {  	s10 =	sand.u32 $0x3800, s9;
	s9 =	sadd.s32 $0x100, s9;
	s11 =	sand.u32 $0x380, s8;
	[tilespmem:s7+$0x1050] =	vst.add.f32.msk $0xffff, v17  }
0x41a: {  	s8 =	sor.u32 s11, s10;
	[tilespmem:s7+$0x1060] =	vst.add.f32.msk $0xffff, v3  }
0x41b: {  	v3 =	vld [tilespmem:s8+$0x9070]  }
0x41c: {  	v4 =	vld [tilespmem:s8+$0x8C00]  }
0x41d: {  	v5 =	vld [tilespmem:s8+$0x8C10]  }
0x41e: {  	v6 =	vld [tilespmem:s8+$0x8C20]  }
0x41f: {  	v7 =	vld [tilespmem:s8+$0x8C30]  }
0x420: {  	v8 =	vld [tilespmem:s8+$0x8C50]  }
0x421: {  	v9 =	vld [tilespmem:s8+$0x8C60]  }
0x422: {  	v10 =	vld [tilespmem:s8+$0x8C70]  }
0x423: {  	v11 =	vld [tilespmem:s8+$0x9000]  }
0x424: {  	v12 =	vld [tilespmem:s8+$0x9010]  }
0x425: {  	v13 =	vld [tilespmem:s8+$0x9020]  }
0x426: {  	v14 =	vld [tilespmem:s8+$0x9030]  }
0x427: {  	v15 =	vld [tilespmem:s8+$0x9040]  }
0x428: {  	v16 =	vld [tilespmem:s8+$0x9050]  }
0x429: {  	v17 =	vld [tilespmem:s8+$0x9060]  }
0x42a: {  	[tilespmem:s8+$0x1070] =	vst.add.f32.msk $0xffff, v3  }
0x42b: {  	v3 =	vld [tilespmem:s8+$0x8C40]  }
0x42c: {  	[tilespmem:s8+$0xC00] =	vst.add.f32.msk $0xffff, v4  }
0x42d: {  	[tilespmem:s8+$0xC10] =	vst.add.f32.msk $0xffff, v5  }
0x42e: {  	[tilespmem:s8+$0xC20] =	vst.add.f32.msk $0xffff, v6  }
0x42f: {  	[tilespmem:s8+$0xC30] =	vst.add.f32.msk $0xffff, v7  }
0x430: {  	[tilespmem:s8+$0xC50] =	vst.add.f32.msk $0xffff, v8  }
0x431: {  	[tilespmem:s8+$0xC60] =	vst.add.f32.msk $0xffff, v9  }
0x432: {  	[tilespmem:s8+$0xC70] =	vst.add.f32.msk $0xffff, v10  }
0x433: {  	[tilespmem:s8+$0x1000] =	vst.add.f32.msk $0xffff, v11  }
0x434: {  	[tilespmem:s8+$0x1010] =	vst.add.f32.msk $0xffff, v12  }
0x435: {  	[tilespmem:s8+$0x1020] =	vst.add.f32.msk $0xffff, v13  }
0x436: {  	[tilespmem:s8+$0x1030] =	vst.add.f32.msk $0xffff, v14  }
0x437: {  	[tilespmem:s8+$0x1040] =	vst.add.f32.msk $0xffff, v15  }
0x438: {  	[tilespmem:s8+$0x1050] =	vst.add.f32.msk $0xffff, v16  }
0x439: {  	[tilespmem:s8+$0x1060] =	vst.add.f32.msk $0xffff, v17  }
0x43a: {  	s7 =	simm.s32 $0x0;
	s10 =	rddreg [dreg:$0x8];
	[tilespmem:s8+$0xC40] =	vst.add.f32.msk $0xffff, v3  }
0x43b: {  	[hbm4b:s10+s7] =	stream.linear.scatter [tilespmem:s24], [sflag:$0x5], $0x4000, $0x38;
	[tilespmem:$0x10C00] =	vst v63  }
0x43c: {  	_ =	swait.ge [sflag:s31], $0x4000  }
0x43d: {  	[sflag:s31] =	ssyncset.done $0x0  }
0x43e: {  	[sflag:s31] =	ssyncadd.s32 $0xFFFFC000  }
0x43f: {  	_ =	swait.ge [sflag:s1], $0x4000  }
0x440: {  	[sflag:s1] =	ssyncset.done $0x0  }
0x441: {  	[sflag:s1] =	ssyncadd.s32 $0xFFFFC000  }
0x442: {  	_ =	swait.ge [sflag:s0], $0x4000  }
0x443: {  	[sflag:s0] =	ssyncset.done $0x0  }
0x444: {  	[sflag:s0] =	ssyncadd.s32 $0xFFFFC000  }
0x445: {  	v3 =	vld [tilespmem:$0x580];
	_ =	sdelay $0x4  }
0x446: {  	v4 =	vshll.u32 v3, $0x1  }
0x447: {  	v3 =	vand.u32 $0x7, v3;
	v4 =	vand.u32 $0xFFFFFFF0, v4  }
0x448: {  	v3 =	vor.u32 v3, v4  }
0x449: {  	v4 =	vperm.xlane v3, v0;
	_ =	sdelay $0x1  }
0x44a: {  	v3 =	vperm.xlane v3, v2;
	v4 =	vadd.s32 v1, v4;
	_ =	sdelay $0x1  }
0x44b: {  	v3 =	vadd.s32 v1, v3;
	_ =	sdelay $0x2  }
0x44c: {  	[tilespmem:s24], [sflag:$0x1] =	stream.indirect_vreg.gather [hbm4b:s3+s7], $0x80, v4, vm0, $0xb8;
	[tilespmem:$0x10C00] =	vst v63  }
0x44d: {  	s11 =	simm.s32 $0x1400  }
0x44e: {  	[tilespmem:s11], [sflag:$0x1] =	stream.indirect_vreg.gather [hbm4b:s3+s7], $0x80, v3, vm0, $0xb8;
	[tilespmem:$0x10C00] =	vst v63  }
0x44f: {  	v3 =	vld [tilespmem:$0x590];
	_ =	sdelay $0x4  }
0x450: {  	v4 =	vshll.u32 v3, $0x1  }
0x451: {  	v3 =	vand.u32 $0x7, v3;
	v4 =	vand.u32 $0xFFFFFFF0, v4  }
0x452: {  	v3 =	vor.u32 v3, v4  }
0x453: {  	v4 =	vperm.xlane v3, v0;
	_ =	sdelay $0x1  }
0x454: {  	v3 =	vperm.xlane v3, v2;
	v4 =	vadd.s32 v1, v4;
	_ =	sdelay $0x1  }
0x455: {  	v3 =	vadd.s32 v1, v3;
	_ =	sdelay $0x1  }
0x456: {  	s9 =	simm.s32 $0x1C00  }
0x457: {  	[tilespmem:s9], [sflag:$0x1] =	stream.indirect_vreg.gather [hbm4b:s3+s7], $0x80, v4, vm0, $0xb8;
	[tilespmem:$0x10C00] =	vst v63  }
0x458: {  	s10 =	simm.s32 $0x2400  }
0x459: {  	[tilespmem:s10], [sflag:$0x1] =	stream.indirect_vreg.gather [hbm4b:s3+s7], $0x80, v3, vm0, $0xb8;
	[tilespmem:$0x10C00] =	vst v63  }
0x45a: {  	v3 =	vld [tilespmem:$0x5A0];
	_ =	sdelay $0x4  }
0x45b: {  	v4 =	vshll.u32 v3, $0x1  }
0x45c: {  	v3 =	vand.u32 $0x7, v3;
	v4 =	vand.u32 $0xFFFFFFF0, v4  }
0x45d: {  	v3 =	vor.u32 v3, v4  }
0x45e: {  	v4 =	vperm.xlane v3, v0;
	_ =	sdelay $0x1  }
0x45f: {  	v3 =	vperm.xlane v3, v2;
	v4 =	vadd.s32 v1, v4;
	_ =	sdelay $0x1  }
0x460: {  	v3 =	vadd.s32 v1, v3;
	_ =	sdelay $0x1  }
0x461: {  	s11 =	simm.s32 $0x2C00  }
0x462: {  	[tilespmem:s11], [sflag:$0x1] =	stream.indirect_vreg.gather [hbm4b:s3+s7], $0x80, v4, vm0, $0xb8;
	[tilespmem:$0x10C00] =	vst v63  }
0x463: {  	s9 =	simm.s32 $0x3400  }
0x464: {  	[tilespmem:s9], [sflag:$0x1] =	stream.indirect_vreg.gather [hbm4b:s3+s7], $0x80, v3, vm0, $0xb8;
	[tilespmem:$0x10C00] =	vst v63  }
0x465: {  	v3 =	vld [tilespmem:$0x5B0];
	_ =	sdelay $0x4  }
0x466: {  	v4 =	vshll.u32 v3, $0x1  }
0x467: {  	v3 =	vand.u32 $0x7, v3;
	v4 =	vand.u32 $0xFFFFFFF0, v4  }
0x468: {  	v3 =	vor.u32 v3, v4  }
0x469: {  	v4 =	vperm.xlane v3, v0;
	_ =	sdelay $0x1  }
0x46a: {  	v3 =	vperm.xlane v3, v2;
	v4 =	vadd.s32 v1, v4;
	_ =	sdelay $0x1  }
0x46b: {  	v3 =	vadd.s32 v1, v3;
	_ =	sdelay $0x1  }
0x46c: {  	s10 =	simm.s32 $0x3C00  }
0x46d: {  	[tilespmem:s10], [sflag:$0x1] =	stream.indirect_vreg.gather [hbm4b:s3+s7], $0x80, v4, vm0, $0xb8;
	[tilespmem:$0x10C00] =	vst v63  }
0x46e: {  	s11 =	simm.s32 $0x4400  }
0x46f: {  	[tilespmem:s11], [sflag:$0x1] =	stream.indirect_vreg.gather [hbm4b:s3+s7], $0x80, v3, vm0, $0xb8;
	[tilespmem:$0x10C00] =	vst v63  }
0x470: {  	v3 =	vld [tilespmem:$0x980];
	_ =	sdelay $0x4  }
0x471: {  	v4 =	vshll.u32 v3, $0x1  }
0x472: {  	v3 =	vand.u32 $0x7, v3;
	v4 =	vand.u32 $0xFFFFFFF0, v4  }
0x473: {  	v3 =	vor.u32 v3, v4  }
0x474: {  	v4 =	vperm.xlane v3, v0;
	_ =	sdelay $0x1  }
0x475: {  	v3 =	vperm.xlane v3, v2;
	v4 =	vadd.s32 v1, v4;
	_ =	sdelay $0x1  }
0x476: {  	v3 =	vadd.s32 v1, v3;
	_ =	sdelay $0x1  }
0x477: {  	s9 =	simm.s32 $0x8C00  }
0x478: {  	[tilespmem:s9], [sflag:$0x3] =	stream.indirect_vreg.gather [hbm4b:s4+s7], $0x80, v4, vm0, $0xb8;
	[tilespmem:$0x10C00] =	vst v63  }
0x479: {  	s10 =	simm.s32 $0x9400  }
0x47a: {  	[tilespmem:s10], [sflag:$0x3] =	stream.indirect_vreg.gather [hbm4b:s4+s7], $0x80, v3, vm0, $0xb8;
	[tilespmem:$0x10C00] =	vst v63  }
0x47b: {  	v3 =	vld [tilespmem:$0x990];
	_ =	sdelay $0x4  }
0x47c: {  	v4 =	vshll.u32 v3, $0x1  }
0x47d: {  	v3 =	vand.u32 $0x7, v3;
	v4 =	vand.u32 $0xFFFFFFF0, v4  }
0x47e: {  	v3 =	vor.u32 v3, v4  }
0x47f: {  	v4 =	vperm.xlane v3, v0;
	_ =	sdelay $0x1  }
0x480: {  	v3 =	vperm.xlane v3, v2;
	v4 =	vadd.s32 v1, v4;
	_ =	sdelay $0x1  }
0x481: {  	v3 =	vadd.s32 v1, v3;
	_ =	sdelay $0x1  }
0x482: {  	s11 =	simm.s32 $0x9C00  }
0x483: {  	[tilespmem:s11], [sflag:$0x3] =	stream.indirect_vreg.gather [hbm4b:s4+s7], $0x80, v4, vm0, $0xb8;
	[tilespmem:$0x10C00] =	vst v63  }
0x484: {  	s9 =	simm.s32 $0xA400  }
0x485: {  	[tilespmem:s9], [sflag:$0x3] =	stream.indirect_vreg.gather [hbm4b:s4+s7], $0x80, v3, vm0, $0xb8;
	[tilespmem:$0x10C00] =	vst v63  }
0x486: {  	v3 =	vld [tilespmem:$0x9A0];
	_ =	sdelay $0x4  }
0x487: {  	v4 =	vshll.u32 v3, $0x1  }
0x488: {  	v3 =	vand.u32 $0x7, v3;
	v4 =	vand.u32 $0xFFFFFFF0, v4  }
0x489: {  	v3 =	vor.u32 v3, v4  }
0x48a: {  	v4 =	vperm.xlane v3, v0;
	_ =	sdelay $0x1  }
0x48b: {  	v3 =	vperm.xlane v3, v2;
	v4 =	vadd.s32 v1, v4;
	_ =	sdelay $0x1  }
0x48c: {  	v3 =	vadd.s32 v1, v3;
	_ =	sdelay $0x1  }
0x48d: {  	s10 =	simm.s32 $0xAC00  }
0x48e: {  	[tilespmem:s10], [sflag:$0x3] =	stream.indirect_vreg.gather [hbm4b:s4+s7], $0x80, v4, vm0, $0xb8;
	[tilespmem:$0x10C00] =	vst v63  }
0x48f: {  	s11 =	simm.s32 $0xB400  }
0x490: {  	[tilespmem:s11], [sflag:$0x3] =	stream.indirect_vreg.gather [hbm4b:s4+s7], $0x80, v3, vm0, $0xb8;
	[tilespmem:$0x10C00] =	vst v63  }
0x491: {  	v3 =	vld [tilespmem:$0x9B0];
	_ =	sdelay $0x4  }
0x492: {  	v4 =	vshll.u32 v3, $0x1  }
0x493: {  	v3 =	vand.u32 $0x7, v3;
	v4 =	vand.u32 $0xFFFFFFF0, v4  }
0x494: {  	v3 =	vor.u32 v3, v4  }
0x495: {  	v4 =	vperm.xlane v3, v0;
	_ =	sdelay $0x1  }
0x496: {  	v3 =	vperm.xlane v3, v2;
	v4 =	vadd.s32 v1, v4;
	_ =	sdelay $0x1  }
0x497: {  	v3 =	vadd.s32 v1, v3;
	_ =	sdelay $0x1  }
0x498: {  	s9 =	simm.s32 $0xBC00  }
0x499: {  	[tilespmem:s9], [sflag:$0x3] =	stream.indirect_vreg.gather [hbm4b:s4+s7], $0x80, v4, vm0, $0xb8;
	[tilespmem:$0x10C00] =	vst v63  }
0x49a: {  	s10 =	simm.s32 $0xC400  }
0x49b: {  	[tilespmem:s10], [sflag:$0x3] =	stream.indirect_vreg.gather [hbm4b:s4+s7], $0x80, v3, vm0, $0xb8;
	[tilespmem:$0x10C00] =	vst v63  }
0x49c: {  	s11 =	sand.u32 $0x3800, s7;
	s7 =	sand.u32 $0x380, s7  }
0x49d: {  	s7 =	sor.u32 s7, s11  }
0x49e: {  	v3 =	vld [tilespmem:s7+$0xD070]  }
0x49f: {  	v4 =	vld [tilespmem:s7+$0xCC00]  }
0x4a0: {  	v5 =	vld [tilespmem:s7+$0xCC10]  }
0x4a1: {  	v52 =	vld [tilespmem:s7+$0xCC20]  }
0x4a2: {  	v53 =	vld [tilespmem:s7+$0xCC30]  }
0x4a3: {  	v54 =	vld [tilespmem:s7+$0xCC40]  }
0x4a4: {  	v55 =	vld [tilespmem:s7+$0xCC50]  }
0x4a5: {  	v56 =	vld [tilespmem:s7+$0xCC60]  }
0x4a6: {  	v57 =	vld [tilespmem:s7+$0xCC70]  }
0x4a7: {  	v58 =	vld [tilespmem:s7+$0xD000]  }
0x4a8: {  	v59 =	vld [tilespmem:s7+$0xD010]  }
0x4a9: {  	v60 =	vld [tilespmem:s7+$0xD020]  }
0x4aa: {  	v61 =	vld [tilespmem:s7+$0xD030]  }
0x4ab: {  	v62 =	vld [tilespmem:s7+$0xD040]  }
0x4ac: {  	v63 =	vld [tilespmem:s7+$0xD050]  }
0x4ad: {  	[tilespmem:s7+$0x5070] =	vst.add.f32.msk $0xffff, v3  }
0x4ae: {  	v3 =	vld [tilespmem:s7+$0xD060]  }
0x4af: {  	[tilespmem:s7+$0x4C00] =	vst.add.f32.msk $0xffff, v4  }
0x4b0: {  	[tilespmem:s7+$0x4C10] =	vst.add.f32.msk $0xffff, v5  }
0x4b1: {  	[tilespmem:s7+$0x4C20] =	vst.add.f32.msk $0xffff, v52  }
0x4b2: {  	[tilespmem:s7+$0x4C30] =	vst.add.f32.msk $0xffff, v53  }
0x4b3: {  	[tilespmem:s7+$0x4C40] =	vst.add.f32.msk $0xffff, v54  }
0x4b4: {  	[tilespmem:s7+$0x4C50] =	vst.add.f32.msk $0xffff, v55  }
0x4b5: {  	[tilespmem:s7+$0x4C60] =	vst.add.f32.msk $0xffff, v56  }
0x4b6: {  	[tilespmem:s7+$0x4C70] =	vst.add.f32.msk $0xffff, v57  }
0x4b7: {  	[tilespmem:s7+$0x5000] =	vst.add.f32.msk $0xffff, v58  }
0x4b8: {  	[tilespmem:s7+$0x5010] =	vst.add.f32.msk $0xffff, v59  }
0x4b9: {  	[tilespmem:s7+$0x5020] =	vst.add.f32.msk $0xffff, v60  }
0x4ba: {  	[tilespmem:s7+$0x5030] =	vst.add.f32.msk $0xffff, v61  }
0x4bb: {  	s8 =	simm.s32 $0x80;
	s9 =	simm.s32 $0x100;
	[tilespmem:s7+$0x5040] =	vst.add.f32.msk $0xffff, v62  }
0x4bc: {  	s10 =	sand.u32 $0x3800, s9;
	s9 =	simm.s32 $0x200;
	s11 =	sand.u32 $0x380, s8;
	[tilespmem:s7+$0x5050] =	vst.add.f32.msk $0xffff, v63  }
.LBB2_14:
0x4bd: {  	p0 =	sne.s32 s9, $0x3F00;
	[tilespmem:s7+$0x5060] =	vst.add.f32.msk $0xffff, v3;
	s7 =	sor.u32 s11, s10  }
0x4be: {  	v3 =	vld [tilespmem:s7+$0xD070]  }
0x4bf: {  	v4 =	vld [tilespmem:s7+$0xCC00]  }
0x4c0: {  	v5 =	vld [tilespmem:s7+$0xCC10]  }
0x4c1: {  	v6 =	vld [tilespmem:s7+$0xCC20]  }
0x4c2: {  	v7 =	vld [tilespmem:s7+$0xCC30]  }
0x4c3: {  	[tilespmem:s7+$0x5070] =	vst.add.f32.msk $0xffff, v3  }
0x4c4: {  	v8 =	vld [tilespmem:s7+$0xCC40]  }
0x4c5: {  	v9 =	vld [tilespmem:s7+$0xCC50]  }
0x4c6: {  	v10 =	vld [tilespmem:s7+$0xCC60]  }
0x4c7: {  	v11 =	vld [tilespmem:s7+$0xCC70]  }
0x4c8: {  	v12 =	vld [tilespmem:s7+$0xD000]  }
0x4c9: {  	v13 =	vld [tilespmem:s7+$0xD010]  }
0x4ca: {  	v14 =	vld [tilespmem:s7+$0xD020]  }
0x4cb: {  	v15 =	vld [tilespmem:s7+$0xD030]  }
0x4cc: {  	v16 =	vld [tilespmem:s7+$0xD040]  }
0x4cd: {  	v17 =	vld [tilespmem:s7+$0xD050]  }
0x4ce: {  	v3 =	vld [tilespmem:s7+$0xD060]  }
0x4cf: {  	[tilespmem:s7+$0x4C00] =	vst.add.f32.msk $0xffff, v4  }
0x4d0: {  	[tilespmem:s7+$0x4C10] =	vst.add.f32.msk $0xffff, v5  }
0x4d1: {  	[tilespmem:s7+$0x4C20] =	vst.add.f32.msk $0xffff, v6  }
0x4d2: {  	[tilespmem:s7+$0x4C30] =	vst.add.f32.msk $0xffff, v7  }
0x4d3: {  	[tilespmem:s7+$0x4C40] =	vst.add.f32.msk $0xffff, v8  }
0x4d4: {  	[tilespmem:s7+$0x4C50] =	vst.add.f32.msk $0xffff, v9  }
0x4d5: {  	[tilespmem:s7+$0x4C60] =	vst.add.f32.msk $0xffff, v10  }
0x4d6: {  	[tilespmem:s7+$0x4C70] =	vst.add.f32.msk $0xffff, v11  }
0x4d7: {  	[tilespmem:s7+$0x5000] =	vst.add.f32.msk $0xffff, v12  }
.Ltmp6:
0x4d8: {  	[tilespmem:s7+$0x5010] =	vst.add.f32.msk $0xffff, v13;
	(pc) =	sbr.rel @p0 .LBB2_14-.Ltmp6, $4  }
0x4d9: {  	[tilespmem:s7+$0x5020] =	vst.add.f32.msk $0xffff, v14  }
0x4da: {  	[tilespmem:s7+$0x5030] =	vst.add.f32.msk $0xffff, v15  }
0x4db: {  	s8 =	sadd.s32 $0x80, s8;
	[tilespmem:s7+$0x5040] =	vst.add.f32.msk $0xffff, v16  }
0x4dc: {  	s10 =	sand.u32 $0x3800, s9;
	s9 =	sadd.s32 $0x100, s9;
	s11 =	sand.u32 $0x380, s8;
	[tilespmem:s7+$0x5050] =	vst.add.f32.msk $0xffff, v17  }
0x4dd: {  	s8 =	sor.u32 s11, s10;
	[tilespmem:s7+$0x5060] =	vst.add.f32.msk $0xffff, v3  }
0x4de: {  	v3 =	vld [tilespmem:s8+$0xD070]  }
0x4df: {  	v4 =	vld [tilespmem:s8+$0xCC00]  }
0x4e0: {  	v5 =	vld [tilespmem:s8+$0xCC10]  }
0x4e1: {  	v6 =	vld [tilespmem:s8+$0xCC20]  }
0x4e2: {  	v7 =	vld [tilespmem:s8+$0xCC30]  }
0x4e3: {  	v8 =	vld [tilespmem:s8+$0xCC50]  }
0x4e4: {  	v9 =	vld [tilespmem:s8+$0xCC60]  }
0x4e5: {  	v10 =	vld [tilespmem:s8+$0xCC70]  }
0x4e6: {  	v11 =	vld [tilespmem:s8+$0xD000]  }
0x4e7: {  	v12 =	vld [tilespmem:s8+$0xD010]  }
0x4e8: {  	v13 =	vld [tilespmem:s8+$0xD020]  }
0x4e9: {  	v14 =	vld [tilespmem:s8+$0xD030]  }
0x4ea: {  	v15 =	vld [tilespmem:s8+$0xD040]  }
0x4eb: {  	v16 =	vld [tilespmem:s8+$0xD050]  }
0x4ec: {  	v17 =	vld [tilespmem:s8+$0xD060]  }
0x4ed: {  	[tilespmem:s8+$0x5070] =	vst.add.f32.msk $0xffff, v3  }
0x4ee: {  	v3 =	vld [tilespmem:s8+$0xCC40]  }
0x4ef: {  	[tilespmem:s8+$0x4C00] =	vst.add.f32.msk $0xffff, v4  }
0x4f0: {  	[tilespmem:s8+$0x4C10] =	vst.add.f32.msk $0xffff, v5  }
0x4f1: {  	[tilespmem:s8+$0x4C20] =	vst.add.f32.msk $0xffff, v6  }
0x4f2: {  	[tilespmem:s8+$0x4C30] =	vst.add.f32.msk $0xffff, v7  }
0x4f3: {  	[tilespmem:s8+$0x4C50] =	vst.add.f32.msk $0xffff, v8  }
0x4f4: {  	[tilespmem:s8+$0x4C60] =	vst.add.f32.msk $0xffff, v9  }
0x4f5: {  	[tilespmem:s8+$0x4C70] =	vst.add.f32.msk $0xffff, v10  }
0x4f6: {  	[tilespmem:s8+$0x5000] =	vst.add.f32.msk $0xffff, v11  }
0x4f7: {  	[tilespmem:s8+$0x5010] =	vst.add.f32.msk $0xffff, v12  }
0x4f8: {  	[tilespmem:s8+$0x5020] =	vst.add.f32.msk $0xffff, v13  }
0x4f9: {  	[tilespmem:s8+$0x5030] =	vst.add.f32.msk $0xffff, v14  }
0x4fa: {  	[tilespmem:s8+$0x5040] =	vst.add.f32.msk $0xffff, v15  }
0x4fb: {  	[tilespmem:s8+$0x5050] =	vst.add.f32.msk $0xffff, v16  }
0x4fc: {  	[tilespmem:s8+$0x5060] =	vst.add.f32.msk $0xffff, v17  }
0x4fd: {  	s9 =	simm.s32 $0x0;
	s10 =	rddreg [dreg:$0x9];
	[tilespmem:s8+$0x4C40] =	vst.add.f32.msk $0xffff, v3  }
0x4fe: {  	[hbm4b:s10+s9] =	stream.linear.scatter [tilespmem:s14], [sflag:$0x6], $0x4000, $0x38;
	[tilespmem:$0x10C00] =	vst v63  }
0x4ff: {  	_ =	swait.ge [sflag:s12], $0x4000  }
0x500: {  	[sflag:s12] =	ssyncset.done $0x0  }
0x501: {  	[sflag:s12] =	ssyncadd.s32 $0xFFFFC000  }
0x502: {  	_ =	swait.ge [sflag:s13], $0x4000  }
0x503: {  	[sflag:s13] =	ssyncset.done $0x0  }
0x504: {  	[sflag:s13] =	ssyncadd.s32 $0xFFFFC000  }
0x505: {  	_ =	swait.ge [sflag:s2], $0x4000  }
0x506: {  	[sflag:s2] =	ssyncset.done $0x0  }
0x507: {  	[sflag:s2] =	ssyncadd.s32 $0xFFFFC000  }
0x508: {  	v3 =	vld [tilespmem:$0x5C0];
	_ =	sdelay $0x4  }
0x509: {  	v4 =	vshll.u32 v3, $0x1  }
0x50a: {  	v3 =	vand.u32 $0x7, v3;
	v4 =	vand.u32 $0xFFFFFFF0, v4  }
0x50b: {  	v3 =	vor.u32 v3, v4  }
0x50c: {  	v4 =	vperm.xlane v3, v0;
	_ =	sdelay $0x1  }
0x50d: {  	v3 =	vperm.xlane v3, v2;
	v4 =	vadd.s32 v1, v4;
	_ =	sdelay $0x1  }
0x50e: {  	v3 =	vadd.s32 v1, v3;
	_ =	sdelay $0x2  }
0x50f: {  	[tilespmem:s14], [sflag:$0x2] =	stream.indirect_vreg.gather [hbm4b:s3+s9], $0x80, v4, vm0, $0xb8;
	[tilespmem:$0x10C00] =	vst v63  }
0x510: {  	_ = 	snop  }
0x511: {  	[tilespmem:s15], [sflag:$0x2] =	stream.indirect_vreg.gather [hbm4b:s3+s9], $0x80, v3, vm0, $0xb8;
	[tilespmem:$0x10C00] =	vst v63  }
0x512: {  	v3 =	vld [tilespmem:$0x5D0];
	_ =	sdelay $0x4  }
0x513: {  	v4 =	vshll.u32 v3, $0x1  }
0x514: {  	v3 =	vand.u32 $0x7, v3;
	v4 =	vand.u32 $0xFFFFFFF0, v4  }
0x515: {  	v3 =	vor.u32 v3, v4  }
0x516: {  	v4 =	vperm.xlane v3, v0;
	_ =	sdelay $0x1  }
0x517: {  	v3 =	vperm.xlane v3, v2;
	v4 =	vadd.s32 v1, v4;
	_ =	sdelay $0x1  }
0x518: {  	v3 =	vadd.s32 v1, v3;
	_ =	sdelay $0x2  }
0x519: {  	[tilespmem:s16], [sflag:$0x2] =	stream.indirect_vreg.gather [hbm4b:s3+s9], $0x80, v4, vm0, $0xb8;
	[tilespmem:$0x10C00] =	vst v63  }
0x51a: {  	_ = 	snop  }
0x51b: {  	[tilespmem:s17], [sflag:$0x2] =	stream.indirect_vreg.gather [hbm4b:s3+s9], $0x80, v3, vm0, $0xb8;
	[tilespmem:$0x10C00] =	vst v63  }
0x51c: {  	v3 =	vld [tilespmem:$0x5E0];
	_ =	sdelay $0x4  }
0x51d: {  	v4 =	vshll.u32 v3, $0x1  }
0x51e: {  	v3 =	vand.u32 $0x7, v3;
	v4 =	vand.u32 $0xFFFFFFF0, v4  }
0x51f: {  	v3 =	vor.u32 v3, v4  }
0x520: {  	v4 =	vperm.xlane v3, v0;
	_ =	sdelay $0x1  }
0x521: {  	v3 =	vperm.xlane v3, v2;
	v4 =	vadd.s32 v1, v4;
	_ =	sdelay $0x1  }
0x522: {  	v3 =	vadd.s32 v1, v3;
	_ =	sdelay $0x2  }
0x523: {  	[tilespmem:s18], [sflag:$0x2] =	stream.indirect_vreg.gather [hbm4b:s3+s9], $0x80, v4, vm0, $0xb8;
	[tilespmem:$0x10C00] =	vst v63  }
0x524: {  	_ = 	snop  }
0x525: {  	[tilespmem:s19], [sflag:$0x2] =	stream.indirect_vreg.gather [hbm4b:s3+s9], $0x80, v3, vm0, $0xb8;
	[tilespmem:$0x10C00] =	vst v63  }
0x526: {  	v3 =	vld [tilespmem:$0x5F0];
	_ =	sdelay $0x4  }
0x527: {  	v4 =	vshll.u32 v3, $0x1  }
0x528: {  	v3 =	vand.u32 $0x7, v3;
	v4 =	vand.u32 $0xFFFFFFF0, v4  }
0x529: {  	v3 =	vor.u32 v3, v4  }
0x52a: {  	v4 =	vperm.xlane v3, v0;
	_ =	sdelay $0x1  }
0x52b: {  	v3 =	vperm.xlane v3, v2;
	v4 =	vadd.s32 v1, v4;
	_ =	sdelay $0x1  }
0x52c: {  	v3 =	vadd.s32 v1, v3;
	_ =	sdelay $0x2  }
0x52d: {  	[tilespmem:s20], [sflag:$0x2] =	stream.indirect_vreg.gather [hbm4b:s3+s9], $0x80, v4, vm0, $0xb8;
	[tilespmem:$0x10C00] =	vst v63  }
0x52e: {  	_ = 	snop  }
0x52f: {  	[tilespmem:s21], [sflag:$0x2] =	stream.indirect_vreg.gather [hbm4b:s3+s9], $0x80, v3, vm0, $0xb8;
	[tilespmem:$0x10C00] =	vst v63  }
0x530: {  	v3 =	vld [tilespmem:$0x9C0];
	_ =	sdelay $0x4  }
0x531: {  	v4 =	vshll.u32 v3, $0x1  }
0x532: {  	v3 =	vand.u32 $0x7, v3;
	v4 =	vand.u32 $0xFFFFFFF0, v4  }
0x533: {  	v3 =	vor.u32 v3, v4  }
0x534: {  	v4 =	vperm.xlane v3, v0;
	_ =	sdelay $0x1  }
0x535: {  	v3 =	vperm.xlane v3, v2;
	v4 =	vadd.s32 v1, v4;
	_ =	sdelay $0x1  }
0x536: {  	v3 =	vadd.s32 v1, v3;
	_ =	sdelay $0x2  }
0x537: {  	[tilespmem:s22], [sflag:$0x4] =	stream.indirect_vreg.gather [hbm4b:s4+s9], $0x80, v4, vm0, $0xb8;
	[tilespmem:$0x10C00] =	vst v63  }
0x538: {  	_ = 	snop  }
0x539: {  	[tilespmem:s5], [sflag:$0x4] =	stream.indirect_vreg.gather [hbm4b:s4+s9], $0x80, v3, vm0, $0xb8;
	[tilespmem:$0x10C00] =	vst v63  }
0x53a: {  	v3 =	vld [tilespmem:$0x9D0];
	_ =	sdelay $0x4  }
0x53b: {  	v4 =	vshll.u32 v3, $0x1  }
0x53c: {  	v3 =	vand.u32 $0x7, v3;
	v4 =	vand.u32 $0xFFFFFFF0, v4  }
0x53d: {  	v3 =	vor.u32 v3, v4  }
0x53e: {  	v4 =	vperm.xlane v3, v0;
	_ =	sdelay $0x1  }
0x53f: {  	v3 =	vperm.xlane v3, v2;
	v4 =	vadd.s32 v1, v4;
	_ =	sdelay $0x1  }
0x540: {  	v3 =	vadd.s32 v1, v3;
	_ =	sdelay $0x2  }
0x541: {  	[tilespmem:s23], [sflag:$0x4] =	stream.indirect_vreg.gather [hbm4b:s4+s9], $0x80, v4, vm0, $0xb8;
	[tilespmem:$0x10C00] =	vst v63  }
0x542: {  	_ = 	snop  }
0x543: {  	[tilespmem:s25], [sflag:$0x4] =	stream.indirect_vreg.gather [hbm4b:s4+s9], $0x80, v3, vm0, $0xb8;
	[tilespmem:$0x10C00] =	vst v63  }
0x544: {  	v3 =	vld [tilespmem:$0x9E0];
	_ =	sdelay $0x4  }
0x545: {  	v4 =	vshll.u32 v3, $0x1  }
0x546: {  	v3 =	vand.u32 $0x7, v3;
	v4 =	vand.u32 $0xFFFFFFF0, v4  }
0x547: {  	v3 =	vor.u32 v3, v4  }
0x548: {  	v4 =	vperm.xlane v3, v0;
	_ =	sdelay $0x1  }
0x549: {  	v3 =	vperm.xlane v3, v2;
	v4 =	vadd.s32 v1, v4;
	_ =	sdelay $0x1  }
0x54a: {  	v3 =	vadd.s32 v1, v3;
	_ =	sdelay $0x2  }
0x54b: {  	[tilespmem:s26], [sflag:$0x4] =	stream.indirect_vreg.gather [hbm4b:s4+s9], $0x80, v4, vm0, $0xb8;
	[tilespmem:$0x10C00] =	vst v63  }
0x54c: {  	_ = 	snop  }
0x54d: {  	[tilespmem:s28], [sflag:$0x4] =	stream.indirect_vreg.gather [hbm4b:s4+s9], $0x80, v3, vm0, $0xb8;
	[tilespmem:$0x10C00] =	vst v63  }
0x54e: {  	v3 =	vld [tilespmem:$0x9F0];
	_ =	sdelay $0x4  }
0x54f: {  	v4 =	vshll.u32 v3, $0x1  }
0x550: {  	v3 =	vand.u32 $0x7, v3;
	v4 =	vand.u32 $0xFFFFFFF0, v4  }
0x551: {  	v3 =	vor.u32 v3, v4  }
0x552: {  	v4 =	vperm.xlane v3, v0;
	_ =	sdelay $0x1  }
0x553: {  	v3 =	vperm.xlane v3, v2;
	v4 =	vadd.s32 v1, v4;
	_ =	sdelay $0x1  }
0x554: {  	v3 =	vadd.s32 v1, v3;
	_ =	sdelay $0x1  }
0x555: {  	s11 =	sand.u32 $0x3800, s9;
	s7 =	sand.u32 $0x380, s9  }
0x556: {  	[tilespmem:s29], [sflag:$0x4] =	stream.indirect_vreg.gather [hbm4b:s4+s9], $0x80, v4, vm0, $0xb8;
	[tilespmem:$0x10C00] =	vst v63  }
0x557: {  	s7 =	sor.u32 s7, s11  }
0x558: {  	[tilespmem:s30], [sflag:$0x4] =	stream.indirect_vreg.gather [hbm4b:s4+s9], $0x80, v3, vm0, $0xb8;
	[tilespmem:$0x10C00] =	vst v63  }
0x559: {  	v3 =	vld [tilespmem:s7+$0x9070]  }
0x55a: {  	v4 =	vld [tilespmem:s7+$0x8C00]  }
0x55b: {  	v5 =	vld [tilespmem:s7+$0x8C10]  }
0x55c: {  	v52 =	vld [tilespmem:s7+$0x8C20]  }
0x55d: {  	v53 =	vld [tilespmem:s7+$0x8C30]  }
0x55e: {  	v54 =	vld [tilespmem:s7+$0x8C40]  }
0x55f: {  	v55 =	vld [tilespmem:s7+$0x8C50]  }
0x560: {  	v56 =	vld [tilespmem:s7+$0x8C60]  }
0x561: {  	v57 =	vld [tilespmem:s7+$0x8C70]  }
0x562: {  	v58 =	vld [tilespmem:s7+$0x9000]  }
0x563: {  	v59 =	vld [tilespmem:s7+$0x9010]  }
0x564: {  	v60 =	vld [tilespmem:s7+$0x9020]  }
0x565: {  	v61 =	vld [tilespmem:s7+$0x9030]  }
0x566: {  	v62 =	vld [tilespmem:s7+$0x9040]  }
0x567: {  	v63 =	vld [tilespmem:s7+$0x9050]  }
0x568: {  	[tilespmem:s7+$0x1070] =	vst.add.f32.msk $0xffff, v3  }
0x569: {  	v3 =	vld [tilespmem:s7+$0x9060]  }
0x56a: {  	[tilespmem:s7+$0xC00] =	vst.add.f32.msk $0xffff, v4  }
0x56b: {  	[tilespmem:s7+$0xC10] =	vst.add.f32.msk $0xffff, v5  }
0x56c: {  	[tilespmem:s7+$0xC20] =	vst.add.f32.msk $0xffff, v52  }
0x56d: {  	[tilespmem:s7+$0xC30] =	vst.add.f32.msk $0xffff, v53  }
0x56e: {  	[tilespmem:s7+$0xC40] =	vst.add.f32.msk $0xffff, v54  }
0x56f: {  	[tilespmem:s7+$0xC50] =	vst.add.f32.msk $0xffff, v55  }
0x570: {  	[tilespmem:s7+$0xC60] =	vst.add.f32.msk $0xffff, v56  }
0x571: {  	[tilespmem:s7+$0xC70] =	vst.add.f32.msk $0xffff, v57  }
0x572: {  	[tilespmem:s7+$0x1000] =	vst.add.f32.msk $0xffff, v58  }
0x573: {  	[tilespmem:s7+$0x1010] =	vst.add.f32.msk $0xffff, v59  }
0x574: {  	[tilespmem:s7+$0x1020] =	vst.add.f32.msk $0xffff, v60  }
0x575: {  	[tilespmem:s7+$0x1030] =	vst.add.f32.msk $0xffff, v61  }
0x576: {  	s8 =	simm.s32 $0x80;
	s9 =	simm.s32 $0x100;
	[tilespmem:s7+$0x1040] =	vst.add.f32.msk $0xffff, v62  }
0x577: {  	s11 =	sand.u32 $0x380, s8;
	s10 =	sand.u32 $0x3800, s9;
	s9 =	simm.s32 $0x200;
	[tilespmem:s7+$0x1050] =	vst.add.f32.msk $0xffff, v63  }
.LBB2_16:
0x578: {  	p0 =	sne.s32 s9, $0x3F00;
	[tilespmem:s7+$0x1060] =	vst.add.f32.msk $0xffff, v3;
	s7 =	sor.u32 s11, s10  }
0x579: {  	v3 =	vld [tilespmem:s7+$0x9070]  }
0x57a: {  	v4 =	vld [tilespmem:s7+$0x8C00]  }
0x57b: {  	v5 =	vld [tilespmem:s7+$0x8C10]  }
0x57c: {  	v6 =	vld [tilespmem:s7+$0x8C20]  }
0x57d: {  	v7 =	vld [tilespmem:s7+$0x8C30]  }
0x57e: {  	[tilespmem:s7+$0x1070] =	vst.add.f32.msk $0xffff, v3  }
0x57f: {  	v8 =	vld [tilespmem:s7+$0x8C40]  }
0x580: {  	v9 =	vld [tilespmem:s7+$0x8C50]  }
0x581: {  	v10 =	vld [tilespmem:s7+$0x8C60]  }
0x582: {  	v11 =	vld [tilespmem:s7+$0x8C70]  }
0x583: {  	v12 =	vld [tilespmem:s7+$0x9000]  }
0x584: {  	v13 =	vld [tilespmem:s7+$0x9010]  }
0x585: {  	v14 =	vld [tilespmem:s7+$0x9020]  }
0x586: {  	v15 =	vld [tilespmem:s7+$0x9030]  }
0x587: {  	v16 =	vld [tilespmem:s7+$0x9040]  }
0x588: {  	v17 =	vld [tilespmem:s7+$0x9050]  }
0x589: {  	v3 =	vld [tilespmem:s7+$0x9060]  }
0x58a: {  	[tilespmem:s7+$0xC00] =	vst.add.f32.msk $0xffff, v4  }
0x58b: {  	[tilespmem:s7+$0xC10] =	vst.add.f32.msk $0xffff, v5  }
0x58c: {  	[tilespmem:s7+$0xC20] =	vst.add.f32.msk $0xffff, v6  }
0x58d: {  	[tilespmem:s7+$0xC30] =	vst.add.f32.msk $0xffff, v7  }
0x58e: {  	[tilespmem:s7+$0xC40] =	vst.add.f32.msk $0xffff, v8  }
0x58f: {  	[tilespmem:s7+$0xC50] =	vst.add.f32.msk $0xffff, v9  }
0x590: {  	[tilespmem:s7+$0xC60] =	vst.add.f32.msk $0xffff, v10  }
0x591: {  	[tilespmem:s7+$0xC70] =	vst.add.f32.msk $0xffff, v11  }
0x592: {  	[tilespmem:s7+$0x1000] =	vst.add.f32.msk $0xffff, v12  }
.Ltmp7:
0x593: {  	[tilespmem:s7+$0x1010] =	vst.add.f32.msk $0xffff, v13;
	(pc) =	sbr.rel @p0 .LBB2_16-.Ltmp7, $4  }
0x594: {  	[tilespmem:s7+$0x1020] =	vst.add.f32.msk $0xffff, v14  }
0x595: {  	[tilespmem:s7+$0x1030] =	vst.add.f32.msk $0xffff, v15  }
0x596: {  	s8 =	sadd.s32 $0x80, s8;
	[tilespmem:s7+$0x1040] =	vst.add.f32.msk $0xffff, v16  }
0x597: {  	s10 =	sand.u32 $0x3800, s9;
	s9 =	sadd.s32 $0x100, s9;
	s11 =	sand.u32 $0x380, s8;
	[tilespmem:s7+$0x1050] =	vst.add.f32.msk $0xffff, v17  }
0x598: {  	s8 =	sor.u32 s11, s10;
	[tilespmem:s7+$0x1060] =	vst.add.f32.msk $0xffff, v3  }
0x599: {  	v3 =	vld [tilespmem:s8+$0x9070]  }
0x59a: {  	v4 =	vld [tilespmem:s8+$0x8C00]  }
0x59b: {  	v5 =	vld [tilespmem:s8+$0x8C10]  }
0x59c: {  	v6 =	vld [tilespmem:s8+$0x8C20]  }
0x59d: {  	v7 =	vld [tilespmem:s8+$0x8C30]  }
0x59e: {  	v8 =	vld [tilespmem:s8+$0x8C50]  }
0x59f: {  	v9 =	vld [tilespmem:s8+$0x8C60]  }
0x5a0: {  	v10 =	vld [tilespmem:s8+$0x8C70]  }
0x5a1: {  	v11 =	vld [tilespmem:s8+$0x9000]  }
0x5a2: {  	v12 =	vld [tilespmem:s8+$0x9010]  }
0x5a3: {  	v13 =	vld [tilespmem:s8+$0x9020]  }
0x5a4: {  	v14 =	vld [tilespmem:s8+$0x9030]  }
0x5a5: {  	v15 =	vld [tilespmem:s8+$0x9040]  }
0x5a6: {  	v16 =	vld [tilespmem:s8+$0x9050]  }
0x5a7: {  	v17 =	vld [tilespmem:s8+$0x9060]  }
0x5a8: {  	[tilespmem:s8+$0x1070] =	vst.add.f32.msk $0xffff, v3  }
0x5a9: {  	v3 =	vld [tilespmem:s8+$0x8C40]  }
0x5aa: {  	[tilespmem:s8+$0xC00] =	vst.add.f32.msk $0xffff, v4  }
0x5ab: {  	[tilespmem:s8+$0xC10] =	vst.add.f32.msk $0xffff, v5  }
0x5ac: {  	[tilespmem:s8+$0xC20] =	vst.add.f32.msk $0xffff, v6  }
0x5ad: {  	[tilespmem:s8+$0xC30] =	vst.add.f32.msk $0xffff, v7  }
0x5ae: {  	[tilespmem:s8+$0xC50] =	vst.add.f32.msk $0xffff, v8  }
0x5af: {  	[tilespmem:s8+$0xC60] =	vst.add.f32.msk $0xffff, v9  }
0x5b0: {  	[tilespmem:s8+$0xC70] =	vst.add.f32.msk $0xffff, v10  }
0x5b1: {  	[tilespmem:s8+$0x1000] =	vst.add.f32.msk $0xffff, v11  }
0x5b2: {  	[tilespmem:s8+$0x1010] =	vst.add.f32.msk $0xffff, v12  }
0x5b3: {  	[tilespmem:s8+$0x1020] =	vst.add.f32.msk $0xffff, v13  }
0x5b4: {  	[tilespmem:s8+$0x1030] =	vst.add.f32.msk $0xffff, v14  }
0x5b5: {  	[tilespmem:s8+$0x1040] =	vst.add.f32.msk $0xffff, v15  }
0x5b6: {  	[tilespmem:s8+$0x1050] =	vst.add.f32.msk $0xffff, v16  }
0x5b7: {  	[tilespmem:s8+$0x1060] =	vst.add.f32.msk $0xffff, v17  }
0x5b8: {  	s7 =	simm.s32 $0x0;
	s10 =	rddreg [dreg:$0xa];
	[tilespmem:s8+$0xC40] =	vst.add.f32.msk $0xffff, v3  }
0x5b9: {  	[hbm4b:s10+s7] =	stream.linear.scatter [tilespmem:s24], [sflag:$0x5], $0x4000, $0x38;
	[tilespmem:$0x10C00] =	vst v63  }
0x5ba: {  	_ =	swait.ge [sflag:s31], $0x4000  }
0x5bb: {  	[sflag:s31] =	ssyncset.done $0x0  }
0x5bc: {  	[sflag:s31] =	ssyncadd.s32 $0xFFFFC000  }
0x5bd: {  	_ =	swait.ge [sflag:s1], $0x4000  }
0x5be: {  	[sflag:s1] =	ssyncset.done $0x0  }
0x5bf: {  	[sflag:s1] =	ssyncadd.s32 $0xFFFFC000  }
0x5c0: {  	_ =	swait.ge [sflag:s0], $0x4000  }
0x5c1: {  	[sflag:s0] =	ssyncset.done $0x0  }
0x5c2: {  	[sflag:s0] =	ssyncadd.s32 $0xFFFFC000  }
0x5c3: {  	v3 =	vld [tilespmem:$0x600];
	_ =	sdelay $0x4  }
0x5c4: {  	v4 =	vshll.u32 v3, $0x1  }
0x5c5: {  	v3 =	vand.u32 $0x7, v3;
	v4 =	vand.u32 $0xFFFFFFF0, v4  }
0x5c6: {  	v3 =	vor.u32 v3, v4  }
0x5c7: {  	v4 =	vperm.xlane v3, v0;
	_ =	sdelay $0x1  }
0x5c8: {  	v3 =	vperm.xlane v3, v2;
	v4 =	vadd.s32 v1, v4;
	_ =	sdelay $0x1  }
0x5c9: {  	v3 =	vadd.s32 v1, v3;
	_ =	sdelay $0x2  }
0x5ca: {  	[tilespmem:s24], [sflag:$0x1] =	stream.indirect_vreg.gather [hbm4b:s3+s7], $0x80, v4, vm0, $0xb8;
	[tilespmem:$0x10C00] =	vst v63  }
0x5cb: {  	s11 =	simm.s32 $0x1400  }
0x5cc: {  	[tilespmem:s11], [sflag:$0x1] =	stream.indirect_vreg.gather [hbm4b:s3+s7], $0x80, v3, vm0, $0xb8;
	[tilespmem:$0x10C00] =	vst v63  }
0x5cd: {  	v3 =	vld [tilespmem:$0x610];
	_ =	sdelay $0x4  }
0x5ce: {  	v4 =	vshll.u32 v3, $0x1  }
0x5cf: {  	v3 =	vand.u32 $0x7, v3;
	v4 =	vand.u32 $0xFFFFFFF0, v4  }
0x5d0: {  	v3 =	vor.u32 v3, v4  }
0x5d1: {  	v4 =	vperm.xlane v3, v0;
	_ =	sdelay $0x1  }
0x5d2: {  	v3 =	vperm.xlane v3, v2;
	v4 =	vadd.s32 v1, v4;
	_ =	sdelay $0x1  }
0x5d3: {  	v3 =	vadd.s32 v1, v3;
	_ =	sdelay $0x1  }
0x5d4: {  	s9 =	simm.s32 $0x1C00  }
0x5d5: {  	[tilespmem:s9], [sflag:$0x1] =	stream.indirect_vreg.gather [hbm4b:s3+s7], $0x80, v4, vm0, $0xb8;
	[tilespmem:$0x10C00] =	vst v63  }
0x5d6: {  	s10 =	simm.s32 $0x2400  }
0x5d7: {  	[tilespmem:s10], [sflag:$0x1] =	stream.indirect_vreg.gather [hbm4b:s3+s7], $0x80, v3, vm0, $0xb8;
	[tilespmem:$0x10C00] =	vst v63  }
0x5d8: {  	v3 =	vld [tilespmem:$0x620];
	_ =	sdelay $0x4  }
0x5d9: {  	v4 =	vshll.u32 v3, $0x1  }
0x5da: {  	v3 =	vand.u32 $0x7, v3;
	v4 =	vand.u32 $0xFFFFFFF0, v4  }
0x5db: {  	v3 =	vor.u32 v3, v4  }
0x5dc: {  	v4 =	vperm.xlane v3, v0;
	_ =	sdelay $0x1  }
0x5dd: {  	v3 =	vperm.xlane v3, v2;
	v4 =	vadd.s32 v1, v4;
	_ =	sdelay $0x1  }
0x5de: {  	v3 =	vadd.s32 v1, v3;
	_ =	sdelay $0x1  }
0x5df: {  	s11 =	simm.s32 $0x2C00  }
0x5e0: {  	[tilespmem:s11], [sflag:$0x1] =	stream.indirect_vreg.gather [hbm4b:s3+s7], $0x80, v4, vm0, $0xb8;
	[tilespmem:$0x10C00] =	vst v63  }
0x5e1: {  	s9 =	simm.s32 $0x3400  }
0x5e2: {  	[tilespmem:s9], [sflag:$0x1] =	stream.indirect_vreg.gather [hbm4b:s3+s7], $0x80, v3, vm0, $0xb8;
	[tilespmem:$0x10C00] =	vst v63  }
0x5e3: {  	v3 =	vld [tilespmem:$0x630];
	_ =	sdelay $0x4  }
0x5e4: {  	v4 =	vshll.u32 v3, $0x1  }
0x5e5: {  	v3 =	vand.u32 $0x7, v3;
	v4 =	vand.u32 $0xFFFFFFF0, v4  }
0x5e6: {  	v3 =	vor.u32 v3, v4  }
0x5e7: {  	v4 =	vperm.xlane v3, v0;
	_ =	sdelay $0x1  }
0x5e8: {  	v3 =	vperm.xlane v3, v2;
	v4 =	vadd.s32 v1, v4;
	_ =	sdelay $0x1  }
0x5e9: {  	v3 =	vadd.s32 v1, v3;
	_ =	sdelay $0x1  }
0x5ea: {  	s10 =	simm.s32 $0x3C00  }
0x5eb: {  	[tilespmem:s10], [sflag:$0x1] =	stream.indirect_vreg.gather [hbm4b:s3+s7], $0x80, v4, vm0, $0xb8;
	[tilespmem:$0x10C00] =	vst v63  }
0x5ec: {  	s11 =	simm.s32 $0x4400  }
0x5ed: {  	[tilespmem:s11], [sflag:$0x1] =	stream.indirect_vreg.gather [hbm4b:s3+s7], $0x80, v3, vm0, $0xb8;
	[tilespmem:$0x10C00] =	vst v63  }
0x5ee: {  	v3 =	vld [tilespmem:$0xA00];
	_ =	sdelay $0x4  }
0x5ef: {  	v4 =	vshll.u32 v3, $0x1  }
0x5f0: {  	v3 =	vand.u32 $0x7, v3;
	v4 =	vand.u32 $0xFFFFFFF0, v4  }
0x5f1: {  	v3 =	vor.u32 v3, v4  }
0x5f2: {  	v4 =	vperm.xlane v3, v0;
	_ =	sdelay $0x1  }
0x5f3: {  	v3 =	vperm.xlane v3, v2;
	v4 =	vadd.s32 v1, v4;
	_ =	sdelay $0x1  }
0x5f4: {  	v3 =	vadd.s32 v1, v3;
	_ =	sdelay $0x1  }
0x5f5: {  	s9 =	simm.s32 $0x8C00  }
0x5f6: {  	[tilespmem:s9], [sflag:$0x3] =	stream.indirect_vreg.gather [hbm4b:s4+s7], $0x80, v4, vm0, $0xb8;
	[tilespmem:$0x10C00] =	vst v63  }
0x5f7: {  	s10 =	simm.s32 $0x9400  }
0x5f8: {  	[tilespmem:s10], [sflag:$0x3] =	stream.indirect_vreg.gather [hbm4b:s4+s7], $0x80, v3, vm0, $0xb8;
	[tilespmem:$0x10C00] =	vst v63  }
0x5f9: {  	v3 =	vld [tilespmem:$0xA10];
	_ =	sdelay $0x4  }
0x5fa: {  	v4 =	vshll.u32 v3, $0x1  }
0x5fb: {  	v3 =	vand.u32 $0x7, v3;
	v4 =	vand.u32 $0xFFFFFFF0, v4  }
0x5fc: {  	v3 =	vor.u32 v3, v4  }
0x5fd: {  	v4 =	vperm.xlane v3, v0;
	_ =	sdelay $0x1  }
0x5fe: {  	v3 =	vperm.xlane v3, v2;
	v4 =	vadd.s32 v1, v4;
	_ =	sdelay $0x1  }
0x5ff: {  	v3 =	vadd.s32 v1, v3;
	_ =	sdelay $0x1  }
0x600: {  	s11 =	simm.s32 $0x9C00  }
0x601: {  	[tilespmem:s11], [sflag:$0x3] =	stream.indirect_vreg.gather [hbm4b:s4+s7], $0x80, v4, vm0, $0xb8;
	[tilespmem:$0x10C00] =	vst v63  }
0x602: {  	s9 =	simm.s32 $0xA400  }
0x603: {  	[tilespmem:s9], [sflag:$0x3] =	stream.indirect_vreg.gather [hbm4b:s4+s7], $0x80, v3, vm0, $0xb8;
	[tilespmem:$0x10C00] =	vst v63  }
0x604: {  	v3 =	vld [tilespmem:$0xA20];
	_ =	sdelay $0x4  }
0x605: {  	v4 =	vshll.u32 v3, $0x1  }
0x606: {  	v3 =	vand.u32 $0x7, v3;
	v4 =	vand.u32 $0xFFFFFFF0, v4  }
0x607: {  	v3 =	vor.u32 v3, v4  }
0x608: {  	v4 =	vperm.xlane v3, v0;
	_ =	sdelay $0x1  }
0x609: {  	v3 =	vperm.xlane v3, v2;
	v4 =	vadd.s32 v1, v4;
	_ =	sdelay $0x1  }
0x60a: {  	v3 =	vadd.s32 v1, v3;
	_ =	sdelay $0x1  }
0x60b: {  	s10 =	simm.s32 $0xAC00  }
0x60c: {  	[tilespmem:s10], [sflag:$0x3] =	stream.indirect_vreg.gather [hbm4b:s4+s7], $0x80, v4, vm0, $0xb8;
	[tilespmem:$0x10C00] =	vst v63  }
0x60d: {  	s11 =	simm.s32 $0xB400  }
0x60e: {  	[tilespmem:s11], [sflag:$0x3] =	stream.indirect_vreg.gather [hbm4b:s4+s7], $0x80, v3, vm0, $0xb8;
	[tilespmem:$0x10C00] =	vst v63  }
0x60f: {  	v3 =	vld [tilespmem:$0xA30];
	_ =	sdelay $0x4  }
0x610: {  	v4 =	vshll.u32 v3, $0x1  }
0x611: {  	v3 =	vand.u32 $0x7, v3;
	v4 =	vand.u32 $0xFFFFFFF0, v4  }
0x612: {  	v3 =	vor.u32 v3, v4  }
0x613: {  	v4 =	vperm.xlane v3, v0;
	_ =	sdelay $0x1  }
0x614: {  	v3 =	vperm.xlane v3, v2;
	v4 =	vadd.s32 v1, v4;
	_ =	sdelay $0x1  }
0x615: {  	v3 =	vadd.s32 v1, v3;
	_ =	sdelay $0x1  }
0x616: {  	s9 =	simm.s32 $0xBC00  }
0x617: {  	[tilespmem:s9], [sflag:$0x3] =	stream.indirect_vreg.gather [hbm4b:s4+s7], $0x80, v4, vm0, $0xb8;
	[tilespmem:$0x10C00] =	vst v63  }
0x618: {  	s10 =	simm.s32 $0xC400  }
0x619: {  	[tilespmem:s10], [sflag:$0x3] =	stream.indirect_vreg.gather [hbm4b:s4+s7], $0x80, v3, vm0, $0xb8;
	[tilespmem:$0x10C00] =	vst v63  }
0x61a: {  	s11 =	sand.u32 $0x3800, s7;
	s7 =	sand.u32 $0x380, s7  }
0x61b: {  	s7 =	sor.u32 s7, s11  }
0x61c: {  	v3 =	vld [tilespmem:s7+$0xD070]  }
0x61d: {  	v4 =	vld [tilespmem:s7+$0xCC00]  }
0x61e: {  	v5 =	vld [tilespmem:s7+$0xCC10]  }
0x61f: {  	v52 =	vld [tilespmem:s7+$0xCC20]  }
0x620: {  	v53 =	vld [tilespmem:s7+$0xCC30]  }
0x621: {  	v54 =	vld [tilespmem:s7+$0xCC40]  }
0x622: {  	v55 =	vld [tilespmem:s7+$0xCC50]  }
0x623: {  	v56 =	vld [tilespmem:s7+$0xCC60]  }
0x624: {  	v57 =	vld [tilespmem:s7+$0xCC70]  }
0x625: {  	v58 =	vld [tilespmem:s7+$0xD000]  }
0x626: {  	v59 =	vld [tilespmem:s7+$0xD010]  }
0x627: {  	v60 =	vld [tilespmem:s7+$0xD020]  }
0x628: {  	v61 =	vld [tilespmem:s7+$0xD030]  }
0x629: {  	v62 =	vld [tilespmem:s7+$0xD040]  }
0x62a: {  	v63 =	vld [tilespmem:s7+$0xD050]  }
0x62b: {  	[tilespmem:s7+$0x5070] =	vst.add.f32.msk $0xffff, v3  }
0x62c: {  	v3 =	vld [tilespmem:s7+$0xD060]  }
0x62d: {  	[tilespmem:s7+$0x4C00] =	vst.add.f32.msk $0xffff, v4  }
0x62e: {  	[tilespmem:s7+$0x4C10] =	vst.add.f32.msk $0xffff, v5  }
0x62f: {  	[tilespmem:s7+$0x4C20] =	vst.add.f32.msk $0xffff, v52  }
0x630: {  	[tilespmem:s7+$0x4C30] =	vst.add.f32.msk $0xffff, v53  }
0x631: {  	[tilespmem:s7+$0x4C40] =	vst.add.f32.msk $0xffff, v54  }
0x632: {  	[tilespmem:s7+$0x4C50] =	vst.add.f32.msk $0xffff, v55  }
0x633: {  	[tilespmem:s7+$0x4C60] =	vst.add.f32.msk $0xffff, v56  }
0x634: {  	[tilespmem:s7+$0x4C70] =	vst.add.f32.msk $0xffff, v57  }
0x635: {  	[tilespmem:s7+$0x5000] =	vst.add.f32.msk $0xffff, v58  }
0x636: {  	[tilespmem:s7+$0x5010] =	vst.add.f32.msk $0xffff, v59  }
0x637: {  	[tilespmem:s7+$0x5020] =	vst.add.f32.msk $0xffff, v60  }
0x638: {  	[tilespmem:s7+$0x5030] =	vst.add.f32.msk $0xffff, v61  }
0x639: {  	s8 =	simm.s32 $0x80;
	s9 =	simm.s32 $0x100;
	[tilespmem:s7+$0x5040] =	vst.add.f32.msk $0xffff, v62  }
0x63a: {  	s10 =	sand.u32 $0x3800, s9;
	s9 =	simm.s32 $0x200;
	s11 =	sand.u32 $0x380, s8;
	[tilespmem:s7+$0x5050] =	vst.add.f32.msk $0xffff, v63  }
.LBB2_18:
0x63b: {  	p0 =	sne.s32 s9, $0x3F00;
	[tilespmem:s7+$0x5060] =	vst.add.f32.msk $0xffff, v3;
	s7 =	sor.u32 s11, s10  }
0x63c: {  	v3 =	vld [tilespmem:s7+$0xD070]  }
0x63d: {  	v4 =	vld [tilespmem:s7+$0xCC00]  }
0x63e: {  	v5 =	vld [tilespmem:s7+$0xCC10]  }
0x63f: {  	v6 =	vld [tilespmem:s7+$0xCC20]  }
0x640: {  	v7 =	vld [tilespmem:s7+$0xCC30]  }
0x641: {  	[tilespmem:s7+$0x5070] =	vst.add.f32.msk $0xffff, v3  }
0x642: {  	v8 =	vld [tilespmem:s7+$0xCC40]  }
0x643: {  	v9 =	vld [tilespmem:s7+$0xCC50]  }
0x644: {  	v10 =	vld [tilespmem:s7+$0xCC60]  }
0x645: {  	v11 =	vld [tilespmem:s7+$0xCC70]  }
0x646: {  	v12 =	vld [tilespmem:s7+$0xD000]  }
0x647: {  	v13 =	vld [tilespmem:s7+$0xD010]  }
0x648: {  	v14 =	vld [tilespmem:s7+$0xD020]  }
0x649: {  	v15 =	vld [tilespmem:s7+$0xD030]  }
0x64a: {  	v16 =	vld [tilespmem:s7+$0xD040]  }
0x64b: {  	v17 =	vld [tilespmem:s7+$0xD050]  }
0x64c: {  	v3 =	vld [tilespmem:s7+$0xD060]  }
0x64d: {  	[tilespmem:s7+$0x4C00] =	vst.add.f32.msk $0xffff, v4  }
0x64e: {  	[tilespmem:s7+$0x4C10] =	vst.add.f32.msk $0xffff, v5  }
0x64f: {  	[tilespmem:s7+$0x4C20] =	vst.add.f32.msk $0xffff, v6  }
0x650: {  	[tilespmem:s7+$0x4C30] =	vst.add.f32.msk $0xffff, v7  }
0x651: {  	[tilespmem:s7+$0x4C40] =	vst.add.f32.msk $0xffff, v8  }
0x652: {  	[tilespmem:s7+$0x4C50] =	vst.add.f32.msk $0xffff, v9  }
0x653: {  	[tilespmem:s7+$0x4C60] =	vst.add.f32.msk $0xffff, v10  }
0x654: {  	[tilespmem:s7+$0x4C70] =	vst.add.f32.msk $0xffff, v11  }
0x655: {  	[tilespmem:s7+$0x5000] =	vst.add.f32.msk $0xffff, v12  }
.Ltmp8:
0x656: {  	[tilespmem:s7+$0x5010] =	vst.add.f32.msk $0xffff, v13;
	(pc) =	sbr.rel @p0 .LBB2_18-.Ltmp8, $4  }
0x657: {  	[tilespmem:s7+$0x5020] =	vst.add.f32.msk $0xffff, v14  }
0x658: {  	[tilespmem:s7+$0x5030] =	vst.add.f32.msk $0xffff, v15  }
0x659: {  	s8 =	sadd.s32 $0x80, s8;
	[tilespmem:s7+$0x5040] =	vst.add.f32.msk $0xffff, v16  }
0x65a: {  	s10 =	sand.u32 $0x3800, s9;
	s9 =	sadd.s32 $0x100, s9;
	s11 =	sand.u32 $0x380, s8;
	[tilespmem:s7+$0x5050] =	vst.add.f32.msk $0xffff, v17  }
0x65b: {  	s8 =	sor.u32 s11, s10;
	[tilespmem:s7+$0x5060] =	vst.add.f32.msk $0xffff, v3  }
0x65c: {  	v3 =	vld [tilespmem:s8+$0xD070]  }
0x65d: {  	v4 =	vld [tilespmem:s8+$0xCC00]  }
0x65e: {  	v5 =	vld [tilespmem:s8+$0xCC10]  }
0x65f: {  	v6 =	vld [tilespmem:s8+$0xCC20]  }
0x660: {  	v7 =	vld [tilespmem:s8+$0xCC30]  }
0x661: {  	v8 =	vld [tilespmem:s8+$0xCC50]  }
0x662: {  	v9 =	vld [tilespmem:s8+$0xCC60]  }
0x663: {  	v10 =	vld [tilespmem:s8+$0xCC70]  }
0x664: {  	v11 =	vld [tilespmem:s8+$0xD000]  }
0x665: {  	v12 =	vld [tilespmem:s8+$0xD010]  }
0x666: {  	v13 =	vld [tilespmem:s8+$0xD020]  }
0x667: {  	v14 =	vld [tilespmem:s8+$0xD030]  }
0x668: {  	v15 =	vld [tilespmem:s8+$0xD040]  }
0x669: {  	v16 =	vld [tilespmem:s8+$0xD050]  }
0x66a: {  	v17 =	vld [tilespmem:s8+$0xD060]  }
0x66b: {  	[tilespmem:s8+$0x5070] =	vst.add.f32.msk $0xffff, v3  }
0x66c: {  	v3 =	vld [tilespmem:s8+$0xCC40]  }
0x66d: {  	[tilespmem:s8+$0x4C00] =	vst.add.f32.msk $0xffff, v4  }
0x66e: {  	[tilespmem:s8+$0x4C10] =	vst.add.f32.msk $0xffff, v5  }
0x66f: {  	[tilespmem:s8+$0x4C20] =	vst.add.f32.msk $0xffff, v6  }
0x670: {  	[tilespmem:s8+$0x4C30] =	vst.add.f32.msk $0xffff, v7  }
0x671: {  	[tilespmem:s8+$0x4C50] =	vst.add.f32.msk $0xffff, v8  }
0x672: {  	[tilespmem:s8+$0x4C60] =	vst.add.f32.msk $0xffff, v9  }
0x673: {  	[tilespmem:s8+$0x4C70] =	vst.add.f32.msk $0xffff, v10  }
0x674: {  	[tilespmem:s8+$0x5000] =	vst.add.f32.msk $0xffff, v11  }
0x675: {  	[tilespmem:s8+$0x5010] =	vst.add.f32.msk $0xffff, v12  }
0x676: {  	[tilespmem:s8+$0x5020] =	vst.add.f32.msk $0xffff, v13  }
0x677: {  	[tilespmem:s8+$0x5030] =	vst.add.f32.msk $0xffff, v14  }
0x678: {  	[tilespmem:s8+$0x5040] =	vst.add.f32.msk $0xffff, v15  }
0x679: {  	[tilespmem:s8+$0x5050] =	vst.add.f32.msk $0xffff, v16  }
0x67a: {  	[tilespmem:s8+$0x5060] =	vst.add.f32.msk $0xffff, v17  }
0x67b: {  	s9 =	simm.s32 $0x0;
	s10 =	rddreg [dreg:$0xb];
	[tilespmem:s8+$0x4C40] =	vst.add.f32.msk $0xffff, v3  }
0x67c: {  	[hbm4b:s10+s9] =	stream.linear.scatter [tilespmem:s14], [sflag:$0x6], $0x4000, $0x38;
	[tilespmem:$0x10C00] =	vst v63  }
0x67d: {  	_ =	swait.ge [sflag:s12], $0x4000  }
0x67e: {  	[sflag:s12] =	ssyncset.done $0x0  }
0x67f: {  	[sflag:s12] =	ssyncadd.s32 $0xFFFFC000  }
0x680: {  	_ =	swait.ge [sflag:s13], $0x4000  }
0x681: {  	[sflag:s13] =	ssyncset.done $0x0  }
0x682: {  	[sflag:s13] =	ssyncadd.s32 $0xFFFFC000  }
0x683: {  	_ =	swait.ge [sflag:s2], $0x4000  }
0x684: {  	[sflag:s2] =	ssyncset.done $0x0  }
0x685: {  	[sflag:s2] =	ssyncadd.s32 $0xFFFFC000  }
0x686: {  	v3 =	vld [tilespmem:$0x640];
	_ =	sdelay $0x4  }
0x687: {  	v4 =	vshll.u32 v3, $0x1  }
0x688: {  	v3 =	vand.u32 $0x7, v3;
	v4 =	vand.u32 $0xFFFFFFF0, v4  }
0x689: {  	v3 =	vor.u32 v3, v4  }
0x68a: {  	v4 =	vperm.xlane v3, v0;
	_ =	sdelay $0x1  }
0x68b: {  	v3 =	vperm.xlane v3, v2;
	v4 =	vadd.s32 v1, v4;
	_ =	sdelay $0x1  }
0x68c: {  	v3 =	vadd.s32 v1, v3;
	_ =	sdelay $0x2  }
0x68d: {  	[tilespmem:s14], [sflag:$0x2] =	stream.indirect_vreg.gather [hbm4b:s3+s9], $0x80, v4, vm0, $0xb8;
	[tilespmem:$0x10C00] =	vst v63  }
0x68e: {  	_ = 	snop  }
0x68f: {  	[tilespmem:s15], [sflag:$0x2] =	stream.indirect_vreg.gather [hbm4b:s3+s9], $0x80, v3, vm0, $0xb8;
	[tilespmem:$0x10C00] =	vst v63  }
0x690: {  	v3 =	vld [tilespmem:$0x650];
	_ =	sdelay $0x4  }
0x691: {  	v4 =	vshll.u32 v3, $0x1  }
0x692: {  	v3 =	vand.u32 $0x7, v3;
	v4 =	vand.u32 $0xFFFFFFF0, v4  }
0x693: {  	v3 =	vor.u32 v3, v4  }
0x694: {  	v4 =	vperm.xlane v3, v0;
	_ =	sdelay $0x1  }
0x695: {  	v3 =	vperm.xlane v3, v2;
	v4 =	vadd.s32 v1, v4;
	_ =	sdelay $0x1  }
0x696: {  	v3 =	vadd.s32 v1, v3;
	_ =	sdelay $0x2  }
0x697: {  	[tilespmem:s16], [sflag:$0x2] =	stream.indirect_vreg.gather [hbm4b:s3+s9], $0x80, v4, vm0, $0xb8;
	[tilespmem:$0x10C00] =	vst v63  }
0x698: {  	_ = 	snop  }
0x699: {  	[tilespmem:s17], [sflag:$0x2] =	stream.indirect_vreg.gather [hbm4b:s3+s9], $0x80, v3, vm0, $0xb8;
	[tilespmem:$0x10C00] =	vst v63  }
0x69a: {  	v3 =	vld [tilespmem:$0x660];
	_ =	sdelay $0x4  }
0x69b: {  	v4 =	vshll.u32 v3, $0x1  }
0x69c: {  	v3 =	vand.u32 $0x7, v3;
	v4 =	vand.u32 $0xFFFFFFF0, v4  }
0x69d: {  	v3 =	vor.u32 v3, v4  }
0x69e: {  	v4 =	vperm.xlane v3, v0;
	_ =	sdelay $0x1  }
0x69f: {  	v3 =	vperm.xlane v3, v2;
	v4 =	vadd.s32 v1, v4;
	_ =	sdelay $0x1  }
0x6a0: {  	v3 =	vadd.s32 v1, v3;
	_ =	sdelay $0x2  }
0x6a1: {  	[tilespmem:s18], [sflag:$0x2] =	stream.indirect_vreg.gather [hbm4b:s3+s9], $0x80, v4, vm0, $0xb8;
	[tilespmem:$0x10C00] =	vst v63  }
0x6a2: {  	_ = 	snop  }
0x6a3: {  	[tilespmem:s19], [sflag:$0x2] =	stream.indirect_vreg.gather [hbm4b:s3+s9], $0x80, v3, vm0, $0xb8;
	[tilespmem:$0x10C00] =	vst v63  }
0x6a4: {  	v3 =	vld [tilespmem:$0x670];
	_ =	sdelay $0x4  }
0x6a5: {  	v4 =	vshll.u32 v3, $0x1  }
0x6a6: {  	v3 =	vand.u32 $0x7, v3;
	v4 =	vand.u32 $0xFFFFFFF0, v4  }
0x6a7: {  	v3 =	vor.u32 v3, v4  }
0x6a8: {  	v4 =	vperm.xlane v3, v0;
	_ =	sdelay $0x1  }
0x6a9: {  	v3 =	vperm.xlane v3, v2;
	v4 =	vadd.s32 v1, v4;
	_ =	sdelay $0x1  }
0x6aa: {  	v3 =	vadd.s32 v1, v3;
	_ =	sdelay $0x2  }
0x6ab: {  	[tilespmem:s20], [sflag:$0x2] =	stream.indirect_vreg.gather [hbm4b:s3+s9], $0x80, v4, vm0, $0xb8;
	[tilespmem:$0x10C00] =	vst v63  }
0x6ac: {  	_ = 	snop  }
0x6ad: {  	[tilespmem:s21], [sflag:$0x2] =	stream.indirect_vreg.gather [hbm4b:s3+s9], $0x80, v3, vm0, $0xb8;
	[tilespmem:$0x10C00] =	vst v63  }
0x6ae: {  	v3 =	vld [tilespmem:$0xA40];
	_ =	sdelay $0x4  }
0x6af: {  	v4 =	vshll.u32 v3, $0x1  }
0x6b0: {  	v3 =	vand.u32 $0x7, v3;
	v4 =	vand.u32 $0xFFFFFFF0, v4  }
0x6b1: {  	v3 =	vor.u32 v3, v4  }
0x6b2: {  	v4 =	vperm.xlane v3, v0;
	_ =	sdelay $0x1  }
0x6b3: {  	v3 =	vperm.xlane v3, v2;
	v4 =	vadd.s32 v1, v4;
	_ =	sdelay $0x1  }
0x6b4: {  	v3 =	vadd.s32 v1, v3;
	_ =	sdelay $0x2  }
0x6b5: {  	[tilespmem:s22], [sflag:$0x4] =	stream.indirect_vreg.gather [hbm4b:s4+s9], $0x80, v4, vm0, $0xb8;
	[tilespmem:$0x10C00] =	vst v63  }
0x6b6: {  	_ = 	snop  }
0x6b7: {  	[tilespmem:s5], [sflag:$0x4] =	stream.indirect_vreg.gather [hbm4b:s4+s9], $0x80, v3, vm0, $0xb8;
	[tilespmem:$0x10C00] =	vst v63  }
0x6b8: {  	v3 =	vld [tilespmem:$0xA50];
	_ =	sdelay $0x4  }
0x6b9: {  	v4 =	vshll.u32 v3, $0x1  }
0x6ba: {  	v3 =	vand.u32 $0x7, v3;
	v4 =	vand.u32 $0xFFFFFFF0, v4  }
0x6bb: {  	v3 =	vor.u32 v3, v4  }
0x6bc: {  	v4 =	vperm.xlane v3, v0;
	_ =	sdelay $0x1  }
0x6bd: {  	v3 =	vperm.xlane v3, v2;
	v4 =	vadd.s32 v1, v4;
	_ =	sdelay $0x1  }
0x6be: {  	v3 =	vadd.s32 v1, v3;
	_ =	sdelay $0x2  }
0x6bf: {  	[tilespmem:s23], [sflag:$0x4] =	stream.indirect_vreg.gather [hbm4b:s4+s9], $0x80, v4, vm0, $0xb8;
	[tilespmem:$0x10C00] =	vst v63  }
0x6c0: {  	_ = 	snop  }
0x6c1: {  	[tilespmem:s25], [sflag:$0x4] =	stream.indirect_vreg.gather [hbm4b:s4+s9], $0x80, v3, vm0, $0xb8;
	[tilespmem:$0x10C00] =	vst v63  }
0x6c2: {  	v3 =	vld [tilespmem:$0xA60];
	_ =	sdelay $0x4  }
0x6c3: {  	v4 =	vshll.u32 v3, $0x1  }
0x6c4: {  	v3 =	vand.u32 $0x7, v3;
	v4 =	vand.u32 $0xFFFFFFF0, v4  }
0x6c5: {  	v3 =	vor.u32 v3, v4  }
0x6c6: {  	v4 =	vperm.xlane v3, v0;
	_ =	sdelay $0x1  }
0x6c7: {  	v3 =	vperm.xlane v3, v2;
	v4 =	vadd.s32 v1, v4;
	_ =	sdelay $0x1  }
0x6c8: {  	v3 =	vadd.s32 v1, v3;
	_ =	sdelay $0x2  }
0x6c9: {  	[tilespmem:s26], [sflag:$0x4] =	stream.indirect_vreg.gather [hbm4b:s4+s9], $0x80, v4, vm0, $0xb8;
	[tilespmem:$0x10C00] =	vst v63  }
0x6ca: {  	_ = 	snop  }
0x6cb: {  	[tilespmem:s28], [sflag:$0x4] =	stream.indirect_vreg.gather [hbm4b:s4+s9], $0x80, v3, vm0, $0xb8;
	[tilespmem:$0x10C00] =	vst v63  }
0x6cc: {  	v3 =	vld [tilespmem:$0xA70];
	_ =	sdelay $0x4  }
0x6cd: {  	v4 =	vshll.u32 v3, $0x1  }
0x6ce: {  	v3 =	vand.u32 $0x7, v3;
	v4 =	vand.u32 $0xFFFFFFF0, v4  }
0x6cf: {  	v3 =	vor.u32 v3, v4  }
0x6d0: {  	v4 =	vperm.xlane v3, v0;
	_ =	sdelay $0x1  }
0x6d1: {  	v3 =	vperm.xlane v3, v2;
	v4 =	vadd.s32 v1, v4;
	_ =	sdelay $0x1  }
0x6d2: {  	v3 =	vadd.s32 v1, v3;
	_ =	sdelay $0x1  }
0x6d3: {  	s11 =	sand.u32 $0x3800, s9;
	s7 =	sand.u32 $0x380, s9  }
0x6d4: {  	[tilespmem:s29], [sflag:$0x4] =	stream.indirect_vreg.gather [hbm4b:s4+s9], $0x80, v4, vm0, $0xb8;
	[tilespmem:$0x10C00] =	vst v63  }
0x6d5: {  	s7 =	sor.u32 s7, s11  }
0x6d6: {  	[tilespmem:s30], [sflag:$0x4] =	stream.indirect_vreg.gather [hbm4b:s4+s9], $0x80, v3, vm0, $0xb8;
	[tilespmem:$0x10C00] =	vst v63  }
0x6d7: {  	v3 =	vld [tilespmem:s7+$0x9070]  }
0x6d8: {  	v4 =	vld [tilespmem:s7+$0x8C00]  }
0x6d9: {  	v5 =	vld [tilespmem:s7+$0x8C10]  }
0x6da: {  	v52 =	vld [tilespmem:s7+$0x8C20]  }
0x6db: {  	v53 =	vld [tilespmem:s7+$0x8C30]  }
0x6dc: {  	v54 =	vld [tilespmem:s7+$0x8C40]  }
0x6dd: {  	v55 =	vld [tilespmem:s7+$0x8C50]  }
0x6de: {  	v56 =	vld [tilespmem:s7+$0x8C60]  }
0x6df: {  	v57 =	vld [tilespmem:s7+$0x8C70]  }
0x6e0: {  	v58 =	vld [tilespmem:s7+$0x9000]  }
0x6e1: {  	v59 =	vld [tilespmem:s7+$0x9010]  }
0x6e2: {  	v60 =	vld [tilespmem:s7+$0x9020]  }
0x6e3: {  	v61 =	vld [tilespmem:s7+$0x9030]  }
0x6e4: {  	v62 =	vld [tilespmem:s7+$0x9040]  }
0x6e5: {  	v63 =	vld [tilespmem:s7+$0x9050]  }
0x6e6: {  	[tilespmem:s7+$0x1070] =	vst.add.f32.msk $0xffff, v3  }
0x6e7: {  	v3 =	vld [tilespmem:s7+$0x9060]  }
0x6e8: {  	[tilespmem:s7+$0xC00] =	vst.add.f32.msk $0xffff, v4  }
0x6e9: {  	[tilespmem:s7+$0xC10] =	vst.add.f32.msk $0xffff, v5  }
0x6ea: {  	[tilespmem:s7+$0xC20] =	vst.add.f32.msk $0xffff, v52  }
0x6eb: {  	[tilespmem:s7+$0xC30] =	vst.add.f32.msk $0xffff, v53  }
0x6ec: {  	[tilespmem:s7+$0xC40] =	vst.add.f32.msk $0xffff, v54  }
0x6ed: {  	[tilespmem:s7+$0xC50] =	vst.add.f32.msk $0xffff, v55  }
0x6ee: {  	[tilespmem:s7+$0xC60] =	vst.add.f32.msk $0xffff, v56  }
0x6ef: {  	[tilespmem:s7+$0xC70] =	vst.add.f32.msk $0xffff, v57  }
0x6f0: {  	[tilespmem:s7+$0x1000] =	vst.add.f32.msk $0xffff, v58  }
0x6f1: {  	[tilespmem:s7+$0x1010] =	vst.add.f32.msk $0xffff, v59  }
0x6f2: {  	[tilespmem:s7+$0x1020] =	vst.add.f32.msk $0xffff, v60  }
0x6f3: {  	[tilespmem:s7+$0x1030] =	vst.add.f32.msk $0xffff, v61  }
0x6f4: {  	s8 =	simm.s32 $0x80;
	s9 =	simm.s32 $0x100;
	[tilespmem:s7+$0x1040] =	vst.add.f32.msk $0xffff, v62  }
0x6f5: {  	s11 =	sand.u32 $0x380, s8;
	s10 =	sand.u32 $0x3800, s9;
	s9 =	simm.s32 $0x200;
	[tilespmem:s7+$0x1050] =	vst.add.f32.msk $0xffff, v63  }
.LBB2_20:
0x6f6: {  	p0 =	sne.s32 s9, $0x3F00;
	[tilespmem:s7+$0x1060] =	vst.add.f32.msk $0xffff, v3;
	s7 =	sor.u32 s11, s10  }
0x6f7: {  	v3 =	vld [tilespmem:s7+$0x9070]  }
0x6f8: {  	v4 =	vld [tilespmem:s7+$0x8C00]  }
0x6f9: {  	v5 =	vld [tilespmem:s7+$0x8C10]  }
0x6fa: {  	v6 =	vld [tilespmem:s7+$0x8C20]  }
0x6fb: {  	v7 =	vld [tilespmem:s7+$0x8C30]  }
0x6fc: {  	[tilespmem:s7+$0x1070] =	vst.add.f32.msk $0xffff, v3  }
0x6fd: {  	v8 =	vld [tilespmem:s7+$0x8C40]  }
0x6fe: {  	v9 =	vld [tilespmem:s7+$0x8C50]  }
0x6ff: {  	v10 =	vld [tilespmem:s7+$0x8C60]  }
0x700: {  	v11 =	vld [tilespmem:s7+$0x8C70]  }
0x701: {  	v12 =	vld [tilespmem:s7+$0x9000]  }
0x702: {  	v13 =	vld [tilespmem:s7+$0x9010]  }
0x703: {  	v14 =	vld [tilespmem:s7+$0x9020]  }
0x704: {  	v15 =	vld [tilespmem:s7+$0x9030]  }
0x705: {  	v16 =	vld [tilespmem:s7+$0x9040]  }
0x706: {  	v17 =	vld [tilespmem:s7+$0x9050]  }
0x707: {  	v3 =	vld [tilespmem:s7+$0x9060]  }
0x708: {  	[tilespmem:s7+$0xC00] =	vst.add.f32.msk $0xffff, v4  }
0x709: {  	[tilespmem:s7+$0xC10] =	vst.add.f32.msk $0xffff, v5  }
0x70a: {  	[tilespmem:s7+$0xC20] =	vst.add.f32.msk $0xffff, v6  }
0x70b: {  	[tilespmem:s7+$0xC30] =	vst.add.f32.msk $0xffff, v7  }
0x70c: {  	[tilespmem:s7+$0xC40] =	vst.add.f32.msk $0xffff, v8  }
0x70d: {  	[tilespmem:s7+$0xC50] =	vst.add.f32.msk $0xffff, v9  }
0x70e: {  	[tilespmem:s7+$0xC60] =	vst.add.f32.msk $0xffff, v10  }
0x70f: {  	[tilespmem:s7+$0xC70] =	vst.add.f32.msk $0xffff, v11  }
0x710: {  	[tilespmem:s7+$0x1000] =	vst.add.f32.msk $0xffff, v12  }
.Ltmp9:
0x711: {  	[tilespmem:s7+$0x1010] =	vst.add.f32.msk $0xffff, v13;
	(pc) =	sbr.rel @p0 .LBB2_20-.Ltmp9, $4  }
0x712: {  	[tilespmem:s7+$0x1020] =	vst.add.f32.msk $0xffff, v14  }
0x713: {  	[tilespmem:s7+$0x1030] =	vst.add.f32.msk $0xffff, v15  }
0x714: {  	s8 =	sadd.s32 $0x80, s8;
	[tilespmem:s7+$0x1040] =	vst.add.f32.msk $0xffff, v16  }
0x715: {  	s10 =	sand.u32 $0x3800, s9;
	s9 =	sadd.s32 $0x100, s9;
	s11 =	sand.u32 $0x380, s8;
	[tilespmem:s7+$0x1050] =	vst.add.f32.msk $0xffff, v17  }
0x716: {  	s8 =	sor.u32 s11, s10;
	[tilespmem:s7+$0x1060] =	vst.add.f32.msk $0xffff, v3  }
0x717: {  	v3 =	vld [tilespmem:s8+$0x9070]  }
0x718: {  	v4 =	vld [tilespmem:s8+$0x8C00]  }
0x719: {  	v5 =	vld [tilespmem:s8+$0x8C10]  }
0x71a: {  	v6 =	vld [tilespmem:s8+$0x8C20]  }
0x71b: {  	v7 =	vld [tilespmem:s8+$0x8C30]  }
0x71c: {  	v8 =	vld [tilespmem:s8+$0x8C50]  }
0x71d: {  	v9 =	vld [tilespmem:s8+$0x8C60]  }
0x71e: {  	v10 =	vld [tilespmem:s8+$0x8C70]  }
0x71f: {  	v11 =	vld [tilespmem:s8+$0x9000]  }
0x720: {  	v12 =	vld [tilespmem:s8+$0x9010]  }
0x721: {  	v13 =	vld [tilespmem:s8+$0x9020]  }
0x722: {  	v14 =	vld [tilespmem:s8+$0x9030]  }
0x723: {  	v15 =	vld [tilespmem:s8+$0x9040]  }
0x724: {  	v16 =	vld [tilespmem:s8+$0x9050]  }
0x725: {  	v17 =	vld [tilespmem:s8+$0x9060]  }
0x726: {  	[tilespmem:s8+$0x1070] =	vst.add.f32.msk $0xffff, v3  }
0x727: {  	v3 =	vld [tilespmem:s8+$0x8C40]  }
0x728: {  	[tilespmem:s8+$0xC00] =	vst.add.f32.msk $0xffff, v4  }
0x729: {  	[tilespmem:s8+$0xC10] =	vst.add.f32.msk $0xffff, v5  }
0x72a: {  	[tilespmem:s8+$0xC20] =	vst.add.f32.msk $0xffff, v6  }
0x72b: {  	[tilespmem:s8+$0xC30] =	vst.add.f32.msk $0xffff, v7  }
0x72c: {  	[tilespmem:s8+$0xC50] =	vst.add.f32.msk $0xffff, v8  }
0x72d: {  	[tilespmem:s8+$0xC60] =	vst.add.f32.msk $0xffff, v9  }
0x72e: {  	[tilespmem:s8+$0xC70] =	vst.add.f32.msk $0xffff, v10  }
0x72f: {  	[tilespmem:s8+$0x1000] =	vst.add.f32.msk $0xffff, v11  }
0x730: {  	[tilespmem:s8+$0x1010] =	vst.add.f32.msk $0xffff, v12  }
0x731: {  	[tilespmem:s8+$0x1020] =	vst.add.f32.msk $0xffff, v13  }
0x732: {  	[tilespmem:s8+$0x1030] =	vst.add.f32.msk $0xffff, v14  }
0x733: {  	[tilespmem:s8+$0x1040] =	vst.add.f32.msk $0xffff, v15  }
0x734: {  	[tilespmem:s8+$0x1050] =	vst.add.f32.msk $0xffff, v16  }
0x735: {  	[tilespmem:s8+$0x1060] =	vst.add.f32.msk $0xffff, v17  }
0x736: {  	s7 =	simm.s32 $0x0;
	s10 =	rddreg [dreg:$0xc];
	[tilespmem:s8+$0xC40] =	vst.add.f32.msk $0xffff, v3  }
0x737: {  	[hbm4b:s10+s7] =	stream.linear.scatter [tilespmem:s24], [sflag:$0x5], $0x4000, $0x38;
	[tilespmem:$0x10C00] =	vst v63  }
0x738: {  	_ =	swait.ge [sflag:s31], $0x4000  }
0x739: {  	[sflag:s31] =	ssyncset.done $0x0  }
0x73a: {  	[sflag:s31] =	ssyncadd.s32 $0xFFFFC000  }
0x73b: {  	_ =	swait.ge [sflag:s1], $0x4000  }
0x73c: {  	[sflag:s1] =	ssyncset.done $0x0  }
0x73d: {  	[sflag:s1] =	ssyncadd.s32 $0xFFFFC000  }
0x73e: {  	_ =	swait.ge [sflag:s0], $0x4000  }
0x73f: {  	[sflag:s0] =	ssyncset.done $0x0  }
0x740: {  	[sflag:s0] =	ssyncadd.s32 $0xFFFFC000  }
0x741: {  	v3 =	vld [tilespmem:$0x680];
	_ =	sdelay $0x4  }
0x742: {  	v4 =	vshll.u32 v3, $0x1  }
0x743: {  	v3 =	vand.u32 $0x7, v3;
	v4 =	vand.u32 $0xFFFFFFF0, v4  }
0x744: {  	v3 =	vor.u32 v3, v4  }
0x745: {  	v4 =	vperm.xlane v3, v0;
	_ =	sdelay $0x1  }
0x746: {  	v3 =	vperm.xlane v3, v2;
	v4 =	vadd.s32 v1, v4;
	_ =	sdelay $0x1  }
0x747: {  	v3 =	vadd.s32 v1, v3;
	_ =	sdelay $0x2  }
0x748: {  	[tilespmem:s24], [sflag:$0x1] =	stream.indirect_vreg.gather [hbm4b:s3+s7], $0x80, v4, vm0, $0xb8;
	[tilespmem:$0x10C00] =	vst v63  }
0x749: {  	s11 =	simm.s32 $0x1400  }
0x74a: {  	[tilespmem:s11], [sflag:$0x1] =	stream.indirect_vreg.gather [hbm4b:s3+s7], $0x80, v3, vm0, $0xb8;
	[tilespmem:$0x10C00] =	vst v63  }
0x74b: {  	v3 =	vld [tilespmem:$0x690];
	_ =	sdelay $0x4  }
0x74c: {  	v4 =	vshll.u32 v3, $0x1  }
0x74d: {  	v3 =	vand.u32 $0x7, v3;
	v4 =	vand.u32 $0xFFFFFFF0, v4  }
0x74e: {  	v3 =	vor.u32 v3, v4  }
0x74f: {  	v4 =	vperm.xlane v3, v0;
	_ =	sdelay $0x1  }
0x750: {  	v3 =	vperm.xlane v3, v2;
	v4 =	vadd.s32 v1, v4;
	_ =	sdelay $0x1  }
0x751: {  	v3 =	vadd.s32 v1, v3;
	_ =	sdelay $0x1  }
0x752: {  	s9 =	simm.s32 $0x1C00  }
0x753: {  	[tilespmem:s9], [sflag:$0x1] =	stream.indirect_vreg.gather [hbm4b:s3+s7], $0x80, v4, vm0, $0xb8;
	[tilespmem:$0x10C00] =	vst v63  }
0x754: {  	s10 =	simm.s32 $0x2400  }
0x755: {  	[tilespmem:s10], [sflag:$0x1] =	stream.indirect_vreg.gather [hbm4b:s3+s7], $0x80, v3, vm0, $0xb8;
	[tilespmem:$0x10C00] =	vst v63  }
0x756: {  	v3 =	vld [tilespmem:$0x6A0];
	_ =	sdelay $0x4  }
0x757: {  	v4 =	vshll.u32 v3, $0x1  }
0x758: {  	v3 =	vand.u32 $0x7, v3;
	v4 =	vand.u32 $0xFFFFFFF0, v4  }
0x759: {  	v3 =	vor.u32 v3, v4  }
0x75a: {  	v4 =	vperm.xlane v3, v0;
	_ =	sdelay $0x1  }
0x75b: {  	v3 =	vperm.xlane v3, v2;
	v4 =	vadd.s32 v1, v4;
	_ =	sdelay $0x1  }
0x75c: {  	v3 =	vadd.s32 v1, v3;
	_ =	sdelay $0x1  }
0x75d: {  	s11 =	simm.s32 $0x2C00  }
0x75e: {  	[tilespmem:s11], [sflag:$0x1] =	stream.indirect_vreg.gather [hbm4b:s3+s7], $0x80, v4, vm0, $0xb8;
	[tilespmem:$0x10C00] =	vst v63  }
0x75f: {  	s9 =	simm.s32 $0x3400  }
0x760: {  	[tilespmem:s9], [sflag:$0x1] =	stream.indirect_vreg.gather [hbm4b:s3+s7], $0x80, v3, vm0, $0xb8;
	[tilespmem:$0x10C00] =	vst v63  }
0x761: {  	v3 =	vld [tilespmem:$0x6B0];
	_ =	sdelay $0x4  }
0x762: {  	v4 =	vshll.u32 v3, $0x1  }
0x763: {  	v3 =	vand.u32 $0x7, v3;
	v4 =	vand.u32 $0xFFFFFFF0, v4  }
0x764: {  	v3 =	vor.u32 v3, v4  }
0x765: {  	v4 =	vperm.xlane v3, v0;
	_ =	sdelay $0x1  }
0x766: {  	v3 =	vperm.xlane v3, v2;
	v4 =	vadd.s32 v1, v4;
	_ =	sdelay $0x1  }
0x767: {  	v3 =	vadd.s32 v1, v3;
	_ =	sdelay $0x1  }
0x768: {  	s10 =	simm.s32 $0x3C00  }
0x769: {  	[tilespmem:s10], [sflag:$0x1] =	stream.indirect_vreg.gather [hbm4b:s3+s7], $0x80, v4, vm0, $0xb8;
	[tilespmem:$0x10C00] =	vst v63  }
0x76a: {  	s11 =	simm.s32 $0x4400  }
0x76b: {  	[tilespmem:s11], [sflag:$0x1] =	stream.indirect_vreg.gather [hbm4b:s3+s7], $0x80, v3, vm0, $0xb8;
	[tilespmem:$0x10C00] =	vst v63  }
0x76c: {  	v3 =	vld [tilespmem:$0xA80];
	_ =	sdelay $0x4  }
0x76d: {  	v4 =	vshll.u32 v3, $0x1  }
0x76e: {  	v3 =	vand.u32 $0x7, v3;
	v4 =	vand.u32 $0xFFFFFFF0, v4  }
0x76f: {  	v3 =	vor.u32 v3, v4  }
0x770: {  	v4 =	vperm.xlane v3, v0;
	_ =	sdelay $0x1  }
0x771: {  	v3 =	vperm.xlane v3, v2;
	v4 =	vadd.s32 v1, v4;
	_ =	sdelay $0x1  }
0x772: {  	v3 =	vadd.s32 v1, v3;
	_ =	sdelay $0x1  }
0x773: {  	s9 =	simm.s32 $0x8C00  }
0x774: {  	[tilespmem:s9], [sflag:$0x3] =	stream.indirect_vreg.gather [hbm4b:s4+s7], $0x80, v4, vm0, $0xb8;
	[tilespmem:$0x10C00] =	vst v63  }
0x775: {  	s10 =	simm.s32 $0x9400  }
0x776: {  	[tilespmem:s10], [sflag:$0x3] =	stream.indirect_vreg.gather [hbm4b:s4+s7], $0x80, v3, vm0, $0xb8;
	[tilespmem:$0x10C00] =	vst v63  }
0x777: {  	v3 =	vld [tilespmem:$0xA90];
	_ =	sdelay $0x4  }
0x778: {  	v4 =	vshll.u32 v3, $0x1  }
0x779: {  	v3 =	vand.u32 $0x7, v3;
	v4 =	vand.u32 $0xFFFFFFF0, v4  }
0x77a: {  	v3 =	vor.u32 v3, v4  }
0x77b: {  	v4 =	vperm.xlane v3, v0;
	_ =	sdelay $0x1  }
0x77c: {  	v3 =	vperm.xlane v3, v2;
	v4 =	vadd.s32 v1, v4;
	_ =	sdelay $0x1  }
0x77d: {  	v3 =	vadd.s32 v1, v3;
	_ =	sdelay $0x1  }
0x77e: {  	s11 =	simm.s32 $0x9C00  }
0x77f: {  	[tilespmem:s11], [sflag:$0x3] =	stream.indirect_vreg.gather [hbm4b:s4+s7], $0x80, v4, vm0, $0xb8;
	[tilespmem:$0x10C00] =	vst v63  }
0x780: {  	s9 =	simm.s32 $0xA400  }
0x781: {  	[tilespmem:s9], [sflag:$0x3] =	stream.indirect_vreg.gather [hbm4b:s4+s7], $0x80, v3, vm0, $0xb8;
	[tilespmem:$0x10C00] =	vst v63  }
0x782: {  	v3 =	vld [tilespmem:$0xAA0];
	_ =	sdelay $0x4  }
0x783: {  	v4 =	vshll.u32 v3, $0x1  }
0x784: {  	v3 =	vand.u32 $0x7, v3;
	v4 =	vand.u32 $0xFFFFFFF0, v4  }
0x785: {  	v3 =	vor.u32 v3, v4  }
0x786: {  	v4 =	vperm.xlane v3, v0;
	_ =	sdelay $0x1  }
0x787: {  	v3 =	vperm.xlane v3, v2;
	v4 =	vadd.s32 v1, v4;
	_ =	sdelay $0x1  }
0x788: {  	v3 =	vadd.s32 v1, v3;
	_ =	sdelay $0x1  }
0x789: {  	s10 =	simm.s32 $0xAC00  }
0x78a: {  	[tilespmem:s10], [sflag:$0x3] =	stream.indirect_vreg.gather [hbm4b:s4+s7], $0x80, v4, vm0, $0xb8;
	[tilespmem:$0x10C00] =	vst v63  }
0x78b: {  	s11 =	simm.s32 $0xB400  }
0x78c: {  	[tilespmem:s11], [sflag:$0x3] =	stream.indirect_vreg.gather [hbm4b:s4+s7], $0x80, v3, vm0, $0xb8;
	[tilespmem:$0x10C00] =	vst v63  }
0x78d: {  	v3 =	vld [tilespmem:$0xAB0];
	_ =	sdelay $0x4  }
0x78e: {  	v4 =	vshll.u32 v3, $0x1  }
0x78f: {  	v3 =	vand.u32 $0x7, v3;
	v4 =	vand.u32 $0xFFFFFFF0, v4  }
0x790: {  	v3 =	vor.u32 v3, v4  }
0x791: {  	v4 =	vperm.xlane v3, v0;
	_ =	sdelay $0x1  }
0x792: {  	v3 =	vperm.xlane v3, v2;
	v4 =	vadd.s32 v1, v4;
	_ =	sdelay $0x1  }
0x793: {  	v3 =	vadd.s32 v1, v3;
	_ =	sdelay $0x1  }
0x794: {  	s9 =	simm.s32 $0xBC00  }
0x795: {  	[tilespmem:s9], [sflag:$0x3] =	stream.indirect_vreg.gather [hbm4b:s4+s7], $0x80, v4, vm0, $0xb8;
	[tilespmem:$0x10C00] =	vst v63  }
0x796: {  	s10 =	simm.s32 $0xC400  }
0x797: {  	[tilespmem:s10], [sflag:$0x3] =	stream.indirect_vreg.gather [hbm4b:s4+s7], $0x80, v3, vm0, $0xb8;
	[tilespmem:$0x10C00] =	vst v63  }
0x798: {  	s11 =	sand.u32 $0x3800, s7;
	s7 =	sand.u32 $0x380, s7  }
0x799: {  	s7 =	sor.u32 s7, s11  }
0x79a: {  	v3 =	vld [tilespmem:s7+$0xD070]  }
0x79b: {  	v4 =	vld [tilespmem:s7+$0xCC00]  }
0x79c: {  	v5 =	vld [tilespmem:s7+$0xCC10]  }
0x79d: {  	v52 =	vld [tilespmem:s7+$0xCC20]  }
0x79e: {  	v53 =	vld [tilespmem:s7+$0xCC30]  }
0x79f: {  	v54 =	vld [tilespmem:s7+$0xCC40]  }
0x7a0: {  	v55 =	vld [tilespmem:s7+$0xCC50]  }
0x7a1: {  	v56 =	vld [tilespmem:s7+$0xCC60]  }
0x7a2: {  	v57 =	vld [tilespmem:s7+$0xCC70]  }
0x7a3: {  	v58 =	vld [tilespmem:s7+$0xD000]  }
0x7a4: {  	v59 =	vld [tilespmem:s7+$0xD010]  }
0x7a5: {  	v60 =	vld [tilespmem:s7+$0xD020]  }
0x7a6: {  	v61 =	vld [tilespmem:s7+$0xD030]  }
0x7a7: {  	v62 =	vld [tilespmem:s7+$0xD040]  }
0x7a8: {  	v63 =	vld [tilespmem:s7+$0xD050]  }
0x7a9: {  	[tilespmem:s7+$0x5070] =	vst.add.f32.msk $0xffff, v3  }
0x7aa: {  	v3 =	vld [tilespmem:s7+$0xD060]  }
0x7ab: {  	[tilespmem:s7+$0x4C00] =	vst.add.f32.msk $0xffff, v4  }
0x7ac: {  	[tilespmem:s7+$0x4C10] =	vst.add.f32.msk $0xffff, v5  }
0x7ad: {  	[tilespmem:s7+$0x4C20] =	vst.add.f32.msk $0xffff, v52  }
0x7ae: {  	[tilespmem:s7+$0x4C30] =	vst.add.f32.msk $0xffff, v53  }
0x7af: {  	[tilespmem:s7+$0x4C40] =	vst.add.f32.msk $0xffff, v54  }
0x7b0: {  	[tilespmem:s7+$0x4C50] =	vst.add.f32.msk $0xffff, v55  }
0x7b1: {  	[tilespmem:s7+$0x4C60] =	vst.add.f32.msk $0xffff, v56  }
0x7b2: {  	[tilespmem:s7+$0x4C70] =	vst.add.f32.msk $0xffff, v57  }
0x7b3: {  	[tilespmem:s7+$0x5000] =	vst.add.f32.msk $0xffff, v58  }
0x7b4: {  	[tilespmem:s7+$0x5010] =	vst.add.f32.msk $0xffff, v59  }
0x7b5: {  	[tilespmem:s7+$0x5020] =	vst.add.f32.msk $0xffff, v60  }
0x7b6: {  	[tilespmem:s7+$0x5030] =	vst.add.f32.msk $0xffff, v61  }
0x7b7: {  	s8 =	simm.s32 $0x80;
	s9 =	simm.s32 $0x100;
	[tilespmem:s7+$0x5040] =	vst.add.f32.msk $0xffff, v62  }
0x7b8: {  	s10 =	sand.u32 $0x3800, s9;
	s9 =	simm.s32 $0x200;
	s11 =	sand.u32 $0x380, s8;
	[tilespmem:s7+$0x5050] =	vst.add.f32.msk $0xffff, v63  }
.LBB2_22:
0x7b9: {  	p0 =	sne.s32 s9, $0x3F00;
	[tilespmem:s7+$0x5060] =	vst.add.f32.msk $0xffff, v3;
	s7 =	sor.u32 s11, s10  }
0x7ba: {  	v3 =	vld [tilespmem:s7+$0xD070]  }
0x7bb: {  	v4 =	vld [tilespmem:s7+$0xCC00]  }
0x7bc: {  	v5 =	vld [tilespmem:s7+$0xCC10]  }
0x7bd: {  	v6 =	vld [tilespmem:s7+$0xCC20]  }
0x7be: {  	v7 =	vld [tilespmem:s7+$0xCC30]  }
0x7bf: {  	[tilespmem:s7+$0x5070] =	vst.add.f32.msk $0xffff, v3  }
0x7c0: {  	v8 =	vld [tilespmem:s7+$0xCC40]  }
0x7c1: {  	v9 =	vld [tilespmem:s7+$0xCC50]  }
0x7c2: {  	v10 =	vld [tilespmem:s7+$0xCC60]  }
0x7c3: {  	v11 =	vld [tilespmem:s7+$0xCC70]  }
0x7c4: {  	v12 =	vld [tilespmem:s7+$0xD000]  }
0x7c5: {  	v13 =	vld [tilespmem:s7+$0xD010]  }
0x7c6: {  	v14 =	vld [tilespmem:s7+$0xD020]  }
0x7c7: {  	v15 =	vld [tilespmem:s7+$0xD030]  }
0x7c8: {  	v16 =	vld [tilespmem:s7+$0xD040]  }
0x7c9: {  	v17 =	vld [tilespmem:s7+$0xD050]  }
0x7ca: {  	v3 =	vld [tilespmem:s7+$0xD060]  }
0x7cb: {  	[tilespmem:s7+$0x4C00] =	vst.add.f32.msk $0xffff, v4  }
0x7cc: {  	[tilespmem:s7+$0x4C10] =	vst.add.f32.msk $0xffff, v5  }
0x7cd: {  	[tilespmem:s7+$0x4C20] =	vst.add.f32.msk $0xffff, v6  }
0x7ce: {  	[tilespmem:s7+$0x4C30] =	vst.add.f32.msk $0xffff, v7  }
0x7cf: {  	[tilespmem:s7+$0x4C40] =	vst.add.f32.msk $0xffff, v8  }
0x7d0: {  	[tilespmem:s7+$0x4C50] =	vst.add.f32.msk $0xffff, v9  }
0x7d1: {  	[tilespmem:s7+$0x4C60] =	vst.add.f32.msk $0xffff, v10  }
0x7d2: {  	[tilespmem:s7+$0x4C70] =	vst.add.f32.msk $0xffff, v11  }
0x7d3: {  	[tilespmem:s7+$0x5000] =	vst.add.f32.msk $0xffff, v12  }
.Ltmp10:
0x7d4: {  	[tilespmem:s7+$0x5010] =	vst.add.f32.msk $0xffff, v13;
	(pc) =	sbr.rel @p0 .LBB2_22-.Ltmp10, $4  }
0x7d5: {  	[tilespmem:s7+$0x5020] =	vst.add.f32.msk $0xffff, v14  }
0x7d6: {  	[tilespmem:s7+$0x5030] =	vst.add.f32.msk $0xffff, v15  }
0x7d7: {  	s8 =	sadd.s32 $0x80, s8;
	[tilespmem:s7+$0x5040] =	vst.add.f32.msk $0xffff, v16  }
0x7d8: {  	s10 =	sand.u32 $0x3800, s9;
	s9 =	sadd.s32 $0x100, s9;
	s11 =	sand.u32 $0x380, s8;
	[tilespmem:s7+$0x5050] =	vst.add.f32.msk $0xffff, v17  }
0x7d9: {  	s8 =	sor.u32 s11, s10;
	[tilespmem:s7+$0x5060] =	vst.add.f32.msk $0xffff, v3  }
0x7da: {  	v3 =	vld [tilespmem:s8+$0xD070]  }
0x7db: {  	v4 =	vld [tilespmem:s8+$0xCC00]  }
0x7dc: {  	v5 =	vld [tilespmem:s8+$0xCC10]  }
0x7dd: {  	v6 =	vld [tilespmem:s8+$0xCC20]  }
0x7de: {  	v7 =	vld [tilespmem:s8+$0xCC30]  }
0x7df: {  	v8 =	vld [tilespmem:s8+$0xCC50]  }
0x7e0: {  	v9 =	vld [tilespmem:s8+$0xCC60]  }
0x7e1: {  	v10 =	vld [tilespmem:s8+$0xCC70]  }
0x7e2: {  	v11 =	vld [tilespmem:s8+$0xD000]  }
0x7e3: {  	v12 =	vld [tilespmem:s8+$0xD010]  }
0x7e4: {  	v13 =	vld [tilespmem:s8+$0xD020]  }
0x7e5: {  	v14 =	vld [tilespmem:s8+$0xD030]  }
0x7e6: {  	v15 =	vld [tilespmem:s8+$0xD040]  }
0x7e7: {  	v16 =	vld [tilespmem:s8+$0xD050]  }
0x7e8: {  	v17 =	vld [tilespmem:s8+$0xD060]  }
0x7e9: {  	[tilespmem:s8+$0x5070] =	vst.add.f32.msk $0xffff, v3  }
0x7ea: {  	v3 =	vld [tilespmem:s8+$0xCC40]  }
0x7eb: {  	[tilespmem:s8+$0x4C00] =	vst.add.f32.msk $0xffff, v4  }
0x7ec: {  	[tilespmem:s8+$0x4C10] =	vst.add.f32.msk $0xffff, v5  }
0x7ed: {  	[tilespmem:s8+$0x4C20] =	vst.add.f32.msk $0xffff, v6  }
0x7ee: {  	[tilespmem:s8+$0x4C30] =	vst.add.f32.msk $0xffff, v7  }
0x7ef: {  	[tilespmem:s8+$0x4C50] =	vst.add.f32.msk $0xffff, v8  }
0x7f0: {  	[tilespmem:s8+$0x4C60] =	vst.add.f32.msk $0xffff, v9  }
0x7f1: {  	[tilespmem:s8+$0x4C70] =	vst.add.f32.msk $0xffff, v10  }
0x7f2: {  	[tilespmem:s8+$0x5000] =	vst.add.f32.msk $0xffff, v11  }
0x7f3: {  	[tilespmem:s8+$0x5010] =	vst.add.f32.msk $0xffff, v12  }
0x7f4: {  	[tilespmem:s8+$0x5020] =	vst.add.f32.msk $0xffff, v13  }
0x7f5: {  	[tilespmem:s8+$0x5030] =	vst.add.f32.msk $0xffff, v14  }
0x7f6: {  	[tilespmem:s8+$0x5040] =	vst.add.f32.msk $0xffff, v15  }
0x7f7: {  	[tilespmem:s8+$0x5050] =	vst.add.f32.msk $0xffff, v16  }
0x7f8: {  	[tilespmem:s8+$0x5060] =	vst.add.f32.msk $0xffff, v17  }
0x7f9: {  	s9 =	simm.s32 $0x0;
	s10 =	rddreg [dreg:$0xd];
	[tilespmem:s8+$0x4C40] =	vst.add.f32.msk $0xffff, v3  }
0x7fa: {  	[hbm4b:s10+s9] =	stream.linear.scatter [tilespmem:s14], [sflag:$0x6], $0x4000, $0x38;
	[tilespmem:$0x10C00] =	vst v63  }
0x7fb: {  	_ =	swait.ge [sflag:s12], $0x4000  }
0x7fc: {  	[sflag:s12] =	ssyncset.done $0x0  }
0x7fd: {  	[sflag:s12] =	ssyncadd.s32 $0xFFFFC000  }
0x7fe: {  	_ =	swait.ge [sflag:s13], $0x4000  }
0x7ff: {  	[sflag:s13] =	ssyncset.done $0x0  }
0x800: {  	[sflag:s13] =	ssyncadd.s32 $0xFFFFC000  }
0x801: {  	_ =	swait.ge [sflag:s2], $0x4000  }
0x802: {  	[sflag:s2] =	ssyncset.done $0x0  }
0x803: {  	[sflag:s2] =	ssyncadd.s32 $0xFFFFC000  }
0x804: {  	v3 =	vld [tilespmem:$0x6C0];
	_ =	sdelay $0x4  }
0x805: {  	v4 =	vshll.u32 v3, $0x1  }
0x806: {  	v3 =	vand.u32 $0x7, v3;
	v4 =	vand.u32 $0xFFFFFFF0, v4  }
0x807: {  	v3 =	vor.u32 v3, v4  }
0x808: {  	v4 =	vperm.xlane v3, v0;
	_ =	sdelay $0x1  }
0x809: {  	v3 =	vperm.xlane v3, v2;
	v4 =	vadd.s32 v1, v4;
	_ =	sdelay $0x1  }
0x80a: {  	v3 =	vadd.s32 v1, v3;
	_ =	sdelay $0x2  }
0x80b: {  	[tilespmem:s14], [sflag:$0x2] =	stream.indirect_vreg.gather [hbm4b:s3+s9], $0x80, v4, vm0, $0xb8;
	[tilespmem:$0x10C00] =	vst v63  }
0x80c: {  	_ = 	snop  }
0x80d: {  	[tilespmem:s15], [sflag:$0x2] =	stream.indirect_vreg.gather [hbm4b:s3+s9], $0x80, v3, vm0, $0xb8;
	[tilespmem:$0x10C00] =	vst v63  }
0x80e: {  	v3 =	vld [tilespmem:$0x6D0];
	_ =	sdelay $0x4  }
0x80f: {  	v4 =	vshll.u32 v3, $0x1  }
0x810: {  	v3 =	vand.u32 $0x7, v3;
	v4 =	vand.u32 $0xFFFFFFF0, v4  }
0x811: {  	v3 =	vor.u32 v3, v4  }
0x812: {  	v4 =	vperm.xlane v3, v0;
	_ =	sdelay $0x1  }
0x813: {  	v3 =	vperm.xlane v3, v2;
	v4 =	vadd.s32 v1, v4;
	_ =	sdelay $0x1  }
0x814: {  	v3 =	vadd.s32 v1, v3;
	_ =	sdelay $0x2  }
0x815: {  	[tilespmem:s16], [sflag:$0x2] =	stream.indirect_vreg.gather [hbm4b:s3+s9], $0x80, v4, vm0, $0xb8;
	[tilespmem:$0x10C00] =	vst v63  }
0x816: {  	_ = 	snop  }
0x817: {  	[tilespmem:s17], [sflag:$0x2] =	stream.indirect_vreg.gather [hbm4b:s3+s9], $0x80, v3, vm0, $0xb8;
	[tilespmem:$0x10C00] =	vst v63  }
0x818: {  	v3 =	vld [tilespmem:$0x6E0];
	_ =	sdelay $0x4  }
0x819: {  	v4 =	vshll.u32 v3, $0x1  }
0x81a: {  	v3 =	vand.u32 $0x7, v3;
	v4 =	vand.u32 $0xFFFFFFF0, v4  }
0x81b: {  	v3 =	vor.u32 v3, v4  }
0x81c: {  	v4 =	vperm.xlane v3, v0;
	_ =	sdelay $0x1  }
0x81d: {  	v3 =	vperm.xlane v3, v2;
	v4 =	vadd.s32 v1, v4;
	_ =	sdelay $0x1  }
0x81e: {  	v3 =	vadd.s32 v1, v3;
	_ =	sdelay $0x2  }
0x81f: {  	[tilespmem:s18], [sflag:$0x2] =	stream.indirect_vreg.gather [hbm4b:s3+s9], $0x80, v4, vm0, $0xb8;
	[tilespmem:$0x10C00] =	vst v63  }
0x820: {  	_ = 	snop  }
0x821: {  	[tilespmem:s19], [sflag:$0x2] =	stream.indirect_vreg.gather [hbm4b:s3+s9], $0x80, v3, vm0, $0xb8;
	[tilespmem:$0x10C00] =	vst v63  }
0x822: {  	v3 =	vld [tilespmem:$0x6F0];
	_ =	sdelay $0x4  }
0x823: {  	v4 =	vshll.u32 v3, $0x1  }
0x824: {  	v3 =	vand.u32 $0x7, v3;
	v4 =	vand.u32 $0xFFFFFFF0, v4  }
0x825: {  	v3 =	vor.u32 v3, v4  }
0x826: {  	v4 =	vperm.xlane v3, v0;
	_ =	sdelay $0x1  }
0x827: {  	v3 =	vperm.xlane v3, v2;
	v4 =	vadd.s32 v1, v4;
	_ =	sdelay $0x1  }
0x828: {  	v3 =	vadd.s32 v1, v3;
	_ =	sdelay $0x2  }
0x829: {  	[tilespmem:s20], [sflag:$0x2] =	stream.indirect_vreg.gather [hbm4b:s3+s9], $0x80, v4, vm0, $0xb8;
	[tilespmem:$0x10C00] =	vst v63  }
0x82a: {  	_ = 	snop  }
0x82b: {  	[tilespmem:s21], [sflag:$0x2] =	stream.indirect_vreg.gather [hbm4b:s3+s9], $0x80, v3, vm0, $0xb8;
	[tilespmem:$0x10C00] =	vst v63  }
0x82c: {  	v3 =	vld [tilespmem:$0xAC0];
	_ =	sdelay $0x4  }
0x82d: {  	v4 =	vshll.u32 v3, $0x1  }
0x82e: {  	v3 =	vand.u32 $0x7, v3;
	v4 =	vand.u32 $0xFFFFFFF0, v4  }
0x82f: {  	v3 =	vor.u32 v3, v4  }
0x830: {  	v4 =	vperm.xlane v3, v0;
	_ =	sdelay $0x1  }
0x831: {  	v3 =	vperm.xlane v3, v2;
	v4 =	vadd.s32 v1, v4;
	_ =	sdelay $0x1  }
0x832: {  	v3 =	vadd.s32 v1, v3;
	_ =	sdelay $0x2  }
0x833: {  	[tilespmem:s22], [sflag:$0x4] =	stream.indirect_vreg.gather [hbm4b:s4+s9], $0x80, v4, vm0, $0xb8;
	[tilespmem:$0x10C00] =	vst v63  }
0x834: {  	_ = 	snop  }
0x835: {  	[tilespmem:s5], [sflag:$0x4] =	stream.indirect_vreg.gather [hbm4b:s4+s9], $0x80, v3, vm0, $0xb8;
	[tilespmem:$0x10C00] =	vst v63  }
0x836: {  	v3 =	vld [tilespmem:$0xAD0];
	_ =	sdelay $0x4  }
0x837: {  	v4 =	vshll.u32 v3, $0x1  }
0x838: {  	v3 =	vand.u32 $0x7, v3;
	v4 =	vand.u32 $0xFFFFFFF0, v4  }
0x839: {  	v3 =	vor.u32 v3, v4  }
0x83a: {  	v4 =	vperm.xlane v3, v0;
	_ =	sdelay $0x1  }
0x83b: {  	v3 =	vperm.xlane v3, v2;
	v4 =	vadd.s32 v1, v4;
	_ =	sdelay $0x1  }
0x83c: {  	v3 =	vadd.s32 v1, v3;
	_ =	sdelay $0x2  }
0x83d: {  	[tilespmem:s23], [sflag:$0x4] =	stream.indirect_vreg.gather [hbm4b:s4+s9], $0x80, v4, vm0, $0xb8;
	[tilespmem:$0x10C00] =	vst v63  }
0x83e: {  	_ = 	snop  }
0x83f: {  	[tilespmem:s25], [sflag:$0x4] =	stream.indirect_vreg.gather [hbm4b:s4+s9], $0x80, v3, vm0, $0xb8;
	[tilespmem:$0x10C00] =	vst v63  }
0x840: {  	v3 =	vld [tilespmem:$0xAE0];
	_ =	sdelay $0x4  }
0x841: {  	v4 =	vshll.u32 v3, $0x1  }
0x842: {  	v3 =	vand.u32 $0x7, v3;
	v4 =	vand.u32 $0xFFFFFFF0, v4  }
0x843: {  	v3 =	vor.u32 v3, v4  }
0x844: {  	v4 =	vperm.xlane v3, v0;
	_ =	sdelay $0x1  }
0x845: {  	v3 =	vperm.xlane v3, v2;
	v4 =	vadd.s32 v1, v4;
	_ =	sdelay $0x1  }
0x846: {  	v3 =	vadd.s32 v1, v3;
	_ =	sdelay $0x2  }
0x847: {  	[tilespmem:s26], [sflag:$0x4] =	stream.indirect_vreg.gather [hbm4b:s4+s9], $0x80, v4, vm0, $0xb8;
	[tilespmem:$0x10C00] =	vst v63  }
0x848: {  	_ = 	snop  }
0x849: {  	[tilespmem:s28], [sflag:$0x4] =	stream.indirect_vreg.gather [hbm4b:s4+s9], $0x80, v3, vm0, $0xb8;
	[tilespmem:$0x10C00] =	vst v63  }
0x84a: {  	v3 =	vld [tilespmem:$0xAF0];
	_ =	sdelay $0x4  }
0x84b: {  	v4 =	vshll.u32 v3, $0x1  }
0x84c: {  	v3 =	vand.u32 $0x7, v3;
	v4 =	vand.u32 $0xFFFFFFF0, v4  }
0x84d: {  	v3 =	vor.u32 v3, v4  }
0x84e: {  	v4 =	vperm.xlane v3, v0;
	_ =	sdelay $0x1  }
0x84f: {  	v3 =	vperm.xlane v3, v2;
	v4 =	vadd.s32 v1, v4;
	_ =	sdelay $0x1  }
0x850: {  	v3 =	vadd.s32 v1, v3;
	_ =	sdelay $0x1  }
0x851: {  	s11 =	sand.u32 $0x3800, s9;
	s7 =	sand.u32 $0x380, s9  }
0x852: {  	[tilespmem:s29], [sflag:$0x4] =	stream.indirect_vreg.gather [hbm4b:s4+s9], $0x80, v4, vm0, $0xb8;
	[tilespmem:$0x10C00] =	vst v63  }
0x853: {  	s7 =	sor.u32 s7, s11  }
0x854: {  	[tilespmem:s30], [sflag:$0x4] =	stream.indirect_vreg.gather [hbm4b:s4+s9], $0x80, v3, vm0, $0xb8;
	[tilespmem:$0x10C00] =	vst v63  }
0x855: {  	v3 =	vld [tilespmem:s7+$0x9070]  }
0x856: {  	v4 =	vld [tilespmem:s7+$0x8C00]  }
0x857: {  	v5 =	vld [tilespmem:s7+$0x8C10]  }
0x858: {  	v52 =	vld [tilespmem:s7+$0x8C20]  }
0x859: {  	v53 =	vld [tilespmem:s7+$0x8C30]  }
0x85a: {  	v54 =	vld [tilespmem:s7+$0x8C40]  }
0x85b: {  	v55 =	vld [tilespmem:s7+$0x8C50]  }
0x85c: {  	v56 =	vld [tilespmem:s7+$0x8C60]  }
0x85d: {  	v57 =	vld [tilespmem:s7+$0x8C70]  }
0x85e: {  	v58 =	vld [tilespmem:s7+$0x9000]  }
0x85f: {  	v59 =	vld [tilespmem:s7+$0x9010]  }
0x860: {  	v60 =	vld [tilespmem:s7+$0x9020]  }
0x861: {  	v61 =	vld [tilespmem:s7+$0x9030]  }
0x862: {  	v62 =	vld [tilespmem:s7+$0x9040]  }
0x863: {  	v63 =	vld [tilespmem:s7+$0x9050]  }
0x864: {  	[tilespmem:s7+$0x1070] =	vst.add.f32.msk $0xffff, v3  }
0x865: {  	v3 =	vld [tilespmem:s7+$0x9060]  }
0x866: {  	[tilespmem:s7+$0xC00] =	vst.add.f32.msk $0xffff, v4  }
0x867: {  	[tilespmem:s7+$0xC10] =	vst.add.f32.msk $0xffff, v5  }
0x868: {  	[tilespmem:s7+$0xC20] =	vst.add.f32.msk $0xffff, v52  }
0x869: {  	[tilespmem:s7+$0xC30] =	vst.add.f32.msk $0xffff, v53  }
0x86a: {  	[tilespmem:s7+$0xC40] =	vst.add.f32.msk $0xffff, v54  }
0x86b: {  	[tilespmem:s7+$0xC50] =	vst.add.f32.msk $0xffff, v55  }
0x86c: {  	[tilespmem:s7+$0xC60] =	vst.add.f32.msk $0xffff, v56  }
0x86d: {  	[tilespmem:s7+$0xC70] =	vst.add.f32.msk $0xffff, v57  }
0x86e: {  	[tilespmem:s7+$0x1000] =	vst.add.f32.msk $0xffff, v58  }
0x86f: {  	[tilespmem:s7+$0x1010] =	vst.add.f32.msk $0xffff, v59  }
0x870: {  	[tilespmem:s7+$0x1020] =	vst.add.f32.msk $0xffff, v60  }
0x871: {  	[tilespmem:s7+$0x1030] =	vst.add.f32.msk $0xffff, v61  }
0x872: {  	s8 =	simm.s32 $0x80;
	s9 =	simm.s32 $0x100;
	[tilespmem:s7+$0x1040] =	vst.add.f32.msk $0xffff, v62  }
0x873: {  	s11 =	sand.u32 $0x380, s8;
	s10 =	sand.u32 $0x3800, s9;
	s9 =	simm.s32 $0x200;
	[tilespmem:s7+$0x1050] =	vst.add.f32.msk $0xffff, v63  }
.LBB2_24:
0x874: {  	p0 =	sne.s32 s9, $0x3F00;
	[tilespmem:s7+$0x1060] =	vst.add.f32.msk $0xffff, v3;
	s7 =	sor.u32 s11, s10  }
0x875: {  	v3 =	vld [tilespmem:s7+$0x9070]  }
0x876: {  	v4 =	vld [tilespmem:s7+$0x8C00]  }
0x877: {  	v5 =	vld [tilespmem:s7+$0x8C10]  }
0x878: {  	v6 =	vld [tilespmem:s7+$0x8C20]  }
0x879: {  	v7 =	vld [tilespmem:s7+$0x8C30]  }
0x87a: {  	[tilespmem:s7+$0x1070] =	vst.add.f32.msk $0xffff, v3  }
0x87b: {  	v8 =	vld [tilespmem:s7+$0x8C40]  }
0x87c: {  	v9 =	vld [tilespmem:s7+$0x8C50]  }
0x87d: {  	v10 =	vld [tilespmem:s7+$0x8C60]  }
0x87e: {  	v11 =	vld [tilespmem:s7+$0x8C70]  }
0x87f: {  	v12 =	vld [tilespmem:s7+$0x9000]  }
0x880: {  	v13 =	vld [tilespmem:s7+$0x9010]  }
0x881: {  	v14 =	vld [tilespmem:s7+$0x9020]  }
0x882: {  	v15 =	vld [tilespmem:s7+$0x9030]  }
0x883: {  	v16 =	vld [tilespmem:s7+$0x9040]  }
0x884: {  	v17 =	vld [tilespmem:s7+$0x9050]  }
0x885: {  	v3 =	vld [tilespmem:s7+$0x9060]  }
0x886: {  	[tilespmem:s7+$0xC00] =	vst.add.f32.msk $0xffff, v4  }
0x887: {  	[tilespmem:s7+$0xC10] =	vst.add.f32.msk $0xffff, v5  }
0x888: {  	[tilespmem:s7+$0xC20] =	vst.add.f32.msk $0xffff, v6  }
0x889: {  	[tilespmem:s7+$0xC30] =	vst.add.f32.msk $0xffff, v7  }
0x88a: {  	[tilespmem:s7+$0xC40] =	vst.add.f32.msk $0xffff, v8  }
0x88b: {  	[tilespmem:s7+$0xC50] =	vst.add.f32.msk $0xffff, v9  }
0x88c: {  	[tilespmem:s7+$0xC60] =	vst.add.f32.msk $0xffff, v10  }
0x88d: {  	[tilespmem:s7+$0xC70] =	vst.add.f32.msk $0xffff, v11  }
0x88e: {  	[tilespmem:s7+$0x1000] =	vst.add.f32.msk $0xffff, v12  }
.Ltmp11:
0x88f: {  	[tilespmem:s7+$0x1010] =	vst.add.f32.msk $0xffff, v13;
	(pc) =	sbr.rel @p0 .LBB2_24-.Ltmp11, $4  }
0x890: {  	[tilespmem:s7+$0x1020] =	vst.add.f32.msk $0xffff, v14  }
0x891: {  	[tilespmem:s7+$0x1030] =	vst.add.f32.msk $0xffff, v15  }
0x892: {  	s8 =	sadd.s32 $0x80, s8;
	[tilespmem:s7+$0x1040] =	vst.add.f32.msk $0xffff, v16  }
0x893: {  	s10 =	sand.u32 $0x3800, s9;
	s9 =	sadd.s32 $0x100, s9;
	s11 =	sand.u32 $0x380, s8;
	[tilespmem:s7+$0x1050] =	vst.add.f32.msk $0xffff, v17  }
0x894: {  	s8 =	sor.u32 s11, s10;
	[tilespmem:s7+$0x1060] =	vst.add.f32.msk $0xffff, v3  }
0x895: {  	v3 =	vld [tilespmem:s8+$0x9070]  }
0x896: {  	v4 =	vld [tilespmem:s8+$0x8C00]  }
0x897: {  	v5 =	vld [tilespmem:s8+$0x8C10]  }
0x898: {  	v6 =	vld [tilespmem:s8+$0x8C20]  }
0x899: {  	v7 =	vld [tilespmem:s8+$0x8C30]  }
0x89a: {  	v8 =	vld [tilespmem:s8+$0x8C50]  }
0x89b: {  	v9 =	vld [tilespmem:s8+$0x8C60]  }
0x89c: {  	v10 =	vld [tilespmem:s8+$0x8C70]  }
0x89d: {  	v11 =	vld [tilespmem:s8+$0x9000]  }
0x89e: {  	v12 =	vld [tilespmem:s8+$0x9010]  }
0x89f: {  	v13 =	vld [tilespmem:s8+$0x9020]  }
0x8a0: {  	v14 =	vld [tilespmem:s8+$0x9030]  }
0x8a1: {  	v15 =	vld [tilespmem:s8+$0x9040]  }
0x8a2: {  	v16 =	vld [tilespmem:s8+$0x9050]  }
0x8a3: {  	v17 =	vld [tilespmem:s8+$0x9060]  }
0x8a4: {  	[tilespmem:s8+$0x1070] =	vst.add.f32.msk $0xffff, v3  }
0x8a5: {  	v3 =	vld [tilespmem:s8+$0x8C40]  }
0x8a6: {  	[tilespmem:s8+$0xC00] =	vst.add.f32.msk $0xffff, v4  }
0x8a7: {  	[tilespmem:s8+$0xC10] =	vst.add.f32.msk $0xffff, v5  }
0x8a8: {  	[tilespmem:s8+$0xC20] =	vst.add.f32.msk $0xffff, v6  }
0x8a9: {  	[tilespmem:s8+$0xC30] =	vst.add.f32.msk $0xffff, v7  }
0x8aa: {  	[tilespmem:s8+$0xC50] =	vst.add.f32.msk $0xffff, v8  }
0x8ab: {  	[tilespmem:s8+$0xC60] =	vst.add.f32.msk $0xffff, v9  }
0x8ac: {  	[tilespmem:s8+$0xC70] =	vst.add.f32.msk $0xffff, v10  }
0x8ad: {  	[tilespmem:s8+$0x1000] =	vst.add.f32.msk $0xffff, v11  }
0x8ae: {  	[tilespmem:s8+$0x1010] =	vst.add.f32.msk $0xffff, v12  }
0x8af: {  	[tilespmem:s8+$0x1020] =	vst.add.f32.msk $0xffff, v13  }
0x8b0: {  	[tilespmem:s8+$0x1030] =	vst.add.f32.msk $0xffff, v14  }
0x8b1: {  	[tilespmem:s8+$0x1040] =	vst.add.f32.msk $0xffff, v15  }
0x8b2: {  	[tilespmem:s8+$0x1050] =	vst.add.f32.msk $0xffff, v16  }
0x8b3: {  	[tilespmem:s8+$0x1060] =	vst.add.f32.msk $0xffff, v17  }
0x8b4: {  	s7 =	simm.s32 $0x0;
	s10 =	rddreg [dreg:$0xe];
	[tilespmem:s8+$0xC40] =	vst.add.f32.msk $0xffff, v3  }
0x8b5: {  	[hbm4b:s10+s7] =	stream.linear.scatter [tilespmem:s24], [sflag:$0x5], $0x4000, $0x38;
	[tilespmem:$0x10C00] =	vst v63  }
0x8b6: {  	_ =	swait.ge [sflag:s31], $0x4000  }
0x8b7: {  	[sflag:s31] =	ssyncset.done $0x0  }
0x8b8: {  	[sflag:s31] =	ssyncadd.s32 $0xFFFFC000  }
0x8b9: {  	_ =	swait.ge [sflag:s1], $0x4000  }
0x8ba: {  	[sflag:s1] =	ssyncset.done $0x0  }
0x8bb: {  	[sflag:s1] =	ssyncadd.s32 $0xFFFFC000  }
0x8bc: {  	_ =	swait.ge [sflag:s0], $0x4000  }
0x8bd: {  	[sflag:s0] =	ssyncset.done $0x0  }
0x8be: {  	[sflag:s0] =	ssyncadd.s32 $0xFFFFC000  }
0x8bf: {  	v3 =	vld [tilespmem:$0x700];
	_ =	sdelay $0x4  }
0x8c0: {  	v4 =	vshll.u32 v3, $0x1  }
0x8c1: {  	v3 =	vand.u32 $0x7, v3;
	v4 =	vand.u32 $0xFFFFFFF0, v4  }
0x8c2: {  	v3 =	vor.u32 v3, v4  }
0x8c3: {  	v4 =	vperm.xlane v3, v0;
	_ =	sdelay $0x1  }
0x8c4: {  	v3 =	vperm.xlane v3, v2;
	v4 =	vadd.s32 v1, v4;
	_ =	sdelay $0x1  }
0x8c5: {  	v3 =	vadd.s32 v1, v3;
	_ =	sdelay $0x2  }
0x8c6: {  	[tilespmem:s24], [sflag:$0x1] =	stream.indirect_vreg.gather [hbm4b:s3+s7], $0x80, v4, vm0, $0xb8;
	[tilespmem:$0x10C00] =	vst v63  }
0x8c7: {  	s11 =	simm.s32 $0x1400  }
0x8c8: {  	[tilespmem:s11], [sflag:$0x1] =	stream.indirect_vreg.gather [hbm4b:s3+s7], $0x80, v3, vm0, $0xb8;
	[tilespmem:$0x10C00] =	vst v63  }
0x8c9: {  	v3 =	vld [tilespmem:$0x710];
	_ =	sdelay $0x4  }
0x8ca: {  	v4 =	vshll.u32 v3, $0x1  }
0x8cb: {  	v3 =	vand.u32 $0x7, v3;
	v4 =	vand.u32 $0xFFFFFFF0, v4  }
0x8cc: {  	v3 =	vor.u32 v3, v4  }
0x8cd: {  	v4 =	vperm.xlane v3, v0;
	_ =	sdelay $0x1  }
0x8ce: {  	v3 =	vperm.xlane v3, v2;
	v4 =	vadd.s32 v1, v4;
	_ =	sdelay $0x1  }
0x8cf: {  	v3 =	vadd.s32 v1, v3;
	_ =	sdelay $0x1  }
0x8d0: {  	s9 =	simm.s32 $0x1C00  }
0x8d1: {  	[tilespmem:s9], [sflag:$0x1] =	stream.indirect_vreg.gather [hbm4b:s3+s7], $0x80, v4, vm0, $0xb8;
	[tilespmem:$0x10C00] =	vst v63  }
0x8d2: {  	s10 =	simm.s32 $0x2400  }
0x8d3: {  	[tilespmem:s10], [sflag:$0x1] =	stream.indirect_vreg.gather [hbm4b:s3+s7], $0x80, v3, vm0, $0xb8;
	[tilespmem:$0x10C00] =	vst v63  }
0x8d4: {  	v3 =	vld [tilespmem:$0x720];
	_ =	sdelay $0x4  }
0x8d5: {  	v4 =	vshll.u32 v3, $0x1  }
0x8d6: {  	v3 =	vand.u32 $0x7, v3;
	v4 =	vand.u32 $0xFFFFFFF0, v4  }
0x8d7: {  	v3 =	vor.u32 v3, v4  }
0x8d8: {  	v4 =	vperm.xlane v3, v0;
	_ =	sdelay $0x1  }
0x8d9: {  	v3 =	vperm.xlane v3, v2;
	v4 =	vadd.s32 v1, v4;
	_ =	sdelay $0x1  }
0x8da: {  	v3 =	vadd.s32 v1, v3;
	_ =	sdelay $0x1  }
0x8db: {  	s11 =	simm.s32 $0x2C00  }
0x8dc: {  	[tilespmem:s11], [sflag:$0x1] =	stream.indirect_vreg.gather [hbm4b:s3+s7], $0x80, v4, vm0, $0xb8;
	[tilespmem:$0x10C00] =	vst v63  }
0x8dd: {  	s9 =	simm.s32 $0x3400  }
0x8de: {  	[tilespmem:s9], [sflag:$0x1] =	stream.indirect_vreg.gather [hbm4b:s3+s7], $0x80, v3, vm0, $0xb8;
	[tilespmem:$0x10C00] =	vst v63  }
0x8df: {  	v3 =	vld [tilespmem:$0x730];
	_ =	sdelay $0x4  }
0x8e0: {  	v4 =	vshll.u32 v3, $0x1  }
0x8e1: {  	v3 =	vand.u32 $0x7, v3;
	v4 =	vand.u32 $0xFFFFFFF0, v4  }
0x8e2: {  	v3 =	vor.u32 v3, v4  }
0x8e3: {  	v4 =	vperm.xlane v3, v0;
	_ =	sdelay $0x1  }
0x8e4: {  	v3 =	vperm.xlane v3, v2;
	v4 =	vadd.s32 v1, v4;
	_ =	sdelay $0x1  }
0x8e5: {  	v3 =	vadd.s32 v1, v3;
	_ =	sdelay $0x1  }
0x8e6: {  	s10 =	simm.s32 $0x3C00  }
0x8e7: {  	[tilespmem:s10], [sflag:$0x1] =	stream.indirect_vreg.gather [hbm4b:s3+s7], $0x80, v4, vm0, $0xb8;
	[tilespmem:$0x10C00] =	vst v63  }
0x8e8: {  	s11 =	simm.s32 $0x4400  }
0x8e9: {  	[tilespmem:s11], [sflag:$0x1] =	stream.indirect_vreg.gather [hbm4b:s3+s7], $0x80, v3, vm0, $0xb8;
	[tilespmem:$0x10C00] =	vst v63  }
0x8ea: {  	v3 =	vld [tilespmem:$0xB00];
	_ =	sdelay $0x4  }
0x8eb: {  	v4 =	vshll.u32 v3, $0x1  }
0x8ec: {  	v3 =	vand.u32 $0x7, v3;
	v4 =	vand.u32 $0xFFFFFFF0, v4  }
0x8ed: {  	v3 =	vor.u32 v3, v4  }
0x8ee: {  	v4 =	vperm.xlane v3, v0;
	_ =	sdelay $0x1  }
0x8ef: {  	v3 =	vperm.xlane v3, v2;
	v4 =	vadd.s32 v1, v4;
	_ =	sdelay $0x1  }
0x8f0: {  	v3 =	vadd.s32 v1, v3;
	_ =	sdelay $0x1  }
0x8f1: {  	s9 =	simm.s32 $0x8C00  }
0x8f2: {  	[tilespmem:s9], [sflag:$0x3] =	stream.indirect_vreg.gather [hbm4b:s4+s7], $0x80, v4, vm0, $0xb8;
	[tilespmem:$0x10C00] =	vst v63  }
0x8f3: {  	s10 =	simm.s32 $0x9400  }
0x8f4: {  	[tilespmem:s10], [sflag:$0x3] =	stream.indirect_vreg.gather [hbm4b:s4+s7], $0x80, v3, vm0, $0xb8;
	[tilespmem:$0x10C00] =	vst v63  }
0x8f5: {  	v3 =	vld [tilespmem:$0xB10];
	_ =	sdelay $0x4  }
0x8f6: {  	v4 =	vshll.u32 v3, $0x1  }
0x8f7: {  	v3 =	vand.u32 $0x7, v3;
	v4 =	vand.u32 $0xFFFFFFF0, v4  }
0x8f8: {  	v3 =	vor.u32 v3, v4  }
0x8f9: {  	v4 =	vperm.xlane v3, v0;
	_ =	sdelay $0x1  }
0x8fa: {  	v3 =	vperm.xlane v3, v2;
	v4 =	vadd.s32 v1, v4;
	_ =	sdelay $0x1  }
0x8fb: {  	v3 =	vadd.s32 v1, v3;
	_ =	sdelay $0x1  }
0x8fc: {  	s11 =	simm.s32 $0x9C00  }
0x8fd: {  	[tilespmem:s11], [sflag:$0x3] =	stream.indirect_vreg.gather [hbm4b:s4+s7], $0x80, v4, vm0, $0xb8;
	[tilespmem:$0x10C00] =	vst v63  }
0x8fe: {  	s9 =	simm.s32 $0xA400  }
0x8ff: {  	[tilespmem:s9], [sflag:$0x3] =	stream.indirect_vreg.gather [hbm4b:s4+s7], $0x80, v3, vm0, $0xb8;
	[tilespmem:$0x10C00] =	vst v63  }
0x900: {  	v3 =	vld [tilespmem:$0xB20];
	_ =	sdelay $0x4  }
0x901: {  	v4 =	vshll.u32 v3, $0x1  }
0x902: {  	v3 =	vand.u32 $0x7, v3;
	v4 =	vand.u32 $0xFFFFFFF0, v4  }
0x903: {  	v3 =	vor.u32 v3, v4  }
0x904: {  	v4 =	vperm.xlane v3, v0;
	_ =	sdelay $0x1  }
0x905: {  	v3 =	vperm.xlane v3, v2;
	v4 =	vadd.s32 v1, v4;
	_ =	sdelay $0x1  }
0x906: {  	v3 =	vadd.s32 v1, v3;
	_ =	sdelay $0x1  }
0x907: {  	s10 =	simm.s32 $0xAC00  }
0x908: {  	[tilespmem:s10], [sflag:$0x3] =	stream.indirect_vreg.gather [hbm4b:s4+s7], $0x80, v4, vm0, $0xb8;
	[tilespmem:$0x10C00] =	vst v63  }
0x909: {  	s11 =	simm.s32 $0xB400  }
0x90a: {  	[tilespmem:s11], [sflag:$0x3] =	stream.indirect_vreg.gather [hbm4b:s4+s7], $0x80, v3, vm0, $0xb8;
	[tilespmem:$0x10C00] =	vst v63  }
0x90b: {  	v3 =	vld [tilespmem:$0xB30];
	_ =	sdelay $0x4  }
0x90c: {  	v4 =	vshll.u32 v3, $0x1  }
0x90d: {  	v3 =	vand.u32 $0x7, v3;
	v4 =	vand.u32 $0xFFFFFFF0, v4  }
0x90e: {  	v3 =	vor.u32 v3, v4  }
0x90f: {  	v4 =	vperm.xlane v3, v0;
	_ =	sdelay $0x1  }
0x910: {  	v3 =	vperm.xlane v3, v2;
	v4 =	vadd.s32 v1, v4;
	_ =	sdelay $0x1  }
0x911: {  	v3 =	vadd.s32 v1, v3;
	_ =	sdelay $0x1  }
0x912: {  	s9 =	simm.s32 $0xBC00  }
0x913: {  	[tilespmem:s9], [sflag:$0x3] =	stream.indirect_vreg.gather [hbm4b:s4+s7], $0x80, v4, vm0, $0xb8;
	[tilespmem:$0x10C00] =	vst v63  }
0x914: {  	s10 =	simm.s32 $0xC400  }
0x915: {  	[tilespmem:s10], [sflag:$0x3] =	stream.indirect_vreg.gather [hbm4b:s4+s7], $0x80, v3, vm0, $0xb8;
	[tilespmem:$0x10C00] =	vst v63  }
0x916: {  	s11 =	sand.u32 $0x3800, s7;
	s7 =	sand.u32 $0x380, s7  }
0x917: {  	s7 =	sor.u32 s7, s11  }
0x918: {  	v3 =	vld [tilespmem:s7+$0xD070]  }
0x919: {  	v4 =	vld [tilespmem:s7+$0xCC00]  }
0x91a: {  	v5 =	vld [tilespmem:s7+$0xCC10]  }
0x91b: {  	v52 =	vld [tilespmem:s7+$0xCC20]  }
0x91c: {  	v53 =	vld [tilespmem:s7+$0xCC30]  }
0x91d: {  	v54 =	vld [tilespmem:s7+$0xCC40]  }
0x91e: {  	v55 =	vld [tilespmem:s7+$0xCC50]  }
0x91f: {  	v56 =	vld [tilespmem:s7+$0xCC60]  }
0x920: {  	v57 =	vld [tilespmem:s7+$0xCC70]  }
0x921: {  	v58 =	vld [tilespmem:s7+$0xD000]  }
0x922: {  	v59 =	vld [tilespmem:s7+$0xD010]  }
0x923: {  	v60 =	vld [tilespmem:s7+$0xD020]  }
0x924: {  	v61 =	vld [tilespmem:s7+$0xD030]  }
0x925: {  	v62 =	vld [tilespmem:s7+$0xD040]  }
0x926: {  	v63 =	vld [tilespmem:s7+$0xD050]  }
0x927: {  	[tilespmem:s7+$0x5070] =	vst.add.f32.msk $0xffff, v3  }
0x928: {  	v3 =	vld [tilespmem:s7+$0xD060]  }
0x929: {  	[tilespmem:s7+$0x4C00] =	vst.add.f32.msk $0xffff, v4  }
0x92a: {  	[tilespmem:s7+$0x4C10] =	vst.add.f32.msk $0xffff, v5  }
0x92b: {  	[tilespmem:s7+$0x4C20] =	vst.add.f32.msk $0xffff, v52  }
0x92c: {  	[tilespmem:s7+$0x4C30] =	vst.add.f32.msk $0xffff, v53  }
0x92d: {  	[tilespmem:s7+$0x4C40] =	vst.add.f32.msk $0xffff, v54  }
0x92e: {  	[tilespmem:s7+$0x4C50] =	vst.add.f32.msk $0xffff, v55  }
0x92f: {  	[tilespmem:s7+$0x4C60] =	vst.add.f32.msk $0xffff, v56  }
0x930: {  	[tilespmem:s7+$0x4C70] =	vst.add.f32.msk $0xffff, v57  }
0x931: {  	[tilespmem:s7+$0x5000] =	vst.add.f32.msk $0xffff, v58  }
0x932: {  	[tilespmem:s7+$0x5010] =	vst.add.f32.msk $0xffff, v59  }
0x933: {  	[tilespmem:s7+$0x5020] =	vst.add.f32.msk $0xffff, v60  }
0x934: {  	[tilespmem:s7+$0x5030] =	vst.add.f32.msk $0xffff, v61  }
0x935: {  	s8 =	simm.s32 $0x80;
	s9 =	simm.s32 $0x100;
	[tilespmem:s7+$0x5040] =	vst.add.f32.msk $0xffff, v62  }
0x936: {  	s10 =	sand.u32 $0x3800, s9;
	s9 =	simm.s32 $0x200;
	s11 =	sand.u32 $0x380, s8;
	[tilespmem:s7+$0x5050] =	vst.add.f32.msk $0xffff, v63  }
.LBB2_26:
0x937: {  	p0 =	sne.s32 s9, $0x3F00;
	[tilespmem:s7+$0x5060] =	vst.add.f32.msk $0xffff, v3;
	s7 =	sor.u32 s11, s10  }
0x938: {  	v3 =	vld [tilespmem:s7+$0xD070]  }
0x939: {  	v4 =	vld [tilespmem:s7+$0xCC00]  }
0x93a: {  	v5 =	vld [tilespmem:s7+$0xCC10]  }
0x93b: {  	v6 =	vld [tilespmem:s7+$0xCC20]  }
0x93c: {  	v7 =	vld [tilespmem:s7+$0xCC30]  }
0x93d: {  	[tilespmem:s7+$0x5070] =	vst.add.f32.msk $0xffff, v3  }
0x93e: {  	v8 =	vld [tilespmem:s7+$0xCC40]  }
0x93f: {  	v9 =	vld [tilespmem:s7+$0xCC50]  }
0x940: {  	v10 =	vld [tilespmem:s7+$0xCC60]  }
0x941: {  	v11 =	vld [tilespmem:s7+$0xCC70]  }
0x942: {  	v12 =	vld [tilespmem:s7+$0xD000]  }
0x943: {  	v13 =	vld [tilespmem:s7+$0xD010]  }
0x944: {  	v14 =	vld [tilespmem:s7+$0xD020]  }
0x945: {  	v15 =	vld [tilespmem:s7+$0xD030]  }
0x946: {  	v16 =	vld [tilespmem:s7+$0xD040]  }
0x947: {  	v17 =	vld [tilespmem:s7+$0xD050]  }
0x948: {  	v3 =	vld [tilespmem:s7+$0xD060]  }
0x949: {  	[tilespmem:s7+$0x4C00] =	vst.add.f32.msk $0xffff, v4  }
0x94a: {  	[tilespmem:s7+$0x4C10] =	vst.add.f32.msk $0xffff, v5  }
0x94b: {  	[tilespmem:s7+$0x4C20] =	vst.add.f32.msk $0xffff, v6  }
0x94c: {  	[tilespmem:s7+$0x4C30] =	vst.add.f32.msk $0xffff, v7  }
0x94d: {  	[tilespmem:s7+$0x4C40] =	vst.add.f32.msk $0xffff, v8  }
0x94e: {  	[tilespmem:s7+$0x4C50] =	vst.add.f32.msk $0xffff, v9  }
0x94f: {  	[tilespmem:s7+$0x4C60] =	vst.add.f32.msk $0xffff, v10  }
0x950: {  	[tilespmem:s7+$0x4C70] =	vst.add.f32.msk $0xffff, v11  }
0x951: {  	[tilespmem:s7+$0x5000] =	vst.add.f32.msk $0xffff, v12  }
.Ltmp12:
0x952: {  	[tilespmem:s7+$0x5010] =	vst.add.f32.msk $0xffff, v13;
	(pc) =	sbr.rel @p0 .LBB2_26-.Ltmp12, $4  }
0x953: {  	[tilespmem:s7+$0x5020] =	vst.add.f32.msk $0xffff, v14  }
0x954: {  	[tilespmem:s7+$0x5030] =	vst.add.f32.msk $0xffff, v15  }
0x955: {  	s8 =	sadd.s32 $0x80, s8;
	[tilespmem:s7+$0x5040] =	vst.add.f32.msk $0xffff, v16  }
0x956: {  	s10 =	sand.u32 $0x3800, s9;
	s9 =	sadd.s32 $0x100, s9;
	s11 =	sand.u32 $0x380, s8;
	[tilespmem:s7+$0x5050] =	vst.add.f32.msk $0xffff, v17  }
0x957: {  	s8 =	sor.u32 s11, s10;
	[tilespmem:s7+$0x5060] =	vst.add.f32.msk $0xffff, v3  }
0x958: {  	v3 =	vld [tilespmem:s8+$0xD070]  }
0x959: {  	v4 =	vld [tilespmem:s8+$0xCC00]  }
0x95a: {  	v5 =	vld [tilespmem:s8+$0xCC10]  }
0x95b: {  	v6 =	vld [tilespmem:s8+$0xCC20]  }
0x95c: {  	v7 =	vld [tilespmem:s8+$0xCC30]  }
0x95d: {  	v8 =	vld [tilespmem:s8+$0xCC50]  }
0x95e: {  	v9 =	vld [tilespmem:s8+$0xCC60]  }
0x95f: {  	v10 =	vld [tilespmem:s8+$0xCC70]  }
0x960: {  	v11 =	vld [tilespmem:s8+$0xD000]  }
0x961: {  	v12 =	vld [tilespmem:s8+$0xD010]  }
0x962: {  	v13 =	vld [tilespmem:s8+$0xD020]  }
0x963: {  	v14 =	vld [tilespmem:s8+$0xD030]  }
0x964: {  	v15 =	vld [tilespmem:s8+$0xD040]  }
0x965: {  	v16 =	vld [tilespmem:s8+$0xD050]  }
0x966: {  	v17 =	vld [tilespmem:s8+$0xD060]  }
0x967: {  	[tilespmem:s8+$0x5070] =	vst.add.f32.msk $0xffff, v3  }
0x968: {  	v3 =	vld [tilespmem:s8+$0xCC40]  }
0x969: {  	[tilespmem:s8+$0x4C00] =	vst.add.f32.msk $0xffff, v4  }
0x96a: {  	[tilespmem:s8+$0x4C10] =	vst.add.f32.msk $0xffff, v5  }
0x96b: {  	[tilespmem:s8+$0x4C20] =	vst.add.f32.msk $0xffff, v6  }
0x96c: {  	[tilespmem:s8+$0x4C30] =	vst.add.f32.msk $0xffff, v7  }
0x96d: {  	[tilespmem:s8+$0x4C50] =	vst.add.f32.msk $0xffff, v8  }
0x96e: {  	[tilespmem:s8+$0x4C60] =	vst.add.f32.msk $0xffff, v9  }
0x96f: {  	[tilespmem:s8+$0x4C70] =	vst.add.f32.msk $0xffff, v10  }
0x970: {  	[tilespmem:s8+$0x5000] =	vst.add.f32.msk $0xffff, v11  }
0x971: {  	[tilespmem:s8+$0x5010] =	vst.add.f32.msk $0xffff, v12  }
0x972: {  	[tilespmem:s8+$0x5020] =	vst.add.f32.msk $0xffff, v13  }
0x973: {  	[tilespmem:s8+$0x5030] =	vst.add.f32.msk $0xffff, v14  }
0x974: {  	[tilespmem:s8+$0x5040] =	vst.add.f32.msk $0xffff, v15  }
0x975: {  	[tilespmem:s8+$0x5050] =	vst.add.f32.msk $0xffff, v16  }
0x976: {  	[tilespmem:s8+$0x5060] =	vst.add.f32.msk $0xffff, v17  }
0x977: {  	s9 =	simm.s32 $0x0;
	s10 =	rddreg [dreg:$0xf];
	[tilespmem:s8+$0x4C40] =	vst.add.f32.msk $0xffff, v3  }
0x978: {  	[hbm4b:s10+s9] =	stream.linear.scatter [tilespmem:s14], [sflag:$0x6], $0x4000, $0x38;
	[tilespmem:$0x10C00] =	vst v63  }
0x979: {  	_ =	swait.ge [sflag:s12], $0x4000  }
0x97a: {  	[sflag:s12] =	ssyncset.done $0x0  }
0x97b: {  	[sflag:s12] =	ssyncadd.s32 $0xFFFFC000  }
0x97c: {  	_ =	swait.ge [sflag:s13], $0x4000  }
0x97d: {  	[sflag:s13] =	ssyncset.done $0x0  }
0x97e: {  	[sflag:s13] =	ssyncadd.s32 $0xFFFFC000  }
0x97f: {  	_ =	swait.ge [sflag:s2], $0x4000  }
0x980: {  	[sflag:s2] =	ssyncset.done $0x0  }
0x981: {  	[sflag:s2] =	ssyncadd.s32 $0xFFFFC000  }
0x982: {  	v3 =	vld [tilespmem:$0x740];
	_ =	sdelay $0x4  }
0x983: {  	v4 =	vshll.u32 v3, $0x1  }
0x984: {  	v3 =	vand.u32 $0x7, v3;
	v4 =	vand.u32 $0xFFFFFFF0, v4  }
0x985: {  	v3 =	vor.u32 v3, v4  }
0x986: {  	v4 =	vperm.xlane v3, v0;
	_ =	sdelay $0x1  }
0x987: {  	v3 =	vperm.xlane v3, v2;
	v4 =	vadd.s32 v1, v4;
	_ =	sdelay $0x1  }
0x988: {  	v3 =	vadd.s32 v1, v3;
	_ =	sdelay $0x2  }
0x989: {  	[tilespmem:s14], [sflag:$0x2] =	stream.indirect_vreg.gather [hbm4b:s3+s9], $0x80, v4, vm0, $0xb8;
	[tilespmem:$0x10C00] =	vst v63  }
0x98a: {  	_ = 	snop  }
0x98b: {  	[tilespmem:s15], [sflag:$0x2] =	stream.indirect_vreg.gather [hbm4b:s3+s9], $0x80, v3, vm0, $0xb8;
	[tilespmem:$0x10C00] =	vst v63  }
0x98c: {  	v3 =	vld [tilespmem:$0x750];
	_ =	sdelay $0x4  }
0x98d: {  	v4 =	vshll.u32 v3, $0x1  }
0x98e: {  	v3 =	vand.u32 $0x7, v3;
	v4 =	vand.u32 $0xFFFFFFF0, v4  }
0x98f: {  	v3 =	vor.u32 v3, v4  }
0x990: {  	v4 =	vperm.xlane v3, v0;
	_ =	sdelay $0x1  }
0x991: {  	v3 =	vperm.xlane v3, v2;
	v4 =	vadd.s32 v1, v4;
	_ =	sdelay $0x1  }
0x992: {  	v3 =	vadd.s32 v1, v3;
	_ =	sdelay $0x2  }
0x993: {  	[tilespmem:s16], [sflag:$0x2] =	stream.indirect_vreg.gather [hbm4b:s3+s9], $0x80, v4, vm0, $0xb8;
	[tilespmem:$0x10C00] =	vst v63  }
0x994: {  	_ = 	snop  }
0x995: {  	[tilespmem:s17], [sflag:$0x2] =	stream.indirect_vreg.gather [hbm4b:s3+s9], $0x80, v3, vm0, $0xb8;
	[tilespmem:$0x10C00] =	vst v63  }
0x996: {  	v3 =	vld [tilespmem:$0x760];
	_ =	sdelay $0x4  }
0x997: {  	v4 =	vshll.u32 v3, $0x1  }
0x998: {  	v3 =	vand.u32 $0x7, v3;
	v4 =	vand.u32 $0xFFFFFFF0, v4  }
0x999: {  	v3 =	vor.u32 v3, v4  }
0x99a: {  	v4 =	vperm.xlane v3, v0;
	_ =	sdelay $0x1  }
0x99b: {  	v3 =	vperm.xlane v3, v2;
	v4 =	vadd.s32 v1, v4;
	_ =	sdelay $0x1  }
0x99c: {  	v3 =	vadd.s32 v1, v3;
	_ =	sdelay $0x2  }
0x99d: {  	[tilespmem:s18], [sflag:$0x2] =	stream.indirect_vreg.gather [hbm4b:s3+s9], $0x80, v4, vm0, $0xb8;
	[tilespmem:$0x10C00] =	vst v63  }
0x99e: {  	_ = 	snop  }
0x99f: {  	[tilespmem:s19], [sflag:$0x2] =	stream.indirect_vreg.gather [hbm4b:s3+s9], $0x80, v3, vm0, $0xb8;
	[tilespmem:$0x10C00] =	vst v63  }
0x9a0: {  	v3 =	vld [tilespmem:$0x770];
	_ =	sdelay $0x4  }
0x9a1: {  	v4 =	vshll.u32 v3, $0x1  }
0x9a2: {  	v3 =	vand.u32 $0x7, v3;
	v4 =	vand.u32 $0xFFFFFFF0, v4  }
0x9a3: {  	v3 =	vor.u32 v3, v4  }
0x9a4: {  	v4 =	vperm.xlane v3, v0;
	_ =	sdelay $0x1  }
0x9a5: {  	v3 =	vperm.xlane v3, v2;
	v4 =	vadd.s32 v1, v4;
	_ =	sdelay $0x1  }
0x9a6: {  	v3 =	vadd.s32 v1, v3;
	_ =	sdelay $0x2  }
0x9a7: {  	[tilespmem:s20], [sflag:$0x2] =	stream.indirect_vreg.gather [hbm4b:s3+s9], $0x80, v4, vm0, $0xb8;
	[tilespmem:$0x10C00] =	vst v63  }
0x9a8: {  	_ = 	snop  }
0x9a9: {  	[tilespmem:s21], [sflag:$0x2] =	stream.indirect_vreg.gather [hbm4b:s3+s9], $0x80, v3, vm0, $0xb8;
	[tilespmem:$0x10C00] =	vst v63  }
0x9aa: {  	v3 =	vld [tilespmem:$0xB40];
	_ =	sdelay $0x4  }
0x9ab: {  	v4 =	vshll.u32 v3, $0x1  }
0x9ac: {  	v3 =	vand.u32 $0x7, v3;
	v4 =	vand.u32 $0xFFFFFFF0, v4  }
0x9ad: {  	v3 =	vor.u32 v3, v4  }
0x9ae: {  	v4 =	vperm.xlane v3, v0;
	_ =	sdelay $0x1  }
0x9af: {  	v3 =	vperm.xlane v3, v2;
	v4 =	vadd.s32 v1, v4;
	_ =	sdelay $0x1  }
0x9b0: {  	v3 =	vadd.s32 v1, v3;
	_ =	sdelay $0x2  }
0x9b1: {  	[tilespmem:s22], [sflag:$0x4] =	stream.indirect_vreg.gather [hbm4b:s4+s9], $0x80, v4, vm0, $0xb8;
	[tilespmem:$0x10C00] =	vst v63  }
0x9b2: {  	_ = 	snop  }
0x9b3: {  	[tilespmem:s5], [sflag:$0x4] =	stream.indirect_vreg.gather [hbm4b:s4+s9], $0x80, v3, vm0, $0xb8;
	[tilespmem:$0x10C00] =	vst v63  }
0x9b4: {  	v3 =	vld [tilespmem:$0xB50];
	_ =	sdelay $0x4  }
0x9b5: {  	v4 =	vshll.u32 v3, $0x1  }
0x9b6: {  	v3 =	vand.u32 $0x7, v3;
	v4 =	vand.u32 $0xFFFFFFF0, v4  }
0x9b7: {  	v3 =	vor.u32 v3, v4  }
0x9b8: {  	v4 =	vperm.xlane v3, v0;
	_ =	sdelay $0x1  }
0x9b9: {  	v3 =	vperm.xlane v3, v2;
	v4 =	vadd.s32 v1, v4;
	_ =	sdelay $0x1  }
0x9ba: {  	v3 =	vadd.s32 v1, v3;
	_ =	sdelay $0x2  }
0x9bb: {  	[tilespmem:s23], [sflag:$0x4] =	stream.indirect_vreg.gather [hbm4b:s4+s9], $0x80, v4, vm0, $0xb8;
	[tilespmem:$0x10C00] =	vst v63  }
0x9bc: {  	_ = 	snop  }
0x9bd: {  	[tilespmem:s25], [sflag:$0x4] =	stream.indirect_vreg.gather [hbm4b:s4+s9], $0x80, v3, vm0, $0xb8;
	[tilespmem:$0x10C00] =	vst v63  }
0x9be: {  	v3 =	vld [tilespmem:$0xB60];
	_ =	sdelay $0x4  }
0x9bf: {  	v4 =	vshll.u32 v3, $0x1  }
0x9c0: {  	v3 =	vand.u32 $0x7, v3;
	v4 =	vand.u32 $0xFFFFFFF0, v4  }
0x9c1: {  	v3 =	vor.u32 v3, v4  }
0x9c2: {  	v4 =	vperm.xlane v3, v0;
	_ =	sdelay $0x1  }
0x9c3: {  	v3 =	vperm.xlane v3, v2;
	v4 =	vadd.s32 v1, v4;
	_ =	sdelay $0x1  }
0x9c4: {  	v3 =	vadd.s32 v1, v3;
	_ =	sdelay $0x2  }
0x9c5: {  	[tilespmem:s26], [sflag:$0x4] =	stream.indirect_vreg.gather [hbm4b:s4+s9], $0x80, v4, vm0, $0xb8;
	[tilespmem:$0x10C00] =	vst v63  }
0x9c6: {  	_ = 	snop  }
0x9c7: {  	[tilespmem:s28], [sflag:$0x4] =	stream.indirect_vreg.gather [hbm4b:s4+s9], $0x80, v3, vm0, $0xb8;
	[tilespmem:$0x10C00] =	vst v63  }
0x9c8: {  	v3 =	vld [tilespmem:$0xB70];
	_ =	sdelay $0x4  }
0x9c9: {  	v4 =	vshll.u32 v3, $0x1  }
0x9ca: {  	v3 =	vand.u32 $0x7, v3;
	v4 =	vand.u32 $0xFFFFFFF0, v4  }
0x9cb: {  	v3 =	vor.u32 v3, v4  }
0x9cc: {  	v4 =	vperm.xlane v3, v0;
	_ =	sdelay $0x1  }
0x9cd: {  	v3 =	vperm.xlane v3, v2;
	v4 =	vadd.s32 v1, v4;
	_ =	sdelay $0x1  }
0x9ce: {  	v3 =	vadd.s32 v1, v3;
	_ =	sdelay $0x1  }
0x9cf: {  	s11 =	sand.u32 $0x3800, s9;
	s7 =	sand.u32 $0x380, s9  }
0x9d0: {  	[tilespmem:s29], [sflag:$0x4] =	stream.indirect_vreg.gather [hbm4b:s4+s9], $0x80, v4, vm0, $0xb8;
	[tilespmem:$0x10C00] =	vst v63  }
0x9d1: {  	s7 =	sor.u32 s7, s11  }
0x9d2: {  	[tilespmem:s30], [sflag:$0x4] =	stream.indirect_vreg.gather [hbm4b:s4+s9], $0x80, v3, vm0, $0xb8;
	[tilespmem:$0x10C00] =	vst v63  }
0x9d3: {  	v3 =	vld [tilespmem:s7+$0x9070]  }
0x9d4: {  	v4 =	vld [tilespmem:s7+$0x8C00]  }
0x9d5: {  	v5 =	vld [tilespmem:s7+$0x8C10]  }
0x9d6: {  	v52 =	vld [tilespmem:s7+$0x8C20]  }
0x9d7: {  	v53 =	vld [tilespmem:s7+$0x8C30]  }
0x9d8: {  	v54 =	vld [tilespmem:s7+$0x8C40]  }
0x9d9: {  	v55 =	vld [tilespmem:s7+$0x8C50]  }
0x9da: {  	v56 =	vld [tilespmem:s7+$0x8C60]  }
0x9db: {  	v57 =	vld [tilespmem:s7+$0x8C70]  }
0x9dc: {  	v58 =	vld [tilespmem:s7+$0x9000]  }
0x9dd: {  	v59 =	vld [tilespmem:s7+$0x9010]  }
0x9de: {  	v60 =	vld [tilespmem:s7+$0x9020]  }
0x9df: {  	v61 =	vld [tilespmem:s7+$0x9030]  }
0x9e0: {  	v62 =	vld [tilespmem:s7+$0x9040]  }
0x9e1: {  	v63 =	vld [tilespmem:s7+$0x9050]  }
0x9e2: {  	[tilespmem:s7+$0x1070] =	vst.add.f32.msk $0xffff, v3  }
0x9e3: {  	v3 =	vld [tilespmem:s7+$0x9060]  }
0x9e4: {  	[tilespmem:s7+$0xC00] =	vst.add.f32.msk $0xffff, v4  }
0x9e5: {  	[tilespmem:s7+$0xC10] =	vst.add.f32.msk $0xffff, v5  }
0x9e6: {  	[tilespmem:s7+$0xC20] =	vst.add.f32.msk $0xffff, v52  }
0x9e7: {  	[tilespmem:s7+$0xC30] =	vst.add.f32.msk $0xffff, v53  }
0x9e8: {  	[tilespmem:s7+$0xC40] =	vst.add.f32.msk $0xffff, v54  }
0x9e9: {  	[tilespmem:s7+$0xC50] =	vst.add.f32.msk $0xffff, v55  }
0x9ea: {  	[tilespmem:s7+$0xC60] =	vst.add.f32.msk $0xffff, v56  }
0x9eb: {  	[tilespmem:s7+$0xC70] =	vst.add.f32.msk $0xffff, v57  }
0x9ec: {  	[tilespmem:s7+$0x1000] =	vst.add.f32.msk $0xffff, v58  }
0x9ed: {  	[tilespmem:s7+$0x1010] =	vst.add.f32.msk $0xffff, v59  }
0x9ee: {  	[tilespmem:s7+$0x1020] =	vst.add.f32.msk $0xffff, v60  }
0x9ef: {  	[tilespmem:s7+$0x1030] =	vst.add.f32.msk $0xffff, v61  }
0x9f0: {  	s8 =	simm.s32 $0x80;
	s9 =	simm.s32 $0x100;
	[tilespmem:s7+$0x1040] =	vst.add.f32.msk $0xffff, v62  }
0x9f1: {  	s11 =	sand.u32 $0x380, s8;
	s10 =	sand.u32 $0x3800, s9;
	s9 =	simm.s32 $0x200;
	[tilespmem:s7+$0x1050] =	vst.add.f32.msk $0xffff, v63  }
.LBB2_28:
0x9f2: {  	p0 =	sne.s32 s9, $0x3F00;
	[tilespmem:s7+$0x1060] =	vst.add.f32.msk $0xffff, v3;
	s7 =	sor.u32 s11, s10  }
0x9f3: {  	v3 =	vld [tilespmem:s7+$0x9070]  }
0x9f4: {  	v4 =	vld [tilespmem:s7+$0x8C00]  }
0x9f5: {  	v5 =	vld [tilespmem:s7+$0x8C10]  }
0x9f6: {  	v6 =	vld [tilespmem:s7+$0x8C20]  }
0x9f7: {  	v7 =	vld [tilespmem:s7+$0x8C30]  }
0x9f8: {  	[tilespmem:s7+$0x1070] =	vst.add.f32.msk $0xffff, v3  }
0x9f9: {  	v8 =	vld [tilespmem:s7+$0x8C40]  }
0x9fa: {  	v9 =	vld [tilespmem:s7+$0x8C50]  }
0x9fb: {  	v10 =	vld [tilespmem:s7+$0x8C60]  }
0x9fc: {  	v11 =	vld [tilespmem:s7+$0x8C70]  }
0x9fd: {  	v12 =	vld [tilespmem:s7+$0x9000]  }
0x9fe: {  	v13 =	vld [tilespmem:s7+$0x9010]  }
0x9ff: {  	v14 =	vld [tilespmem:s7+$0x9020]  }
0xa00: {  	v15 =	vld [tilespmem:s7+$0x9030]  }
0xa01: {  	v16 =	vld [tilespmem:s7+$0x9040]  }
0xa02: {  	v17 =	vld [tilespmem:s7+$0x9050]  }
0xa03: {  	v3 =	vld [tilespmem:s7+$0x9060]  }
0xa04: {  	[tilespmem:s7+$0xC00] =	vst.add.f32.msk $0xffff, v4  }
0xa05: {  	[tilespmem:s7+$0xC10] =	vst.add.f32.msk $0xffff, v5  }
0xa06: {  	[tilespmem:s7+$0xC20] =	vst.add.f32.msk $0xffff, v6  }
0xa07: {  	[tilespmem:s7+$0xC30] =	vst.add.f32.msk $0xffff, v7  }
0xa08: {  	[tilespmem:s7+$0xC40] =	vst.add.f32.msk $0xffff, v8  }
0xa09: {  	[tilespmem:s7+$0xC50] =	vst.add.f32.msk $0xffff, v9  }
0xa0a: {  	[tilespmem:s7+$0xC60] =	vst.add.f32.msk $0xffff, v10  }
0xa0b: {  	[tilespmem:s7+$0xC70] =	vst.add.f32.msk $0xffff, v11  }
0xa0c: {  	[tilespmem:s7+$0x1000] =	vst.add.f32.msk $0xffff, v12  }
.Ltmp13:
0xa0d: {  	[tilespmem:s7+$0x1010] =	vst.add.f32.msk $0xffff, v13;
	(pc) =	sbr.rel @p0 .LBB2_28-.Ltmp13, $4  }
0xa0e: {  	[tilespmem:s7+$0x1020] =	vst.add.f32.msk $0xffff, v14  }
0xa0f: {  	[tilespmem:s7+$0x1030] =	vst.add.f32.msk $0xffff, v15  }
0xa10: {  	s8 =	sadd.s32 $0x80, s8;
	[tilespmem:s7+$0x1040] =	vst.add.f32.msk $0xffff, v16  }
0xa11: {  	s10 =	sand.u32 $0x3800, s9;
	s9 =	sadd.s32 $0x100, s9;
	s11 =	sand.u32 $0x380, s8;
	[tilespmem:s7+$0x1050] =	vst.add.f32.msk $0xffff, v17  }
0xa12: {  	s8 =	sor.u32 s11, s10;
	[tilespmem:s7+$0x1060] =	vst.add.f32.msk $0xffff, v3  }
0xa13: {  	v3 =	vld [tilespmem:s8+$0x9070]  }
0xa14: {  	v4 =	vld [tilespmem:s8+$0x8C00]  }
0xa15: {  	v5 =	vld [tilespmem:s8+$0x8C10]  }
0xa16: {  	v6 =	vld [tilespmem:s8+$0x8C20]  }
0xa17: {  	v7 =	vld [tilespmem:s8+$0x8C30]  }
0xa18: {  	v8 =	vld [tilespmem:s8+$0x8C50]  }
0xa19: {  	v9 =	vld [tilespmem:s8+$0x8C60]  }
0xa1a: {  	v10 =	vld [tilespmem:s8+$0x8C70]  }
0xa1b: {  	v11 =	vld [tilespmem:s8+$0x9000]  }
0xa1c: {  	v12 =	vld [tilespmem:s8+$0x9010]  }
0xa1d: {  	v13 =	vld [tilespmem:s8+$0x9020]  }
0xa1e: {  	v14 =	vld [tilespmem:s8+$0x9030]  }
0xa1f: {  	v15 =	vld [tilespmem:s8+$0x9040]  }
0xa20: {  	v16 =	vld [tilespmem:s8+$0x9050]  }
0xa21: {  	v17 =	vld [tilespmem:s8+$0x9060]  }
0xa22: {  	[tilespmem:s8+$0x1070] =	vst.add.f32.msk $0xffff, v3  }
0xa23: {  	v3 =	vld [tilespmem:s8+$0x8C40]  }
0xa24: {  	[tilespmem:s8+$0xC00] =	vst.add.f32.msk $0xffff, v4  }
0xa25: {  	[tilespmem:s8+$0xC10] =	vst.add.f32.msk $0xffff, v5  }
0xa26: {  	[tilespmem:s8+$0xC20] =	vst.add.f32.msk $0xffff, v6  }
0xa27: {  	[tilespmem:s8+$0xC30] =	vst.add.f32.msk $0xffff, v7  }
0xa28: {  	[tilespmem:s8+$0xC50] =	vst.add.f32.msk $0xffff, v8  }
0xa29: {  	[tilespmem:s8+$0xC60] =	vst.add.f32.msk $0xffff, v9  }
0xa2a: {  	[tilespmem:s8+$0xC70] =	vst.add.f32.msk $0xffff, v10  }
0xa2b: {  	[tilespmem:s8+$0x1000] =	vst.add.f32.msk $0xffff, v11  }
0xa2c: {  	[tilespmem:s8+$0x1010] =	vst.add.f32.msk $0xffff, v12  }
0xa2d: {  	[tilespmem:s8+$0x1020] =	vst.add.f32.msk $0xffff, v13  }
0xa2e: {  	[tilespmem:s8+$0x1030] =	vst.add.f32.msk $0xffff, v14  }
0xa2f: {  	[tilespmem:s8+$0x1040] =	vst.add.f32.msk $0xffff, v15  }
0xa30: {  	[tilespmem:s8+$0x1050] =	vst.add.f32.msk $0xffff, v16  }
0xa31: {  	[tilespmem:s8+$0x1060] =	vst.add.f32.msk $0xffff, v17  }
0xa32: {  	s7 =	simm.s32 $0x0;
	s10 =	rddreg [dreg:$0x10];
	[tilespmem:s8+$0xC40] =	vst.add.f32.msk $0xffff, v3  }
0xa33: {  	[hbm4b:s10+s7] =	stream.linear.scatter [tilespmem:s24], [sflag:$0x5], $0x4000, $0x38;
	[tilespmem:$0x10C00] =	vst v63  }
0xa34: {  	_ =	swait.ge [sflag:s31], $0x4000  }
0xa35: {  	[sflag:s31] =	ssyncset.done $0x0  }
0xa36: {  	[sflag:s31] =	ssyncadd.s32 $0xFFFFC000  }
0xa37: {  	_ =	swait.ge [sflag:s1], $0x4000  }
0xa38: {  	[sflag:s1] =	ssyncset.done $0x0  }
0xa39: {  	[sflag:s1] =	ssyncadd.s32 $0xFFFFC000  }
0xa3a: {  	_ =	swait.ge [sflag:s0], $0x4000  }
0xa3b: {  	[sflag:s0] =	ssyncset.done $0x0  }
0xa3c: {  	[sflag:s0] =	ssyncadd.s32 $0xFFFFC000  }
0xa3d: {  	v3 =	vld [tilespmem:$0x780];
	_ =	sdelay $0x4  }
0xa3e: {  	v4 =	vshll.u32 v3, $0x1  }
0xa3f: {  	v3 =	vand.u32 $0x7, v3;
	v4 =	vand.u32 $0xFFFFFFF0, v4  }
0xa40: {  	v3 =	vor.u32 v3, v4  }
0xa41: {  	v4 =	vperm.xlane v3, v0;
	_ =	sdelay $0x1  }
0xa42: {  	v3 =	vperm.xlane v3, v2;
	v4 =	vadd.s32 v1, v4;
	_ =	sdelay $0x1  }
0xa43: {  	v3 =	vadd.s32 v1, v3;
	_ =	sdelay $0x2  }
0xa44: {  	[tilespmem:s24], [sflag:$0x1] =	stream.indirect_vreg.gather [hbm4b:s3+s7], $0x80, v4, vm0, $0xb8;
	[tilespmem:$0x10C00] =	vst v63  }
0xa45: {  	s11 =	simm.s32 $0x1400  }
0xa46: {  	[tilespmem:s11], [sflag:$0x1] =	stream.indirect_vreg.gather [hbm4b:s3+s7], $0x80, v3, vm0, $0xb8;
	[tilespmem:$0x10C00] =	vst v63  }
0xa47: {  	v3 =	vld [tilespmem:$0x790];
	_ =	sdelay $0x4  }
0xa48: {  	v4 =	vshll.u32 v3, $0x1  }
0xa49: {  	v3 =	vand.u32 $0x7, v3;
	v4 =	vand.u32 $0xFFFFFFF0, v4  }
0xa4a: {  	v3 =	vor.u32 v3, v4  }
0xa4b: {  	v4 =	vperm.xlane v3, v0;
	_ =	sdelay $0x1  }
0xa4c: {  	v3 =	vperm.xlane v3, v2;
	v4 =	vadd.s32 v1, v4;
	_ =	sdelay $0x1  }
0xa4d: {  	v3 =	vadd.s32 v1, v3;
	_ =	sdelay $0x1  }
0xa4e: {  	s9 =	simm.s32 $0x1C00  }
0xa4f: {  	[tilespmem:s9], [sflag:$0x1] =	stream.indirect_vreg.gather [hbm4b:s3+s7], $0x80, v4, vm0, $0xb8;
	[tilespmem:$0x10C00] =	vst v63  }
0xa50: {  	s10 =	simm.s32 $0x2400  }
0xa51: {  	[tilespmem:s10], [sflag:$0x1] =	stream.indirect_vreg.gather [hbm4b:s3+s7], $0x80, v3, vm0, $0xb8;
	[tilespmem:$0x10C00] =	vst v63  }
0xa52: {  	v3 =	vld [tilespmem:$0x7A0];
	_ =	sdelay $0x4  }
0xa53: {  	v4 =	vshll.u32 v3, $0x1  }
0xa54: {  	v3 =	vand.u32 $0x7, v3;
	v4 =	vand.u32 $0xFFFFFFF0, v4  }
0xa55: {  	v3 =	vor.u32 v3, v4  }
0xa56: {  	v4 =	vperm.xlane v3, v0;
	_ =	sdelay $0x1  }
0xa57: {  	v3 =	vperm.xlane v3, v2;
	v4 =	vadd.s32 v1, v4;
	_ =	sdelay $0x1  }
0xa58: {  	v3 =	vadd.s32 v1, v3;
	_ =	sdelay $0x1  }
0xa59: {  	s11 =	simm.s32 $0x2C00  }
0xa5a: {  	[tilespmem:s11], [sflag:$0x1] =	stream.indirect_vreg.gather [hbm4b:s3+s7], $0x80, v4, vm0, $0xb8;
	[tilespmem:$0x10C00] =	vst v63  }
0xa5b: {  	s9 =	simm.s32 $0x3400  }
0xa5c: {  	[tilespmem:s9], [sflag:$0x1] =	stream.indirect_vreg.gather [hbm4b:s3+s7], $0x80, v3, vm0, $0xb8;
	[tilespmem:$0x10C00] =	vst v63  }
0xa5d: {  	v3 =	vld [tilespmem:$0x7B0];
	_ =	sdelay $0x4  }
0xa5e: {  	v4 =	vshll.u32 v3, $0x1  }
0xa5f: {  	v3 =	vand.u32 $0x7, v3;
	v4 =	vand.u32 $0xFFFFFFF0, v4  }
0xa60: {  	v3 =	vor.u32 v3, v4  }
0xa61: {  	v4 =	vperm.xlane v3, v0;
	_ =	sdelay $0x1  }
0xa62: {  	v3 =	vperm.xlane v3, v2;
	v4 =	vadd.s32 v1, v4;
	_ =	sdelay $0x1  }
0xa63: {  	v3 =	vadd.s32 v1, v3;
	_ =	sdelay $0x1  }
0xa64: {  	s10 =	simm.s32 $0x3C00  }
0xa65: {  	[tilespmem:s10], [sflag:$0x1] =	stream.indirect_vreg.gather [hbm4b:s3+s7], $0x80, v4, vm0, $0xb8;
	[tilespmem:$0x10C00] =	vst v63  }
0xa66: {  	s11 =	simm.s32 $0x4400  }
0xa67: {  	[tilespmem:s11], [sflag:$0x1] =	stream.indirect_vreg.gather [hbm4b:s3+s7], $0x80, v3, vm0, $0xb8;
	[tilespmem:$0x10C00] =	vst v63  }
0xa68: {  	v3 =	vld [tilespmem:$0xB80];
	_ =	sdelay $0x4  }
0xa69: {  	v4 =	vshll.u32 v3, $0x1  }
0xa6a: {  	v3 =	vand.u32 $0x7, v3;
	v4 =	vand.u32 $0xFFFFFFF0, v4  }
0xa6b: {  	v3 =	vor.u32 v3, v4  }
0xa6c: {  	v4 =	vperm.xlane v3, v0;
	_ =	sdelay $0x1  }
0xa6d: {  	v3 =	vperm.xlane v3, v2;
	v4 =	vadd.s32 v1, v4;
	_ =	sdelay $0x1  }
0xa6e: {  	v3 =	vadd.s32 v1, v3;
	_ =	sdelay $0x1  }
0xa6f: {  	s9 =	simm.s32 $0x8C00  }
0xa70: {  	[tilespmem:s9], [sflag:$0x3] =	stream.indirect_vreg.gather [hbm4b:s4+s7], $0x80, v4, vm0, $0xb8;
	[tilespmem:$0x10C00] =	vst v63  }
0xa71: {  	s10 =	simm.s32 $0x9400  }
0xa72: {  	[tilespmem:s10], [sflag:$0x3] =	stream.indirect_vreg.gather [hbm4b:s4+s7], $0x80, v3, vm0, $0xb8;
	[tilespmem:$0x10C00] =	vst v63  }
0xa73: {  	v3 =	vld [tilespmem:$0xB90];
	_ =	sdelay $0x4  }
0xa74: {  	v4 =	vshll.u32 v3, $0x1  }
0xa75: {  	v3 =	vand.u32 $0x7, v3;
	v4 =	vand.u32 $0xFFFFFFF0, v4  }
0xa76: {  	v3 =	vor.u32 v3, v4  }
0xa77: {  	v4 =	vperm.xlane v3, v0;
	_ =	sdelay $0x1  }
0xa78: {  	v3 =	vperm.xlane v3, v2;
	v4 =	vadd.s32 v1, v4;
	_ =	sdelay $0x1  }
0xa79: {  	v3 =	vadd.s32 v1, v3;
	_ =	sdelay $0x1  }
0xa7a: {  	s11 =	simm.s32 $0x9C00  }
0xa7b: {  	[tilespmem:s11], [sflag:$0x3] =	stream.indirect_vreg.gather [hbm4b:s4+s7], $0x80, v4, vm0, $0xb8;
	[tilespmem:$0x10C00] =	vst v63  }
0xa7c: {  	s9 =	simm.s32 $0xA400  }
0xa7d: {  	[tilespmem:s9], [sflag:$0x3] =	stream.indirect_vreg.gather [hbm4b:s4+s7], $0x80, v3, vm0, $0xb8;
	[tilespmem:$0x10C00] =	vst v63  }
0xa7e: {  	v3 =	vld [tilespmem:$0xBA0];
	_ =	sdelay $0x4  }
0xa7f: {  	v4 =	vshll.u32 v3, $0x1  }
0xa80: {  	v3 =	vand.u32 $0x7, v3;
	v4 =	vand.u32 $0xFFFFFFF0, v4  }
0xa81: {  	v3 =	vor.u32 v3, v4  }
0xa82: {  	v4 =	vperm.xlane v3, v0;
	_ =	sdelay $0x1  }
0xa83: {  	v3 =	vperm.xlane v3, v2;
	v4 =	vadd.s32 v1, v4;
	_ =	sdelay $0x1  }
0xa84: {  	v3 =	vadd.s32 v1, v3;
	_ =	sdelay $0x1  }
0xa85: {  	s10 =	simm.s32 $0xAC00  }
0xa86: {  	[tilespmem:s10], [sflag:$0x3] =	stream.indirect_vreg.gather [hbm4b:s4+s7], $0x80, v4, vm0, $0xb8;
	[tilespmem:$0x10C00] =	vst v63  }
0xa87: {  	s11 =	simm.s32 $0xB400  }
0xa88: {  	[tilespmem:s11], [sflag:$0x3] =	stream.indirect_vreg.gather [hbm4b:s4+s7], $0x80, v3, vm0, $0xb8;
	[tilespmem:$0x10C00] =	vst v63  }
0xa89: {  	v3 =	vld [tilespmem:$0xBB0];
	_ =	sdelay $0x4  }
0xa8a: {  	v4 =	vshll.u32 v3, $0x1  }
0xa8b: {  	v3 =	vand.u32 $0x7, v3;
	v4 =	vand.u32 $0xFFFFFFF0, v4  }
0xa8c: {  	v3 =	vor.u32 v3, v4  }
0xa8d: {  	v4 =	vperm.xlane v3, v0;
	_ =	sdelay $0x1  }
0xa8e: {  	v3 =	vperm.xlane v3, v2;
	v4 =	vadd.s32 v1, v4;
	_ =	sdelay $0x1  }
0xa8f: {  	v3 =	vadd.s32 v1, v3;
	_ =	sdelay $0x1  }
0xa90: {  	s9 =	simm.s32 $0xBC00  }
0xa91: {  	[tilespmem:s9], [sflag:$0x3] =	stream.indirect_vreg.gather [hbm4b:s4+s7], $0x80, v4, vm0, $0xb8;
	[tilespmem:$0x10C00] =	vst v63  }
0xa92: {  	s10 =	simm.s32 $0xC400  }
0xa93: {  	[tilespmem:s10], [sflag:$0x3] =	stream.indirect_vreg.gather [hbm4b:s4+s7], $0x80, v3, vm0, $0xb8;
	[tilespmem:$0x10C00] =	vst v63  }
0xa94: {  	s11 =	sand.u32 $0x3800, s7;
	s7 =	sand.u32 $0x380, s7  }
0xa95: {  	s7 =	sor.u32 s7, s11  }
0xa96: {  	v3 =	vld [tilespmem:s7+$0xD070]  }
0xa97: {  	v4 =	vld [tilespmem:s7+$0xCC00]  }
0xa98: {  	v5 =	vld [tilespmem:s7+$0xCC10]  }
0xa99: {  	v52 =	vld [tilespmem:s7+$0xCC20]  }
0xa9a: {  	v53 =	vld [tilespmem:s7+$0xCC30]  }
0xa9b: {  	v54 =	vld [tilespmem:s7+$0xCC40]  }
0xa9c: {  	v55 =	vld [tilespmem:s7+$0xCC50]  }
0xa9d: {  	v56 =	vld [tilespmem:s7+$0xCC60]  }
0xa9e: {  	v57 =	vld [tilespmem:s7+$0xCC70]  }
0xa9f: {  	v58 =	vld [tilespmem:s7+$0xD000]  }
0xaa0: {  	v59 =	vld [tilespmem:s7+$0xD010]  }
0xaa1: {  	v60 =	vld [tilespmem:s7+$0xD020]  }
0xaa2: {  	v61 =	vld [tilespmem:s7+$0xD030]  }
0xaa3: {  	v62 =	vld [tilespmem:s7+$0xD040]  }
0xaa4: {  	v63 =	vld [tilespmem:s7+$0xD050]  }
0xaa5: {  	[tilespmem:s7+$0x5070] =	vst.add.f32.msk $0xffff, v3  }
0xaa6: {  	v3 =	vld [tilespmem:s7+$0xD060]  }
0xaa7: {  	[tilespmem:s7+$0x4C00] =	vst.add.f32.msk $0xffff, v4  }
0xaa8: {  	[tilespmem:s7+$0x4C10] =	vst.add.f32.msk $0xffff, v5  }
0xaa9: {  	[tilespmem:s7+$0x4C20] =	vst.add.f32.msk $0xffff, v52  }
0xaaa: {  	[tilespmem:s7+$0x4C30] =	vst.add.f32.msk $0xffff, v53  }
0xaab: {  	[tilespmem:s7+$0x4C40] =	vst.add.f32.msk $0xffff, v54  }
0xaac: {  	[tilespmem:s7+$0x4C50] =	vst.add.f32.msk $0xffff, v55  }
0xaad: {  	[tilespmem:s7+$0x4C60] =	vst.add.f32.msk $0xffff, v56  }
0xaae: {  	[tilespmem:s7+$0x4C70] =	vst.add.f32.msk $0xffff, v57  }
0xaaf: {  	[tilespmem:s7+$0x5000] =	vst.add.f32.msk $0xffff, v58  }
0xab0: {  	[tilespmem:s7+$0x5010] =	vst.add.f32.msk $0xffff, v59  }
0xab1: {  	[tilespmem:s7+$0x5020] =	vst.add.f32.msk $0xffff, v60  }
0xab2: {  	[tilespmem:s7+$0x5030] =	vst.add.f32.msk $0xffff, v61  }
0xab3: {  	s8 =	simm.s32 $0x80;
	s9 =	simm.s32 $0x100;
	[tilespmem:s7+$0x5040] =	vst.add.f32.msk $0xffff, v62  }
0xab4: {  	s10 =	sand.u32 $0x3800, s9;
	s9 =	simm.s32 $0x200;
	s11 =	sand.u32 $0x380, s8;
	[tilespmem:s7+$0x5050] =	vst.add.f32.msk $0xffff, v63  }
.LBB2_30:
0xab5: {  	p0 =	sne.s32 s9, $0x3F00;
	[tilespmem:s7+$0x5060] =	vst.add.f32.msk $0xffff, v3;
	s7 =	sor.u32 s11, s10  }
0xab6: {  	v3 =	vld [tilespmem:s7+$0xD070]  }
0xab7: {  	v4 =	vld [tilespmem:s7+$0xCC00]  }
0xab8: {  	v5 =	vld [tilespmem:s7+$0xCC10]  }
0xab9: {  	v6 =	vld [tilespmem:s7+$0xCC20]  }
0xaba: {  	v7 =	vld [tilespmem:s7+$0xCC30]  }
0xabb: {  	[tilespmem:s7+$0x5070] =	vst.add.f32.msk $0xffff, v3  }
0xabc: {  	v8 =	vld [tilespmem:s7+$0xCC40]  }
0xabd: {  	v9 =	vld [tilespmem:s7+$0xCC50]  }
0xabe: {  	v10 =	vld [tilespmem:s7+$0xCC60]  }
0xabf: {  	v11 =	vld [tilespmem:s7+$0xCC70]  }
0xac0: {  	v12 =	vld [tilespmem:s7+$0xD000]  }
0xac1: {  	v13 =	vld [tilespmem:s7+$0xD010]  }
0xac2: {  	v14 =	vld [tilespmem:s7+$0xD020]  }
0xac3: {  	v15 =	vld [tilespmem:s7+$0xD030]  }
0xac4: {  	v16 =	vld [tilespmem:s7+$0xD040]  }
0xac5: {  	v17 =	vld [tilespmem:s7+$0xD050]  }
0xac6: {  	v3 =	vld [tilespmem:s7+$0xD060]  }
0xac7: {  	[tilespmem:s7+$0x4C00] =	vst.add.f32.msk $0xffff, v4  }
0xac8: {  	[tilespmem:s7+$0x4C10] =	vst.add.f32.msk $0xffff, v5  }
0xac9: {  	[tilespmem:s7+$0x4C20] =	vst.add.f32.msk $0xffff, v6  }
0xaca: {  	[tilespmem:s7+$0x4C30] =	vst.add.f32.msk $0xffff, v7  }
0xacb: {  	[tilespmem:s7+$0x4C40] =	vst.add.f32.msk $0xffff, v8  }
0xacc: {  	[tilespmem:s7+$0x4C50] =	vst.add.f32.msk $0xffff, v9  }
0xacd: {  	[tilespmem:s7+$0x4C60] =	vst.add.f32.msk $0xffff, v10  }
0xace: {  	[tilespmem:s7+$0x4C70] =	vst.add.f32.msk $0xffff, v11  }
0xacf: {  	[tilespmem:s7+$0x5000] =	vst.add.f32.msk $0xffff, v12  }
.Ltmp14:
0xad0: {  	[tilespmem:s7+$0x5010] =	vst.add.f32.msk $0xffff, v13;
	(pc) =	sbr.rel @p0 .LBB2_30-.Ltmp14, $4  }
0xad1: {  	[tilespmem:s7+$0x5020] =	vst.add.f32.msk $0xffff, v14  }
0xad2: {  	[tilespmem:s7+$0x5030] =	vst.add.f32.msk $0xffff, v15  }
0xad3: {  	s8 =	sadd.s32 $0x80, s8;
	[tilespmem:s7+$0x5040] =	vst.add.f32.msk $0xffff, v16  }
0xad4: {  	s10 =	sand.u32 $0x3800, s9;
	s9 =	sadd.s32 $0x100, s9;
	s11 =	sand.u32 $0x380, s8;
	[tilespmem:s7+$0x5050] =	vst.add.f32.msk $0xffff, v17  }
0xad5: {  	s8 =	sor.u32 s11, s10;
	[tilespmem:s7+$0x5060] =	vst.add.f32.msk $0xffff, v3  }
0xad6: {  	v3 =	vld [tilespmem:s8+$0xD070]  }
0xad7: {  	v4 =	vld [tilespmem:s8+$0xCC00]  }
0xad8: {  	v5 =	vld [tilespmem:s8+$0xCC10]  }
0xad9: {  	v6 =	vld [tilespmem:s8+$0xCC20]  }
0xada: {  	v7 =	vld [tilespmem:s8+$0xCC30]  }
0xadb: {  	v8 =	vld [tilespmem:s8+$0xCC50]  }
0xadc: {  	v9 =	vld [tilespmem:s8+$0xCC60]  }
0xadd: {  	v10 =	vld [tilespmem:s8+$0xCC70]  }
0xade: {  	v11 =	vld [tilespmem:s8+$0xD000]  }
0xadf: {  	v12 =	vld [tilespmem:s8+$0xD010]  }
0xae0: {  	v13 =	vld [tilespmem:s8+$0xD020]  }
0xae1: {  	v14 =	vld [tilespmem:s8+$0xD030]  }
0xae2: {  	v15 =	vld [tilespmem:s8+$0xD040]  }
0xae3: {  	v16 =	vld [tilespmem:s8+$0xD050]  }
0xae4: {  	v17 =	vld [tilespmem:s8+$0xD060]  }
0xae5: {  	[tilespmem:s8+$0x5070] =	vst.add.f32.msk $0xffff, v3  }
0xae6: {  	v3 =	vld [tilespmem:s8+$0xCC40]  }
0xae7: {  	[tilespmem:s8+$0x4C00] =	vst.add.f32.msk $0xffff, v4  }
0xae8: {  	[tilespmem:s8+$0x4C10] =	vst.add.f32.msk $0xffff, v5  }
0xae9: {  	[tilespmem:s8+$0x4C20] =	vst.add.f32.msk $0xffff, v6  }
0xaea: {  	[tilespmem:s8+$0x4C30] =	vst.add.f32.msk $0xffff, v7  }
0xaeb: {  	[tilespmem:s8+$0x4C50] =	vst.add.f32.msk $0xffff, v8  }
0xaec: {  	[tilespmem:s8+$0x4C60] =	vst.add.f32.msk $0xffff, v9  }
0xaed: {  	[tilespmem:s8+$0x4C70] =	vst.add.f32.msk $0xffff, v10  }
0xaee: {  	[tilespmem:s8+$0x5000] =	vst.add.f32.msk $0xffff, v11  }
0xaef: {  	[tilespmem:s8+$0x5010] =	vst.add.f32.msk $0xffff, v12  }
0xaf0: {  	[tilespmem:s8+$0x5020] =	vst.add.f32.msk $0xffff, v13  }
0xaf1: {  	[tilespmem:s8+$0x5030] =	vst.add.f32.msk $0xffff, v14  }
0xaf2: {  	[tilespmem:s8+$0x5040] =	vst.add.f32.msk $0xffff, v15  }
0xaf3: {  	[tilespmem:s8+$0x5050] =	vst.add.f32.msk $0xffff, v16  }
0xaf4: {  	[tilespmem:s8+$0x5060] =	vst.add.f32.msk $0xffff, v17  }
0xaf5: {  	s9 =	simm.s32 $0x0;
	s10 =	rddreg [dreg:$0x11];
	[tilespmem:s8+$0x4C40] =	vst.add.f32.msk $0xffff, v3  }
0xaf6: {  	[hbm4b:s10+s9] =	stream.linear.scatter [tilespmem:s14], [sflag:$0x6], $0x4000, $0x38;
	[tilespmem:$0x10C00] =	vst v63  }
0xaf7: {  	_ =	swait.ge [sflag:s12], $0x4000  }
0xaf8: {  	[sflag:s12] =	ssyncset.done $0x0  }
0xaf9: {  	[sflag:s12] =	ssyncadd.s32 $0xFFFFC000  }
0xafa: {  	_ =	swait.ge [sflag:s13], $0x4000  }
0xafb: {  	[sflag:s13] =	ssyncset.done $0x0  }
0xafc: {  	[sflag:s13] =	ssyncadd.s32 $0xFFFFC000  }
0xafd: {  	_ =	swait.ge [sflag:s2], $0x4000  }
0xafe: {  	[sflag:s2] =	ssyncset.done $0x0  }
0xaff: {  	[sflag:s2] =	ssyncadd.s32 $0xFFFFC000  }
0xb00: {  	v3 =	vld [tilespmem:$0x7C0];
	_ =	sdelay $0x4  }
0xb01: {  	v4 =	vshll.u32 v3, $0x1  }
0xb02: {  	v3 =	vand.u32 $0x7, v3;
	v4 =	vand.u32 $0xFFFFFFF0, v4  }
0xb03: {  	v3 =	vor.u32 v3, v4  }
0xb04: {  	v4 =	vperm.xlane v3, v0;
	_ =	sdelay $0x1  }
0xb05: {  	v3 =	vperm.xlane v3, v2;
	v4 =	vadd.s32 v1, v4;
	_ =	sdelay $0x1  }
0xb06: {  	v3 =	vadd.s32 v1, v3;
	_ =	sdelay $0x2  }
0xb07: {  	[tilespmem:s14], [sflag:$0x2] =	stream.indirect_vreg.gather [hbm4b:s3+s9], $0x80, v4, vm0, $0xb8;
	[tilespmem:$0x10C00] =	vst v63  }
0xb08: {  	_ = 	snop  }
0xb09: {  	[tilespmem:s15], [sflag:$0x2] =	stream.indirect_vreg.gather [hbm4b:s3+s9], $0x80, v3, vm0, $0xb8;
	[tilespmem:$0x10C00] =	vst v63  }
0xb0a: {  	v3 =	vld [tilespmem:$0x7D0];
	_ =	sdelay $0x4  }
0xb0b: {  	v4 =	vshll.u32 v3, $0x1  }
0xb0c: {  	v3 =	vand.u32 $0x7, v3;
	v4 =	vand.u32 $0xFFFFFFF0, v4  }
0xb0d: {  	v3 =	vor.u32 v3, v4  }
0xb0e: {  	v4 =	vperm.xlane v3, v0;
	_ =	sdelay $0x1  }
0xb0f: {  	v3 =	vperm.xlane v3, v2;
	v4 =	vadd.s32 v1, v4;
	_ =	sdelay $0x1  }
0xb10: {  	v3 =	vadd.s32 v1, v3;
	_ =	sdelay $0x2  }
0xb11: {  	[tilespmem:s16], [sflag:$0x2] =	stream.indirect_vreg.gather [hbm4b:s3+s9], $0x80, v4, vm0, $0xb8;
	[tilespmem:$0x10C00] =	vst v63  }
0xb12: {  	_ = 	snop  }
0xb13: {  	[tilespmem:s17], [sflag:$0x2] =	stream.indirect_vreg.gather [hbm4b:s3+s9], $0x80, v3, vm0, $0xb8;
	[tilespmem:$0x10C00] =	vst v63  }
0xb14: {  	v3 =	vld [tilespmem:$0x7E0];
	_ =	sdelay $0x4  }
0xb15: {  	v4 =	vshll.u32 v3, $0x1  }
0xb16: {  	v3 =	vand.u32 $0x7, v3;
	v4 =	vand.u32 $0xFFFFFFF0, v4  }
0xb17: {  	v3 =	vor.u32 v3, v4  }
0xb18: {  	v4 =	vperm.xlane v3, v0;
	_ =	sdelay $0x1  }
0xb19: {  	v3 =	vperm.xlane v3, v2;
	v4 =	vadd.s32 v1, v4;
	_ =	sdelay $0x1  }
0xb1a: {  	v3 =	vadd.s32 v1, v3;
	_ =	sdelay $0x2  }
0xb1b: {  	[tilespmem:s18], [sflag:$0x2] =	stream.indirect_vreg.gather [hbm4b:s3+s9], $0x80, v4, vm0, $0xb8;
	[tilespmem:$0x10C00] =	vst v63  }
0xb1c: {  	_ = 	snop  }
0xb1d: {  	[tilespmem:s19], [sflag:$0x2] =	stream.indirect_vreg.gather [hbm4b:s3+s9], $0x80, v3, vm0, $0xb8;
	[tilespmem:$0x10C00] =	vst v63  }
0xb1e: {  	v3 =	vld [tilespmem:$0x7F0];
	_ =	sdelay $0x4  }
0xb1f: {  	v4 =	vshll.u32 v3, $0x1  }
0xb20: {  	v3 =	vand.u32 $0x7, v3;
	v4 =	vand.u32 $0xFFFFFFF0, v4  }
0xb21: {  	v3 =	vor.u32 v3, v4  }
0xb22: {  	v4 =	vperm.xlane v3, v0;
	_ =	sdelay $0x1  }
0xb23: {  	v3 =	vperm.xlane v3, v2;
	v4 =	vadd.s32 v1, v4;
	_ =	sdelay $0x1  }
0xb24: {  	v3 =	vadd.s32 v1, v3;
	_ =	sdelay $0x2  }
0xb25: {  	[tilespmem:s20], [sflag:$0x2] =	stream.indirect_vreg.gather [hbm4b:s3+s9], $0x80, v4, vm0, $0xb8;
	[tilespmem:$0x10C00] =	vst v63  }
0xb26: {  	_ = 	snop  }
0xb27: {  	[tilespmem:s21], [sflag:$0x2] =	stream.indirect_vreg.gather [hbm4b:s3+s9], $0x80, v3, vm0, $0xb8;
	[tilespmem:$0x10C00] =	vst v63  }
0xb28: {  	v3 =	vld [tilespmem:$0xBC0];
	_ =	sdelay $0x4  }
0xb29: {  	v4 =	vshll.u32 v3, $0x1  }
0xb2a: {  	v3 =	vand.u32 $0x7, v3;
	v4 =	vand.u32 $0xFFFFFFF0, v4  }
0xb2b: {  	v3 =	vor.u32 v3, v4  }
0xb2c: {  	v4 =	vperm.xlane v3, v0;
	_ =	sdelay $0x1  }
0xb2d: {  	v3 =	vperm.xlane v3, v2;
	v4 =	vadd.s32 v1, v4;
	_ =	sdelay $0x1  }
0xb2e: {  	v3 =	vadd.s32 v1, v3;
	_ =	sdelay $0x2  }
0xb2f: {  	[tilespmem:s22], [sflag:$0x4] =	stream.indirect_vreg.gather [hbm4b:s4+s9], $0x80, v4, vm0, $0xb8;
	[tilespmem:$0x10C00] =	vst v63  }
0xb30: {  	_ = 	snop  }
0xb31: {  	[tilespmem:s5], [sflag:$0x4] =	stream.indirect_vreg.gather [hbm4b:s4+s9], $0x80, v3, vm0, $0xb8;
	[tilespmem:$0x10C00] =	vst v63  }
0xb32: {  	v3 =	vld [tilespmem:$0xBD0];
	_ =	sdelay $0x4  }
0xb33: {  	v4 =	vshll.u32 v3, $0x1  }
0xb34: {  	v3 =	vand.u32 $0x7, v3;
	v4 =	vand.u32 $0xFFFFFFF0, v4  }
0xb35: {  	v3 =	vor.u32 v3, v4  }
0xb36: {  	v4 =	vperm.xlane v3, v0;
	_ =	sdelay $0x1  }
0xb37: {  	v3 =	vperm.xlane v3, v2;
	v4 =	vadd.s32 v1, v4;
	_ =	sdelay $0x1  }
0xb38: {  	v3 =	vadd.s32 v1, v3;
	_ =	sdelay $0x2  }
0xb39: {  	[tilespmem:s23], [sflag:$0x4] =	stream.indirect_vreg.gather [hbm4b:s4+s9], $0x80, v4, vm0, $0xb8;
	[tilespmem:$0x10C00] =	vst v63  }
0xb3a: {  	_ = 	snop  }
0xb3b: {  	[tilespmem:s25], [sflag:$0x4] =	stream.indirect_vreg.gather [hbm4b:s4+s9], $0x80, v3, vm0, $0xb8;
	[tilespmem:$0x10C00] =	vst v63  }
0xb3c: {  	v3 =	vld [tilespmem:$0xBE0];
	_ =	sdelay $0x4  }
0xb3d: {  	v4 =	vshll.u32 v3, $0x1  }
0xb3e: {  	v3 =	vand.u32 $0x7, v3;
	v4 =	vand.u32 $0xFFFFFFF0, v4  }
0xb3f: {  	v3 =	vor.u32 v3, v4  }
0xb40: {  	v4 =	vperm.xlane v3, v0;
	_ =	sdelay $0x1  }
0xb41: {  	v3 =	vperm.xlane v3, v2;
	v4 =	vadd.s32 v1, v4;
	_ =	sdelay $0x1  }
0xb42: {  	v3 =	vadd.s32 v1, v3;
	_ =	sdelay $0x2  }
0xb43: {  	[tilespmem:s26], [sflag:$0x4] =	stream.indirect_vreg.gather [hbm4b:s4+s9], $0x80, v4, vm0, $0xb8;
	[tilespmem:$0x10C00] =	vst v63  }
0xb44: {  	_ = 	snop  }
0xb45: {  	[tilespmem:s28], [sflag:$0x4] =	stream.indirect_vreg.gather [hbm4b:s4+s9], $0x80, v3, vm0, $0xb8;
	[tilespmem:$0x10C00] =	vst v63  }
0xb46: {  	v3 =	vld [tilespmem:$0xBF0];
	_ =	sdelay $0x4  }
0xb47: {  	v4 =	vshll.u32 v3, $0x1  }
0xb48: {  	v3 =	vand.u32 $0x7, v3;
	v4 =	vand.u32 $0xFFFFFFF0, v4  }
0xb49: {  	v3 =	vor.u32 v3, v4  }
0xb4a: {  	v4 =	vperm.xlane v3, v0;
	_ =	sdelay $0x1  }
0xb4b: {  	v3 =	vperm.xlane v3, v2;
	v4 =	vadd.s32 v1, v4;
	_ =	sdelay $0x1  }
0xb4c: {  	v3 =	vadd.s32 v1, v3;
	_ =	sdelay $0x1  }
0xb4d: {  	s11 =	sand.u32 $0x3800, s9;
	s7 =	sand.u32 $0x380, s9  }
0xb4e: {  	[tilespmem:s29], [sflag:$0x4] =	stream.indirect_vreg.gather [hbm4b:s4+s9], $0x80, v4, vm0, $0xb8;
	[tilespmem:$0x10C00] =	vst v63  }
0xb4f: {  	s7 =	sor.u32 s7, s11  }
0xb50: {  	[tilespmem:s30], [sflag:$0x4] =	stream.indirect_vreg.gather [hbm4b:s4+s9], $0x80, v3, vm0, $0xb8;
	[tilespmem:$0x10C00] =	vst v63  }
0xb51: {  	v3 =	vld [tilespmem:s7+$0x9070]  }
0xb52: {  	v4 =	vld [tilespmem:s7+$0x8C00]  }
0xb53: {  	v5 =	vld [tilespmem:s7+$0x8C10]  }
0xb54: {  	v52 =	vld [tilespmem:s7+$0x8C20]  }
0xb55: {  	v53 =	vld [tilespmem:s7+$0x8C30]  }
0xb56: {  	v54 =	vld [tilespmem:s7+$0x8C40]  }
0xb57: {  	v55 =	vld [tilespmem:s7+$0x8C50]  }
0xb58: {  	v56 =	vld [tilespmem:s7+$0x8C60]  }
0xb59: {  	v57 =	vld [tilespmem:s7+$0x8C70]  }
0xb5a: {  	v58 =	vld [tilespmem:s7+$0x9000]  }
0xb5b: {  	v59 =	vld [tilespmem:s7+$0x9010]  }
0xb5c: {  	v60 =	vld [tilespmem:s7+$0x9020]  }
0xb5d: {  	v61 =	vld [tilespmem:s7+$0x9030]  }
0xb5e: {  	v62 =	vld [tilespmem:s7+$0x9040]  }
0xb5f: {  	v63 =	vld [tilespmem:s7+$0x9050]  }
0xb60: {  	[tilespmem:s7+$0x1070] =	vst.add.f32.msk $0xffff, v3  }
0xb61: {  	v3 =	vld [tilespmem:s7+$0x9060]  }
0xb62: {  	[tilespmem:s7+$0xC00] =	vst.add.f32.msk $0xffff, v4  }
0xb63: {  	[tilespmem:s7+$0xC10] =	vst.add.f32.msk $0xffff, v5  }
0xb64: {  	[tilespmem:s7+$0xC20] =	vst.add.f32.msk $0xffff, v52  }
0xb65: {  	[tilespmem:s7+$0xC30] =	vst.add.f32.msk $0xffff, v53  }
0xb66: {  	[tilespmem:s7+$0xC40] =	vst.add.f32.msk $0xffff, v54  }
0xb67: {  	[tilespmem:s7+$0xC50] =	vst.add.f32.msk $0xffff, v55  }
0xb68: {  	[tilespmem:s7+$0xC60] =	vst.add.f32.msk $0xffff, v56  }
0xb69: {  	[tilespmem:s7+$0xC70] =	vst.add.f32.msk $0xffff, v57  }
0xb6a: {  	[tilespmem:s7+$0x1000] =	vst.add.f32.msk $0xffff, v58  }
0xb6b: {  	[tilespmem:s7+$0x1010] =	vst.add.f32.msk $0xffff, v59  }
0xb6c: {  	[tilespmem:s7+$0x1020] =	vst.add.f32.msk $0xffff, v60  }
0xb6d: {  	[tilespmem:s7+$0x1030] =	vst.add.f32.msk $0xffff, v61  }
0xb6e: {  	s8 =	simm.s32 $0x80;
	s9 =	simm.s32 $0x100;
	[tilespmem:s7+$0x1040] =	vst.add.f32.msk $0xffff, v62  }
0xb6f: {  	s11 =	sand.u32 $0x380, s8;
	s10 =	sand.u32 $0x3800, s9;
	s9 =	simm.s32 $0x200;
	[tilespmem:s7+$0x1050] =	vst.add.f32.msk $0xffff, v63  }
.LBB2_32:
0xb70: {  	p0 =	sne.s32 s9, $0x3F00;
	[tilespmem:s7+$0x1060] =	vst.add.f32.msk $0xffff, v3;
	s7 =	sor.u32 s11, s10  }
0xb71: {  	v3 =	vld [tilespmem:s7+$0x9070]  }
0xb72: {  	v4 =	vld [tilespmem:s7+$0x8C00]  }
0xb73: {  	v5 =	vld [tilespmem:s7+$0x8C10]  }
0xb74: {  	v6 =	vld [tilespmem:s7+$0x8C20]  }
0xb75: {  	v7 =	vld [tilespmem:s7+$0x8C30]  }
0xb76: {  	[tilespmem:s7+$0x1070] =	vst.add.f32.msk $0xffff, v3  }
0xb77: {  	v8 =	vld [tilespmem:s7+$0x8C40]  }
0xb78: {  	v9 =	vld [tilespmem:s7+$0x8C50]  }
0xb79: {  	v10 =	vld [tilespmem:s7+$0x8C60]  }
0xb7a: {  	v11 =	vld [tilespmem:s7+$0x8C70]  }
0xb7b: {  	v12 =	vld [tilespmem:s7+$0x9000]  }
0xb7c: {  	v13 =	vld [tilespmem:s7+$0x9010]  }
0xb7d: {  	v14 =	vld [tilespmem:s7+$0x9020]  }
0xb7e: {  	v15 =	vld [tilespmem:s7+$0x9030]  }
0xb7f: {  	v16 =	vld [tilespmem:s7+$0x9040]  }
0xb80: {  	v17 =	vld [tilespmem:s7+$0x9050]  }
0xb81: {  	v3 =	vld [tilespmem:s7+$0x9060]  }
0xb82: {  	[tilespmem:s7+$0xC00] =	vst.add.f32.msk $0xffff, v4  }
0xb83: {  	[tilespmem:s7+$0xC10] =	vst.add.f32.msk $0xffff, v5  }
0xb84: {  	[tilespmem:s7+$0xC20] =	vst.add.f32.msk $0xffff, v6  }
0xb85: {  	[tilespmem:s7+$0xC30] =	vst.add.f32.msk $0xffff, v7  }
0xb86: {  	[tilespmem:s7+$0xC40] =	vst.add.f32.msk $0xffff, v8  }
0xb87: {  	[tilespmem:s7+$0xC50] =	vst.add.f32.msk $0xffff, v9  }
0xb88: {  	[tilespmem:s7+$0xC60] =	vst.add.f32.msk $0xffff, v10  }
0xb89: {  	[tilespmem:s7+$0xC70] =	vst.add.f32.msk $0xffff, v11  }
0xb8a: {  	[tilespmem:s7+$0x1000] =	vst.add.f32.msk $0xffff, v12  }
.Ltmp15:
0xb8b: {  	[tilespmem:s7+$0x1010] =	vst.add.f32.msk $0xffff, v13;
	(pc) =	sbr.rel @p0 .LBB2_32-.Ltmp15, $4  }
0xb8c: {  	[tilespmem:s7+$0x1020] =	vst.add.f32.msk $0xffff, v14  }
0xb8d: {  	[tilespmem:s7+$0x1030] =	vst.add.f32.msk $0xffff, v15  }
0xb8e: {  	s8 =	sadd.s32 $0x80, s8;
	[tilespmem:s7+$0x1040] =	vst.add.f32.msk $0xffff, v16  }
0xb8f: {  	s10 =	sand.u32 $0x3800, s9;
	s9 =	sadd.s32 $0x100, s9;
	s11 =	sand.u32 $0x380, s8;
	[tilespmem:s7+$0x1050] =	vst.add.f32.msk $0xffff, v17  }
0xb90: {  	s8 =	sor.u32 s11, s10;
	[tilespmem:s7+$0x1060] =	vst.add.f32.msk $0xffff, v3  }
0xb91: {  	v3 =	vld [tilespmem:s8+$0x9070]  }
0xb92: {  	v4 =	vld [tilespmem:s8+$0x8C00]  }
0xb93: {  	v5 =	vld [tilespmem:s8+$0x8C10]  }
0xb94: {  	v6 =	vld [tilespmem:s8+$0x8C20]  }
0xb95: {  	v7 =	vld [tilespmem:s8+$0x8C30]  }
0xb96: {  	v8 =	vld [tilespmem:s8+$0x8C50]  }
0xb97: {  	v9 =	vld [tilespmem:s8+$0x8C60]  }
0xb98: {  	v10 =	vld [tilespmem:s8+$0x8C70]  }
0xb99: {  	v11 =	vld [tilespmem:s8+$0x9000]  }
0xb9a: {  	v12 =	vld [tilespmem:s8+$0x9010]  }
0xb9b: {  	v13 =	vld [tilespmem:s8+$0x9020]  }
0xb9c: {  	v14 =	vld [tilespmem:s8+$0x9030]  }
0xb9d: {  	v15 =	vld [tilespmem:s8+$0x9040]  }
0xb9e: {  	v16 =	vld [tilespmem:s8+$0x9050]  }
0xb9f: {  	v17 =	vld [tilespmem:s8+$0x9060]  }
0xba0: {  	[tilespmem:s8+$0x1070] =	vst.add.f32.msk $0xffff, v3  }
0xba1: {  	v3 =	vld [tilespmem:s8+$0x8C40]  }
0xba2: {  	[tilespmem:s8+$0xC00] =	vst.add.f32.msk $0xffff, v4  }
0xba3: {  	[tilespmem:s8+$0xC10] =	vst.add.f32.msk $0xffff, v5  }
0xba4: {  	[tilespmem:s8+$0xC20] =	vst.add.f32.msk $0xffff, v6  }
0xba5: {  	[tilespmem:s8+$0xC30] =	vst.add.f32.msk $0xffff, v7  }
0xba6: {  	[tilespmem:s8+$0xC50] =	vst.add.f32.msk $0xffff, v8  }
0xba7: {  	[tilespmem:s8+$0xC60] =	vst.add.f32.msk $0xffff, v9  }
0xba8: {  	[tilespmem:s8+$0xC70] =	vst.add.f32.msk $0xffff, v10  }
0xba9: {  	[tilespmem:s8+$0x1000] =	vst.add.f32.msk $0xffff, v11  }
0xbaa: {  	[tilespmem:s8+$0x1010] =	vst.add.f32.msk $0xffff, v12  }
0xbab: {  	[tilespmem:s8+$0x1020] =	vst.add.f32.msk $0xffff, v13  }
0xbac: {  	[tilespmem:s8+$0x1030] =	vst.add.f32.msk $0xffff, v14  }
0xbad: {  	[tilespmem:s8+$0x1040] =	vst.add.f32.msk $0xffff, v15  }
0xbae: {  	[tilespmem:s8+$0x1050] =	vst.add.f32.msk $0xffff, v16  }
0xbaf: {  	[tilespmem:s8+$0x1060] =	vst.add.f32.msk $0xffff, v17  }
0xbb0: {  	s9 =	simm.s32 $0x0;
	s10 =	rddreg [dreg:$0x12];
	[tilespmem:s8+$0xC40] =	vst.add.f32.msk $0xffff, v3  }
0xbb1: {  	[hbm4b:s10+s9] =	stream.linear.scatter [tilespmem:s24], [sflag:$0x5], $0x4000, $0x38;
	[tilespmem:$0x10C00] =	vst v63  }
0xbb2: {  	_ =	swait.ge [sflag:s31], $0x4000  }
0xbb3: {  	[sflag:s31] =	ssyncset.done $0x0  }
0xbb4: {  	[sflag:s31] =	ssyncadd.s32 $0xFFFFC000  }
0xbb5: {  	_ =	swait.ge [sflag:s1], $0x4000  }
0xbb6: {  	s11 =	sand.u32 $0x3800, s9;
	s7 =	sand.u32 $0x380, s9;
	[sflag:s1] =	ssyncset.done $0x0  }
0xbb7: {  	s7 =	sor.u32 s7, s11;
	[sflag:s1] =	ssyncadd.s32 $0xFFFFC000  }
0xbb8: {  	v3 =	vld [tilespmem:s7+$0xD070]  }
0xbb9: {  	v4 =	vld [tilespmem:s7+$0xCC00]  }
0xbba: {  	v5 =	vld [tilespmem:s7+$0xCC10]  }
0xbbb: {  	v52 =	vld [tilespmem:s7+$0xCC20]  }
0xbbc: {  	v53 =	vld [tilespmem:s7+$0xCC30]  }
0xbbd: {  	v54 =	vld [tilespmem:s7+$0xCC40]  }
0xbbe: {  	v55 =	vld [tilespmem:s7+$0xCC50]  }
0xbbf: {  	v56 =	vld [tilespmem:s7+$0xCC60]  }
0xbc0: {  	v57 =	vld [tilespmem:s7+$0xCC70]  }
0xbc1: {  	v58 =	vld [tilespmem:s7+$0xD000]  }
0xbc2: {  	v59 =	vld [tilespmem:s7+$0xD010]  }
0xbc3: {  	v60 =	vld [tilespmem:s7+$0xD020]  }
0xbc4: {  	v61 =	vld [tilespmem:s7+$0xD030]  }
0xbc5: {  	v62 =	vld [tilespmem:s7+$0xD040]  }
0xbc6: {  	v63 =	vld [tilespmem:s7+$0xD050]  }
0xbc7: {  	[tilespmem:s7+$0x5070] =	vst.add.f32.msk $0xffff, v3  }
0xbc8: {  	v3 =	vld [tilespmem:s7+$0xD060]  }
0xbc9: {  	[tilespmem:s7+$0x4C00] =	vst.add.f32.msk $0xffff, v4  }
0xbca: {  	[tilespmem:s7+$0x4C10] =	vst.add.f32.msk $0xffff, v5  }
0xbcb: {  	[tilespmem:s7+$0x4C20] =	vst.add.f32.msk $0xffff, v52  }
0xbcc: {  	[tilespmem:s7+$0x4C30] =	vst.add.f32.msk $0xffff, v53  }
0xbcd: {  	[tilespmem:s7+$0x4C40] =	vst.add.f32.msk $0xffff, v54  }
0xbce: {  	[tilespmem:s7+$0x4C50] =	vst.add.f32.msk $0xffff, v55  }
0xbcf: {  	[tilespmem:s7+$0x4C60] =	vst.add.f32.msk $0xffff, v56  }
0xbd0: {  	[tilespmem:s7+$0x4C70] =	vst.add.f32.msk $0xffff, v57  }
0xbd1: {  	[tilespmem:s7+$0x5000] =	vst.add.f32.msk $0xffff, v58  }
0xbd2: {  	[tilespmem:s7+$0x5010] =	vst.add.f32.msk $0xffff, v59  }
0xbd3: {  	[tilespmem:s7+$0x5020] =	vst.add.f32.msk $0xffff, v60  }
0xbd4: {  	[tilespmem:s7+$0x5030] =	vst.add.f32.msk $0xffff, v61  }
0xbd5: {  	s8 =	simm.s32 $0x80;
	s9 =	simm.s32 $0x100;
	[tilespmem:s7+$0x5040] =	vst.add.f32.msk $0xffff, v62  }
0xbd6: {  	s11 =	sand.u32 $0x380, s8;
	s10 =	sand.u32 $0x3800, s9;
	s9 =	simm.s32 $0x200;
	[tilespmem:s7+$0x5050] =	vst.add.f32.msk $0xffff, v63  }
.LBB2_34:
0xbd7: {  	p0 =	sne.s32 s9, $0x3F00;
	[tilespmem:s7+$0x5060] =	vst.add.f32.msk $0xffff, v3;
	s7 =	sor.u32 s11, s10  }
0xbd8: {  	v3 =	vld [tilespmem:s7+$0xD070]  }
0xbd9: {  	v4 =	vld [tilespmem:s7+$0xCC00]  }
0xbda: {  	v5 =	vld [tilespmem:s7+$0xCC10]  }
0xbdb: {  	v6 =	vld [tilespmem:s7+$0xCC20]  }
0xbdc: {  	v7 =	vld [tilespmem:s7+$0xCC30]  }
0xbdd: {  	[tilespmem:s7+$0x5070] =	vst.add.f32.msk $0xffff, v3  }
0xbde: {  	v8 =	vld [tilespmem:s7+$0xCC40]  }
0xbdf: {  	v9 =	vld [tilespmem:s7+$0xCC50]  }
0xbe0: {  	v10 =	vld [tilespmem:s7+$0xCC60]  }
0xbe1: {  	v11 =	vld [tilespmem:s7+$0xCC70]  }
0xbe2: {  	v12 =	vld [tilespmem:s7+$0xD000]  }
0xbe3: {  	v13 =	vld [tilespmem:s7+$0xD010]  }
0xbe4: {  	v14 =	vld [tilespmem:s7+$0xD020]  }
0xbe5: {  	v15 =	vld [tilespmem:s7+$0xD030]  }
0xbe6: {  	v16 =	vld [tilespmem:s7+$0xD040]  }
0xbe7: {  	v17 =	vld [tilespmem:s7+$0xD050]  }
0xbe8: {  	v3 =	vld [tilespmem:s7+$0xD060]  }
0xbe9: {  	[tilespmem:s7+$0x4C00] =	vst.add.f32.msk $0xffff, v4  }
0xbea: {  	[tilespmem:s7+$0x4C10] =	vst.add.f32.msk $0xffff, v5  }
0xbeb: {  	[tilespmem:s7+$0x4C20] =	vst.add.f32.msk $0xffff, v6  }
0xbec: {  	[tilespmem:s7+$0x4C30] =	vst.add.f32.msk $0xffff, v7  }
0xbed: {  	[tilespmem:s7+$0x4C40] =	vst.add.f32.msk $0xffff, v8  }
0xbee: {  	[tilespmem:s7+$0x4C50] =	vst.add.f32.msk $0xffff, v9  }
0xbef: {  	[tilespmem:s7+$0x4C60] =	vst.add.f32.msk $0xffff, v10  }
0xbf0: {  	[tilespmem:s7+$0x4C70] =	vst.add.f32.msk $0xffff, v11  }
0xbf1: {  	[tilespmem:s7+$0x5000] =	vst.add.f32.msk $0xffff, v12  }
.Ltmp16:
0xbf2: {  	[tilespmem:s7+$0x5010] =	vst.add.f32.msk $0xffff, v13;
	(pc) =	sbr.rel @p0 .LBB2_34-.Ltmp16, $4  }
0xbf3: {  	[tilespmem:s7+$0x5020] =	vst.add.f32.msk $0xffff, v14  }
0xbf4: {  	[tilespmem:s7+$0x5030] =	vst.add.f32.msk $0xffff, v15  }
0xbf5: {  	s8 =	sadd.s32 $0x80, s8;
	[tilespmem:s7+$0x5040] =	vst.add.f32.msk $0xffff, v16  }
0xbf6: {  	s10 =	sand.u32 $0x3800, s9;
	s9 =	sadd.s32 $0x100, s9;
	s11 =	sand.u32 $0x380, s8;
	[tilespmem:s7+$0x5050] =	vst.add.f32.msk $0xffff, v17  }
0xbf7: {  	s8 =	sor.u32 s11, s10;
	[tilespmem:s7+$0x5060] =	vst.add.f32.msk $0xffff, v3  }
0xbf8: {  	v3 =	vld [tilespmem:s8+$0xD070]  }
0xbf9: {  	v4 =	vld [tilespmem:s8+$0xCC00]  }
0xbfa: {  	v5 =	vld [tilespmem:s8+$0xCC10]  }
0xbfb: {  	v6 =	vld [tilespmem:s8+$0xCC20]  }
0xbfc: {  	v7 =	vld [tilespmem:s8+$0xCC30]  }
0xbfd: {  	v8 =	vld [tilespmem:s8+$0xCC50]  }
0xbfe: {  	v9 =	vld [tilespmem:s8+$0xCC60]  }
0xbff: {  	v10 =	vld [tilespmem:s8+$0xCC70]  }
0xc00: {  	v11 =	vld [tilespmem:s8+$0xD000]  }
0xc01: {  	v12 =	vld [tilespmem:s8+$0xD010]  }
0xc02: {  	v13 =	vld [tilespmem:s8+$0xD020]  }
0xc03: {  	v14 =	vld [tilespmem:s8+$0xD030]  }
0xc04: {  	v15 =	vld [tilespmem:s8+$0xD040]  }
0xc05: {  	v16 =	vld [tilespmem:s8+$0xD050]  }
0xc06: {  	v17 =	vld [tilespmem:s8+$0xD060]  }
0xc07: {  	[tilespmem:s8+$0x5070] =	vst.add.f32.msk $0xffff, v3  }
0xc08: {  	v3 =	vld [tilespmem:s8+$0xCC40]  }
0xc09: {  	[tilespmem:s8+$0x4C00] =	vst.add.f32.msk $0xffff, v4  }
0xc0a: {  	[tilespmem:s8+$0x4C10] =	vst.add.f32.msk $0xffff, v5  }
0xc0b: {  	[tilespmem:s8+$0x4C20] =	vst.add.f32.msk $0xffff, v6  }
0xc0c: {  	[tilespmem:s8+$0x4C30] =	vst.add.f32.msk $0xffff, v7  }
0xc0d: {  	[tilespmem:s8+$0x4C50] =	vst.add.f32.msk $0xffff, v8  }
0xc0e: {  	[tilespmem:s8+$0x4C60] =	vst.add.f32.msk $0xffff, v9  }
0xc0f: {  	[tilespmem:s8+$0x4C70] =	vst.add.f32.msk $0xffff, v10  }
0xc10: {  	[tilespmem:s8+$0x5000] =	vst.add.f32.msk $0xffff, v11  }
0xc11: {  	[tilespmem:s8+$0x5010] =	vst.add.f32.msk $0xffff, v12  }
0xc12: {  	[tilespmem:s8+$0x5020] =	vst.add.f32.msk $0xffff, v13  }
0xc13: {  	[tilespmem:s8+$0x5030] =	vst.add.f32.msk $0xffff, v14  }
0xc14: {  	[tilespmem:s8+$0x5040] =	vst.add.f32.msk $0xffff, v15  }
0xc15: {  	[tilespmem:s8+$0x5050] =	vst.add.f32.msk $0xffff, v16  }
0xc16: {  	[tilespmem:s8+$0x5060] =	vst.add.f32.msk $0xffff, v17  }
0xc17: {  	s10 =	rddreg [dreg:$0x13];
	[tilespmem:s8+$0x4C40] =	vst.add.f32.msk $0xffff, v3;
	s8 =	simm.s32 $0x0  }
0xc18: {  	[hbm4b:s10+s8] =	stream.linear.scatter [tilespmem:s14], [sflag:$0x6], $0x4000, $0x38;
	[tilespmem:$0x10C00] =	vst v63  }
0xc19: {  	_ =	swait.ge [sflag:s0], $0x4000  }
0xc1a: {  	[sflag:s0] =	ssyncset.done $0x0  }
0xc1b: {  	[sflag:s0] =	ssyncadd.s32 $0xFFFFC000  }
0xc1c: {  	_ =	swait.ge [sflag:s2], $0x4000  }
0xc1d: {  	s6 =	sadd.s32 $0x1, s6;
	s11 =	rddreg [dreg:$0x14]  }
0xc1e: {  	p0 =	sne.s32 s6, s11  }
.Ltmp17:
0xc1f: {  	_ = 	snop;
	(pc) =	sbr.rel @p0 .LBB2_1-.Ltmp17, $3  }
0xc20: {  	_ =	sdelay $0x1  }
0xc21: {  	[sflag:s2] =	ssyncset.done $0x0  }
0xc22: {  	[sflag:s2] =	ssyncadd.s32 $0xFFFFC000  }
0xc23: {  	_ =	sfence.sel $0x180000  }
0xc24: {  	[bflag:$0x0] =	sbarrier.arrive $0xFFFF  }
0xc25: {  	_ =	strace $0x90000047  }
0xc26: {  	s0 =	stileid.u32;
	[bflag:$0x2] =	sbarrier.arrive $0xFFFF  }
0xc27: {  	p0 =	sne.s32 s0, $0x0;
	s0 =	rddreg [dreg:$0x2]  }
0xc28: {  	s0 =	sadd.s32 @!p0 $0x100000, s0  }
0xc29: {  	[sflag:s0] =	ssyncadd.tile.s32 @!p0 $0x1;
	_ =	shalt  }
.Lfunc_end2:
_tile_overlayer_lowered:
.L_overlay_start_2:
0xc2a: {  	(tag) =	ssettag $0x2  }
0xc2b: {  	s0 =	rddreg [dreg:$0x0];
	s2 =	stileid.u32  }
0xc2c: {  	s1 =	rddreg [dreg:$0x1];
	p0 =	sne.s32 s2, $0x0  }
0xc2d: {  	s3 =	rddreg [dreg:$0x2];
	[bflag:$0x3] =	sbarrier.arrive $0xFFFF;
	s2 =	simm.s32 @!p0 $0x1C07  }
0xc2e: {  	[timem:s3], [sflag:s2] =	dma.local @!p0 [hbm:s0], s1  }
0xc2f: {  	s0 =	simm.s32 @!p0 $0x7  }
0xc30: {  	_ =	swait.ge @!p0 [sflag:s0], s1  }
0xc31: {  	s1 =	ssub.s32 @!p0 $0x0, s1;
	[sflag:s0] =	ssyncset.done @!p0 $0x0  }
0xc32: {  	[sflag:s0] =	ssyncadd.s32 @!p0 s1  }
0xc33: {  	[bflag:$0x3] =	sbarrier.arrive $0xFFFF  }
0xc34: {  	_ =	shalt  }

</sc_bundles>
